<compile_context>
chip_gen: v7x
topology: tpu7x:2x2x1
jax: 0.10.2.dev20260603
libtpu: 0.0.44.dev20260713+nightly
codegen_flags: <defaults>
</compile_context>

<pallas_src>
import functools

import jax
import jax.numpy as jnp
from jax import lax
from jax.experimental import pallas as pl
from jax.experimental.pallas import tpu as pltpu
from jax.experimental.pallas import tpu_sc as plsc

_NC = 2
_NS = 16
_NW = _NC * _NS
_LANES = 16


def _pick_chunk(per_worker: int, max_k: int) -> int:
    for k in range(min(max_k, 128) // 8 * 8, 0, -8):
        if per_worker % k == 0:
            return k
    raise ValueError(f"no valid chunk size for per_worker={per_worker}")


def _sc_aggregate(ego, adj, src, dst):
    N, D = ego.shape
    E = adj.shape[0]
    assert D % _LANES == 0
    assert E % _NW == 0
    per_worker = E // _NW
    max_k = (50000 - 2 * per_worker) // (4 * (D + 1))
    K = _pick_chunk(per_worker, max_k)
    nchunks = per_worker // K
    assert N % K == 0
    nblocks = N // K
    blk_full, blk_rem = divmod(nblocks, _NS)
    fgroups = D // _LANES

    mesh = plsc.VectorSubcoreMesh(
        core_axis_name="c", subcore_axis_name="s",
        num_cores=_NC, num_subcores=_NS,
    )

    assert nchunks >= 6

    @functools.partial(
        pl.kernel,
        out_type=jax.ShapeDtypeStruct((_NC, N, D), jnp.float32),
        mesh=mesh,
        compiler_params=pltpu.CompilerParams(needs_layout_passes=False),
        scratch_types=[
            pltpu.VMEM_SHARED((N, D), jnp.float32),
            pltpu.VMEM((per_worker,), jnp.int32),
            pltpu.VMEM((per_worker,), jnp.float32),
            pltpu.VMEM((4, K), jnp.int32),
            pltpu.VMEM((4, K, D), jnp.float32),
        ] + [pltpu.SemaphoreType.DMA] * 12,
    )
    def agg(ego_hbm, adj_hbm, src_hbm, dst_hbm, out_hbm,
            accum, src_all, aval_all, dstb, rows, *sems):
        gsems = sems[0:4]
        dsems = sems[4:8]
        ssems = sems[8:12]
        c = lax.axis_index("c")
        s = lax.axis_index("s")
        wid = c * _NS + s
        ebase = wid * per_worker

        def zfill(i, _):
            for j in range(fgroups):
                rows[0, i, pl.ds(j * _LANES, _LANES)] = jnp.zeros(
                    (_LANES,), jnp.float32)
            return 0
        lax.fori_loop(0, K, zfill, 0)
        my_blocks = jnp.where(s < blk_rem, blk_full + 1, blk_full)

        def zcopy(i, _):
            b = s + i * _NS
            pltpu.async_copy(rows.at[0], accum.at[pl.ds(b * K, K)], sems[0])
            return 0
        lax.fori_loop(0, my_blocks, zcopy, 0)

        def zdrain(i, _):
            b = s + i * _NS
            pltpu.make_async_copy(
                rows.at[0], accum.at[pl.ds(b * K, K)], sems[0]).wait()
            return 0
        lax.fori_loop(0, my_blocks, zdrain, 0)
        plsc.subcore_barrier()

        def src_slice(ci):
            return src_all.at[pl.ds(ci * K, K)]

        def issue_gather(ci, p):
            pltpu.async_copy(ego_hbm.at[src_slice(ci)], rows.at[p], gsems[p])

        def wait_gather(ci, p):
            pltpu.make_async_copy(
                ego_hbm.at[src_slice(ci)], rows.at[p], gsems[p]).wait()

        def issue_dst(ci, p):
            pltpu.async_copy(
                dst_hbm.at[pl.ds(ebase + ci * K, K)], dstb.at[p], dsems[p])

        def wait_dst(ci, p):
            pltpu.make_async_copy(
                dst_hbm.at[pl.ds(ebase + ci * K, K)], dstb.at[p],
                dsems[p]).wait()

        def issue_scatter(p):
            pltpu.async_copy(rows.at[p], accum.at[dstb.at[p]], ssems[p],
                             add=True)

        def wait_scatter(p):
            pltpu.make_async_copy(
                rows.at[p], accum.at[dstb.at[p]], ssems[p]).wait()

        def scale(ci, p):
            cbase = ci * K

            unroll = 4

            def scale_body(i, _):
                es = [unroll * i + u for u in range(unroll)]
                abs_ = [plsc.load_gather(
                    aval_all, [jnp.full((_LANES,), cbase + e, jnp.int32)])
                    for e in es]
                for j in range(fgroups):
                    sl = pl.ds(j * _LANES, _LANES)
                    for e, ab in zip(es, abs_):
                        rows[p, e, sl] = rows[p, e, sl] * ab
                return 0
            lax.fori_loop(0, K // unroll, scale_body, 0)

        pltpu.sync_copy(src_hbm.at[pl.ds(ebase, per_worker)], src_all)
        pltpu.sync_copy(adj_hbm.at[pl.ds(ebase, per_worker)], aval_all)
        for ci0 in range(2):
            issue_dst(ci0, ci0)
            issue_gather(ci0, ci0)

        def super_body(t, _):
            for b in range(4):
                ci = 4 * t + b
                p = b
                pw = (b + 2) % 4
                @pl.when(ci >= 2)
                def _():
                    wait_scatter(pw)
                @pl.when(ci + 2 < nchunks)
                def _():
                    issue_dst(ci + 2, pw)
                    issue_gather(ci + 2, pw)
                wait_gather(ci, p)
                scale(ci, p)
                wait_dst(ci, p)
                issue_scatter(p)
            return 0
        nq = nchunks // 4
        lax.fori_loop(0, nq, super_body, 0)

        for ci in range(4 * nq, nchunks):
            p = ci % 4
            wait_scatter((ci + 2) % 4)
            wait_gather(ci, p)
            scale(ci, p)
            wait_dst(ci, p)
            issue_scatter(p)
        wait_scatter((nchunks - 2) % 4)
        wait_scatter((nchunks - 1) % 4)

        plsc.subcore_barrier()

        def ocopy(i, _):
            b = s + i * _NS
            sl = pl.ds(b * K, K)
            pltpu.async_copy(accum.at[sl], out_hbm.at[c].at[sl], sems[0])
            return 0
        lax.fori_loop(0, my_blocks, ocopy, 0)

        def odrain(i, _):
            b = s + i * _NS
            sl = pl.ds(b * K, K)
            pltpu.make_async_copy(
                accum.at[sl], out_hbm.at[c].at[sl], sems[0]).wait()
            return 0
        lax.fori_loop(0, my_blocks, odrain, 0)

    return agg(ego, adj, src, dst)


def _tc_matmul(x, W):
    N, D = x.shape
    BM = 1000
    assert N % BM == 0

    def body(x_ref, w_ref, out_ref):
        out_ref[...] = jnp.dot(x_ref[...], w_ref[...],
                               preferred_element_type=jnp.float32)

    row_spec = pl.BlockSpec((BM, D), lambda i: (i, 0))
    w_spec = pl.BlockSpec((D, D), lambda i: (0, 0))
    return pl.pallas_call(
        body,
        grid=(N // BM,),
        in_specs=[row_spec, w_spec],
        out_specs=row_spec,
        out_shape=jax.ShapeDtypeStruct((N, D), jnp.float32),
    )(x, W)


def _tc_tail(p0, p1, sp, W2):
    N, D = sp.shape
    BM = 1000
    assert N % BM == 0

    def body(p0_ref, p1_ref, sp_ref, w2_ref, out_ref):
        nb = p0_ref[...] + p1_ref[...]
        sp = sp_ref[...]
        npart = jnp.dot(nb, w2_ref[...],
                        preferred_element_type=jnp.float32)
        y = sp + npart + sp * npart
        out_ref[...] = jnp.where(y >= 0, y, 0.2 * y)

    row_spec = pl.BlockSpec((BM, D), lambda i: (i, 0))
    w_spec = pl.BlockSpec((D, D), lambda i: (0, 0))
    return pl.pallas_call(
        body,
        grid=(N // BM,),
        in_specs=[row_spec, row_spec, row_spec, w_spec],
        out_specs=row_spec,
        out_shape=jax.ShapeDtypeStruct((N, D), jnp.float32),
    )(p0, p1, sp, W2)


@jax.jit
def kernel(ego_embeddings, adj_values, W1, W2, edge_index):
    src = edge_index[0]
    dst = edge_index[1]
    partials = _sc_aggregate(ego_embeddings, adj_values, src, dst)
    sp = _tc_matmul(ego_embeddings, W1)
    return _tc_tail(partials[0], partials[1], sp, W2)

# --- scband reference (transcript-rebuilt; emitter-appended) ---
"""Pipeline reference for scband-gcnlayer-15685220565133 (READ-ONLY COPY).

The authoritative reference and input builder live on the scoring server;
editing this copy changes nothing except your own understanding.
"""

import jax, jax.numpy as jnp
import numpy as np

N = 10000
E = 320000
D = 128


def setup_inputs(seed: int = 0) -> dict:
    key = jax.random.key(seed)
    k1, k2, k3, k4, k5 = jax.random.split(key, 5)
    ego_embeddings = jax.random.normal(k1, (N, D), dtype=jnp.float32)
    edge_index = jax.random.randint(k2, (2, E), 0, N, dtype=jnp.int32)
    adj_values = jax.random.uniform(k3, (E,), dtype=jnp.float32)
    # Learned parameters: two bias-free linear layers (bi-interaction aggregator).
    # nn.Linear weight is (out_dim, in_dim); we store transposed (in_dim, out_dim)
    # so y = x @ W is equivalent to F.linear(x, W.T).
    W1 = jax.random.normal(k4, (D, D), dtype=jnp.float32) * 0.05
    W2 = jax.random.normal(k5, (D, D), dtype=jnp.float32) * 0.05
    return {
        "ego_embeddings": ego_embeddings,
        "adj_values": adj_values,
        "W1": W1,
        "W2": W2,
        "edge_index": edge_index,
    }


def leaky_relu(x, slope=0.2):
    return jnp.where(x >= 0, x, slope * x)


def reference(ego_embeddings, adj_values, W1, W2, edge_index):
    # torch.sparse.mm(adjacency_matrix, ego_embeddings) with the adjacency
    # given in COO form (edge_index, adj_values):
    #   neighbor[dst] += adj_values[e] * ego_embeddings[src]
    src = edge_index[0]
    dst = edge_index[1]
    messages = ego_embeddings[src] * adj_values[:, None]
    neighbor_embeddings = jax.ops.segment_sum(messages, dst, num_segments=N)
    # bi-interaction aggregator
    self_part = ego_embeddings @ W1
    neighbor_part = neighbor_embeddings @ W2
    interaction = self_part * neighbor_part
    output = leaky_relu(self_part + neighbor_part + interaction)
    return output

if __name__ == "__main__":
    import jax
    _d = setup_inputs()
    print(jax.jit(kernel)(*tuple(_d.values())))

</pallas_src>

<mosaic_0001>
#map = affine_map<(d0, d1) -> (0, 0)>
#map1 = affine_map<(d0, d1) -> (0)>
#map2 = affine_map<(d0, d1) -> (0, 0, 0)>
module attributes {stable_mosaic.version = 14 : i64} {
  func.func @agg(%arg0: i32, %arg1: i32, %arg2: memref<10000x128xf32, #tpu.memory_space<hbm>>, %arg3: memref<320000xf32, #tpu.memory_space<hbm>>, %arg4: memref<320000xi32, #tpu.memory_space<hbm>>, %arg5: memref<320000xi32, #tpu.memory_space<hbm>>, %arg6: memref<2x10000x128xf32, #tpu.memory_space<hbm>>, %arg7: memref<10000x128xf32, #tpu.memory_space<vmem_shared>>, %arg8: memref<10000xi32, #tpu.memory_space<vmem>>, %arg9: memref<10000xf32, #tpu.memory_space<vmem>>, %arg10: memref<4x40xi32, #tpu.memory_space<vmem>>, %arg11: memref<4x40x128xf32, #tpu.memory_space<vmem>>, %arg12: memref<!tpu.dma_semaphore, #tpu.memory_space<semaphore_mem>>, %arg13: memref<!tpu.dma_semaphore, #tpu.memory_space<semaphore_mem>>, %arg14: memref<!tpu.dma_semaphore, #tpu.memory_space<semaphore_mem>>, %arg15: memref<!tpu.dma_semaphore, #tpu.memory_space<semaphore_mem>>, %arg16: memref<!tpu.dma_semaphore, #tpu.memory_space<semaphore_mem>>, %arg17: memref<!tpu.dma_semaphore, #tpu.memory_space<semaphore_mem>>, %arg18: memref<!tpu.dma_semaphore, #tpu.memory_space<semaphore_mem>>, %arg19: memref<!tpu.dma_semaphore, #tpu.memory_space<semaphore_mem>>, %arg20: memref<!tpu.dma_semaphore, #tpu.memory_space<semaphore_mem>>, %arg21: memref<!tpu.dma_semaphore, #tpu.memory_space<semaphore_mem>>, %arg22: memref<!tpu.dma_semaphore, #tpu.memory_space<semaphore_mem>>, %arg23: memref<!tpu.dma_semaphore, #tpu.memory_space<semaphore_mem>>) attributes {dimension_semantics = [#tpu.dimension_semantics<core_parallel>, #tpu.dimension_semantics<subcore_parallel>], iteration_bounds = array<i64: 2, 16>, scalar_prefetch = 0 : i64, scratch_operands = 17 : i64, tpu.core_type = #tpu.core_type<sc_vector_subcore>, window_params = [{transform_indices = #map}, {transform_indices = #map1}, {transform_indices = #map1}, {transform_indices = #map1}, {transform_indices = #map2}]} {
    %mul3A = arith.constant 16 : i32
    %mul3A_0 = arith.muli %arg0, %mul3A : i32
    %add3A = arith.addi %mul3A_0, %arg1 : i32
    %mul3A_1 = arith.constant 10000 : i32
    %mul3A_2 = arith.muli %add3A, %mul3A_1 : i32
    %scan3A = arith.constant 0 : i32
    %scan3A_3 = arith.constant 0 : i32
    %scan3A_4 = arith.constant 40 : i32
    %scan3A_5 = arith.addi %scan3A_3, %scan3A_4 : i32
    %scan3A_6 = arith.constant 1 : i32
    %scan3A_7 = scf.for %scan3A_234 = %scan3A_3 to %scan3A_5 step %scan3A_6 iter_args(%scan3A_235 = %scan3A) -> (i32)  : i32 {
      %broadcast_in_dim3A = arith.constant 0.000000e+00 : f32
      %broadcast_in_dim3A_236 = vector.broadcast %broadcast_in_dim3A : f32 to vector<16xf32>
      %swap3A = arith.constant 0 : i32
      %swap3A_237 = arith.index_cast %swap3A : i32 to index
      %swap3A_238 = arith.index_cast %scan3A_234 : i32 to index
      %swap3A_239 = arith.constant 0 : index
      %swap3A_240 = tpu.vector_load %arg11[%swap3A_237, %swap3A_238, %swap3A_239] {strides = array<i32>} : memref<4x40x128xf32, #tpu.memory_space<vmem>>, vector<16xf32>,
      tpu.vector_store %arg11[%swap3A_237, %swap3A_238, %swap3A_239], %broadcast_in_dim3A_236 {strides = array<i32>} : memref<4x40x128xf32, #tpu.memory_space<vmem>>, vector<16xf32>,
      %broadcast_in_dim3A_241 = arith.constant 0.000000e+00 : f32
      %broadcast_in_dim3A_242 = vector.broadcast %broadcast_in_dim3A_241 : f32 to vector<16xf32>
      %swap3A_243 = arith.constant 0 : i32
      %swap3A_244 = arith.index_cast %swap3A_243 : i32 to index
      %swap3A_245 = arith.index_cast %scan3A_234 : i32 to index
      %swap3A_246 = arith.constant 16 : index
      %swap3A_247 = tpu.vector_load %arg11[%swap3A_244, %swap3A_245, %swap3A_246] {strides = array<i32>} : memref<4x40x128xf32, #tpu.memory_space<vmem>>, vector<16xf32>,
      tpu.vector_store %arg11[%swap3A_244, %swap3A_245, %swap3A_246], %broadcast_in_dim3A_242 {strides = array<i32>} : memref<4x40x128xf32, #tpu.memory_space<vmem>>, vector<16xf32>,
      %broadcast_in_dim3A_248 = arith.constant 0.000000e+00 : f32
      %broadcast_in_dim3A_249 = vector.broadcast %broadcast_in_dim3A_248 : f32 to vector<16xf32>
      %swap3A_250 = arith.constant 0 : i32
      %swap3A_251 = arith.index_cast %swap3A_250 : i32 to index
      %swap3A_252 = arith.index_cast %scan3A_234 : i32 to index
      %swap3A_253 = arith.constant 32 : index
      %swap3A_254 = tpu.vector_load %arg11[%swap3A_251, %swap3A_252, %swap3A_253] {strides = array<i32>} : memref<4x40x128xf32, #tpu.memory_space<vmem>>, vector<16xf32>,
      tpu.vector_store %arg11[%swap3A_251, %swap3A_252, %swap3A_253], %broadcast_in_dim3A_249 {strides = array<i32>} : memref<4x40x128xf32, #tpu.memory_space<vmem>>, vector<16xf32>,
      %broadcast_in_dim3A_255 = arith.constant 0.000000e+00 : f32
      %broadcast_in_dim3A_256 = vector.broadcast %broadcast_in_dim3A_255 : f32 to vector<16xf32>
      %swap3A_257 = arith.constant 0 : i32
      %swap3A_258 = arith.index_cast %swap3A_257 : i32 to index
      %swap3A_259 = arith.index_cast %scan3A_234 : i32 to index
      %swap3A_260 = arith.constant 48 : index
      %swap3A_261 = tpu.vector_load %arg11[%swap3A_258, %swap3A_259, %swap3A_260] {strides = array<i32>} : memref<4x40x128xf32, #tpu.memory_space<vmem>>, vector<16xf32>,
      tpu.vector_store %arg11[%swap3A_258, %swap3A_259, %swap3A_260], %broadcast_in_dim3A_256 {strides = array<i32>} : memref<4x40x128xf32, #tpu.memory_space<vmem>>, vector<16xf32>,
      %broadcast_in_dim3A_262 = arith.constant 0.000000e+00 : f32
      %broadcast_in_dim3A_263 = vector.broadcast %broadcast_in_dim3A_262 : f32 to vector<16xf32>
      %swap3A_264 = arith.constant 0 : i32
      %swap3A_265 = arith.index_cast %swap3A_264 : i32 to index
      %swap3A_266 = arith.index_cast %scan3A_234 : i32 to index
      %swap3A_267 = arith.constant 64 : index
      %swap3A_268 = tpu.vector_load %arg11[%swap3A_265, %swap3A_266, %swap3A_267] {strides = array<i32>} : memref<4x40x128xf32, #tpu.memory_space<vmem>>, vector<16xf32>,
      tpu.vector_store %arg11[%swap3A_265, %swap3A_266, %swap3A_267], %broadcast_in_dim3A_263 {strides = array<i32>} : memref<4x40x128xf32, #tpu.memory_space<vmem>>, vector<16xf32>,
      %broadcast_in_dim3A_269 = arith.constant 0.000000e+00 : f32
      %broadcast_in_dim3A_270 = vector.broadcast %broadcast_in_dim3A_269 : f32 to vector<16xf32>
      %swap3A_271 = arith.constant 0 : i32
      %swap3A_272 = arith.index_cast %swap3A_271 : i32 to index
      %swap3A_273 = arith.index_cast %scan3A_234 : i32 to index
      %swap3A_274 = arith.constant 80 : index
      %swap3A_275 = tpu.vector_load %arg11[%swap3A_272, %swap3A_273, %swap3A_274] {strides = array<i32>} : memref<4x40x128xf32, #tpu.memory_space<vmem>>, vector<16xf32>,
      tpu.vector_store %arg11[%swap3A_272, %swap3A_273, %swap3A_274], %broadcast_in_dim3A_270 {strides = array<i32>} : memref<4x40x128xf32, #tpu.memory_space<vmem>>, vector<16xf32>,
      %broadcast_in_dim3A_276 = arith.constant 0.000000e+00 : f32
      %broadcast_in_dim3A_277 = vector.broadcast %broadcast_in_dim3A_276 : f32 to vector<16xf32>
      %swap3A_278 = arith.constant 0 : i32
      %swap3A_279 = arith.index_cast %swap3A_278 : i32 to index
      %swap3A_280 = arith.index_cast %scan3A_234 : i32 to index
      %swap3A_281 = arith.constant 96 : index
      %swap3A_282 = tpu.vector_load %arg11[%swap3A_279, %swap3A_280, %swap3A_281] {strides = array<i32>} : memref<4x40x128xf32, #tpu.memory_space<vmem>>, vector<16xf32>,
      tpu.vector_store %arg11[%swap3A_279, %swap3A_280, %swap3A_281], %broadcast_in_dim3A_277 {strides = array<i32>} : memref<4x40x128xf32, #tpu.memory_space<vmem>>, vector<16xf32>,
      %broadcast_in_dim3A_283 = arith.constant 0.000000e+00 : f32
      %broadcast_in_dim3A_284 = vector.broadcast %broadcast_in_dim3A_283 : f32 to vector<16xf32>
      %swap3A_285 = arith.constant 0 : i32
      %swap3A_286 = arith.index_cast %swap3A_285 : i32 to index
      %swap3A_287 = arith.index_cast %scan3A_234 : i32 to index
      %swap3A_288 = arith.constant 112 : index
      %swap3A_289 = tpu.vector_load %arg11[%swap3A_286, %swap3A_287, %swap3A_288] {strides = array<i32>} : memref<4x40x128xf32, #tpu.memory_space<vmem>>, vector<16xf32>,
      tpu.vector_store %arg11[%swap3A_286, %swap3A_287, %swap3A_288], %broadcast_in_dim3A_284 {strides = array<i32>} : memref<4x40x128xf32, #tpu.memory_space<vmem>>, vector<16xf32>,
      %scan3A_290 = arith.constant 0 : i32
      scf.yield %scan3A_290 : i32
    }
    %scan3A_8 = arith.constant 40 : i32
    %lt3A = arith.constant 10 : i32
    %lt3A_9 = arith.cmpi slt, %arg1, %lt3A : i32
    %jit3A = arith.constant 16 : i32
    %jit3A_10 = arith.constant 15 : i32
    %select_n3A = arith.select %lt3A_9, %jit3A, %jit3A_10 : i32
    %while3A = arith.constant 0 : i32
    %while3A_11 = arith.constant 0 : i32
    %while3A_12 = arith.subi %select_n3A, %while3A : i32
    %while3A_13 = arith.addi %while3A, %while3A_12 : i32
    %while3A_14 = arith.constant 1 : i32
    %while3A_15 = arith.divsi %while3A_12, %while3A_14 : i32
    %while3A_16 = arith.muli %while3A_15, %while3A_14 : i32
    %while3A_17 = arith.addi %while3A, %while3A_16 : i32
    %while3A_18 = arith.constant 1 : i32
    %while3A_19 = scf.for %while3A_234 = %while3A to %while3A_17 step %while3A_18 iter_args(%while3A_235 = %while3A_11) -> (i32)  : i32 {
      %mul3A_236 = arith.constant 16 : i32
      %mul3A_237 = arith.muli %while3A_234, %mul3A_236 : i32
      %add3A_238 = arith.addi %arg1, %mul3A_237 : i32
      %mul3A_239 = arith.constant 40 : i32
      %mul3A_240 = arith.muli %add3A_238, %mul3A_239 : i32
      %dma_start3A_241 = arith.constant 0 : i32
      %dma_start3A_242 = arith.constant 0 : i32
      %dma_start3A_243 = arith.constant 0 : i32
      %dma_start3A_244 = tpu.memref_slice %arg11[%dma_start3A_241, %dma_start3A_242, %dma_start3A_243] : memref<4x40x128xf32, #tpu.memory_space<vmem>> -> memref<1x40x128xf32, #tpu.memory_space<vmem>>
      %dma_start3A_245 = tpu.memref_squeeze %dma_start3A_244 : memref<1x40x128xf32, #tpu.memory_space<vmem>> -> memref<40x128xf32, #tpu.memory_space<vmem>>
      %dma_start3A_246 = arith.constant 0 : i32
      %dma_start3A_247 = tpu.memref_slice %arg7[%mul3A_240, %dma_start3A_246] : memref<10000x128xf32, #tpu.memory_space<vmem_shared>> -> memref<40x128xf32, #tpu.memory_space<vmem_shared>>
      %dma_start3A_248 = arith.constant 0 : i32
      %dma_start3A_249 = tpu.memref_slice %arg7[%mul3A_240, %dma_start3A_248] : memref<10000x128xf32, #tpu.memory_space<vmem_shared>> -> memref<40x128xf32, #tpu.memory_space<vmem_shared>>
      %dma_start3A_250 = arith.constant 0 : i32
      %dma_start3A_251 = arith.constant 0 : i32
      %dma_start3A_252 = tpu.memref_slice %arg11[%dma_start3A_241, %dma_start3A_250, %dma_start3A_251] : memref<4x40x128xf32, #tpu.memory_space<vmem>> -> memref<1x40x128xf32, #tpu.memory_space<vmem>>
      %dma_start3A_253 = tpu.memref_squeeze %dma_start3A_252 : memref<1x40x128xf32, #tpu.memory_space<vmem>> -> memref<40x128xf32, #tpu.memory_space<vmem>>
      tpu.enqueue_dma source(%dma_start3A_253 : memref<40x128xf32, #tpu.memory_space<vmem>>) target(%dma_start3A_249 : memref<40x128xf32, #tpu.memory_space<vmem_shared>>) target_semaphore(%arg12 : memref<!tpu.dma_semaphore, #tpu.memory_space<semaphore_mem>>)
      %while3A_254 = arith.constant 0 : i32
      scf.yield %while3A_254 : i32
    }
    %while3A_20 = arith.constant 1 : i32
    %while3A_21 = scf.for %while3A_234 = %while3A_17 to %while3A_13 step %while3A_20 iter_args(%while3A_235 = %while3A_19) -> (i32)  : i32 {
      %mul3A_236 = arith.constant 16 : i32
      %mul3A_237 = arith.muli %while3A_234, %mul3A_236 : i32
      %add3A_238 = arith.addi %arg1, %mul3A_237 : i32
      %mul3A_239 = arith.constant 40 : i32
      %mul3A_240 = arith.muli %add3A_238, %mul3A_239 : i32
      %dma_start3A_241 = arith.constant 0 : i32
      %dma_start3A_242 = arith.constant 0 : i32
      %dma_start3A_243 = arith.constant 0 : i32
      %dma_start3A_244 = tpu.memref_slice %arg11[%dma_start3A_241, %dma_start3A_242, %dma_start3A_243] : memref<4x40x128xf32, #tpu.memory_space<vmem>> -> memref<1x40x128xf32, #tpu.memory_space<vmem>>
      %dma_start3A_245 = tpu.memref_squeeze %dma_start3A_244 : memref<1x40x128xf32, #tpu.memory_space<vmem>> -> memref<40x128xf32, #tpu.memory_space<vmem>>
      %dma_start3A_246 = arith.constant 0 : i32
      %dma_start3A_247 = tpu.memref_slice %arg7[%mul3A_240, %dma_start3A_246] : memref<10000x128xf32, #tpu.memory_space<vmem_shared>> -> memref<40x128xf32, #tpu.memory_space<vmem_shared>>
      %dma_start3A_248 = arith.constant 0 : i32
      %dma_start3A_249 = tpu.memref_slice %arg7[%mul3A_240, %dma_start3A_248] : memref<10000x128xf32, #tpu.memory_space<vmem_shared>> -> memref<40x128xf32, #tpu.memory_space<vmem_shared>>
      %dma_start3A_250 = arith.constant 0 : i32
      %dma_start3A_251 = arith.constant 0 : i32
      %dma_start3A_252 = tpu.memref_slice %arg11[%dma_start3A_241, %dma_start3A_250, %dma_start3A_251] : memref<4x40x128xf32, #tpu.memory_space<vmem>> -> memref<1x40x128xf32, #tpu.memory_space<vmem>>
      %dma_start3A_253 = tpu.memref_squeeze %dma_start3A_252 : memref<1x40x128xf32, #tpu.memory_space<vmem>> -> memref<40x128xf32, #tpu.memory_space<vmem>>
      tpu.enqueue_dma source(%dma_start3A_253 : memref<40x128xf32, #tpu.memory_space<vmem>>) target(%dma_start3A_249 : memref<40x128xf32, #tpu.memory_space<vmem_shared>>) target_semaphore(%arg12 : memref<!tpu.dma_semaphore, #tpu.memory_space<semaphore_mem>>)
      %while3A_254 = arith.constant 0 : i32
      scf.yield %while3A_254 : i32
    }
    %while3A_22 = arith.constant 0 : i32
    %while3A_23 = arith.constant 0 : i32
    %while3A_24 = arith.subi %select_n3A, %while3A_22 : i32
    %while3A_25 = arith.addi %while3A_22, %while3A_24 : i32
    %while3A_26 = arith.constant 1 : i32
    %while3A_27 = arith.divsi %while3A_24, %while3A_26 : i32
    %while3A_28 = arith.muli %while3A_27, %while3A_26 : i32
    %while3A_29 = arith.addi %while3A_22, %while3A_28 : i32
    %while3A_30 = arith.constant 1 : i32
    %while3A_31 = scf.for %while3A_234 = %while3A_22 to %while3A_29 step %while3A_30 iter_args(%while3A_235 = %while3A_23) -> (i32)  : i32 {
      %mul3A_236 = arith.constant 16 : i32
      %mul3A_237 = arith.muli %while3A_234, %mul3A_236 : i32
      %add3A_238 = arith.addi %arg1, %mul3A_237 : i32
      %mul3A_239 = arith.constant 40 : i32
      %mul3A_240 = arith.muli %add3A_238, %mul3A_239 : i32
      %dma_wait3A_241 = arith.constant 0 : i32
      %dma_wait3A_242 = arith.constant 0 : i32
      %dma_wait3A_243 = arith.constant 0 : i32
      %dma_wait3A_244 = tpu.memref_slice %arg11[%dma_wait3A_241, %dma_wait3A_242, %dma_wait3A_243] : memref<4x40x128xf32, #tpu.memory_space<vmem>> -> memref<1x40x128xf32, #tpu.memory_space<vmem>>
      %dma_wait3A_245 = tpu.memref_squeeze %dma_wait3A_244 : memref<1x40x128xf32, #tpu.memory_space<vmem>> -> memref<40x128xf32, #tpu.memory_space<vmem>>
      %dma_wait3A_246 = arith.constant 0 : i32
      %dma_wait3A_247 = tpu.memref_slice %arg7[%mul3A_240, %dma_wait3A_246] : memref<10000x128xf32, #tpu.memory_space<vmem_shared>> -> memref<40x128xf32, #tpu.memory_space<vmem_shared>>
      %dma_wait3A_248 = arith.constant 0 : i32
      %dma_wait3A_249 = tpu.memref_slice %arg7[%mul3A_240, %dma_wait3A_248] : memref<10000x128xf32, #tpu.memory_space<vmem_shared>> -> memref<40x128xf32, #tpu.memory_space<vmem_shared>>
      %dma_wait3A_250 = arith.constant 0 : i32
      %dma_wait3A_251 = arith.constant 0 : i32
      %dma_wait3A_252 = tpu.memref_slice %arg11[%dma_wait3A_241, %dma_wait3A_250, %dma_wait3A_251] : memref<4x40x128xf32, #tpu.memory_space<vmem>> -> memref<1x40x128xf32, #tpu.memory_space<vmem>>
      %dma_wait3A_253 = tpu.memref_squeeze %dma_wait3A_252 : memref<1x40x128xf32, #tpu.memory_space<vmem>> -> memref<40x128xf32, #tpu.memory_space<vmem>>
      tpu.wait_dma2 semaphore(%arg12 : memref<!tpu.dma_semaphore, #tpu.memory_space<semaphore_mem>>) src(%dma_wait3A_253 : memref<40x128xf32, #tpu.memory_space<vmem>>) dst(%dma_wait3A_249 : memref<40x128xf32, #tpu.memory_space<vmem_shared>>)
      %while3A_254 = arith.constant 0 : i32
      scf.yield %while3A_254 : i32
    }
    %while3A_32 = arith.constant 1 : i32
    %while3A_33 = scf.for %while3A_234 = %while3A_29 to %while3A_25 step %while3A_32 iter_args(%while3A_235 = %while3A_31) -> (i32)  : i32 {
      %mul3A_236 = arith.constant 16 : i32
      %mul3A_237 = arith.muli %while3A_234, %mul3A_236 : i32
      %add3A_238 = arith.addi %arg1, %mul3A_237 : i32
      %mul3A_239 = arith.constant 40 : i32
      %mul3A_240 = arith.muli %add3A_238, %mul3A_239 : i32
      %dma_wait3A_241 = arith.constant 0 : i32
      %dma_wait3A_242 = arith.constant 0 : i32
      %dma_wait3A_243 = arith.constant 0 : i32
      %dma_wait3A_244 = tpu.memref_slice %arg11[%dma_wait3A_241, %dma_wait3A_242, %dma_wait3A_243] : memref<4x40x128xf32, #tpu.memory_space<vmem>> -> memref<1x40x128xf32, #tpu.memory_space<vmem>>
      %dma_wait3A_245 = tpu.memref_squeeze %dma_wait3A_244 : memref<1x40x128xf32, #tpu.memory_space<vmem>> -> memref<40x128xf32, #tpu.memory_space<vmem>>
      %dma_wait3A_246 = arith.constant 0 : i32
      %dma_wait3A_247 = tpu.memref_slice %arg7[%mul3A_240, %dma_wait3A_246] : memref<10000x128xf32, #tpu.memory_space<vmem_shared>> -> memref<40x128xf32, #tpu.memory_space<vmem_shared>>
      %dma_wait3A_248 = arith.constant 0 : i32
      %dma_wait3A_249 = tpu.memref_slice %arg7[%mul3A_240, %dma_wait3A_248] : memref<10000x128xf32, #tpu.memory_space<vmem_shared>> -> memref<40x128xf32, #tpu.memory_space<vmem_shared>>
      %dma_wait3A_250 = arith.constant 0 : i32
      %dma_wait3A_251 = arith.constant 0 : i32
      %dma_wait3A_252 = tpu.memref_slice %arg11[%dma_wait3A_241, %dma_wait3A_250, %dma_wait3A_251] : memref<4x40x128xf32, #tpu.memory_space<vmem>> -> memref<1x40x128xf32, #tpu.memory_space<vmem>>
      %dma_wait3A_253 = tpu.memref_squeeze %dma_wait3A_252 : memref<1x40x128xf32, #tpu.memory_space<vmem>> -> memref<40x128xf32, #tpu.memory_space<vmem>>
      tpu.wait_dma2 semaphore(%arg12 : memref<!tpu.dma_semaphore, #tpu.memory_space<semaphore_mem>>) src(%dma_wait3A_253 : memref<40x128xf32, #tpu.memory_space<vmem>>) dst(%dma_wait3A_249 : memref<40x128xf32, #tpu.memory_space<vmem_shared>>)
      %while3A_254 = arith.constant 0 : i32
      scf.yield %while3A_254 : i32
    }
    %barrier3A = arith.constant 0 : index
    tpu.barrier barrier_id(%barrier3A)
    "tpu.region"() ({
      %run_scoped3A = tpu.sem_alloc : memref<!tpu.dma_semaphore, #tpu.memory_space<semaphore_mem>>
      %dma_start3A_234 = tpu.memref_slice %arg4[%mul3A_2] : memref<320000xi32, #tpu.memory_space<hbm>> -> memref<10000xi32, #tpu.memory_space<hbm>>
      %dma_start3A_235 = tpu.memref_slice %arg4[%mul3A_2] : memref<320000xi32, #tpu.memory_space<hbm>> -> memref<10000xi32, #tpu.memory_space<hbm>>
      tpu.enqueue_dma source(%dma_start3A_235 : memref<10000xi32, #tpu.memory_space<hbm>>) target(%arg8 : memref<10000xi32, #tpu.memory_space<vmem>>) target_semaphore(%run_scoped3A : memref<!tpu.dma_semaphore, #tpu.memory_space<semaphore_mem>>)
      %dma_wait3A_236 = tpu.memref_slice %arg4[%mul3A_2] : memref<320000xi32, #tpu.memory_space<hbm>> -> memref<10000xi32, #tpu.memory_space<hbm>>
      %dma_wait3A_237 = tpu.memref_slice %arg4[%mul3A_2] : memref<320000xi32, #tpu.memory_space<hbm>> -> memref<10000xi32, #tpu.memory_space<hbm>>
      tpu.wait_dma2 semaphore(%run_scoped3A : memref<!tpu.dma_semaphore, #tpu.memory_space<semaphore_mem>>) src(%dma_wait3A_237 : memref<10000xi32, #tpu.memory_space<hbm>>) dst(%arg8 : memref<10000xi32, #tpu.memory_space<vmem>>)
      tpu.yield
    }) : () -> ()
    "tpu.region"() ({
      %run_scoped3A = tpu.sem_alloc : memref<!tpu.dma_semaphore, #tpu.memory_space<semaphore_mem>>
      %dma_start3A_234 = tpu.memref_slice %arg3[%mul3A_2] : memref<320000xf32, #tpu.memory_space<hbm>> -> memref<10000xf32, #tpu.memory_space<hbm>>
      %dma_start3A_235 = tpu.memref_slice %arg3[%mul3A_2] : memref<320000xf32, #tpu.memory_space<hbm>> -> memref<10000xf32, #tpu.memory_space<hbm>>
      tpu.enqueue_dma source(%dma_start3A_235 : memref<10000xf32, #tpu.memory_space<hbm>>) target(%arg9 : memref<10000xf32, #tpu.memory_space<vmem>>) target_semaphore(%run_scoped3A : memref<!tpu.dma_semaphore, #tpu.memory_space<semaphore_mem>>)
      %dma_wait3A_236 = tpu.memref_slice %arg3[%mul3A_2] : memref<320000xf32, #tpu.memory_space<hbm>> -> memref<10000xf32, #tpu.memory_space<hbm>>
      %dma_wait3A_237 = tpu.memref_slice %arg3[%mul3A_2] : memref<320000xf32, #tpu.memory_space<hbm>> -> memref<10000xf32, #tpu.memory_space<hbm>>
      tpu.wait_dma2 semaphore(%run_scoped3A : memref<!tpu.dma_semaphore, #tpu.memory_space<semaphore_mem>>) src(%dma_wait3A_237 : memref<10000xf32, #tpu.memory_space<hbm>>) dst(%arg9 : memref<10000xf32, #tpu.memory_space<vmem>>)
      tpu.yield
    }) : () -> ()
    %add3A_34 = arith.constant 0 : i32
    %add3A_35 = arith.addi %mul3A_2, %add3A_34 : i32
    %dma_start3A = arith.constant 0 : i32
    %dma_start3A_36 = arith.constant 0 : i32
    %dma_start3A_37 = tpu.memref_slice %arg10[%dma_start3A, %dma_start3A_36] : memref<4x40xi32, #tpu.memory_space<vmem>> -> memref<1x40xi32, #tpu.memory_space<vmem>>
    %dma_start3A_38 = tpu.memref_squeeze %dma_start3A_37 : memref<1x40xi32, #tpu.memory_space<vmem>> -> memref<40xi32, #tpu.memory_space<vmem>>
    %dma_start3A_39 = tpu.memref_slice %arg5[%add3A_35] : memref<320000xi32, #tpu.memory_space<hbm>> -> memref<40xi32, #tpu.memory_space<hbm>>
    %dma_start3A_40 = arith.constant 0 : i32
    %dma_start3A_41 = tpu.memref_slice %arg10[%dma_start3A, %dma_start3A_40] : memref<4x40xi32, #tpu.memory_space<vmem>> -> memref<1x40xi32, #tpu.memory_space<vmem>>
    %dma_start3A_42 = tpu.memref_squeeze %dma_start3A_41 : memref<1x40xi32, #tpu.memory_space<vmem>> -> memref<40xi32, #tpu.memory_space<vmem>>
    %dma_start3A_43 = tpu.memref_slice %arg5[%add3A_35] : memref<320000xi32, #tpu.memory_space<hbm>> -> memref<40xi32, #tpu.memory_space<hbm>>
    tpu.enqueue_dma source(%dma_start3A_43 : memref<40xi32, #tpu.memory_space<hbm>>) target(%dma_start3A_42 : memref<40xi32, #tpu.memory_space<vmem>>) target_semaphore(%arg16 : memref<!tpu.dma_semaphore, #tpu.memory_space<semaphore_mem>>)
    %dma_start3A_44 = arith.constant 0 : i32
    %dma_start3A_45 = arith.constant 0 : i32
    %dma_start3A_46 = arith.constant 0 : i32
    %dma_start3A_47 = tpu.memref_slice %arg11[%dma_start3A_44, %dma_start3A_45, %dma_start3A_46] : memref<4x40x128xf32, #tpu.memory_space<vmem>> -> memref<1x40x128xf32, #tpu.memory_space<vmem>>
    %dma_start3A_48 = tpu.memref_squeeze %dma_start3A_47 : memref<1x40x128xf32, #tpu.memory_space<vmem>> -> memref<40x128xf32, #tpu.memory_space<vmem>>
    %dma_start3A_49 = arith.constant 0 : i32
    %dma_start3A_50 = tpu.memref_slice %arg8[%dma_start3A_49] : memref<10000xi32, #tpu.memory_space<vmem>> -> memref<40xi32, #tpu.memory_space<vmem>>
    %dma_start3A_51 = arith.constant 0 : i32
    %dma_start3A_52 = arith.constant 0 : i32
    %dma_start3A_53 = tpu.memref_slice %arg2[%dma_start3A_51, %dma_start3A_52] : memref<10000x128xf32, #tpu.memory_space<hbm>> -> memref<10000x128xf32, #tpu.memory_space<hbm>>
    tpu.enqueue_indirect_dma source(%dma_start3A_53 : memref<10000x128xf32, #tpu.memory_space<hbm>>) target(%dma_start3A_48 : memref<40x128xf32, #tpu.memory_space<vmem>>) offsets(%dma_start3A_50 : memref<40xi32, #tpu.memory_space<vmem>>) semaphore(%arg12 : memref<!tpu.dma_semaphore, #tpu.memory_space<semaphore_mem>>)
    %add3A_54 = arith.constant 40 : i32
    %add3A_55 = arith.addi %mul3A_2, %add3A_54 : i32
    %dma_start3A_56 = arith.constant 1 : i32
    %dma_start3A_57 = arith.constant 0 : i32
    %dma_start3A_58 = tpu.memref_slice %arg10[%dma_start3A_56, %dma_start3A_57] : memref<4x40xi32, #tpu.memory_space<vmem>> -> memref<1x40xi32, #tpu.memory_space<vmem>>
    %dma_start3A_59 = tpu.memref_squeeze %dma_start3A_58 : memref<1x40xi32, #tpu.memory_space<vmem>> -> memref<40xi32, #tpu.memory_space<vmem>>
    %dma_start3A_60 = tpu.memref_slice %arg5[%add3A_55] : memref<320000xi32, #tpu.memory_space<hbm>> -> memref<40xi32, #tpu.memory_space<hbm>>
    %dma_start3A_61 = arith.constant 0 : i32
    %dma_start3A_62 = tpu.memref_slice %arg10[%dma_start3A_56, %dma_start3A_61] : memref<4x40xi32, #tpu.memory_space<vmem>> -> memref<1x40xi32, #tpu.memory_space<vmem>>
    %dma_start3A_63 = tpu.memref_squeeze %dma_start3A_62 : memref<1x40xi32, #tpu.memory_space<vmem>> -> memref<40xi32, #tpu.memory_space<vmem>>
    %dma_start3A_64 = tpu.memref_slice %arg5[%add3A_55] : memref<320000xi32, #tpu.memory_space<hbm>> -> memref<40xi32, #tpu.memory_space<hbm>>
    tpu.enqueue_dma source(%dma_start3A_64 : memref<40xi32, #tpu.memory_space<hbm>>) target(%dma_start3A_63 : memref<40xi32, #tpu.memory_space<vmem>>) target_semaphore(%arg17 : memref<!tpu.dma_semaphore, #tpu.memory_space<semaphore_mem>>)
    %dma_start3A_65 = arith.constant 1 : i32
    %dma_start3A_66 = arith.constant 0 : i32
    %dma_start3A_67 = arith.constant 0 : i32
    %dma_start3A_68 = tpu.memref_slice %arg11[%dma_start3A_65, %dma_start3A_66, %dma_start3A_67] : memref<4x40x128xf32, #tpu.memory_space<vmem>> -> memref<1x40x128xf32, #tpu.memory_space<vmem>>
    %dma_start3A_69 = tpu.memref_squeeze %dma_start3A_68 : memref<1x40x128xf32, #tpu.memory_space<vmem>> -> memref<40x128xf32, #tpu.memory_space<vmem>>
    %dma_start3A_70 = arith.constant 40 : i32
    %dma_start3A_71 = tpu.memref_slice %arg8[%dma_start3A_70] : memref<10000xi32, #tpu.memory_space<vmem>> -> memref<40xi32, #tpu.memory_space<vmem>>
    %dma_start3A_72 = arith.constant 0 : i32
    %dma_start3A_73 = arith.constant 0 : i32
    %dma_start3A_74 = tpu.memref_slice %arg2[%dma_start3A_72, %dma_start3A_73] : memref<10000x128xf32, #tpu.memory_space<hbm>> -> memref<10000x128xf32, #tpu.memory_space<hbm>>
    tpu.enqueue_indirect_dma source(%dma_start3A_74 : memref<10000x128xf32, #tpu.memory_space<hbm>>) target(%dma_start3A_69 : memref<40x128xf32, #tpu.memory_space<vmem>>) offsets(%dma_start3A_71 : memref<40xi32, #tpu.memory_space<vmem>>) semaphore(%arg13 : memref<!tpu.dma_semaphore, #tpu.memory_space<semaphore_mem>>)
    %scan3A_75 = arith.constant 0 : i32
    %scan3A_76 = arith.constant 0 : i32
    %scan3A_77 = arith.constant 62 : i32
    %scan3A_78 = arith.addi %scan3A_76, %scan3A_77 : i32
    %scan3A_79 = arith.constant 1 : i32
    %scan3A_80 = scf.for %scan3A_234 = %scan3A_76 to %scan3A_78 step %scan3A_79 iter_args(%scan3A_235 = %scan3A_75) -> (i32)  : i32 {
      %mul3A_236 = arith.constant 4 : i32
      %mul3A_237 = arith.muli %mul3A_236, %scan3A_234 : i32
      %add3A_238 = arith.constant 0 : i32
      %add3A_239 = arith.addi %mul3A_237, %add3A_238 : i32
      %ge3A = arith.constant 2 : i32
      %ge3A_240 = arith.cmpi sge, %add3A_239, %ge3A : i32
      %convert_element_type3A = arith.extui %ge3A_240 : i1 to i32
      %cond3A = arith.constant 0 : i32
      %cond3A_241 = arith.cmpi ne, %convert_element_type3A, %cond3A : i32
      scf.if %cond3A_241 {
        %dma_wait3A_474 = arith.constant 2 : i32
        %dma_wait3A_475 = arith.constant 2 : i32
        %dma_wait3A_476 = arith.constant 0 : i32
        %dma_wait3A_477 = arith.constant 0 : i32
        %dma_wait3A_478 = tpu.memref_slice %arg11[%dma_wait3A_474, %dma_wait3A_476, %dma_wait3A_477] : memref<4x40x128xf32, #tpu.memory_space<vmem>> -> memref<1x40x128xf32, #tpu.memory_space<vmem>>
        %dma_wait3A_479 = tpu.memref_squeeze %dma_wait3A_478 : memref<1x40x128xf32, #tpu.memory_space<vmem>> -> memref<40x128xf32, #tpu.memory_space<vmem>>
        %dma_wait3A_480 = arith.constant 0 : i32
        %dma_wait3A_481 = tpu.memref_slice %arg10[%dma_wait3A_475, %dma_wait3A_480] : memref<4x40xi32, #tpu.memory_space<vmem>> -> memref<1x40xi32, #tpu.memory_space<vmem>>
        %dma_wait3A_482 = tpu.memref_squeeze %dma_wait3A_481 : memref<1x40xi32, #tpu.memory_space<vmem>> -> memref<40xi32, #tpu.memory_space<vmem>>
        %dma_wait3A_483 = arith.constant 0 : i32
        %dma_wait3A_484 = arith.constant 0 : i32
        %dma_wait3A_485 = tpu.memref_slice %arg7[%dma_wait3A_483, %dma_wait3A_484] : memref<10000x128xf32, #tpu.memory_space<vmem_shared>> -> memref<10000x128xf32, #tpu.memory_space<vmem_shared>>
        tpu.wait_indirect_dma semaphore(%arg22 : memref<!tpu.dma_semaphore, #tpu.memory_space<semaphore_mem>>) src(%dma_wait3A_479 : memref<40x128xf32, #tpu.memory_space<vmem>>) dst(%dma_wait3A_485 : memref<10000x128xf32, #tpu.memory_space<vmem_shared>>)
      } else {
      }
      %add3A_242 = arith.constant 2 : i32
      %add3A_243 = arith.addi %add3A_239, %add3A_242 : i32
      %lt3A_244 = arith.constant 250 : i32
      %lt3A_245 = arith.cmpi slt, %add3A_243, %lt3A_244 : i32
      %convert_element_type3A_246 = arith.extui %lt3A_245 : i1 to i32
      %cond3A_247 = arith.constant 0 : i32
      %cond3A_248 = arith.cmpi ne, %convert_element_type3A_246, %cond3A_247 : i32
      scf.if %cond3A_248 {
        %add3A_474 = arith.constant 2 : i32
        %add3A_475 = arith.addi %add3A_239, %add3A_474 : i32
        %mul3A_476 = arith.constant 40 : i32
        %mul3A_477 = arith.muli %add3A_475, %mul3A_476 : i32
        %add3A_478 = arith.addi %mul3A_2, %mul3A_477 : i32
        %dma_start3A_479 = arith.constant 2 : i32
        %dma_start3A_480 = arith.constant 0 : i32
        %dma_start3A_481 = tpu.memref_slice %arg10[%dma_start3A_479, %dma_start3A_480] : memref<4x40xi32, #tpu.memory_space<vmem>> -> memref<1x40xi32, #tpu.memory_space<vmem>>
        %dma_start3A_482 = tpu.memref_squeeze %dma_start3A_481 : memref<1x40xi32, #tpu.memory_space<vmem>> -> memref<40xi32, #tpu.memory_space<vmem>>
        %dma_start3A_483 = tpu.memref_slice %arg5[%add3A_478] : memref<320000xi32, #tpu.memory_space<hbm>> -> memref<40xi32, #tpu.memory_space<hbm>>
        %dma_start3A_484 = arith.constant 0 : i32
        %dma_start3A_485 = tpu.memref_slice %arg10[%dma_start3A_479, %dma_start3A_484] : memref<4x40xi32, #tpu.memory_space<vmem>> -> memref<1x40xi32, #tpu.memory_space<vmem>>
        %dma_start3A_486 = tpu.memref_squeeze %dma_start3A_485 : memref<1x40xi32, #tpu.memory_space<vmem>> -> memref<40xi32, #tpu.memory_space<vmem>>
        %dma_start3A_487 = tpu.memref_slice %arg5[%add3A_478] : memref<320000xi32, #tpu.memory_space<hbm>> -> memref<40xi32, #tpu.memory_space<hbm>>
        tpu.enqueue_dma source(%dma_start3A_487 : memref<40xi32, #tpu.memory_space<hbm>>) target(%dma_start3A_486 : memref<40xi32, #tpu.memory_space<vmem>>) target_semaphore(%arg18 : memref<!tpu.dma_semaphore, #tpu.memory_space<semaphore_mem>>)
        %add3A_488 = arith.constant 2 : i32
        %add3A_489 = arith.addi %add3A_239, %add3A_488 : i32
        %mul3A_490 = arith.constant 40 : i32
        %mul3A_491 = arith.muli %add3A_489, %mul3A_490 : i32
        %dma_start3A_492 = arith.constant 2 : i32
        %dma_start3A_493 = arith.constant 0 : i32
        %dma_start3A_494 = arith.constant 0 : i32
        %dma_start3A_495 = tpu.memref_slice %arg11[%dma_start3A_492, %dma_start3A_493, %dma_start3A_494] : memref<4x40x128xf32, #tpu.memory_space<vmem>> -> memref<1x40x128xf32, #tpu.memory_space<vmem>>
        %dma_start3A_496 = tpu.memref_squeeze %dma_start3A_495 : memref<1x40x128xf32, #tpu.memory_space<vmem>> -> memref<40x128xf32, #tpu.memory_space<vmem>>
        %dma_start3A_497 = tpu.memref_slice %arg8[%mul3A_491] : memref<10000xi32, #tpu.memory_space<vmem>> -> memref<40xi32, #tpu.memory_space<vmem>>
        %dma_start3A_498 = arith.constant 0 : i32
        %dma_start3A_499 = arith.constant 0 : i32
        %dma_start3A_500 = tpu.memref_slice %arg2[%dma_start3A_498, %dma_start3A_499] : memref<10000x128xf32, #tpu.memory_space<hbm>> -> memref<10000x128xf32, #tpu.memory_space<hbm>>
        tpu.enqueue_indirect_dma source(%dma_start3A_500 : memref<10000x128xf32, #tpu.memory_space<hbm>>) target(%dma_start3A_496 : memref<40x128xf32, #tpu.memory_space<vmem>>) offsets(%dma_start3A_497 : memref<40xi32, #tpu.memory_space<vmem>>) semaphore(%arg14 : memref<!tpu.dma_semaphore, #tpu.memory_space<semaphore_mem>>)
      } else {
      }
      %mul3A_249 = arith.constant 40 : i32
      %mul3A_250 = arith.muli %add3A_239, %mul3A_249 : i32
      %dma_wait3A_251 = arith.constant 0 : i32
      %dma_wait3A_252 = arith.constant 0 : i32
      %dma_wait3A_253 = arith.constant 0 : i32
      %dma_wait3A_254 = tpu.memref_slice %arg11[%dma_wait3A_251, %dma_wait3A_252, %dma_wait3A_253] : memref<4x40x128xf32, #tpu.memory_space<vmem>> -> memref<1x40x128xf32, #tpu.memory_space<vmem>>
      %dma_wait3A_255 = tpu.memref_squeeze %dma_wait3A_254 : memref<1x40x128xf32, #tpu.memory_space<vmem>> -> memref<40x128xf32, #tpu.memory_space<vmem>>
      %dma_wait3A_256 = tpu.memref_slice %arg8[%mul3A_250] : memref<10000xi32, #tpu.memory_space<vmem>> -> memref<40xi32, #tpu.memory_space<vmem>>
      %dma_wait3A_257 = arith.constant 0 : i32
      %dma_wait3A_258 = arith.constant 0 : i32
      %dma_wait3A_259 = tpu.memref_slice %arg2[%dma_wait3A_257, %dma_wait3A_258] : memref<10000x128xf32, #tpu.memory_space<hbm>> -> memref<10000x128xf32, #tpu.memory_space<hbm>>
      tpu.wait_indirect_dma semaphore(%arg12 : memref<!tpu.dma_semaphore, #tpu.memory_space<semaphore_mem>>) src(%dma_wait3A_259 : memref<10000x128xf32, #tpu.memory_space<hbm>>) dst(%dma_wait3A_255 : memref<40x128xf32, #tpu.memory_space<vmem>>)
      %mul3A_260 = arith.constant 40 : i32
      %mul3A_261 = arith.muli %add3A_239, %mul3A_260 : i32
      %scan3A_262 = arith.constant 0 : i32
      %scan3A_263 = arith.constant 0 : i32
      %scan3A_264 = arith.constant 10 : i32
      %scan3A_265 = arith.addi %scan3A_263, %scan3A_264 : i32
      %scan3A_266 = arith.constant 1 : i32
      %scan3A_267 = scf.for %scan3A_474 = %scan3A_263 to %scan3A_265 step %scan3A_266 iter_args(%scan3A_475 = %scan3A_262) -> (i32)  : i32 {
        %mul3A_476 = arith.constant 4 : i32
        %mul3A_477 = arith.muli %mul3A_476, %scan3A_474 : i32
        %add3A_478 = arith.constant 0 : i32
        %add3A_479 = arith.addi %mul3A_477, %add3A_478 : i32
        %mul3A_480 = arith.constant 4 : i32
        %mul3A_481 = arith.muli %mul3A_480, %scan3A_474 : i32
        %add3A_482 = arith.constant 1 : i32
        %add3A_483 = arith.addi %mul3A_481, %add3A_482 : i32
        %mul3A_484 = arith.constant 4 : i32
        %mul3A_485 = arith.muli %mul3A_484, %scan3A_474 : i32
        %add3A_486 = arith.constant 2 : i32
        %add3A_487 = arith.addi %mul3A_485, %add3A_486 : i32
        %mul3A_488 = arith.constant 4 : i32
        %mul3A_489 = arith.muli %mul3A_488, %scan3A_474 : i32
        %add3A_490 = arith.constant 3 : i32
        %add3A_491 = arith.addi %mul3A_489, %add3A_490 : i32
        %add3A_492 = arith.addi %mul3A_261, %add3A_479 : i32
        %broadcast_in_dim3A = vector.broadcast %add3A_492 : i32 to vector<16xi32>
        %gather3A = tpu.vector_load_idx %arg9[%broadcast_in_dim3A] : memref<10000xf32, #tpu.memory_space<vmem>>[vector<16xi32>], vector<16xf32>,
        %add3A_493 = arith.addi %mul3A_261, %add3A_483 : i32
        %broadcast_in_dim3A_494 = vector.broadcast %add3A_493 : i32 to vector<16xi32>
        %gather3A_495 = tpu.vector_load_idx %arg9[%broadcast_in_dim3A_494] : memref<10000xf32, #tpu.memory_space<vmem>>[vector<16xi32>], vector<16xf32>,
        %add3A_496 = arith.addi %mul3A_261, %add3A_487 : i32
        %broadcast_in_dim3A_497 = vector.broadcast %add3A_496 : i32 to vector<16xi32>
        %gather3A_498 = tpu.vector_load_idx %arg9[%broadcast_in_dim3A_497] : memref<10000xf32, #tpu.memory_space<vmem>>[vector<16xi32>], vector<16xf32>,
        %add3A_499 = arith.addi %mul3A_261, %add3A_491 : i32
        %broadcast_in_dim3A_500 = vector.broadcast %add3A_499 : i32 to vector<16xi32>
        %gather3A_501 = tpu.vector_load_idx %arg9[%broadcast_in_dim3A_500] : memref<10000xf32, #tpu.memory_space<vmem>>[vector<16xi32>], vector<16xf32>,
        %get3A = arith.constant 0 : i32
        %get3A_502 = arith.index_cast %get3A : i32 to index
        %get3A_503 = arith.index_cast %add3A_479 : i32 to index
        %get3A_504 = arith.constant 0 : index
        %get3A_505 = tpu.vector_load %arg11[%get3A_502, %get3A_503, %get3A_504] {strides = array<i32>} : memref<4x40x128xf32, #tpu.memory_space<vmem>>, vector<16xf32>,
        %mul3A_506 = arith.mulf %get3A_505, %gather3A : vector<16xf32>
        %swap3A = arith.constant 0 : i32
        %swap3A_507 = arith.index_cast %swap3A : i32 to index
        %swap3A_508 = arith.index_cast %add3A_479 : i32 to index
        %swap3A_509 = arith.constant 0 : index
        %swap3A_510 = tpu.vector_load %arg11[%swap3A_507, %swap3A_508, %swap3A_509] {strides = array<i32>} : memref<4x40x128xf32, #tpu.memory_space<vmem>>, vector<16xf32>,
        tpu.vector_store %arg11[%swap3A_507, %swap3A_508, %swap3A_509], %mul3A_506 {strides = array<i32>} : memref<4x40x128xf32, #tpu.memory_space<vmem>>, vector<16xf32>,
        %get3A_511 = arith.constant 0 : i32
        %get3A_512 = arith.index_cast %get3A_511 : i32 to index
        %get3A_513 = arith.index_cast %add3A_483 : i32 to index
        %get3A_514 = arith.constant 0 : index
        %get3A_515 = tpu.vector_load %arg11[%get3A_512, %get3A_513, %get3A_514] {strides = array<i32>} : memref<4x40x128xf32, #tpu.memory_space<vmem>>, vector<16xf32>,
        %mul3A_516 = arith.mulf %get3A_515, %gather3A_495 : vector<16xf32>
        %swap3A_517 = arith.constant 0 : i32
        %swap3A_518 = arith.index_cast %swap3A_517 : i32 to index
        %swap3A_519 = arith.index_cast %add3A_483 : i32 to index
        %swap3A_520 = arith.constant 0 : index
        %swap3A_521 = tpu.vector_load %arg11[%swap3A_518, %swap3A_519, %swap3A_520] {strides = array<i32>} : memref<4x40x128xf32, #tpu.memory_space<vmem>>, vector<16xf32>,
        tpu.vector_store %arg11[%swap3A_518, %swap3A_519, %swap3A_520], %mul3A_516 {strides = array<i32>} : memref<4x40x128xf32, #tpu.memory_space<vmem>>, vector<16xf32>,
        %get3A_522 = arith.constant 0 : i32
        %get3A_523 = arith.index_cast %get3A_522 : i32 to index
        %get3A_524 = arith.index_cast %add3A_487 : i32 to index
        %get3A_525 = arith.constant 0 : index
        %get3A_526 = tpu.vector_load %arg11[%get3A_523, %get3A_524, %get3A_525] {strides = array<i32>} : memref<4x40x128xf32, #tpu.memory_space<vmem>>, vector<16xf32>,
        %mul3A_527 = arith.mulf %get3A_526, %gather3A_498 : vector<16xf32>
        %swap3A_528 = arith.constant 0 : i32
        %swap3A_529 = arith.index_cast %swap3A_528 : i32 to index
        %swap3A_530 = arith.index_cast %add3A_487 : i32 to index
        %swap3A_531 = arith.constant 0 : index
        %swap3A_532 = tpu.vector_load %arg11[%swap3A_529, %swap3A_530, %swap3A_531] {strides = array<i32>} : memref<4x40x128xf32, #tpu.memory_space<vmem>>, vector<16xf32>,
        tpu.vector_store %arg11[%swap3A_529, %swap3A_530, %swap3A_531], %mul3A_527 {strides = array<i32>} : memref<4x40x128xf32, #tpu.memory_space<vmem>>, vector<16xf32>,
        %get3A_533 = arith.constant 0 : i32
        %get3A_534 = arith.index_cast %get3A_533 : i32 to index
        %get3A_535 = arith.index_cast %add3A_491 : i32 to index
        %get3A_536 = arith.constant 0 : index
        %get3A_537 = tpu.vector_load %arg11[%get3A_534, %get3A_535, %get3A_536] {strides = array<i32>} : memref<4x40x128xf32, #tpu.memory_space<vmem>>, vector<16xf32>,
        %mul3A_538 = arith.mulf %get3A_537, %gather3A_501 : vector<16xf32>
        %swap3A_539 = arith.constant 0 : i32
        %swap3A_540 = arith.index_cast %swap3A_539 : i32 to index
        %swap3A_541 = arith.index_cast %add3A_491 : i32 to index
        %swap3A_542 = arith.constant 0 : index
        %swap3A_543 = tpu.vector_load %arg11[%swap3A_540, %swap3A_541, %swap3A_542] {strides = array<i32>} : memref<4x40x128xf32, #tpu.memory_space<vmem>>, vector<16xf32>,
        tpu.vector_store %arg11[%swap3A_540, %swap3A_541, %swap3A_542], %mul3A_538 {strides = array<i32>} : memref<4x40x128xf32, #tpu.memory_space<vmem>>, vector<16xf32>,
        %get3A_544 = arith.constant 0 : i32
        %get3A_545 = arith.index_cast %get3A_544 : i32 to index
        %get3A_546 = arith.index_cast %add3A_479 : i32 to index
        %get3A_547 = arith.constant 16 : index
        %get3A_548 = tpu.vector_load %arg11[%get3A_545, %get3A_546, %get3A_547] {strides = array<i32>} : memref<4x40x128xf32, #tpu.memory_space<vmem>>, vector<16xf32>,
        %mul3A_549 = arith.mulf %get3A_548, %gather3A : vector<16xf32>
        %swap3A_550 = arith.constant 0 : i32
        %swap3A_551 = arith.index_cast %swap3A_550 : i32 to index
        %swap3A_552 = arith.index_cast %add3A_479 : i32 to index
        %swap3A_553 = arith.constant 16 : index
        %swap3A_554 = tpu.vector_load %arg11[%swap3A_551, %swap3A_552, %swap3A_553] {strides = array<i32>} : memref<4x40x128xf32, #tpu.memory_space<vmem>>, vector<16xf32>,
        tpu.vector_store %arg11[%swap3A_551, %swap3A_552, %swap3A_553], %mul3A_549 {strides = array<i32>} : memref<4x40x128xf32, #tpu.memory_space<vmem>>, vector<16xf32>,
        %get3A_555 = arith.constant 0 : i32
        %get3A_556 = arith.index_cast %get3A_555 : i32 to index
        %get3A_557 = arith.index_cast %add3A_483 : i32 to index
        %get3A_558 = arith.constant 16 : index
        %get3A_559 = tpu.vector_load %arg11[%get3A_556, %get3A_557, %get3A_558] {strides = array<i32>} : memref<4x40x128xf32, #tpu.memory_space<vmem>>, vector<16xf32>,
        %mul3A_560 = arith.mulf %get3A_559, %gather3A_495 : vector<16xf32>
        %swap3A_561 = arith.constant 0 : i32
        %swap3A_562 = arith.index_cast %swap3A_561 : i32 to index
        %swap3A_563 = arith.index_cast %add3A_483 : i32 to index
        %swap3A_564 = arith.constant 16 : index
        %swap3A_565 = tpu.vector_load %arg11[%swap3A_562, %swap3A_563, %swap3A_564] {strides = array<i32>} : memref<4x40x128xf32, #tpu.memory_space<vmem>>, vector<16xf32>,
        tpu.vector_store %arg11[%swap3A_562, %swap3A_563, %swap3A_564], %mul3A_560 {strides = array<i32>} : memref<4x40x128xf32, #tpu.memory_space<vmem>>, vector<16xf32>,
        %get3A_566 = arith.constant 0 : i32
        %get3A_567 = arith.index_cast %get3A_566 : i32 to index
        %get3A_568 = arith.index_cast %add3A_487 : i32 to index
        %get3A_569 = arith.constant 16 : index
        %get3A_570 = tpu.vector_load %arg11[%get3A_567, %get3A_568, %get3A_569] {strides = array<i32>} : memref<4x40x128xf32, #tpu.memory_space<vmem>>, vector<16xf32>,
        %mul3A_571 = arith.mulf %get3A_570, %gather3A_498 : vector<16xf32>
        %swap3A_572 = arith.constant 0 : i32
        %swap3A_573 = arith.index_cast %swap3A_572 : i32 to index
        %swap3A_574 = arith.index_cast %add3A_487 : i32 to index
        %swap3A_575 = arith.constant 16 : index
        %swap3A_576 = tpu.vector_load %arg11[%swap3A_573, %swap3A_574, %swap3A_575] {strides = array<i32>} : memref<4x40x128xf32, #tpu.memory_space<vmem>>, vector<16xf32>,
        tpu.vector_store %arg11[%swap3A_573, %swap3A_574, %swap3A_575], %mul3A_571 {strides = array<i32>} : memref<4x40x128xf32, #tpu.memory_space<vmem>>, vector<16xf32>,
        %get3A_577 = arith.constant 0 : i32
        %get3A_578 = arith.index_cast %get3A_577 : i32 to index
        %get3A_579 = arith.index_cast %add3A_491 : i32 to index
        %get3A_580 = arith.constant 16 : index
        %get3A_581 = tpu.vector_load %arg11[%get3A_578, %get3A_579, %get3A_580] {strides = array<i32>} : memref<4x40x128xf32, #tpu.memory_space<vmem>>, vector<16xf32>,
        %mul3A_582 = arith.mulf %get3A_581, %gather3A_501 : vector<16xf32>
        %swap3A_583 = arith.constant 0 : i32
        %swap3A_584 = arith.index_cast %swap3A_583 : i32 to index
        %swap3A_585 = arith.index_cast %add3A_491 : i32 to index
        %swap3A_586 = arith.constant 16 : index
        %swap3A_587 = tpu.vector_load %arg11[%swap3A_584, %swap3A_585, %swap3A_586] {strides = array<i32>} : memref<4x40x128xf32, #tpu.memory_space<vmem>>, vector<16xf32>,
        tpu.vector_store %arg11[%swap3A_584, %swap3A_585, %swap3A_586], %mul3A_582 {strides = array<i32>} : memref<4x40x128xf32, #tpu.memory_space<vmem>>, vector<16xf32>,
        %get3A_588 = arith.constant 0 : i32
        %get3A_589 = arith.index_cast %get3A_588 : i32 to index
        %get3A_590 = arith.index_cast %add3A_479 : i32 to index
        %get3A_591 = arith.constant 32 : index
        %get3A_592 = tpu.vector_load %arg11[%get3A_589, %get3A_590, %get3A_591] {strides = array<i32>} : memref<4x40x128xf32, #tpu.memory_space<vmem>>, vector<16xf32>,
        %mul3A_593 = arith.mulf %get3A_592, %gather3A : vector<16xf32>
        %swap3A_594 = arith.constant 0 : i32
        %swap3A_595 = arith.index_cast %swap3A_594 : i32 to index
        %swap3A_596 = arith.index_cast %add3A_479 : i32 to index
        %swap3A_597 = arith.constant 32 : index
        %swap3A_598 = tpu.vector_load %arg11[%swap3A_595, %swap3A_596, %swap3A_597] {strides = array<i32>} : memref<4x40x128xf32, #tpu.memory_space<vmem>>, vector<16xf32>,
        tpu.vector_store %arg11[%swap3A_595, %swap3A_596, %swap3A_597], %mul3A_593 {strides = array<i32>} : memref<4x40x128xf32, #tpu.memory_space<vmem>>, vector<16xf32>,
        %get3A_599 = arith.constant 0 : i32
        %get3A_600 = arith.index_cast %get3A_599 : i32 to index
        %get3A_601 = arith.index_cast %add3A_483 : i32 to index
        %get3A_602 = arith.constant 32 : index
        %get3A_603 = tpu.vector_load %arg11[%get3A_600, %get3A_601, %get3A_602] {strides = array<i32>} : memref<4x40x128xf32, #tpu.memory_space<vmem>>, vector<16xf32>,
        %mul3A_604 = arith.mulf %get3A_603, %gather3A_495 : vector<16xf32>
        %swap3A_605 = arith.constant 0 : i32
        %swap3A_606 = arith.index_cast %swap3A_605 : i32 to index
        %swap3A_607 = arith.index_cast %add3A_483 : i32 to index
        %swap3A_608 = arith.constant 32 : index
        %swap3A_609 = tpu.vector_load %arg11[%swap3A_606, %swap3A_607, %swap3A_608] {strides = array<i32>} : memref<4x40x128xf32, #tpu.memory_space<vmem>>, vector<16xf32>,
        tpu.vector_store %arg11[%swap3A_606, %swap3A_607, %swap3A_608], %mul3A_604 {strides = array<i32>} : memref<4x40x128xf32, #tpu.memory_space<vmem>>, vector<16xf32>,
        %get3A_610 = arith.constant 0 : i32
        %get3A_611 = arith.index_cast %get3A_610 : i32 to index
        %get3A_612 = arith.index_cast %add3A_487 : i32 to index
        %get3A_613 = arith.constant 32 : index
        %get3A_614 = tpu.vector_load %arg11[%get3A_611, %get3A_612, %get3A_613] {strides = array<i32>} : memref<4x40x128xf32, #tpu.memory_space<vmem>>, vector<16xf32>,
        %mul3A_615 = arith.mulf %get3A_614, %gather3A_498 : vector<16xf32>
        %swap3A_616 = arith.constant 0 : i32
        %swap3A_617 = arith.index_cast %swap3A_616 : i32 to index
        %swap3A_618 = arith.index_cast %add3A_487 : i32 to index
        %swap3A_619 = arith.constant 32 : index
        %swap3A_620 = tpu.vector_load %arg11[%swap3A_617, %swap3A_618, %swap3A_619] {strides = array<i32>} : memref<4x40x128xf32, #tpu.memory_space<vmem>>, vector<16xf32>,
        tpu.vector_store %arg11[%swap3A_617, %swap3A_618, %swap3A_619], %mul3A_615 {strides = array<i32>} : memref<4x40x128xf32, #tpu.memory_space<vmem>>, vector<16xf32>,
        %get3A_621 = arith.constant 0 : i32
        %get3A_622 = arith.index_cast %get3A_621 : i32 to index
        %get3A_623 = arith.index_cast %add3A_491 : i32 to index
        %get3A_624 = arith.constant 32 : index
        %get3A_625 = tpu.vector_load %arg11[%get3A_622, %get3A_623, %get3A_624] {strides = array<i32>} : memref<4x40x128xf32, #tpu.memory_space<vmem>>, vector<16xf32>,
        %mul3A_626 = arith.mulf %get3A_625, %gather3A_501 : vector<16xf32>
        %swap3A_627 = arith.constant 0 : i32
        %swap3A_628 = arith.index_cast %swap3A_627 : i32 to index
        %swap3A_629 = arith.index_cast %add3A_491 : i32 to index
        %swap3A_630 = arith.constant 32 : index
        %swap3A_631 = tpu.vector_load %arg11[%swap3A_628, %swap3A_629, %swap3A_630] {strides = array<i32>} : memref<4x40x128xf32, #tpu.memory_space<vmem>>, vector<16xf32>,
        tpu.vector_store %arg11[%swap3A_628, %swap3A_629, %swap3A_630], %mul3A_626 {strides = array<i32>} : memref<4x40x128xf32, #tpu.memory_space<vmem>>, vector<16xf32>,
        %get3A_632 = arith.constant 0 : i32
        %get3A_633 = arith.index_cast %get3A_632 : i32 to index
        %get3A_634 = arith.index_cast %add3A_479 : i32 to index
        %get3A_635 = arith.constant 48 : index
        %get3A_636 = tpu.vector_load %arg11[%get3A_633, %get3A_634, %get3A_635] {strides = array<i32>} : memref<4x40x128xf32, #tpu.memory_space<vmem>>, vector<16xf32>,
        %mul3A_637 = arith.mulf %get3A_636, %gather3A : vector<16xf32>
        %swap3A_638 = arith.constant 0 : i32
        %swap3A_639 = arith.index_cast %swap3A_638 : i32 to index
        %swap3A_640 = arith.index_cast %add3A_479 : i32 to index
        %swap3A_641 = arith.constant 48 : index
        %swap3A_642 = tpu.vector_load %arg11[%swap3A_639, %swap3A_640, %swap3A_641] {strides = array<i32>} : memref<4x40x128xf32, #tpu.memory_space<vmem>>, vector<16xf32>,
        tpu.vector_store %arg11[%swap3A_639, %swap3A_640, %swap3A_641], %mul3A_637 {strides = array<i32>} : memref<4x40x128xf32, #tpu.memory_space<vmem>>, vector<16xf32>,
        %get3A_643 = arith.constant 0 : i32
        %get3A_644 = arith.index_cast %get3A_643 : i32 to index
        %get3A_645 = arith.index_cast %add3A_483 : i32 to index
        %get3A_646 = arith.constant 48 : index
        %get3A_647 = tpu.vector_load %arg11[%get3A_644, %get3A_645, %get3A_646] {strides = array<i32>} : memref<4x40x128xf32, #tpu.memory_space<vmem>>, vector<16xf32>,
        %mul3A_648 = arith.mulf %get3A_647, %gather3A_495 : vector<16xf32>
        %swap3A_649 = arith.constant 0 : i32
        %swap3A_650 = arith.index_cast %swap3A_649 : i32 to index
        %swap3A_651 = arith.index_cast %add3A_483 : i32 to index
        %swap3A_652 = arith.constant 48 : index
        %swap3A_653 = tpu.vector_load %arg11[%swap3A_650, %swap3A_651, %swap3A_652] {strides = array<i32>} : memref<4x40x128xf32, #tpu.memory_space<vmem>>, vector<16xf32>,
        tpu.vector_store %arg11[%swap3A_650, %swap3A_651, %swap3A_652], %mul3A_648 {strides = array<i32>} : memref<4x40x128xf32, #tpu.memory_space<vmem>>, vector<16xf32>,
        %get3A_654 = arith.constant 0 : i32
        %get3A_655 = arith.index_cast %get3A_654 : i32 to index
        %get3A_656 = arith.index_cast %add3A_487 : i32 to index
        %get3A_657 = arith.constant 48 : index
        %get3A_658 = tpu.vector_load %arg11[%get3A_655, %get3A_656, %get3A_657] {strides = array<i32>} : memref<4x40x128xf32, #tpu.memory_space<vmem>>, vector<16xf32>,
        %mul3A_659 = arith.mulf %get3A_658, %gather3A_498 : vector<16xf32>
        %swap3A_660 = arith.constant 0 : i32
        %swap3A_661 = arith.index_cast %swap3A_660 : i32 to index
        %swap3A_662 = arith.index_cast %add3A_487 : i32 to index
        %swap3A_663 = arith.constant 48 : index
        %swap3A_664 = tpu.vector_load %arg11[%swap3A_661, %swap3A_662, %swap3A_663] {strides = array<i32>} : memref<4x40x128xf32, #tpu.memory_space<vmem>>, vector<16xf32>,
        tpu.vector_store %arg11[%swap3A_661, %swap3A_662, %swap3A_663], %mul3A_659 {strides = array<i32>} : memref<4x40x128xf32, #tpu.memory_space<vmem>>, vector<16xf32>,
        %get3A_665 = arith.constant 0 : i32
        %get3A_666 = arith.index_cast %get3A_665 : i32 to index
        %get3A_667 = arith.index_cast %add3A_491 : i32 to index
        %get3A_668 = arith.constant 48 : index
        %get3A_669 = tpu.vector_load %arg11[%get3A_666, %get3A_667, %get3A_668] {strides = array<i32>} : memref<4x40x128xf32, #tpu.memory_space<vmem>>, vector<16xf32>,
        %mul3A_670 = arith.mulf %get3A_669, %gather3A_501 : vector<16xf32>
        %swap3A_671 = arith.constant 0 : i32
        %swap3A_672 = arith.index_cast %swap3A_671 : i32 to index
        %swap3A_673 = arith.index_cast %add3A_491 : i32 to index
        %swap3A_674 = arith.constant 48 : index
        %swap3A_675 = tpu.vector_load %arg11[%swap3A_672, %swap3A_673, %swap3A_674] {strides = array<i32>} : memref<4x40x128xf32, #tpu.memory_space<vmem>>, vector<16xf32>,
        tpu.vector_store %arg11[%swap3A_672, %swap3A_673, %swap3A_674], %mul3A_670 {strides = array<i32>} : memref<4x40x128xf32, #tpu.memory_space<vmem>>, vector<16xf32>,
        %get3A_676 = arith.constant 0 : i32
        %get3A_677 = arith.index_cast %get3A_676 : i32 to index
        %get3A_678 = arith.index_cast %add3A_479 : i32 to index
        %get3A_679 = arith.constant 64 : index
        %get3A_680 = tpu.vector_load %arg11[%get3A_677, %get3A_678, %get3A_679] {strides = array<i32>} : memref<4x40x128xf32, #tpu.memory_space<vmem>>, vector<16xf32>,
        %mul3A_681 = arith.mulf %get3A_680, %gather3A : vector<16xf32>
        %swap3A_682 = arith.constant 0 : i32
        %swap3A_683 = arith.index_cast %swap3A_682 : i32 to index
        %swap3A_684 = arith.index_cast %add3A_479 : i32 to index
        %swap3A_685 = arith.constant 64 : index
        %swap3A_686 = tpu.vector_load %arg11[%swap3A_683, %swap3A_684, %swap3A_685] {strides = array<i32>} : memref<4x40x128xf32, #tpu.memory_space<vmem>>, vector<16xf32>,
        tpu.vector_store %arg11[%swap3A_683, %swap3A_684, %swap3A_685], %mul3A_681 {strides = array<i32>} : memref<4x40x128xf32, #tpu.memory_space<vmem>>, vector<16xf32>,
        %get3A_687 = arith.constant 0 : i32
        %get3A_688 = arith.index_cast %get3A_687 : i32 to index
        %get3A_689 = arith.index_cast %add3A_483 : i32 to index
        %get3A_690 = arith.constant 64 : index
        %get3A_691 = tpu.vector_load %arg11[%get3A_688, %get3A_689, %get3A_690] {strides = array<i32>} : memref<4x40x128xf32, #tpu.memory_space<vmem>>, vector<16xf32>,
        %mul3A_692 = arith.mulf %get3A_691, %gather3A_495 : vector<16xf32>
        %swap3A_693 = arith.constant 0 : i32
        %swap3A_694 = arith.index_cast %swap3A_693 : i32 to index
        %swap3A_695 = arith.index_cast %add3A_483 : i32 to index
        %swap3A_696 = arith.constant 64 : index
        %swap3A_697 = tpu.vector_load %arg11[%swap3A_694, %swap3A_695, %swap3A_696] {strides = array<i32>} : memref<4x40x128xf32, #tpu.memory_space<vmem>>, vector<16xf32>,
        tpu.vector_store %arg11[%swap3A_694, %swap3A_695, %swap3A_696], %mul3A_692 {strides = array<i32>} : memref<4x40x128xf32, #tpu.memory_space<vmem>>, vector<16xf32>,
        %get3A_698 = arith.constant 0 : i32
        %get3A_699 = arith.index_cast %get3A_698 : i32 to index
        %get3A_700 = arith.index_cast %add3A_487 : i32 to index
        %get3A_701 = arith.constant 64 : index
        %get3A_702 = tpu.vector_load %arg11[%get3A_699, %get3A_700, %get3A_701] {strides = array<i32>} : memref<4x40x128xf32, #tpu.memory_space<vmem>>, vector<16xf32>,
        %mul3A_703 = arith.mulf %get3A_702, %gather3A_498 : vector<16xf32>
        %swap3A_704 = arith.constant 0 : i32
        %swap3A_705 = arith.index_cast %swap3A_704 : i32 to index
        %swap3A_706 = arith.index_cast %add3A_487 : i32 to index
        %swap3A_707 = arith.constant 64 : index
        %swap3A_708 = tpu.vector_load %arg11[%swap3A_705, %swap3A_706, %swap3A_707] {strides = array<i32>} : memref<4x40x128xf32, #tpu.memory_space<vmem>>, vector<16xf32>,
        tpu.vector_store %arg11[%swap3A_705, %swap3A_706, %swap3A_707], %mul3A_703 {strides = array<i32>} : memref<4x40x128xf32, #tpu.memory_space<vmem>>, vector<16xf32>,
        %get3A_709 = arith.constant 0 : i32
        %get3A_710 = arith.index_cast %get3A_709 : i32 to index
        %get3A_711 = arith.index_cast %add3A_491 : i32 to index
        %get3A_712 = arith.constant 64 : index
        %get3A_713 = tpu.vector_load %arg11[%get3A_710, %get3A_711, %get3A_712] {strides = array<i32>} : memref<4x40x128xf32, #tpu.memory_space<vmem>>, vector<16xf32>,
        %mul3A_714 = arith.mulf %get3A_713, %gather3A_501 : vector<16xf32>
        %swap3A_715 = arith.constant 0 : i32
        %swap3A_716 = arith.index_cast %swap3A_715 : i32 to index
        %swap3A_717 = arith.index_cast %add3A_491 : i32 to index
        %swap3A_718 = arith.constant 64 : index
        %swap3A_719 = tpu.vector_load %arg11[%swap3A_716, %swap3A_717, %swap3A_718] {strides = array<i32>} : memref<4x40x128xf32, #tpu.memory_space<vmem>>, vector<16xf32>,
        tpu.vector_store %arg11[%swap3A_716, %swap3A_717, %swap3A_718], %mul3A_714 {strides = array<i32>} : memref<4x40x128xf32, #tpu.memory_space<vmem>>, vector<16xf32>,
        %get3A_720 = arith.constant 0 : i32
        %get3A_721 = arith.index_cast %get3A_720 : i32 to index
        %get3A_722 = arith.index_cast %add3A_479 : i32 to index
        %get3A_723 = arith.constant 80 : index
        %get3A_724 = tpu.vector_load %arg11[%get3A_721, %get3A_722, %get3A_723] {strides = array<i32>} : memref<4x40x128xf32, #tpu.memory_space<vmem>>, vector<16xf32>,
        %mul3A_725 = arith.mulf %get3A_724, %gather3A : vector<16xf32>
        %swap3A_726 = arith.constant 0 : i32
        %swap3A_727 = arith.index_cast %swap3A_726 : i32 to index
        %swap3A_728 = arith.index_cast %add3A_479 : i32 to index
        %swap3A_729 = arith.constant 80 : index
        %swap3A_730 = tpu.vector_load %arg11[%swap3A_727, %swap3A_728, %swap3A_729] {strides = array<i32>} : memref<4x40x128xf32, #tpu.memory_space<vmem>>, vector<16xf32>,
        tpu.vector_store %arg11[%swap3A_727, %swap3A_728, %swap3A_729], %mul3A_725 {strides = array<i32>} : memref<4x40x128xf32, #tpu.memory_space<vmem>>, vector<16xf32>,
        %get3A_731 = arith.constant 0 : i32
        %get3A_732 = arith.index_cast %get3A_731 : i32 to index
        %get3A_733 = arith.index_cast %add3A_483 : i32 to index
        %get3A_734 = arith.constant 80 : index
        %get3A_735 = tpu.vector_load %arg11[%get3A_732, %get3A_733, %get3A_734] {strides = array<i32>} : memref<4x40x128xf32, #tpu.memory_space<vmem>>, vector<16xf32>,
        %mul3A_736 = arith.mulf %get3A_735, %gather3A_495 : vector<16xf32>
        %swap3A_737 = arith.constant 0 : i32
        %swap3A_738 = arith.index_cast %swap3A_737 : i32 to index
        %swap3A_739 = arith.index_cast %add3A_483 : i32 to index
        %swap3A_740 = arith.constant 80 : index
        %swap3A_741 = tpu.vector_load %arg11[%swap3A_738, %swap3A_739, %swap3A_740] {strides = array<i32>} : memref<4x40x128xf32, #tpu.memory_space<vmem>>, vector<16xf32>,
        tpu.vector_store %arg11[%swap3A_738, %swap3A_739, %swap3A_740], %mul3A_736 {strides = array<i32>} : memref<4x40x128xf32, #tpu.memory_space<vmem>>, vector<16xf32>,
        %get3A_742 = arith.constant 0 : i32
        %get3A_743 = arith.index_cast %get3A_742 : i32 to index
        %get3A_744 = arith.index_cast %add3A_487 : i32 to index
        %get3A_745 = arith.constant 80 : index
        %get3A_746 = tpu.vector_load %arg11[%get3A_743, %get3A_744, %get3A_745] {strides = array<i32>} : memref<4x40x128xf32, #tpu.memory_space<vmem>>, vector<16xf32>,
        %mul3A_747 = arith.mulf %get3A_746, %gather3A_498 : vector<16xf32>
        %swap3A_748 = arith.constant 0 : i32
        %swap3A_749 = arith.index_cast %swap3A_748 : i32 to index
        %swap3A_750 = arith.index_cast %add3A_487 : i32 to index
        %swap3A_751 = arith.constant 80 : index
        %swap3A_752 = tpu.vector_load %arg11[%swap3A_749, %swap3A_750, %swap3A_751] {strides = array<i32>} : memref<4x40x128xf32, #tpu.memory_space<vmem>>, vector<16xf32>,
        tpu.vector_store %arg11[%swap3A_749, %swap3A_750, %swap3A_751], %mul3A_747 {strides = array<i32>} : memref<4x40x128xf32, #tpu.memory_space<vmem>>, vector<16xf32>,
        %get3A_753 = arith.constant 0 : i32
        %get3A_754 = arith.index_cast %get3A_753 : i32 to index
        %get3A_755 = arith.index_cast %add3A_491 : i32 to index
        %get3A_756 = arith.constant 80 : index
        %get3A_757 = tpu.vector_load %arg11[%get3A_754, %get3A_755, %get3A_756] {strides = array<i32>} : memref<4x40x128xf32, #tpu.memory_space<vmem>>, vector<16xf32>,
        %mul3A_758 = arith.mulf %get3A_757, %gather3A_501 : vector<16xf32>
        %swap3A_759 = arith.constant 0 : i32
        %swap3A_760 = arith.index_cast %swap3A_759 : i32 to index
        %swap3A_761 = arith.index_cast %add3A_491 : i32 to index
        %swap3A_762 = arith.constant 80 : index
        %swap3A_763 = tpu.vector_load %arg11[%swap3A_760, %swap3A_761, %swap3A_762] {strides = array<i32>} : memref<4x40x128xf32, #tpu.memory_space<vmem>>, vector<16xf32>,
        tpu.vector_store %arg11[%swap3A_760, %swap3A_761, %swap3A_762], %mul3A_758 {strides = array<i32>} : memref<4x40x128xf32, #tpu.memory_space<vmem>>, vector<16xf32>,
        %get3A_764 = arith.constant 0 : i32
        %get3A_765 = arith.index_cast %get3A_764 : i32 to index
        %get3A_766 = arith.index_cast %add3A_479 : i32 to index
        %get3A_767 = arith.constant 96 : index
        %get3A_768 = tpu.vector_load %arg11[%get3A_765, %get3A_766, %get3A_767] {strides = array<i32>} : memref<4x40x128xf32, #tpu.memory_space<vmem>>, vector<16xf32>,
        %mul3A_769 = arith.mulf %get3A_768, %gather3A : vector<16xf32>
        %swap3A_770 = arith.constant 0 : i32
        %swap3A_771 = arith.index_cast %swap3A_770 : i32 to index
        %swap3A_772 = arith.index_cast %add3A_479 : i32 to index
        %swap3A_773 = arith.constant 96 : index
        %swap3A_774 = tpu.vector_load %arg11[%swap3A_771, %swap3A_772, %swap3A_773] {strides = array<i32>} : memref<4x40x128xf32, #tpu.memory_space<vmem>>, vector<16xf32>,
        tpu.vector_store %arg11[%swap3A_771, %swap3A_772, %swap3A_773], %mul3A_769 {strides = array<i32>} : memref<4x40x128xf32, #tpu.memory_space<vmem>>, vector<16xf32>,
        %get3A_775 = arith.constant 0 : i32
        %get3A_776 = arith.index_cast %get3A_775 : i32 to index
        %get3A_777 = arith.index_cast %add3A_483 : i32 to index
        %get3A_778 = arith.constant 96 : index
        %get3A_779 = tpu.vector_load %arg11[%get3A_776, %get3A_777, %get3A_778] {strides = array<i32>} : memref<4x40x128xf32, #tpu.memory_space<vmem>>, vector<16xf32>,
        %mul3A_780 = arith.mulf %get3A_779, %gather3A_495 : vector<16xf32>
        %swap3A_781 = arith.constant 0 : i32
        %swap3A_782 = arith.index_cast %swap3A_781 : i32 to index
        %swap3A_783 = arith.index_cast %add3A_483 : i32 to index
        %swap3A_784 = arith.constant 96 : index
        %swap3A_785 = tpu.vector_load %arg11[%swap3A_782, %swap3A_783, %swap3A_784] {strides = array<i32>} : memref<4x40x128xf32, #tpu.memory_space<vmem>>, vector<16xf32>,
        tpu.vector_store %arg11[%swap3A_782, %swap3A_783, %swap3A_784], %mul3A_780 {strides = array<i32>} : memref<4x40x128xf32, #tpu.memory_space<vmem>>, vector<16xf32>,
        %get3A_786 = arith.constant 0 : i32
        %get3A_787 = arith.index_cast %get3A_786 : i32 to index
        %get3A_788 = arith.index_cast %add3A_487 : i32 to index
        %get3A_789 = arith.constant 96 : index
        %get3A_790 = tpu.vector_load %arg11[%get3A_787, %get3A_788, %get3A_789] {strides = array<i32>} : memref<4x40x128xf32, #tpu.memory_space<vmem>>, vector<16xf32>,
        %mul3A_791 = arith.mulf %get3A_790, %gather3A_498 : vector<16xf32>
        %swap3A_792 = arith.constant 0 : i32
        %swap3A_793 = arith.index_cast %swap3A_792 : i32 to index
        %swap3A_794 = arith.index_cast %add3A_487 : i32 to index
        %swap3A_795 = arith.constant 96 : index
        %swap3A_796 = tpu.vector_load %arg11[%swap3A_793, %swap3A_794, %swap3A_795] {strides = array<i32>} : memref<4x40x128xf32, #tpu.memory_space<vmem>>, vector<16xf32>,
        tpu.vector_store %arg11[%swap3A_793, %swap3A_794, %swap3A_795], %mul3A_791 {strides = array<i32>} : memref<4x40x128xf32, #tpu.memory_space<vmem>>, vector<16xf32>,
        %get3A_797 = arith.constant 0 : i32
        %get3A_798 = arith.index_cast %get3A_797 : i32 to index
        %get3A_799 = arith.index_cast %add3A_491 : i32 to index
        %get3A_800 = arith.constant 96 : index
        %get3A_801 = tpu.vector_load %arg11[%get3A_798, %get3A_799, %get3A_800] {strides = array<i32>} : memref<4x40x128xf32, #tpu.memory_space<vmem>>, vector<16xf32>,
        %mul3A_802 = arith.mulf %get3A_801, %gather3A_501 : vector<16xf32>
        %swap3A_803 = arith.constant 0 : i32
        %swap3A_804 = arith.index_cast %swap3A_803 : i32 to index
        %swap3A_805 = arith.index_cast %add3A_491 : i32 to index
        %swap3A_806 = arith.constant 96 : index
        %swap3A_807 = tpu.vector_load %arg11[%swap3A_804, %swap3A_805, %swap3A_806] {strides = array<i32>} : memref<4x40x128xf32, #tpu.memory_space<vmem>>, vector<16xf32>,
        tpu.vector_store %arg11[%swap3A_804, %swap3A_805, %swap3A_806], %mul3A_802 {strides = array<i32>} : memref<4x40x128xf32, #tpu.memory_space<vmem>>, vector<16xf32>,
        %get3A_808 = arith.constant 0 : i32
        %get3A_809 = arith.index_cast %get3A_808 : i32 to index
        %get3A_810 = arith.index_cast %add3A_479 : i32 to index
        %get3A_811 = arith.constant 112 : index
        %get3A_812 = tpu.vector_load %arg11[%get3A_809, %get3A_810, %get3A_811] {strides = array<i32>} : memref<4x40x128xf32, #tpu.memory_space<vmem>>, vector<16xf32>,
        %mul3A_813 = arith.mulf %get3A_812, %gather3A : vector<16xf32>
        %swap3A_814 = arith.constant 0 : i32
        %swap3A_815 = arith.index_cast %swap3A_814 : i32 to index
        %swap3A_816 = arith.index_cast %add3A_479 : i32 to index
        %swap3A_817 = arith.constant 112 : index
        %swap3A_818 = tpu.vector_load %arg11[%swap3A_815, %swap3A_816, %swap3A_817] {strides = array<i32>} : memref<4x40x128xf32, #tpu.memory_space<vmem>>, vector<16xf32>,
        tpu.vector_store %arg11[%swap3A_815, %swap3A_816, %swap3A_817], %mul3A_813 {strides = array<i32>} : memref<4x40x128xf32, #tpu.memory_space<vmem>>, vector<16xf32>,
        %get3A_819 = arith.constant 0 : i32
        %get3A_820 = arith.index_cast %get3A_819 : i32 to index
        %get3A_821 = arith.index_cast %add3A_483 : i32 to index
        %get3A_822 = arith.constant 112 : index
        %get3A_823 = tpu.vector_load %arg11[%get3A_820, %get3A_821, %get3A_822] {strides = array<i32>} : memref<4x40x128xf32, #tpu.memory_space<vmem>>, vector<16xf32>,
        %mul3A_824 = arith.mulf %get3A_823, %gather3A_495 : vector<16xf32>
        %swap3A_825 = arith.constant 0 : i32
        %swap3A_826 = arith.index_cast %swap3A_825 : i32 to index
        %swap3A_827 = arith.index_cast %add3A_483 : i32 to index
        %swap3A_828 = arith.constant 112 : index
        %swap3A_829 = tpu.vector_load %arg11[%swap3A_826, %swap3A_827, %swap3A_828] {strides = array<i32>} : memref<4x40x128xf32, #tpu.memory_space<vmem>>, vector<16xf32>,
        tpu.vector_store %arg11[%swap3A_826, %swap3A_827, %swap3A_828], %mul3A_824 {strides = array<i32>} : memref<4x40x128xf32, #tpu.memory_space<vmem>>, vector<16xf32>,
        %get3A_830 = arith.constant 0 : i32
        %get3A_831 = arith.index_cast %get3A_830 : i32 to index
        %get3A_832 = arith.index_cast %add3A_487 : i32 to index
        %get3A_833 = arith.constant 112 : index
        %get3A_834 = tpu.vector_load %arg11[%get3A_831, %get3A_832, %get3A_833] {strides = array<i32>} : memref<4x40x128xf32, #tpu.memory_space<vmem>>, vector<16xf32>,
        %mul3A_835 = arith.mulf %get3A_834, %gather3A_498 : vector<16xf32>
        %swap3A_836 = arith.constant 0 : i32
        %swap3A_837 = arith.index_cast %swap3A_836 : i32 to index
        %swap3A_838 = arith.index_cast %add3A_487 : i32 to index
        %swap3A_839 = arith.constant 112 : index
        %swap3A_840 = tpu.vector_load %arg11[%swap3A_837, %swap3A_838, %swap3A_839] {strides = array<i32>} : memref<4x40x128xf32, #tpu.memory_space<vmem>>, vector<16xf32>,
        tpu.vector_store %arg11[%swap3A_837, %swap3A_838, %swap3A_839], %mul3A_835 {strides = array<i32>} : memref<4x40x128xf32, #tpu.memory_space<vmem>>, vector<16xf32>,
        %get3A_841 = arith.constant 0 : i32
        %get3A_842 = arith.index_cast %get3A_841 : i32 to index
        %get3A_843 = arith.index_cast %add3A_491 : i32 to index
        %get3A_844 = arith.constant 112 : index
        %get3A_845 = tpu.vector_load %arg11[%get3A_842, %get3A_843, %get3A_844] {strides = array<i32>} : memref<4x40x128xf32, #tpu.memory_space<vmem>>, vector<16xf32>,
        %mul3A_846 = arith.mulf %get3A_845, %gather3A_501 : vector<16xf32>
        %swap3A_847 = arith.constant 0 : i32
        %swap3A_848 = arith.index_cast %swap3A_847 : i32 to index
        %swap3A_849 = arith.index_cast %add3A_491 : i32 to index
        %swap3A_850 = arith.constant 112 : index
        %swap3A_851 = tpu.vector_load %arg11[%swap3A_848, %swap3A_849, %swap3A_850] {strides = array<i32>} : memref<4x40x128xf32, #tpu.memory_space<vmem>>, vector<16xf32>,
        tpu.vector_store %arg11[%swap3A_848, %swap3A_849, %swap3A_850], %mul3A_846 {strides = array<i32>} : memref<4x40x128xf32, #tpu.memory_space<vmem>>, vector<16xf32>,
        %scan3A_852 = arith.constant 0 : i32
        scf.yield %scan3A_852 : i32
      }
      %scan3A_268 = arith.constant 10 : i32
      %mul3A_269 = arith.constant 40 : i32
      %mul3A_270 = arith.muli %add3A_239, %mul3A_269 : i32
      %add3A_271 = arith.addi %mul3A_2, %mul3A_270 : i32
      %dma_wait3A_272 = arith.constant 0 : i32
      %dma_wait3A_273 = arith.constant 0 : i32
      %dma_wait3A_274 = tpu.memref_slice %arg10[%dma_wait3A_272, %dma_wait3A_273] : memref<4x40xi32, #tpu.memory_space<vmem>> -> memref<1x40xi32, #tpu.memory_space<vmem>>
      %dma_wait3A_275 = tpu.memref_squeeze %dma_wait3A_274 : memref<1x40xi32, #tpu.memory_space<vmem>> -> memref<40xi32, #tpu.memory_space<vmem>>
      %dma_wait3A_276 = tpu.memref_slice %arg5[%add3A_271] : memref<320000xi32, #tpu.memory_space<hbm>> -> memref<40xi32, #tpu.memory_space<hbm>>
      %dma_wait3A_277 = arith.constant 0 : i32
      %dma_wait3A_278 = tpu.memref_slice %arg10[%dma_wait3A_272, %dma_wait3A_277] : memref<4x40xi32, #tpu.memory_space<vmem>> -> memref<1x40xi32, #tpu.memory_space<vmem>>
      %dma_wait3A_279 = tpu.memref_squeeze %dma_wait3A_278 : memref<1x40xi32, #tpu.memory_space<vmem>> -> memref<40xi32, #tpu.memory_space<vmem>>
      %dma_wait3A_280 = tpu.memref_slice %arg5[%add3A_271] : memref<320000xi32, #tpu.memory_space<hbm>> -> memref<40xi32, #tpu.memory_space<hbm>>
      tpu.wait_dma2 semaphore(%arg16 : memref<!tpu.dma_semaphore, #tpu.memory_space<semaphore_mem>>) src(%dma_wait3A_280 : memref<40xi32, #tpu.memory_space<hbm>>) dst(%dma_wait3A_279 : memref<40xi32, #tpu.memory_space<vmem>>)
      %dma_start3A_281 = arith.constant 0 : i32
      %dma_start3A_282 = arith.constant 0 : i32
      %dma_start3A_283 = arith.constant 0 : i32
      %dma_start3A_284 = arith.constant 0 : i32
      %dma_start3A_285 = tpu.memref_slice %arg11[%dma_start3A_281, %dma_start3A_283, %dma_start3A_284] : memref<4x40x128xf32, #tpu.memory_space<vmem>> -> memref<1x40x128xf32, #tpu.memory_space<vmem>>
      %dma_start3A_286 = tpu.memref_squeeze %dma_start3A_285 : memref<1x40x128xf32, #tpu.memory_space<vmem>> -> memref<40x128xf32, #tpu.memory_space<vmem>>
      %dma_start3A_287 = arith.constant 0 : i32
      %dma_start3A_288 = tpu.memref_slice %arg10[%dma_start3A_282, %dma_start3A_287] : memref<4x40xi32, #tpu.memory_space<vmem>> -> memref<1x40xi32, #tpu.memory_space<vmem>>
      %dma_start3A_289 = tpu.memref_squeeze %dma_start3A_288 : memref<1x40xi32, #tpu.memory_space<vmem>> -> memref<40xi32, #tpu.memory_space<vmem>>
      %dma_start3A_290 = arith.constant 0 : i32
      %dma_start3A_291 = arith.constant 0 : i32
      %dma_start3A_292 = tpu.memref_slice %arg7[%dma_start3A_290, %dma_start3A_291] : memref<10000x128xf32, #tpu.memory_space<vmem_shared>> -> memref<10000x128xf32, #tpu.memory_space<vmem_shared>>
      tpu.enqueue_indirect_dma source(%dma_start3A_286 : memref<40x128xf32, #tpu.memory_space<vmem>>) target(%dma_start3A_292 : memref<10000x128xf32, #tpu.memory_space<vmem_shared>>) offsets(%dma_start3A_289 : memref<40xi32, #tpu.memory_space<vmem>>) semaphore(%arg20 : memref<!tpu.dma_semaphore, #tpu.memory_space<semaphore_mem>>) {add = true}
      %mul3A_293 = arith.constant 4 : i32
      %mul3A_294 = arith.muli %mul3A_293, %scan3A_234 : i32
      %add3A_295 = arith.constant 1 : i32
      %add3A_296 = arith.addi %mul3A_294, %add3A_295 : i32
      %ge3A_297 = arith.constant 2 : i32
      %ge3A_298 = arith.cmpi sge, %add3A_296, %ge3A_297 : i32
      %convert_element_type3A_299 = arith.extui %ge3A_298 : i1 to i32
      %cond3A_300 = arith.constant 0 : i32
      %cond3A_301 = arith.cmpi ne, %convert_element_type3A_299, %cond3A_300 : i32
      scf.if %cond3A_301 {
        %dma_wait3A_474 = arith.constant 3 : i32
        %dma_wait3A_475 = arith.constant 3 : i32
        %dma_wait3A_476 = arith.constant 0 : i32
        %dma_wait3A_477 = arith.constant 0 : i32
        %dma_wait3A_478 = tpu.memref_slice %arg11[%dma_wait3A_474, %dma_wait3A_476, %dma_wait3A_477] : memref<4x40x128xf32, #tpu.memory_space<vmem>> -> memref<1x40x128xf32, #tpu.memory_space<vmem>>
        %dma_wait3A_479 = tpu.memref_squeeze %dma_wait3A_478 : memref<1x40x128xf32, #tpu.memory_space<vmem>> -> memref<40x128xf32, #tpu.memory_space<vmem>>
        %dma_wait3A_480 = arith.constant 0 : i32
        %dma_wait3A_481 = tpu.memref_slice %arg10[%dma_wait3A_475, %dma_wait3A_480] : memref<4x40xi32, #tpu.memory_space<vmem>> -> memref<1x40xi32, #tpu.memory_space<vmem>>
        %dma_wait3A_482 = tpu.memref_squeeze %dma_wait3A_481 : memref<1x40xi32, #tpu.memory_space<vmem>> -> memref<40xi32, #tpu.memory_space<vmem>>
        %dma_wait3A_483 = arith.constant 0 : i32
        %dma_wait3A_484 = arith.constant 0 : i32
        %dma_wait3A_485 = tpu.memref_slice %arg7[%dma_wait3A_483, %dma_wait3A_484] : memref<10000x128xf32, #tpu.memory_space<vmem_shared>> -> memref<10000x128xf32, #tpu.memory_space<vmem_shared>>
        tpu.wait_indirect_dma semaphore(%arg23 : memref<!tpu.dma_semaphore, #tpu.memory_space<semaphore_mem>>) src(%dma_wait3A_479 : memref<40x128xf32, #tpu.memory_space<vmem>>) dst(%dma_wait3A_485 : memref<10000x128xf32, #tpu.memory_space<vmem_shared>>)
      } else {
      }
      %add3A_302 = arith.constant 2 : i32
      %add3A_303 = arith.addi %add3A_296, %add3A_302 : i32
      %lt3A_304 = arith.constant 250 : i32
      %lt3A_305 = arith.cmpi slt, %add3A_303, %lt3A_304 : i32
      %convert_element_type3A_306 = arith.extui %lt3A_305 : i1 to i32
      %cond3A_307 = arith.constant 0 : i32
      %cond3A_308 = arith.cmpi ne, %convert_element_type3A_306, %cond3A_307 : i32
      scf.if %cond3A_308 {
        %add3A_474 = arith.constant 2 : i32
        %add3A_475 = arith.addi %add3A_296, %add3A_474 : i32
        %mul3A_476 = arith.constant 40 : i32
        %mul3A_477 = arith.muli %add3A_475, %mul3A_476 : i32
        %add3A_478 = arith.addi %mul3A_2, %mul3A_477 : i32
        %dma_start3A_479 = arith.constant 3 : i32
        %dma_start3A_480 = arith.constant 0 : i32
        %dma_start3A_481 = tpu.memref_slice %arg10[%dma_start3A_479, %dma_start3A_480] : memref<4x40xi32, #tpu.memory_space<vmem>> -> memref<1x40xi32, #tpu.memory_space<vmem>>
        %dma_start3A_482 = tpu.memref_squeeze %dma_start3A_481 : memref<1x40xi32, #tpu.memory_space<vmem>> -> memref<40xi32, #tpu.memory_space<vmem>>
        %dma_start3A_483 = tpu.memref_slice %arg5[%add3A_478] : memref<320000xi32, #tpu.memory_space<hbm>> -> memref<40xi32, #tpu.memory_space<hbm>>
        %dma_start3A_484 = arith.constant 0 : i32
        %dma_start3A_485 = tpu.memref_slice %arg10[%dma_start3A_479, %dma_start3A_484] : memref<4x40xi32, #tpu.memory_space<vmem>> -> memref<1x40xi32, #tpu.memory_space<vmem>>
        %dma_start3A_486 = tpu.memref_squeeze %dma_start3A_485 : memref<1x40xi32, #tpu.memory_space<vmem>> -> memref<40xi32, #tpu.memory_space<vmem>>
        %dma_start3A_487 = tpu.memref_slice %arg5[%add3A_478] : memref<320000xi32, #tpu.memory_space<hbm>> -> memref<40xi32, #tpu.memory_space<hbm>>
        tpu.enqueue_dma source(%dma_start3A_487 : memref<40xi32, #tpu.memory_space<hbm>>) target(%dma_start3A_486 : memref<40xi32, #tpu.memory_space<vmem>>) target_semaphore(%arg19 : memref<!tpu.dma_semaphore, #tpu.memory_space<semaphore_mem>>)
        %add3A_488 = arith.constant 2 : i32
        %add3A_489 = arith.addi %add3A_296, %add3A_488 : i32
        %mul3A_490 = arith.constant 40 : i32
        %mul3A_491 = arith.muli %add3A_489, %mul3A_490 : i32
        %dma_start3A_492 = arith.constant 3 : i32
        %dma_start3A_493 = arith.constant 0 : i32
        %dma_start3A_494 = arith.constant 0 : i32
        %dma_start3A_495 = tpu.memref_slice %arg11[%dma_start3A_492, %dma_start3A_493, %dma_start3A_494] : memref<4x40x128xf32, #tpu.memory_space<vmem>> -> memref<1x40x128xf32, #tpu.memory_space<vmem>>
        %dma_start3A_496 = tpu.memref_squeeze %dma_start3A_495 : memref<1x40x128xf32, #tpu.memory_space<vmem>> -> memref<40x128xf32, #tpu.memory_space<vmem>>
        %dma_start3A_497 = tpu.memref_slice %arg8[%mul3A_491] : memref<10000xi32, #tpu.memory_space<vmem>> -> memref<40xi32, #tpu.memory_space<vmem>>
        %dma_start3A_498 = arith.constant 0 : i32
        %dma_start3A_499 = arith.constant 0 : i32
        %dma_start3A_500 = tpu.memref_slice %arg2[%dma_start3A_498, %dma_start3A_499] : memref<10000x128xf32, #tpu.memory_space<hbm>> -> memref<10000x128xf32, #tpu.memory_space<hbm>>
        tpu.enqueue_indirect_dma source(%dma_start3A_500 : memref<10000x128xf32, #tpu.memory_space<hbm>>) target(%dma_start3A_496 : memref<40x128xf32, #tpu.memory_space<vmem>>) offsets(%dma_start3A_497 : memref<40xi32, #tpu.memory_space<vmem>>) semaphore(%arg15 : memref<!tpu.dma_semaphore, #tpu.memory_space<semaphore_mem>>)
      } else {
      }
      %mul3A_309 = arith.constant 40 : i32
      %mul3A_310 = arith.muli %add3A_296, %mul3A_309 : i32
      %dma_wait3A_311 = arith.constant 1 : i32
      %dma_wait3A_312 = arith.constant 0 : i32
      %dma_wait3A_313 = arith.constant 0 : i32
      %dma_wait3A_314 = tpu.memref_slice %arg11[%dma_wait3A_311, %dma_wait3A_312, %dma_wait3A_313] : memref<4x40x128xf32, #tpu.memory_space<vmem>> -> memref<1x40x128xf32, #tpu.memory_space<vmem>>
      %dma_wait3A_315 = tpu.memref_squeeze %dma_wait3A_314 : memref<1x40x128xf32, #tpu.memory_space<vmem>> -> memref<40x128xf32, #tpu.memory_space<vmem>>
      %dma_wait3A_316 = tpu.memref_slice %arg8[%mul3A_310] : memref<10000xi32, #tpu.memory_space<vmem>> -> memref<40xi32, #tpu.memory_space<vmem>>
      %dma_wait3A_317 = arith.constant 0 : i32
      %dma_wait3A_318 = arith.constant 0 : i32
      %dma_wait3A_319 = tpu.memref_slice %arg2[%dma_wait3A_317, %dma_wait3A_318] : memref<10000x128xf32, #tpu.memory_space<hbm>> -> memref<10000x128xf32, #tpu.memory_space<hbm>>
      tpu.wait_indirect_dma semaphore(%arg13 : memref<!tpu.dma_semaphore, #tpu.memory_space<semaphore_mem>>) src(%dma_wait3A_319 : memref<10000x128xf32, #tpu.memory_space<hbm>>) dst(%dma_wait3A_315 : memref<40x128xf32, #tpu.memory_space<vmem>>)
      %mul3A_320 = arith.constant 40 : i32
      %mul3A_321 = arith.muli %add3A_296, %mul3A_320 : i32
      %scan3A_322 = arith.constant 0 : i32
      %scan3A_323 = arith.constant 0 : i32
      %scan3A_324 = arith.constant 10 : i32
      %scan3A_325 = arith.addi %scan3A_323, %scan3A_324 : i32
      %scan3A_326 = arith.constant 1 : i32
      %scan3A_327 = scf.for %scan3A_474 = %scan3A_323 to %scan3A_325 step %scan3A_326 iter_args(%scan3A_475 = %scan3A_322) -> (i32)  : i32 {
        %mul3A_476 = arith.constant 4 : i32
        %mul3A_477 = arith.muli %mul3A_476, %scan3A_474 : i32
        %add3A_478 = arith.constant 0 : i32
        %add3A_479 = arith.addi %mul3A_477, %add3A_478 : i32
        %mul3A_480 = arith.constant 4 : i32
        %mul3A_481 = arith.muli %mul3A_480, %scan3A_474 : i32
        %add3A_482 = arith.constant 1 : i32
        %add3A_483 = arith.addi %mul3A_481, %add3A_482 : i32
        %mul3A_484 = arith.constant 4 : i32
        %mul3A_485 = arith.muli %mul3A_484, %scan3A_474 : i32
        %add3A_486 = arith.constant 2 : i32
        %add3A_487 = arith.addi %mul3A_485, %add3A_486 : i32
        %mul3A_488 = arith.constant 4 : i32
        %mul3A_489 = arith.muli %mul3A_488, %scan3A_474 : i32
        %add3A_490 = arith.constant 3 : i32
        %add3A_491 = arith.addi %mul3A_489, %add3A_490 : i32
        %add3A_492 = arith.addi %mul3A_321, %add3A_479 : i32
        %broadcast_in_dim3A = vector.broadcast %add3A_492 : i32 to vector<16xi32>
        %gather3A = tpu.vector_load_idx %arg9[%broadcast_in_dim3A] : memref<10000xf32, #tpu.memory_space<vmem>>[vector<16xi32>], vector<16xf32>,
        %add3A_493 = arith.addi %mul3A_321, %add3A_483 : i32
        %broadcast_in_dim3A_494 = vector.broadcast %add3A_493 : i32 to vector<16xi32>
        %gather3A_495 = tpu.vector_load_idx %arg9[%broadcast_in_dim3A_494] : memref<10000xf32, #tpu.memory_space<vmem>>[vector<16xi32>], vector<16xf32>,
        %add3A_496 = arith.addi %mul3A_321, %add3A_487 : i32
        %broadcast_in_dim3A_497 = vector.broadcast %add3A_496 : i32 to vector<16xi32>
        %gather3A_498 = tpu.vector_load_idx %arg9[%broadcast_in_dim3A_497] : memref<10000xf32, #tpu.memory_space<vmem>>[vector<16xi32>], vector<16xf32>,
        %add3A_499 = arith.addi %mul3A_321, %add3A_491 : i32
        %broadcast_in_dim3A_500 = vector.broadcast %add3A_499 : i32 to vector<16xi32>
        %gather3A_501 = tpu.vector_load_idx %arg9[%broadcast_in_dim3A_500] : memref<10000xf32, #tpu.memory_space<vmem>>[vector<16xi32>], vector<16xf32>,
        %get3A = arith.constant 1 : i32
        %get3A_502 = arith.index_cast %get3A : i32 to index
        %get3A_503 = arith.index_cast %add3A_479 : i32 to index
        %get3A_504 = arith.constant 0 : index
        %get3A_505 = tpu.vector_load %arg11[%get3A_502, %get3A_503, %get3A_504] {strides = array<i32>} : memref<4x40x128xf32, #tpu.memory_space<vmem>>, vector<16xf32>,
        %mul3A_506 = arith.mulf %get3A_505, %gather3A : vector<16xf32>
        %swap3A = arith.constant 1 : i32
        %swap3A_507 = arith.index_cast %swap3A : i32 to index
        %swap3A_508 = arith.index_cast %add3A_479 : i32 to index
        %swap3A_509 = arith.constant 0 : index
        %swap3A_510 = tpu.vector_load %arg11[%swap3A_507, %swap3A_508, %swap3A_509] {strides = array<i32>} : memref<4x40x128xf32, #tpu.memory_space<vmem>>, vector<16xf32>,
        tpu.vector_store %arg11[%swap3A_507, %swap3A_508, %swap3A_509], %mul3A_506 {strides = array<i32>} : memref<4x40x128xf32, #tpu.memory_space<vmem>>, vector<16xf32>,
        %get3A_511 = arith.constant 1 : i32
        %get3A_512 = arith.index_cast %get3A_511 : i32 to index
        %get3A_513 = arith.index_cast %add3A_483 : i32 to index
        %get3A_514 = arith.constant 0 : index
        %get3A_515 = tpu.vector_load %arg11[%get3A_512, %get3A_513, %get3A_514] {strides = array<i32>} : memref<4x40x128xf32, #tpu.memory_space<vmem>>, vector<16xf32>,
        %mul3A_516 = arith.mulf %get3A_515, %gather3A_495 : vector<16xf32>
        %swap3A_517 = arith.constant 1 : i32
        %swap3A_518 = arith.index_cast %swap3A_517 : i32 to index
        %swap3A_519 = arith.index_cast %add3A_483 : i32 to index
        %swap3A_520 = arith.constant 0 : index
        %swap3A_521 = tpu.vector_load %arg11[%swap3A_518, %swap3A_519, %swap3A_520] {strides = array<i32>} : memref<4x40x128xf32, #tpu.memory_space<vmem>>, vector<16xf32>,
        tpu.vector_store %arg11[%swap3A_518, %swap3A_519, %swap3A_520], %mul3A_516 {strides = array<i32>} : memref<4x40x128xf32, #tpu.memory_space<vmem>>, vector<16xf32>,
        %get3A_522 = arith.constant 1 : i32
        %get3A_523 = arith.index_cast %get3A_522 : i32 to index
        %get3A_524 = arith.index_cast %add3A_487 : i32 to index
        %get3A_525 = arith.constant 0 : index
        %get3A_526 = tpu.vector_load %arg11[%get3A_523, %get3A_524, %get3A_525] {strides = array<i32>} : memref<4x40x128xf32, #tpu.memory_space<vmem>>, vector<16xf32>,
        %mul3A_527 = arith.mulf %get3A_526, %gather3A_498 : vector<16xf32>
        %swap3A_528 = arith.constant 1 : i32
        %swap3A_529 = arith.index_cast %swap3A_528 : i32 to index
        %swap3A_530 = arith.index_cast %add3A_487 : i32 to index
        %swap3A_531 = arith.constant 0 : index
        %swap3A_532 = tpu.vector_load %arg11[%swap3A_529, %swap3A_530, %swap3A_531] {strides = array<i32>} : memref<4x40x128xf32, #tpu.memory_space<vmem>>, vector<16xf32>,
        tpu.vector_store %arg11[%swap3A_529, %swap3A_530, %swap3A_531], %mul3A_527 {strides = array<i32>} : memref<4x40x128xf32, #tpu.memory_space<vmem>>, vector<16xf32>,
        %get3A_533 = arith.constant 1 : i32
        %get3A_534 = arith.index_cast %get3A_533 : i32 to index
        %get3A_535 = arith.index_cast %add3A_491 : i32 to index
        %get3A_536 = arith.constant 0 : index
        %get3A_537 = tpu.vector_load %arg11[%get3A_534, %get3A_535, %get3A_536] {strides = array<i32>} : memref<4x40x128xf32, #tpu.memory_space<vmem>>, vector<16xf32>,
        %mul3A_538 = arith.mulf %get3A_537, %gather3A_501 : vector<16xf32>
        %swap3A_539 = arith.constant 1 : i32
        %swap3A_540 = arith.index_cast %swap3A_539 : i32 to index
        %swap3A_541 = arith.index_cast %add3A_491 : i32 to index
        %swap3A_542 = arith.constant 0 : index
        %swap3A_543 = tpu.vector_load %arg11[%swap3A_540, %swap3A_541, %swap3A_542] {strides = array<i32>} : memref<4x40x128xf32, #tpu.memory_space<vmem>>, vector<16xf32>,
        tpu.vector_store %arg11[%swap3A_540, %swap3A_541, %swap3A_542], %mul3A_538 {strides = array<i32>} : memref<4x40x128xf32, #tpu.memory_space<vmem>>, vector<16xf32>,
        %get3A_544 = arith.constant 1 : i32
        %get3A_545 = arith.index_cast %get3A_544 : i32 to index
        %get3A_546 = arith.index_cast %add3A_479 : i32 to index
        %get3A_547 = arith.constant 16 : index
        %get3A_548 = tpu.vector_load %arg11[%get3A_545, %get3A_546, %get3A_547] {strides = array<i32>} : memref<4x40x128xf32, #tpu.memory_space<vmem>>, vector<16xf32>,
        %mul3A_549 = arith.mulf %get3A_548, %gather3A : vector<16xf32>
        %swap3A_550 = arith.constant 1 : i32
        %swap3A_551 = arith.index_cast %swap3A_550 : i32 to index
        %swap3A_552 = arith.index_cast %add3A_479 : i32 to index
        %swap3A_553 = arith.constant 16 : index
        %swap3A_554 = tpu.vector_load %arg11[%swap3A_551, %swap3A_552, %swap3A_553] {strides = array<i32>} : memref<4x40x128xf32, #tpu.memory_space<vmem>>, vector<16xf32>,
        tpu.vector_store %arg11[%swap3A_551, %swap3A_552, %swap3A_553], %mul3A_549 {strides = array<i32>} : memref<4x40x128xf32, #tpu.memory_space<vmem>>, vector<16xf32>,
        %get3A_555 = arith.constant 1 : i32
        %get3A_556 = arith.index_cast %get3A_555 : i32 to index
        %get3A_557 = arith.index_cast %add3A_483 : i32 to index
        %get3A_558 = arith.constant 16 : index
        %get3A_559 = tpu.vector_load %arg11[%get3A_556, %get3A_557, %get3A_558] {strides = array<i32>} : memref<4x40x128xf32, #tpu.memory_space<vmem>>, vector<16xf32>,
        %mul3A_560 = arith.mulf %get3A_559, %gather3A_495 : vector<16xf32>
        %swap3A_561 = arith.constant 1 : i32
        %swap3A_562 = arith.index_cast %swap3A_561 : i32 to index
        %swap3A_563 = arith.index_cast %add3A_483 : i32 to index
        %swap3A_564 = arith.constant 16 : index
        %swap3A_565 = tpu.vector_load %arg11[%swap3A_562, %swap3A_563, %swap3A_564] {strides = array<i32>} : memref<4x40x128xf32, #tpu.memory_space<vmem>>, vector<16xf32>,
        tpu.vector_store %arg11[%swap3A_562, %swap3A_563, %swap3A_564], %mul3A_560 {strides = array<i32>} : memref<4x40x128xf32, #tpu.memory_space<vmem>>, vector<16xf32>,
        %get3A_566 = arith.constant 1 : i32
        %get3A_567 = arith.index_cast %get3A_566 : i32 to index
        %get3A_568 = arith.index_cast %add3A_487 : i32 to index
        %get3A_569 = arith.constant 16 : index
        %get3A_570 = tpu.vector_load %arg11[%get3A_567, %get3A_568, %get3A_569] {strides = array<i32>} : memref<4x40x128xf32, #tpu.memory_space<vmem>>, vector<16xf32>,
        %mul3A_571 = arith.mulf %get3A_570, %gather3A_498 : vector<16xf32>
        %swap3A_572 = arith.constant 1 : i32
        %swap3A_573 = arith.index_cast %swap3A_572 : i32 to index
        %swap3A_574 = arith.index_cast %add3A_487 : i32 to index
        %swap3A_575 = arith.constant 16 : index
        %swap3A_576 = tpu.vector_load %arg11[%swap3A_573, %swap3A_574, %swap3A_575] {strides = array<i32>} : memref<4x40x128xf32, #tpu.memory_space<vmem>>, vector<16xf32>,
        tpu.vector_store %arg11[%swap3A_573, %swap3A_574, %swap3A_575], %mul3A_571 {strides = array<i32>} : memref<4x40x128xf32, #tpu.memory_space<vmem>>, vector<16xf32>,
        %get3A_577 = arith.constant 1 : i32
        %get3A_578 = arith.index_cast %get3A_577 : i32 to index
        %get3A_579 = arith.index_cast %add3A_491 : i32 to index
        %get3A_580 = arith.constant 16 : index
        %get3A_581 = tpu.vector_load %arg11[%get3A_578, %get3A_579, %get3A_580] {strides = array<i32>} : memref<4x40x128xf32, #tpu.memory_space<vmem>>, vector<16xf32>,
        %mul3A_582 = arith.mulf %get3A_581, %gather3A_501 : vector<16xf32>
        %swap3A_583 = arith.constant 1 : i32
        %swap3A_584 = arith.index_cast %swap3A_583 : i32 to index
        %swap3A_585 = arith.index_cast %add3A_491 : i32 to index
        %swap3A_586 = arith.constant 16 : index
        %swap3A_587 = tpu.vector_load %arg11[%swap3A_584, %swap3A_585, %swap3A_586] {strides = array<i32>} : memref<4x40x128xf32, #tpu.memory_space<vmem>>, vector<16xf32>,
        tpu.vector_store %arg11[%swap3A_584, %swap3A_585, %swap3A_586], %mul3A_582 {strides = array<i32>} : memref<4x40x128xf32, #tpu.memory_space<vmem>>, vector<16xf32>,
        %get3A_588 = arith.constant 1 : i32
        %get3A_589 = arith.index_cast %get3A_588 : i32 to index
        %get3A_590 = arith.index_cast %add3A_479 : i32 to index
        %get3A_591 = arith.constant 32 : index
        %get3A_592 = tpu.vector_load %arg11[%get3A_589, %get3A_590, %get3A_591] {strides = array<i32>} : memref<4x40x128xf32, #tpu.memory_space<vmem>>, vector<16xf32>,
        %mul3A_593 = arith.mulf %get3A_592, %gather3A : vector<16xf32>
        %swap3A_594 = arith.constant 1 : i32
        %swap3A_595 = arith.index_cast %swap3A_594 : i32 to index
        %swap3A_596 = arith.index_cast %add3A_479 : i32 to index
        %swap3A_597 = arith.constant 32 : index
        %swap3A_598 = tpu.vector_load %arg11[%swap3A_595, %swap3A_596, %swap3A_597] {strides = array<i32>} : memref<4x40x128xf32, #tpu.memory_space<vmem>>, vector<16xf32>,
        tpu.vector_store %arg11[%swap3A_595, %swap3A_596, %swap3A_597], %mul3A_593 {strides = array<i32>} : memref<4x40x128xf32, #tpu.memory_space<vmem>>, vector<16xf32>,
        %get3A_599 = arith.constant 1 : i32
        %get3A_600 = arith.index_cast %get3A_599 : i32 to index
        %get3A_601 = arith.index_cast %add3A_483 : i32 to index
        %get3A_602 = arith.constant 32 : index
        %get3A_603 = tpu.vector_load %arg11[%get3A_600, %get3A_601, %get3A_602] {strides = array<i32>} : memref<4x40x128xf32, #tpu.memory_space<vmem>>, vector<16xf32>,
        %mul3A_604 = arith.mulf %get3A_603, %gather3A_495 : vector<16xf32>
        %swap3A_605 = arith.constant 1 : i32
        %swap3A_606 = arith.index_cast %swap3A_605 : i32 to index
        %swap3A_607 = arith.index_cast %add3A_483 : i32 to index
        %swap3A_608 = arith.constant 32 : index
        %swap3A_609 = tpu.vector_load %arg11[%swap3A_606, %swap3A_607, %swap3A_608] {strides = array<i32>} : memref<4x40x128xf32, #tpu.memory_space<vmem>>, vector<16xf32>,
        tpu.vector_store %arg11[%swap3A_606, %swap3A_607, %swap3A_608], %mul3A_604 {strides = array<i32>} : memref<4x40x128xf32, #tpu.memory_space<vmem>>, vector<16xf32>,
        %get3A_610 = arith.constant 1 : i32
        %get3A_611 = arith.index_cast %get3A_610 : i32 to index
        %get3A_612 = arith.index_cast %add3A_487 : i32 to index
        %get3A_613 = arith.constant 32 : index
        %get3A_614 = tpu.vector_load %arg11[%get3A_611, %get3A_612, %get3A_613] {strides = array<i32>} : memref<4x40x128xf32, #tpu.memory_space<vmem>>, vector<16xf32>,
        %mul3A_615 = arith.mulf %get3A_614, %gather3A_498 : vector<16xf32>
        %swap3A_616 = arith.constant 1 : i32
        %swap3A_617 = arith.index_cast %swap3A_616 : i32 to index
        %swap3A_618 = arith.index_cast %add3A_487 : i32 to index
        %swap3A_619 = arith.constant 32 : index
        %swap3A_620 = tpu.vector_load %arg11[%swap3A_617, %swap3A_618, %swap3A_619] {strides = array<i32>} : memref<4x40x128xf32, #tpu.memory_space<vmem>>, vector<16xf32>,
        tpu.vector_store %arg11[%swap3A_617, %swap3A_618, %swap3A_619], %mul3A_615 {strides = array<i32>} : memref<4x40x128xf32, #tpu.memory_space<vmem>>, vector<16xf32>,
        %get3A_621 = arith.constant 1 : i32
        %get3A_622 = arith.index_cast %get3A_621 : i32 to index
        %get3A_623 = arith.index_cast %add3A_491 : i32 to index
        %get3A_624 = arith.constant 32 : index
        %get3A_625 = tpu.vector_load %arg11[%get3A_622, %get3A_623, %get3A_624] {strides = array<i32>} : memref<4x40x128xf32, #tpu.memory_space<vmem>>, vector<16xf32>,
        %mul3A_626 = arith.mulf %get3A_625, %gather3A_501 : vector<16xf32>
        %swap3A_627 = arith.constant 1 : i32
        %swap3A_628 = arith.index_cast %swap3A_627 : i32 to index
        %swap3A_629 = arith.index_cast %add3A_491 : i32 to index
        %swap3A_630 = arith.constant 32 : index
        %swap3A_631 = tpu.vector_load %arg11[%swap3A_628, %swap3A_629, %swap3A_630] {strides = array<i32>} : memref<4x40x128xf32, #tpu.memory_space<vmem>>, vector<16xf32>,
        tpu.vector_store %arg11[%swap3A_628, %swap3A_629, %swap3A_630], %mul3A_626 {strides = array<i32>} : memref<4x40x128xf32, #tpu.memory_space<vmem>>, vector<16xf32>,
        %get3A_632 = arith.constant 1 : i32
        %get3A_633 = arith.index_cast %get3A_632 : i32 to index
        %get3A_634 = arith.index_cast %add3A_479 : i32 to index
        %get3A_635 = arith.constant 48 : index
        %get3A_636 = tpu.vector_load %arg11[%get3A_633, %get3A_634, %get3A_635] {strides = array<i32>} : memref<4x40x128xf32, #tpu.memory_space<vmem>>, vector<16xf32>,
        %mul3A_637 = arith.mulf %get3A_636, %gather3A : vector<16xf32>
        %swap3A_638 = arith.constant 1 : i32
        %swap3A_639 = arith.index_cast %swap3A_638 : i32 to index
        %swap3A_640 = arith.index_cast %add3A_479 : i32 to index
        %swap3A_641 = arith.constant 48 : index
        %swap3A_642 = tpu.vector_load %arg11[%swap3A_639, %swap3A_640, %swap3A_641] {strides = array<i32>} : memref<4x40x128xf32, #tpu.memory_space<vmem>>, vector<16xf32>,
        tpu.vector_store %arg11[%swap3A_639, %swap3A_640, %swap3A_641], %mul3A_637 {strides = array<i32>} : memref<4x40x128xf32, #tpu.memory_space<vmem>>, vector<16xf32>,
        %get3A_643 = arith.constant 1 : i32
        %get3A_644 = arith.index_cast %get3A_643 : i32 to index
        %get3A_645 = arith.index_cast %add3A_483 : i32 to index
        %get3A_646 = arith.constant 48 : index
        %get3A_647 = tpu.vector_load %arg11[%get3A_644, %get3A_645, %get3A_646] {strides = array<i32>} : memref<4x40x128xf32, #tpu.memory_space<vmem>>, vector<16xf32>,
        %mul3A_648 = arith.mulf %get3A_647, %gather3A_495 : vector<16xf32>
        %swap3A_649 = arith.constant 1 : i32
        %swap3A_650 = arith.index_cast %swap3A_649 : i32 to index
        %swap3A_651 = arith.index_cast %add3A_483 : i32 to index
        %swap3A_652 = arith.constant 48 : index
        %swap3A_653 = tpu.vector_load %arg11[%swap3A_650, %swap3A_651, %swap3A_652] {strides = array<i32>} : memref<4x40x128xf32, #tpu.memory_space<vmem>>, vector<16xf32>,
        tpu.vector_store %arg11[%swap3A_650, %swap3A_651, %swap3A_652], %mul3A_648 {strides = array<i32>} : memref<4x40x128xf32, #tpu.memory_space<vmem>>, vector<16xf32>,
        %get3A_654 = arith.constant 1 : i32
        %get3A_655 = arith.index_cast %get3A_654 : i32 to index
        %get3A_656 = arith.index_cast %add3A_487 : i32 to index
        %get3A_657 = arith.constant 48 : index
        %get3A_658 = tpu.vector_load %arg11[%get3A_655, %get3A_656, %get3A_657] {strides = array<i32>} : memref<4x40x128xf32, #tpu.memory_space<vmem>>, vector<16xf32>,
        %mul3A_659 = arith.mulf %get3A_658, %gather3A_498 : vector<16xf32>
        %swap3A_660 = arith.constant 1 : i32
        %swap3A_661 = arith.index_cast %swap3A_660 : i32 to index
        %swap3A_662 = arith.index_cast %add3A_487 : i32 to index
        %swap3A_663 = arith.constant 48 : index
        %swap3A_664 = tpu.vector_load %arg11[%swap3A_661, %swap3A_662, %swap3A_663] {strides = array<i32>} : memref<4x40x128xf32, #tpu.memory_space<vmem>>, vector<16xf32>,
        tpu.vector_store %arg11[%swap3A_661, %swap3A_662, %swap3A_663], %mul3A_659 {strides = array<i32>} : memref<4x40x128xf32, #tpu.memory_space<vmem>>, vector<16xf32>,
        %get3A_665 = arith.constant 1 : i32
        %get3A_666 = arith.index_cast %get3A_665 : i32 to index
        %get3A_667 = arith.index_cast %add3A_491 : i32 to index
        %get3A_668 = arith.constant 48 : index
        %get3A_669 = tpu.vector_load %arg11[%get3A_666, %get3A_667, %get3A_668] {strides = array<i32>} : memref<4x40x128xf32, #tpu.memory_space<vmem>>, vector<16xf32>,
        %mul3A_670 = arith.mulf %get3A_669, %gather3A_501 : vector<16xf32>
        %swap3A_671 = arith.constant 1 : i32
        %swap3A_672 = arith.index_cast %swap3A_671 : i32 to index
        %swap3A_673 = arith.index_cast %add3A_491 : i32 to index
        %swap3A_674 = arith.constant 48 : index
        %swap3A_675 = tpu.vector_load %arg11[%swap3A_672, %swap3A_673, %swap3A_674] {strides = array<i32>} : memref<4x40x128xf32, #tpu.memory_space<vmem>>, vector<16xf32>,
        tpu.vector_store %arg11[%swap3A_672, %swap3A_673, %swap3A_674], %mul3A_670 {strides = array<i32>} : memref<4x40x128xf32, #tpu.memory_space<vmem>>, vector<16xf32>,
        %get3A_676 = arith.constant 1 : i32
        %get3A_677 = arith.index_cast %get3A_676 : i32 to index
        %get3A_678 = arith.index_cast %add3A_479 : i32 to index
        %get3A_679 = arith.constant 64 : index
        %get3A_680 = tpu.vector_load %arg11[%get3A_677, %get3A_678, %get3A_679] {strides = array<i32>} : memref<4x40x128xf32, #tpu.memory_space<vmem>>, vector<16xf32>,
        %mul3A_681 = arith.mulf %get3A_680, %gather3A : vector<16xf32>
        %swap3A_682 = arith.constant 1 : i32
        %swap3A_683 = arith.index_cast %swap3A_682 : i32 to index
        %swap3A_684 = arith.index_cast %add3A_479 : i32 to index
        %swap3A_685 = arith.constant 64 : index
        %swap3A_686 = tpu.vector_load %arg11[%swap3A_683, %swap3A_684, %swap3A_685] {strides = array<i32>} : memref<4x40x128xf32, #tpu.memory_space<vmem>>, vector<16xf32>,
        tpu.vector_store %arg11[%swap3A_683, %swap3A_684, %swap3A_685], %mul3A_681 {strides = array<i32>} : memref<4x40x128xf32, #tpu.memory_space<vmem>>, vector<16xf32>,
        %get3A_687 = arith.constant 1 : i32
        %get3A_688 = arith.index_cast %get3A_687 : i32 to index
        %get3A_689 = arith.index_cast %add3A_483 : i32 to index
        %get3A_690 = arith.constant 64 : index
        %get3A_691 = tpu.vector_load %arg11[%get3A_688, %get3A_689, %get3A_690] {strides = array<i32>} : memref<4x40x128xf32, #tpu.memory_space<vmem>>, vector<16xf32>,
        %mul3A_692 = arith.mulf %get3A_691, %gather3A_495 : vector<16xf32>
        %swap3A_693 = arith.constant 1 : i32
        %swap3A_694 = arith.index_cast %swap3A_693 : i32 to index
        %swap3A_695 = arith.index_cast %add3A_483 : i32 to index
        %swap3A_696 = arith.constant 64 : index
        %swap3A_697 = tpu.vector_load %arg11[%swap3A_694, %swap3A_695, %swap3A_696] {strides = array<i32>} : memref<4x40x128xf32, #tpu.memory_space<vmem>>, vector<16xf32>,
        tpu.vector_store %arg11[%swap3A_694, %swap3A_695, %swap3A_696], %mul3A_692 {strides = array<i32>} : memref<4x40x128xf32, #tpu.memory_space<vmem>>, vector<16xf32>,
        %get3A_698 = arith.constant 1 : i32
        %get3A_699 = arith.index_cast %get3A_698 : i32 to index
        %get3A_700 = arith.index_cast %add3A_487 : i32 to index
        %get3A_701 = arith.constant 64 : index
        %get3A_702 = tpu.vector_load %arg11[%get3A_699, %get3A_700, %get3A_701] {strides = array<i32>} : memref<4x40x128xf32, #tpu.memory_space<vmem>>, vector<16xf32>,
        %mul3A_703 = arith.mulf %get3A_702, %gather3A_498 : vector<16xf32>
        %swap3A_704 = arith.constant 1 : i32
        %swap3A_705 = arith.index_cast %swap3A_704 : i32 to index
        %swap3A_706 = arith.index_cast %add3A_487 : i32 to index
        %swap3A_707 = arith.constant 64 : index
        %swap3A_708 = tpu.vector_load %arg11[%swap3A_705, %swap3A_706, %swap3A_707] {strides = array<i32>} : memref<4x40x128xf32, #tpu.memory_space<vmem>>, vector<16xf32>,
        tpu.vector_store %arg11[%swap3A_705, %swap3A_706, %swap3A_707], %mul3A_703 {strides = array<i32>} : memref<4x40x128xf32, #tpu.memory_space<vmem>>, vector<16xf32>,
        %get3A_709 = arith.constant 1 : i32
        %get3A_710 = arith.index_cast %get3A_709 : i32 to index
        %get3A_711 = arith.index_cast %add3A_491 : i32 to index
        %get3A_712 = arith.constant 64 : index
        %get3A_713 = tpu.vector_load %arg11[%get3A_710, %get3A_711, %get3A_712] {strides = array<i32>} : memref<4x40x128xf32, #tpu.memory_space<vmem>>, vector<16xf32>,
        %mul3A_714 = arith.mulf %get3A_713, %gather3A_501 : vector<16xf32>
        %swap3A_715 = arith.constant 1 : i32
        %swap3A_716 = arith.index_cast %swap3A_715 : i32 to index
        %swap3A_717 = arith.index_cast %add3A_491 : i32 to index
        %swap3A_718 = arith.constant 64 : index
        %swap3A_719 = tpu.vector_load %arg11[%swap3A_716, %swap3A_717, %swap3A_718] {strides = array<i32>} : memref<4x40x128xf32, #tpu.memory_space<vmem>>, vector<16xf32>,
        tpu.vector_store %arg11[%swap3A_716, %swap3A_717, %swap3A_718], %mul3A_714 {strides = array<i32>} : memref<4x40x128xf32, #tpu.memory_space<vmem>>, vector<16xf32>,
        %get3A_720 = arith.constant 1 : i32
        %get3A_721 = arith.index_cast %get3A_720 : i32 to index
        %get3A_722 = arith.index_cast %add3A_479 : i32 to index
        %get3A_723 = arith.constant 80 : index
        %get3A_724 = tpu.vector_load %arg11[%get3A_721, %get3A_722, %get3A_723] {strides = array<i32>} : memref<4x40x128xf32, #tpu.memory_space<vmem>>, vector<16xf32>,
        %mul3A_725 = arith.mulf %get3A_724, %gather3A : vector<16xf32>
        %swap3A_726 = arith.constant 1 : i32
        %swap3A_727 = arith.index_cast %swap3A_726 : i32 to index
        %swap3A_728 = arith.index_cast %add3A_479 : i32 to index
        %swap3A_729 = arith.constant 80 : index
        %swap3A_730 = tpu.vector_load %arg11[%swap3A_727, %swap3A_728, %swap3A_729] {strides = array<i32>} : memref<4x40x128xf32, #tpu.memory_space<vmem>>, vector<16xf32>,
        tpu.vector_store %arg11[%swap3A_727, %swap3A_728, %swap3A_729], %mul3A_725 {strides = array<i32>} : memref<4x40x128xf32, #tpu.memory_space<vmem>>, vector<16xf32>,
        %get3A_731 = arith.constant 1 : i32
        %get3A_732 = arith.index_cast %get3A_731 : i32 to index
        %get3A_733 = arith.index_cast %add3A_483 : i32 to index
        %get3A_734 = arith.constant 80 : index
        %get3A_735 = tpu.vector_load %arg11[%get3A_732, %get3A_733, %get3A_734] {strides = array<i32>} : memref<4x40x128xf32, #tpu.memory_space<vmem>>, vector<16xf32>,
        %mul3A_736 = arith.mulf %get3A_735, %gather3A_495 : vector<16xf32>
        %swap3A_737 = arith.constant 1 : i32
        %swap3A_738 = arith.index_cast %swap3A_737 : i32 to index
        %swap3A_739 = arith.index_cast %add3A_483 : i32 to index
        %swap3A_740 = arith.constant 80 : index
        %swap3A_741 = tpu.vector_load %arg11[%swap3A_738, %swap3A_739, %swap3A_740] {strides = array<i32>} : memref<4x40x128xf32, #tpu.memory_space<vmem>>, vector<16xf32>,
        tpu.vector_store %arg11[%swap3A_738, %swap3A_739, %swap3A_740], %mul3A_736 {strides = array<i32>} : memref<4x40x128xf32, #tpu.memory_space<vmem>>, vector<16xf32>,
        %get3A_742 = arith.constant 1 : i32
        %get3A_743 = arith.index_cast %get3A_742 : i32 to index
        %get3A_744 = arith.index_cast %add3A_487 : i32 to index
        %get3A_745 = arith.constant 80 : index
        %get3A_746 = tpu.vector_load %arg11[%get3A_743, %get3A_744, %get3A_745] {strides = array<i32>} : memref<4x40x128xf32, #tpu.memory_space<vmem>>, vector<16xf32>,
        %mul3A_747 = arith.mulf %get3A_746, %gather3A_498 : vector<16xf32>
        %swap3A_748 = arith.constant 1 : i32
        %swap3A_749 = arith.index_cast %swap3A_748 : i32 to index
        %swap3A_750 = arith.index_cast %add3A_487 : i32 to index
        %swap3A_751 = arith.constant 80 : index
        %swap3A_752 = tpu.vector_load %arg11[%swap3A_749, %swap3A_750, %swap3A_751] {strides = array<i32>} : memref<4x40x128xf32, #tpu.memory_space<vmem>>, vector<16xf32>,
        tpu.vector_store %arg11[%swap3A_749, %swap3A_750, %swap3A_751], %mul3A_747 {strides = array<i32>} : memref<4x40x128xf32, #tpu.memory_space<vmem>>, vector<16xf32>,
        %get3A_753 = arith.constant 1 : i32
        %get3A_754 = arith.index_cast %get3A_753 : i32 to index
        %get3A_755 = arith.index_cast %add3A_491 : i32 to index
        %get3A_756 = arith.constant 80 : index
        %get3A_757 = tpu.vector_load %arg11[%get3A_754, %get3A_755, %get3A_756] {strides = array<i32>} : memref<4x40x128xf32, #tpu.memory_space<vmem>>, vector<16xf32>,
        %mul3A_758 = arith.mulf %get3A_757, %gather3A_501 : vector<16xf32>
        %swap3A_759 = arith.constant 1 : i32
        %swap3A_760 = arith.index_cast %swap3A_759 : i32 to index
        %swap3A_761 = arith.index_cast %add3A_491 : i32 to index
        %swap3A_762 = arith.constant 80 : index
        %swap3A_763 = tpu.vector_load %arg11[%swap3A_760, %swap3A_761, %swap3A_762] {strides = array<i32>} : memref<4x40x128xf32, #tpu.memory_space<vmem>>, vector<16xf32>,
        tpu.vector_store %arg11[%swap3A_760, %swap3A_761, %swap3A_762], %mul3A_758 {strides = array<i32>} : memref<4x40x128xf32, #tpu.memory_space<vmem>>, vector<16xf32>,
        %get3A_764 = arith.constant 1 : i32
        %get3A_765 = arith.index_cast %get3A_764 : i32 to index
        %get3A_766 = arith.index_cast %add3A_479 : i32 to index
        %get3A_767 = arith.constant 96 : index
        %get3A_768 = tpu.vector_load %arg11[%get3A_765, %get3A_766, %get3A_767] {strides = array<i32>} : memref<4x40x128xf32, #tpu.memory_space<vmem>>, vector<16xf32>,
        %mul3A_769 = arith.mulf %get3A_768, %gather3A : vector<16xf32>
        %swap3A_770 = arith.constant 1 : i32
        %swap3A_771 = arith.index_cast %swap3A_770 : i32 to index
        %swap3A_772 = arith.index_cast %add3A_479 : i32 to index
        %swap3A_773 = arith.constant 96 : index
        %swap3A_774 = tpu.vector_load %arg11[%swap3A_771, %swap3A_772, %swap3A_773] {strides = array<i32>} : memref<4x40x128xf32, #tpu.memory_space<vmem>>, vector<16xf32>,
        tpu.vector_store %arg11[%swap3A_771, %swap3A_772, %swap3A_773], %mul3A_769 {strides = array<i32>} : memref<4x40x128xf32, #tpu.memory_space<vmem>>, vector<16xf32>,
        %get3A_775 = arith.constant 1 : i32
        %get3A_776 = arith.index_cast %get3A_775 : i32 to index
        %get3A_777 = arith.index_cast %add3A_483 : i32 to index
        %get3A_778 = arith.constant 96 : index
        %get3A_779 = tpu.vector_load %arg11[%get3A_776, %get3A_777, %get3A_778] {strides = array<i32>} : memref<4x40x128xf32, #tpu.memory_space<vmem>>, vector<16xf32>,
        %mul3A_780 = arith.mulf %get3A_779, %gather3A_495 : vector<16xf32>
        %swap3A_781 = arith.constant 1 : i32
        %swap3A_782 = arith.index_cast %swap3A_781 : i32 to index
        %swap3A_783 = arith.index_cast %add3A_483 : i32 to index
        %swap3A_784 = arith.constant 96 : index
        %swap3A_785 = tpu.vector_load %arg11[%swap3A_782, %swap3A_783, %swap3A_784] {strides = array<i32>} : memref<4x40x128xf32, #tpu.memory_space<vmem>>, vector<16xf32>,
        tpu.vector_store %arg11[%swap3A_782, %swap3A_783, %swap3A_784], %mul3A_780 {strides = array<i32>} : memref<4x40x128xf32, #tpu.memory_space<vmem>>, vector<16xf32>,
        %get3A_786 = arith.constant 1 : i32
        %get3A_787 = arith.index_cast %get3A_786 : i32 to index
        %get3A_788 = arith.index_cast %add3A_487 : i32 to index
        %get3A_789 = arith.constant 96 : index
        %get3A_790 = tpu.vector_load %arg11[%get3A_787, %get3A_788, %get3A_789] {strides = array<i32>} : memref<4x40x128xf32, #tpu.memory_space<vmem>>, vector<16xf32>,
        %mul3A_791 = arith.mulf %get3A_790, %gather3A_498 : vector<16xf32>
        %swap3A_792 = arith.constant 1 : i32
        %swap3A_793 = arith.index_cast %swap3A_792 : i32 to index
        %swap3A_794 = arith.index_cast %add3A_487 : i32 to index
        %swap3A_795 = arith.constant 96 : index
        %swap3A_796 = tpu.vector_load %arg11[%swap3A_793, %swap3A_794, %swap3A_795] {strides = array<i32>} : memref<4x40x128xf32, #tpu.memory_space<vmem>>, vector<16xf32>,
        tpu.vector_store %arg11[%swap3A_793, %swap3A_794, %swap3A_795], %mul3A_791 {strides = array<i32>} : memref<4x40x128xf32, #tpu.memory_space<vmem>>, vector<16xf32>,
        %get3A_797 = arith.constant 1 : i32
        %get3A_798 = arith.index_cast %get3A_797 : i32 to index
        %get3A_799 = arith.index_cast %add3A_491 : i32 to index
        %get3A_800 = arith.constant 96 : index
        %get3A_801 = tpu.vector_load %arg11[%get3A_798, %get3A_799, %get3A_800] {strides = array<i32>} : memref<4x40x128xf32, #tpu.memory_space<vmem>>, vector<16xf32>,
        %mul3A_802 = arith.mulf %get3A_801, %gather3A_501 : vector<16xf32>
        %swap3A_803 = arith.constant 1 : i32
        %swap3A_804 = arith.index_cast %swap3A_803 : i32 to index
        %swap3A_805 = arith.index_cast %add3A_491 : i32 to index
        %swap3A_806 = arith.constant 96 : index
        %swap3A_807 = tpu.vector_load %arg11[%swap3A_804, %swap3A_805, %swap3A_806] {strides = array<i32>} : memref<4x40x128xf32, #tpu.memory_space<vmem>>, vector<16xf32>,
        tpu.vector_store %arg11[%swap3A_804, %swap3A_805, %swap3A_806], %mul3A_802 {strides = array<i32>} : memref<4x40x128xf32, #tpu.memory_space<vmem>>, vector<16xf32>,
        %get3A_808 = arith.constant 1 : i32
        %get3A_809 = arith.index_cast %get3A_808 : i32 to index
        %get3A_810 = arith.index_cast %add3A_479 : i32 to index
        %get3A_811 = arith.constant 112 : index
        %get3A_812 = tpu.vector_load %arg11[%get3A_809, %get3A_810, %get3A_811] {strides = array<i32>} : memref<4x40x128xf32, #tpu.memory_space<vmem>>, vector<16xf32>,
        %mul3A_813 = arith.mulf %get3A_812, %gather3A : vector<16xf32>
        %swap3A_814 = arith.constant 1 : i32
        %swap3A_815 = arith.index_cast %swap3A_814 : i32 to index
        %swap3A_816 = arith.index_cast %add3A_479 : i32 to index
        %swap3A_817 = arith.constant 112 : index
        %swap3A_818 = tpu.vector_load %arg11[%swap3A_815, %swap3A_816, %swap3A_817] {strides = array<i32>} : memref<4x40x128xf32, #tpu.memory_space<vmem>>, vector<16xf32>,
        tpu.vector_store %arg11[%swap3A_815, %swap3A_816, %swap3A_817], %mul3A_813 {strides = array<i32>} : memref<4x40x128xf32, #tpu.memory_space<vmem>>, vector<16xf32>,
        %get3A_819 = arith.constant 1 : i32
        %get3A_820 = arith.index_cast %get3A_819 : i32 to index
        %get3A_821 = arith.index_cast %add3A_483 : i32 to index
        %get3A_822 = arith.constant 112 : index
        %get3A_823 = tpu.vector_load %arg11[%get3A_820, %get3A_821, %get3A_822] {strides = array<i32>} : memref<4x40x128xf32, #tpu.memory_space<vmem>>, vector<16xf32>,
        %mul3A_824 = arith.mulf %get3A_823, %gather3A_495 : vector<16xf32>
        %swap3A_825 = arith.constant 1 : i32
        %swap3A_826 = arith.index_cast %swap3A_825 : i32 to index
        %swap3A_827 = arith.index_cast %add3A_483 : i32 to index
        %swap3A_828 = arith.constant 112 : index
        %swap3A_829 = tpu.vector_load %arg11[%swap3A_826, %swap3A_827, %swap3A_828] {strides = array<i32>} : memref<4x40x128xf32, #tpu.memory_space<vmem>>, vector<16xf32>,
        tpu.vector_store %arg11[%swap3A_826, %swap3A_827, %swap3A_828], %mul3A_824 {strides = array<i32>} : memref<4x40x128xf32, #tpu.memory_space<vmem>>, vector<16xf32>,
        %get3A_830 = arith.constant 1 : i32
        %get3A_831 = arith.index_cast %get3A_830 : i32 to index
        %get3A_832 = arith.index_cast %add3A_487 : i32 to index
        %get3A_833 = arith.constant 112 : index
        %get3A_834 = tpu.vector_load %arg11[%get3A_831, %get3A_832, %get3A_833] {strides = array<i32>} : memref<4x40x128xf32, #tpu.memory_space<vmem>>, vector<16xf32>,
        %mul3A_835 = arith.mulf %get3A_834, %gather3A_498 : vector<16xf32>
        %swap3A_836 = arith.constant 1 : i32
        %swap3A_837 = arith.index_cast %swap3A_836 : i32 to index
        %swap3A_838 = arith.index_cast %add3A_487 : i32 to index
        %swap3A_839 = arith.constant 112 : index
        %swap3A_840 = tpu.vector_load %arg11[%swap3A_837, %swap3A_838, %swap3A_839] {strides = array<i32>} : memref<4x40x128xf32, #tpu.memory_space<vmem>>, vector<16xf32>,
        tpu.vector_store %arg11[%swap3A_837, %swap3A_838, %swap3A_839], %mul3A_835 {strides = array<i32>} : memref<4x40x128xf32, #tpu.memory_space<vmem>>, vector<16xf32>,
        %get3A_841 = arith.constant 1 : i32
        %get3A_842 = arith.index_cast %get3A_841 : i32 to index
        %get3A_843 = arith.index_cast %add3A_491 : i32 to index
        %get3A_844 = arith.constant 112 : index
        %get3A_845 = tpu.vector_load %arg11[%get3A_842, %get3A_843, %get3A_844] {strides = array<i32>} : memref<4x40x128xf32, #tpu.memory_space<vmem>>, vector<16xf32>,
        %mul3A_846 = arith.mulf %get3A_845, %gather3A_501 : vector<16xf32>
        %swap3A_847 = arith.constant 1 : i32
        %swap3A_848 = arith.index_cast %swap3A_847 : i32 to index
        %swap3A_849 = arith.index_cast %add3A_491 : i32 to index
        %swap3A_850 = arith.constant 112 : index
        %swap3A_851 = tpu.vector_load %arg11[%swap3A_848, %swap3A_849, %swap3A_850] {strides = array<i32>} : memref<4x40x128xf32, #tpu.memory_space<vmem>>, vector<16xf32>,
        tpu.vector_store %arg11[%swap3A_848, %swap3A_849, %swap3A_850], %mul3A_846 {strides = array<i32>} : memref<4x40x128xf32, #tpu.memory_space<vmem>>, vector<16xf32>,
        %scan3A_852 = arith.constant 0 : i32
        scf.yield %scan3A_852 : i32
      }
      %scan3A_328 = arith.constant 10 : i32
      %mul3A_329 = arith.constant 40 : i32
      %mul3A_330 = arith.muli %add3A_296, %mul3A_329 : i32
      %add3A_331 = arith.addi %mul3A_2, %mul3A_330 : i32
      %dma_wait3A_332 = arith.constant 1 : i32
      %dma_wait3A_333 = arith.constant 0 : i32
      %dma_wait3A_334 = tpu.memref_slice %arg10[%dma_wait3A_332, %dma_wait3A_333] : memref<4x40xi32, #tpu.memory_space<vmem>> -> memref<1x40xi32, #tpu.memory_space<vmem>>
      %dma_wait3A_335 = tpu.memref_squeeze %dma_wait3A_334 : memref<1x40xi32, #tpu.memory_space<vmem>> -> memref<40xi32, #tpu.memory_space<vmem>>
      %dma_wait3A_336 = tpu.memref_slice %arg5[%add3A_331] : memref<320000xi32, #tpu.memory_space<hbm>> -> memref<40xi32, #tpu.memory_space<hbm>>
      %dma_wait3A_337 = arith.constant 0 : i32
      %dma_wait3A_338 = tpu.memref_slice %arg10[%dma_wait3A_332, %dma_wait3A_337] : memref<4x40xi32, #tpu.memory_space<vmem>> -> memref<1x40xi32, #tpu.memory_space<vmem>>
      %dma_wait3A_339 = tpu.memref_squeeze %dma_wait3A_338 : memref<1x40xi32, #tpu.memory_space<vmem>> -> memref<40xi32, #tpu.memory_space<vmem>>
      %dma_wait3A_340 = tpu.memref_slice %arg5[%add3A_331] : memref<320000xi32, #tpu.memory_space<hbm>> -> memref<40xi32, #tpu.memory_space<hbm>>
      tpu.wait_dma2 semaphore(%arg17 : memref<!tpu.dma_semaphore, #tpu.memory_space<semaphore_mem>>) src(%dma_wait3A_340 : memref<40xi32, #tpu.memory_space<hbm>>) dst(%dma_wait3A_339 : memref<40xi32, #tpu.memory_space<vmem>>)
      %dma_start3A_341 = arith.constant 1 : i32
      %dma_start3A_342 = arith.constant 1 : i32
      %dma_start3A_343 = arith.constant 0 : i32
      %dma_start3A_344 = arith.constant 0 : i32
      %dma_start3A_345 = tpu.memref_slice %arg11[%dma_start3A_341, %dma_start3A_343, %dma_start3A_344] : memref<4x40x128xf32, #tpu.memory_space<vmem>> -> memref<1x40x128xf32, #tpu.memory_space<vmem>>
      %dma_start3A_346 = tpu.memref_squeeze %dma_start3A_345 : memref<1x40x128xf32, #tpu.memory_space<vmem>> -> memref<40x128xf32, #tpu.memory_space<vmem>>
      %dma_start3A_347 = arith.constant 0 : i32
      %dma_start3A_348 = tpu.memref_slice %arg10[%dma_start3A_342, %dma_start3A_347] : memref<4x40xi32, #tpu.memory_space<vmem>> -> memref<1x40xi32, #tpu.memory_space<vmem>>
      %dma_start3A_349 = tpu.memref_squeeze %dma_start3A_348 : memref<1x40xi32, #tpu.memory_space<vmem>> -> memref<40xi32, #tpu.memory_space<vmem>>
      %dma_start3A_350 = arith.constant 0 : i32
      %dma_start3A_351 = arith.constant 0 : i32
      %dma_start3A_352 = tpu.memref_slice %arg7[%dma_start3A_350, %dma_start3A_351] : memref<10000x128xf32, #tpu.memory_space<vmem_shared>> -> memref<10000x128xf32, #tpu.memory_space<vmem_shared>>
      tpu.enqueue_indirect_dma source(%dma_start3A_346 : memref<40x128xf32, #tpu.memory_space<vmem>>) target(%dma_start3A_352 : memref<10000x128xf32, #tpu.memory_space<vmem_shared>>) offsets(%dma_start3A_349 : memref<40xi32, #tpu.memory_space<vmem>>) semaphore(%arg21 : memref<!tpu.dma_semaphore, #tpu.memory_space<semaphore_mem>>) {add = true}
      %mul3A_353 = arith.constant 4 : i32
      %mul3A_354 = arith.muli %mul3A_353, %scan3A_234 : i32
      %add3A_355 = arith.constant 2 : i32
      %add3A_356 = arith.addi %mul3A_354, %add3A_355 : i32
      %ge3A_357 = arith.constant 2 : i32
      %ge3A_358 = arith.cmpi sge, %add3A_356, %ge3A_357 : i32
      %convert_element_type3A_359 = arith.extui %ge3A_358 : i1 to i32
      %cond3A_360 = arith.constant 0 : i32
      %cond3A_361 = arith.cmpi ne, %convert_element_type3A_359, %cond3A_360 : i32
      scf.if %cond3A_361 {
        %dma_wait3A_474 = arith.constant 0 : i32
        %dma_wait3A_475 = arith.constant 0 : i32
        %dma_wait3A_476 = arith.constant 0 : i32
        %dma_wait3A_477 = arith.constant 0 : i32
        %dma_wait3A_478 = tpu.memref_slice %arg11[%dma_wait3A_474, %dma_wait3A_476, %dma_wait3A_477] : memref<4x40x128xf32, #tpu.memory_space<vmem>> -> memref<1x40x128xf32, #tpu.memory_space<vmem>>
        %dma_wait3A_479 = tpu.memref_squeeze %dma_wait3A_478 : memref<1x40x128xf32, #tpu.memory_space<vmem>> -> memref<40x128xf32, #tpu.memory_space<vmem>>
        %dma_wait3A_480 = arith.constant 0 : i32
        %dma_wait3A_481 = tpu.memref_slice %arg10[%dma_wait3A_475, %dma_wait3A_480] : memref<4x40xi32, #tpu.memory_space<vmem>> -> memref<1x40xi32, #tpu.memory_space<vmem>>
        %dma_wait3A_482 = tpu.memref_squeeze %dma_wait3A_481 : memref<1x40xi32, #tpu.memory_space<vmem>> -> memref<40xi32, #tpu.memory_space<vmem>>
        %dma_wait3A_483 = arith.constant 0 : i32
        %dma_wait3A_484 = arith.constant 0 : i32
        %dma_wait3A_485 = tpu.memref_slice %arg7[%dma_wait3A_483, %dma_wait3A_484] : memref<10000x128xf32, #tpu.memory_space<vmem_shared>> -> memref<10000x128xf32, #tpu.memory_space<vmem_shared>>
        tpu.wait_indirect_dma semaphore(%arg20 : memref<!tpu.dma_semaphore, #tpu.memory_space<semaphore_mem>>) src(%dma_wait3A_479 : memref<40x128xf32, #tpu.memory_space<vmem>>) dst(%dma_wait3A_485 : memref<10000x128xf32, #tpu.memory_space<vmem_shared>>)
      } else {
      }
      %add3A_362 = arith.constant 2 : i32
      %add3A_363 = arith.addi %add3A_356, %add3A_362 : i32
      %lt3A_364 = arith.constant 250 : i32
      %lt3A_365 = arith.cmpi slt, %add3A_363, %lt3A_364 : i32
      %convert_element_type3A_366 = arith.extui %lt3A_365 : i1 to i32
      %cond3A_367 = arith.constant 0 : i32
      %cond3A_368 = arith.cmpi ne, %convert_element_type3A_366, %cond3A_367 : i32
      scf.if %cond3A_368 {
        %add3A_474 = arith.constant 2 : i32
        %add3A_475 = arith.addi %add3A_356, %add3A_474 : i32
        %mul3A_476 = arith.constant 40 : i32
        %mul3A_477 = arith.muli %add3A_475, %mul3A_476 : i32
        %add3A_478 = arith.addi %mul3A_2, %mul3A_477 : i32
        %dma_start3A_479 = arith.constant 0 : i32
        %dma_start3A_480 = arith.constant 0 : i32
        %dma_start3A_481 = tpu.memref_slice %arg10[%dma_start3A_479, %dma_start3A_480] : memref<4x40xi32, #tpu.memory_space<vmem>> -> memref<1x40xi32, #tpu.memory_space<vmem>>
        %dma_start3A_482 = tpu.memref_squeeze %dma_start3A_481 : memref<1x40xi32, #tpu.memory_space<vmem>> -> memref<40xi32, #tpu.memory_space<vmem>>
        %dma_start3A_483 = tpu.memref_slice %arg5[%add3A_478] : memref<320000xi32, #tpu.memory_space<hbm>> -> memref<40xi32, #tpu.memory_space<hbm>>
        %dma_start3A_484 = arith.constant 0 : i32
        %dma_start3A_485 = tpu.memref_slice %arg10[%dma_start3A_479, %dma_start3A_484] : memref<4x40xi32, #tpu.memory_space<vmem>> -> memref<1x40xi32, #tpu.memory_space<vmem>>
        %dma_start3A_486 = tpu.memref_squeeze %dma_start3A_485 : memref<1x40xi32, #tpu.memory_space<vmem>> -> memref<40xi32, #tpu.memory_space<vmem>>
        %dma_start3A_487 = tpu.memref_slice %arg5[%add3A_478] : memref<320000xi32, #tpu.memory_space<hbm>> -> memref<40xi32, #tpu.memory_space<hbm>>
        tpu.enqueue_dma source(%dma_start3A_487 : memref<40xi32, #tpu.memory_space<hbm>>) target(%dma_start3A_486 : memref<40xi32, #tpu.memory_space<vmem>>) target_semaphore(%arg16 : memref<!tpu.dma_semaphore, #tpu.memory_space<semaphore_mem>>)
        %add3A_488 = arith.constant 2 : i32
        %add3A_489 = arith.addi %add3A_356, %add3A_488 : i32
        %mul3A_490 = arith.constant 40 : i32
        %mul3A_491 = arith.muli %add3A_489, %mul3A_490 : i32
        %dma_start3A_492 = arith.constant 0 : i32
        %dma_start3A_493 = arith.constant 0 : i32
        %dma_start3A_494 = arith.constant 0 : i32
        %dma_start3A_495 = tpu.memref_slice %arg11[%dma_start3A_492, %dma_start3A_493, %dma_start3A_494] : memref<4x40x128xf32, #tpu.memory_space<vmem>> -> memref<1x40x128xf32, #tpu.memory_space<vmem>>
        %dma_start3A_496 = tpu.memref_squeeze %dma_start3A_495 : memref<1x40x128xf32, #tpu.memory_space<vmem>> -> memref<40x128xf32, #tpu.memory_space<vmem>>
        %dma_start3A_497 = tpu.memref_slice %arg8[%mul3A_491] : memref<10000xi32, #tpu.memory_space<vmem>> -> memref<40xi32, #tpu.memory_space<vmem>>
        %dma_start3A_498 = arith.constant 0 : i32
        %dma_start3A_499 = arith.constant 0 : i32
        %dma_start3A_500 = tpu.memref_slice %arg2[%dma_start3A_498, %dma_start3A_499] : memref<10000x128xf32, #tpu.memory_space<hbm>> -> memref<10000x128xf32, #tpu.memory_space<hbm>>
        tpu.enqueue_indirect_dma source(%dma_start3A_500 : memref<10000x128xf32, #tpu.memory_space<hbm>>) target(%dma_start3A_496 : memref<40x128xf32, #tpu.memory_space<vmem>>) offsets(%dma_start3A_497 : memref<40xi32, #tpu.memory_space<vmem>>) semaphore(%arg12 : memref<!tpu.dma_semaphore, #tpu.memory_space<semaphore_mem>>)
      } else {
      }
      %mul3A_369 = arith.constant 40 : i32
      %mul3A_370 = arith.muli %add3A_356, %mul3A_369 : i32
      %dma_wait3A_371 = arith.constant 2 : i32
      %dma_wait3A_372 = arith.constant 0 : i32
      %dma_wait3A_373 = arith.constant 0 : i32
      %dma_wait3A_374 = tpu.memref_slice %arg11[%dma_wait3A_371, %dma_wait3A_372, %dma_wait3A_373] : memref<4x40x128xf32, #tpu.memory_space<vmem>> -> memref<1x40x128xf32, #tpu.memory_space<vmem>>
      %dma_wait3A_375 = tpu.memref_squeeze %dma_wait3A_374 : memref<1x40x128xf32, #tpu.memory_space<vmem>> -> memref<40x128xf32, #tpu.memory_space<vmem>>
      %dma_wait3A_376 = tpu.memref_slice %arg8[%mul3A_370] : memref<10000xi32, #tpu.memory_space<vmem>> -> memref<40xi32, #tpu.memory_space<vmem>>
      %dma_wait3A_377 = arith.constant 0 : i32
      %dma_wait3A_378 = arith.constant 0 : i32
      %dma_wait3A_379 = tpu.memref_slice %arg2[%dma_wait3A_377, %dma_wait3A_378] : memref<10000x128xf32, #tpu.memory_space<hbm>> -> memref<10000x128xf32, #tpu.memory_space<hbm>>
      tpu.wait_indirect_dma semaphore(%arg14 : memref<!tpu.dma_semaphore, #tpu.memory_space<semaphore_mem>>) src(%dma_wait3A_379 : memref<10000x128xf32, #tpu.memory_space<hbm>>) dst(%dma_wait3A_375 : memref<40x128xf32, #tpu.memory_space<vmem>>)
      %mul3A_380 = arith.constant 40 : i32
      %mul3A_381 = arith.muli %add3A_356, %mul3A_380 : i32
      %scan3A_382 = arith.constant 0 : i32
      %scan3A_383 = arith.constant 0 : i32
      %scan3A_384 = arith.constant 10 : i32
      %scan3A_385 = arith.addi %scan3A_383, %scan3A_384 : i32
      %scan3A_386 = arith.constant 1 : i32
      %scan3A_387 = scf.for %scan3A_474 = %scan3A_383 to %scan3A_385 step %scan3A_386 iter_args(%scan3A_475 = %scan3A_382) -> (i32)  : i32 {
        %mul3A_476 = arith.constant 4 : i32
        %mul3A_477 = arith.muli %mul3A_476, %scan3A_474 : i32
        %add3A_478 = arith.constant 0 : i32
        %add3A_479 = arith.addi %mul3A_477, %add3A_478 : i32
        %mul3A_480 = arith.constant 4 : i32
        %mul3A_481 = arith.muli %mul3A_480, %scan3A_474 : i32
        %add3A_482 = arith.constant 1 : i32
        %add3A_483 = arith.addi %mul3A_481, %add3A_482 : i32
        %mul3A_484 = arith.constant 4 : i32
        %mul3A_485 = arith.muli %mul3A_484, %scan3A_474 : i32
        %add3A_486 = arith.constant 2 : i32
        %add3A_487 = arith.addi %mul3A_485, %add3A_486 : i32
        %mul3A_488 = arith.constant 4 : i32
        %mul3A_489 = arith.muli %mul3A_488, %scan3A_474 : i32
        %add3A_490 = arith.constant 3 : i32
        %add3A_491 = arith.addi %mul3A_489, %add3A_490 : i32
        %add3A_492 = arith.addi %mul3A_381, %add3A_479 : i32
        %broadcast_in_dim3A = vector.broadcast %add3A_492 : i32 to vector<16xi32>
        %gather3A = tpu.vector_load_idx %arg9[%broadcast_in_dim3A] : memref<10000xf32, #tpu.memory_space<vmem>>[vector<16xi32>], vector<16xf32>,
        %add3A_493 = arith.addi %mul3A_381, %add3A_483 : i32
        %broadcast_in_dim3A_494 = vector.broadcast %add3A_493 : i32 to vector<16xi32>
        %gather3A_495 = tpu.vector_load_idx %arg9[%broadcast_in_dim3A_494] : memref<10000xf32, #tpu.memory_space<vmem>>[vector<16xi32>], vector<16xf32>,
        %add3A_496 = arith.addi %mul3A_381, %add3A_487 : i32
        %broadcast_in_dim3A_497 = vector.broadcast %add3A_496 : i32 to vector<16xi32>
        %gather3A_498 = tpu.vector_load_idx %arg9[%broadcast_in_dim3A_497] : memref<10000xf32, #tpu.memory_space<vmem>>[vector<16xi32>], vector<16xf32>,
        %add3A_499 = arith.addi %mul3A_381, %add3A_491 : i32
        %broadcast_in_dim3A_500 = vector.broadcast %add3A_499 : i32 to vector<16xi32>
        %gather3A_501 = tpu.vector_load_idx %arg9[%broadcast_in_dim3A_500] : memref<10000xf32, #tpu.memory_space<vmem>>[vector<16xi32>], vector<16xf32>,
        %get3A = arith.constant 2 : i32
        %get3A_502 = arith.index_cast %get3A : i32 to index
        %get3A_503 = arith.index_cast %add3A_479 : i32 to index
        %get3A_504 = arith.constant 0 : index
        %get3A_505 = tpu.vector_load %arg11[%get3A_502, %get3A_503, %get3A_504] {strides = array<i32>} : memref<4x40x128xf32, #tpu.memory_space<vmem>>, vector<16xf32>,
        %mul3A_506 = arith.mulf %get3A_505, %gather3A : vector<16xf32>
        %swap3A = arith.constant 2 : i32
        %swap3A_507 = arith.index_cast %swap3A : i32 to index
        %swap3A_508 = arith.index_cast %add3A_479 : i32 to index
        %swap3A_509 = arith.constant 0 : index
        %swap3A_510 = tpu.vector_load %arg11[%swap3A_507, %swap3A_508, %swap3A_509] {strides = array<i32>} : memref<4x40x128xf32, #tpu.memory_space<vmem>>, vector<16xf32>,
        tpu.vector_store %arg11[%swap3A_507, %swap3A_508, %swap3A_509], %mul3A_506 {strides = array<i32>} : memref<4x40x128xf32, #tpu.memory_space<vmem>>, vector<16xf32>,
        %get3A_511 = arith.constant 2 : i32
        %get3A_512 = arith.index_cast %get3A_511 : i32 to index
        %get3A_513 = arith.index_cast %add3A_483 : i32 to index
        %get3A_514 = arith.constant 0 : index
        %get3A_515 = tpu.vector_load %arg11[%get3A_512, %get3A_513, %get3A_514] {strides = array<i32>} : memref<4x40x128xf32, #tpu.memory_space<vmem>>, vector<16xf32>,
        %mul3A_516 = arith.mulf %get3A_515, %gather3A_495 : vector<16xf32>
        %swap3A_517 = arith.constant 2 : i32
        %swap3A_518 = arith.index_cast %swap3A_517 : i32 to index
        %swap3A_519 = arith.index_cast %add3A_483 : i32 to index
        %swap3A_520 = arith.constant 0 : index
        %swap3A_521 = tpu.vector_load %arg11[%swap3A_518, %swap3A_519, %swap3A_520] {strides = array<i32>} : memref<4x40x128xf32, #tpu.memory_space<vmem>>, vector<16xf32>,
        tpu.vector_store %arg11[%swap3A_518, %swap3A_519, %swap3A_520], %mul3A_516 {strides = array<i32>} : memref<4x40x128xf32, #tpu.memory_space<vmem>>, vector<16xf32>,
        %get3A_522 = arith.constant 2 : i32
        %get3A_523 = arith.index_cast %get3A_522 : i32 to index
        %get3A_524 = arith.index_cast %add3A_487 : i32 to index
        %get3A_525 = arith.constant 0 : index
        %get3A_526 = tpu.vector_load %arg11[%get3A_523, %get3A_524, %get3A_525] {strides = array<i32>} : memref<4x40x128xf32, #tpu.memory_space<vmem>>, vector<16xf32>,
        %mul3A_527 = arith.mulf %get3A_526, %gather3A_498 : vector<16xf32>
        %swap3A_528 = arith.constant 2 : i32
        %swap3A_529 = arith.index_cast %swap3A_528 : i32 to index
        %swap3A_530 = arith.index_cast %add3A_487 : i32 to index
        %swap3A_531 = arith.constant 0 : index
        %swap3A_532 = tpu.vector_load %arg11[%swap3A_529, %swap3A_530, %swap3A_531] {strides = array<i32>} : memref<4x40x128xf32, #tpu.memory_space<vmem>>, vector<16xf32>,
        tpu.vector_store %arg11[%swap3A_529, %swap3A_530, %swap3A_531], %mul3A_527 {strides = array<i32>} : memref<4x40x128xf32, #tpu.memory_space<vmem>>, vector<16xf32>,
        %get3A_533 = arith.constant 2 : i32
        %get3A_534 = arith.index_cast %get3A_533 : i32 to index
        %get3A_535 = arith.index_cast %add3A_491 : i32 to index
        %get3A_536 = arith.constant 0 : index
        %get3A_537 = tpu.vector_load %arg11[%get3A_534, %get3A_535, %get3A_536] {strides = array<i32>} : memref<4x40x128xf32, #tpu.memory_space<vmem>>, vector<16xf32>,
        %mul3A_538 = arith.mulf %get3A_537, %gather3A_501 : vector<16xf32>
        %swap3A_539 = arith.constant 2 : i32
        %swap3A_540 = arith.index_cast %swap3A_539 : i32 to index
        %swap3A_541 = arith.index_cast %add3A_491 : i32 to index
        %swap3A_542 = arith.constant 0 : index
        %swap3A_543 = tpu.vector_load %arg11[%swap3A_540, %swap3A_541, %swap3A_542] {strides = array<i32>} : memref<4x40x128xf32, #tpu.memory_space<vmem>>, vector<16xf32>,
        tpu.vector_store %arg11[%swap3A_540, %swap3A_541, %swap3A_542], %mul3A_538 {strides = array<i32>} : memref<4x40x128xf32, #tpu.memory_space<vmem>>, vector<16xf32>,
        %get3A_544 = arith.constant 2 : i32
        %get3A_545 = arith.index_cast %get3A_544 : i32 to index
        %get3A_546 = arith.index_cast %add3A_479 : i32 to index
        %get3A_547 = arith.constant 16 : index
        %get3A_548 = tpu.vector_load %arg11[%get3A_545, %get3A_546, %get3A_547] {strides = array<i32>} : memref<4x40x128xf32, #tpu.memory_space<vmem>>, vector<16xf32>,
        %mul3A_549 = arith.mulf %get3A_548, %gather3A : vector<16xf32>
        %swap3A_550 = arith.constant 2 : i32
        %swap3A_551 = arith.index_cast %swap3A_550 : i32 to index
        %swap3A_552 = arith.index_cast %add3A_479 : i32 to index
        %swap3A_553 = arith.constant 16 : index
        %swap3A_554 = tpu.vector_load %arg11[%swap3A_551, %swap3A_552, %swap3A_553] {strides = array<i32>} : memref<4x40x128xf32, #tpu.memory_space<vmem>>, vector<16xf32>,
        tpu.vector_store %arg11[%swap3A_551, %swap3A_552, %swap3A_553], %mul3A_549 {strides = array<i32>} : memref<4x40x128xf32, #tpu.memory_space<vmem>>, vector<16xf32>,
        %get3A_555 = arith.constant 2 : i32
        %get3A_556 = arith.index_cast %get3A_555 : i32 to index
        %get3A_557 = arith.index_cast %add3A_483 : i32 to index
        %get3A_558 = arith.constant 16 : index
        %get3A_559 = tpu.vector_load %arg11[%get3A_556, %get3A_557, %get3A_558] {strides = array<i32>} : memref<4x40x128xf32, #tpu.memory_space<vmem>>, vector<16xf32>,
        %mul3A_560 = arith.mulf %get3A_559, %gather3A_495 : vector<16xf32>
        %swap3A_561 = arith.constant 2 : i32
        %swap3A_562 = arith.index_cast %swap3A_561 : i32 to index
        %swap3A_563 = arith.index_cast %add3A_483 : i32 to index
        %swap3A_564 = arith.constant 16 : index
        %swap3A_565 = tpu.vector_load %arg11[%swap3A_562, %swap3A_563, %swap3A_564] {strides = array<i32>} : memref<4x40x128xf32, #tpu.memory_space<vmem>>, vector<16xf32>,
        tpu.vector_store %arg11[%swap3A_562, %swap3A_563, %swap3A_564], %mul3A_560 {strides = array<i32>} : memref<4x40x128xf32, #tpu.memory_space<vmem>>, vector<16xf32>,
        %get3A_566 = arith.constant 2 : i32
        %get3A_567 = arith.index_cast %get3A_566 : i32 to index
        %get3A_568 = arith.index_cast %add3A_487 : i32 to index
        %get3A_569 = arith.constant 16 : index
        %get3A_570 = tpu.vector_load %arg11[%get3A_567, %get3A_568, %get3A_569] {strides = array<i32>} : memref<4x40x128xf32, #tpu.memory_space<vmem>>, vector<16xf32>,
        %mul3A_571 = arith.mulf %get3A_570, %gather3A_498 : vector<16xf32>
        %swap3A_572 = arith.constant 2 : i32
        %swap3A_573 = arith.index_cast %swap3A_572 : i32 to index
        %swap3A_574 = arith.index_cast %add3A_487 : i32 to index
        %swap3A_575 = arith.constant 16 : index
        %swap3A_576 = tpu.vector_load %arg11[%swap3A_573, %swap3A_574, %swap3A_575] {strides = array<i32>} : memref<4x40x128xf32, #tpu.memory_space<vmem>>, vector<16xf32>,
        tpu.vector_store %arg11[%swap3A_573, %swap3A_574, %swap3A_575], %mul3A_571 {strides = array<i32>} : memref<4x40x128xf32, #tpu.memory_space<vmem>>, vector<16xf32>,
        %get3A_577 = arith.constant 2 : i32
        %get3A_578 = arith.index_cast %get3A_577 : i32 to index
        %get3A_579 = arith.index_cast %add3A_491 : i32 to index
        %get3A_580 = arith.constant 16 : index
        %get3A_581 = tpu.vector_load %arg11[%get3A_578, %get3A_579, %get3A_580] {strides = array<i32>} : memref<4x40x128xf32, #tpu.memory_space<vmem>>, vector<16xf32>,
        %mul3A_582 = arith.mulf %get3A_581, %gather3A_501 : vector<16xf32>
        %swap3A_583 = arith.constant 2 : i32
        %swap3A_584 = arith.index_cast %swap3A_583 : i32 to index
        %swap3A_585 = arith.index_cast %add3A_491 : i32 to index
        %swap3A_586 = arith.constant 16 : index
        %swap3A_587 = tpu.vector_load %arg11[%swap3A_584, %swap3A_585, %swap3A_586] {strides = array<i32>} : memref<4x40x128xf32, #tpu.memory_space<vmem>>, vector<16xf32>,
        tpu.vector_store %arg11[%swap3A_584, %swap3A_585, %swap3A_586], %mul3A_582 {strides = array<i32>} : memref<4x40x128xf32, #tpu.memory_space<vmem>>, vector<16xf32>,
        %get3A_588 = arith.constant 2 : i32
        %get3A_589 = arith.index_cast %get3A_588 : i32 to index
        %get3A_590 = arith.index_cast %add3A_479 : i32 to index
        %get3A_591 = arith.constant 32 : index
        %get3A_592 = tpu.vector_load %arg11[%get3A_589, %get3A_590, %get3A_591] {strides = array<i32>} : memref<4x40x128xf32, #tpu.memory_space<vmem>>, vector<16xf32>,
        %mul3A_593 = arith.mulf %get3A_592, %gather3A : vector<16xf32>
        %swap3A_594 = arith.constant 2 : i32
        %swap3A_595 = arith.index_cast %swap3A_594 : i32 to index
        %swap3A_596 = arith.index_cast %add3A_479 : i32 to index
        %swap3A_597 = arith.constant 32 : index
        %swap3A_598 = tpu.vector_load %arg11[%swap3A_595, %swap3A_596, %swap3A_597] {strides = array<i32>} : memref<4x40x128xf32, #tpu.memory_space<vmem>>, vector<16xf32>,
        tpu.vector_store %arg11[%swap3A_595, %swap3A_596, %swap3A_597], %mul3A_593 {strides = array<i32>} : memref<4x40x128xf32, #tpu.memory_space<vmem>>, vector<16xf32>,
        %get3A_599 = arith.constant 2 : i32
        %get3A_600 = arith.index_cast %get3A_599 : i32 to index
        %get3A_601 = arith.index_cast %add3A_483 : i32 to index
        %get3A_602 = arith.constant 32 : index
        %get3A_603 = tpu.vector_load %arg11[%get3A_600, %get3A_601, %get3A_602] {strides = array<i32>} : memref<4x40x128xf32, #tpu.memory_space<vmem>>, vector<16xf32>,
        %mul3A_604 = arith.mulf %get3A_603, %gather3A_495 : vector<16xf32>
        %swap3A_605 = arith.constant 2 : i32
        %swap3A_606 = arith.index_cast %swap3A_605 : i32 to index
        %swap3A_607 = arith.index_cast %add3A_483 : i32 to index
        %swap3A_608 = arith.constant 32 : index
        %swap3A_609 = tpu.vector_load %arg11[%swap3A_606, %swap3A_607, %swap3A_608] {strides = array<i32>} : memref<4x40x128xf32, #tpu.memory_space<vmem>>, vector<16xf32>,
        tpu.vector_store %arg11[%swap3A_606, %swap3A_607, %swap3A_608], %mul3A_604 {strides = array<i32>} : memref<4x40x128xf32, #tpu.memory_space<vmem>>, vector<16xf32>,
        %get3A_610 = arith.constant 2 : i32
        %get3A_611 = arith.index_cast %get3A_610 : i32 to index
        %get3A_612 = arith.index_cast %add3A_487 : i32 to index
        %get3A_613 = arith.constant 32 : index
        %get3A_614 = tpu.vector_load %arg11[%get3A_611, %get3A_612, %get3A_613] {strides = array<i32>} : memref<4x40x128xf32, #tpu.memory_space<vmem>>, vector<16xf32>,
        %mul3A_615 = arith.mulf %get3A_614, %gather3A_498 : vector<16xf32>
        %swap3A_616 = arith.constant 2 : i32
        %swap3A_617 = arith.index_cast %swap3A_616 : i32 to index
        %swap3A_618 = arith.index_cast %add3A_487 : i32 to index
        %swap3A_619 = arith.constant 32 : index
        %swap3A_620 = tpu.vector_load %arg11[%swap3A_617, %swap3A_618, %swap3A_619] {strides = array<i32>} : memref<4x40x128xf32, #tpu.memory_space<vmem>>, vector<16xf32>,
        tpu.vector_store %arg11[%swap3A_617, %swap3A_618, %swap3A_619], %mul3A_615 {strides = array<i32>} : memref<4x40x128xf32, #tpu.memory_space<vmem>>, vector<16xf32>,
        %get3A_621 = arith.constant 2 : i32
        %get3A_622 = arith.index_cast %get3A_621 : i32 to index
        %get3A_623 = arith.index_cast %add3A_491 : i32 to index
        %get3A_624 = arith.constant 32 : index
        %get3A_625 = tpu.vector_load %arg11[%get3A_622, %get3A_623, %get3A_624] {strides = array<i32>} : memref<4x40x128xf32, #tpu.memory_space<vmem>>, vector<16xf32>,
        %mul3A_626 = arith.mulf %get3A_625, %gather3A_501 : vector<16xf32>
        %swap3A_627 = arith.constant 2 : i32
        %swap3A_628 = arith.index_cast %swap3A_627 : i32 to index
        %swap3A_629 = arith.index_cast %add3A_491 : i32 to index
        %swap3A_630 = arith.constant 32 : index
        %swap3A_631 = tpu.vector_load %arg11[%swap3A_628, %swap3A_629, %swap3A_630] {strides = array<i32>} : memref<4x40x128xf32, #tpu.memory_space<vmem>>, vector<16xf32>,
        tpu.vector_store %arg11[%swap3A_628, %swap3A_629, %swap3A_630], %mul3A_626 {strides = array<i32>} : memref<4x40x128xf32, #tpu.memory_space<vmem>>, vector<16xf32>,
        %get3A_632 = arith.constant 2 : i32
        %get3A_633 = arith.index_cast %get3A_632 : i32 to index
        %get3A_634 = arith.index_cast %add3A_479 : i32 to index
        %get3A_635 = arith.constant 48 : index
        %get3A_636 = tpu.vector_load %arg11[%get3A_633, %get3A_634, %get3A_635] {strides = array<i32>} : memref<4x40x128xf32, #tpu.memory_space<vmem>>, vector<16xf32>,
        %mul3A_637 = arith.mulf %get3A_636, %gather3A : vector<16xf32>
        %swap3A_638 = arith.constant 2 : i32
        %swap3A_639 = arith.index_cast %swap3A_638 : i32 to index
        %swap3A_640 = arith.index_cast %add3A_479 : i32 to index
        %swap3A_641 = arith.constant 48 : index
        %swap3A_642 = tpu.vector_load %arg11[%swap3A_639, %swap3A_640, %swap3A_641] {strides = array<i32>} : memref<4x40x128xf32, #tpu.memory_space<vmem>>, vector<16xf32>,
        tpu.vector_store %arg11[%swap3A_639, %swap3A_640, %swap3A_641], %mul3A_637 {strides = array<i32>} : memref<4x40x128xf32, #tpu.memory_space<vmem>>, vector<16xf32>,
        %get3A_643 = arith.constant 2 : i32
        %get3A_644 = arith.index_cast %get3A_643 : i32 to index
        %get3A_645 = arith.index_cast %add3A_483 : i32 to index
        %get3A_646 = arith.constant 48 : index
        %get3A_647 = tpu.vector_load %arg11[%get3A_644, %get3A_645, %get3A_646] {strides = array<i32>} : memref<4x40x128xf32, #tpu.memory_space<vmem>>, vector<16xf32>,
        %mul3A_648 = arith.mulf %get3A_647, %gather3A_495 : vector<16xf32>
        %swap3A_649 = arith.constant 2 : i32
        %swap3A_650 = arith.index_cast %swap3A_649 : i32 to index
        %swap3A_651 = arith.index_cast %add3A_483 : i32 to index
        %swap3A_652 = arith.constant 48 : index
        %swap3A_653 = tpu.vector_load %arg11[%swap3A_650, %swap3A_651, %swap3A_652] {strides = array<i32>} : memref<4x40x128xf32, #tpu.memory_space<vmem>>, vector<16xf32>,
        tpu.vector_store %arg11[%swap3A_650, %swap3A_651, %swap3A_652], %mul3A_648 {strides = array<i32>} : memref<4x40x128xf32, #tpu.memory_space<vmem>>, vector<16xf32>,
        %get3A_654 = arith.constant 2 : i32
        %get3A_655 = arith.index_cast %get3A_654 : i32 to index
        %get3A_656 = arith.index_cast %add3A_487 : i32 to index
        %get3A_657 = arith.constant 48 : index
        %get3A_658 = tpu.vector_load %arg11[%get3A_655, %get3A_656, %get3A_657] {strides = array<i32>} : memref<4x40x128xf32, #tpu.memory_space<vmem>>, vector<16xf32>,
        %mul3A_659 = arith.mulf %get3A_658, %gather3A_498 : vector<16xf32>
        %swap3A_660 = arith.constant 2 : i32
        %swap3A_661 = arith.index_cast %swap3A_660 : i32 to index
        %swap3A_662 = arith.index_cast %add3A_487 : i32 to index
        %swap3A_663 = arith.constant 48 : index
        %swap3A_664 = tpu.vector_load %arg11[%swap3A_661, %swap3A_662, %swap3A_663] {strides = array<i32>} : memref<4x40x128xf32, #tpu.memory_space<vmem>>, vector<16xf32>,
        tpu.vector_store %arg11[%swap3A_661, %swap3A_662, %swap3A_663], %mul3A_659 {strides = array<i32>} : memref<4x40x128xf32, #tpu.memory_space<vmem>>, vector<16xf32>,
        %get3A_665 = arith.constant 2 : i32
        %get3A_666 = arith.index_cast %get3A_665 : i32 to index
        %get3A_667 = arith.index_cast %add3A_491 : i32 to index
        %get3A_668 = arith.constant 48 : index
        %get3A_669 = tpu.vector_load %arg11[%get3A_666, %get3A_667, %get3A_668] {strides = array<i32>} : memref<4x40x128xf32, #tpu.memory_space<vmem>>, vector<16xf32>,
        %mul3A_670 = arith.mulf %get3A_669, %gather3A_501 : vector<16xf32>
        %swap3A_671 = arith.constant 2 : i32
        %swap3A_672 = arith.index_cast %swap3A_671 : i32 to index
        %swap3A_673 = arith.index_cast %add3A_491 : i32 to index
        %swap3A_674 = arith.constant 48 : index
        %swap3A_675 = tpu.vector_load %arg11[%swap3A_672, %swap3A_673, %swap3A_674] {strides = array<i32>} : memref<4x40x128xf32, #tpu.memory_space<vmem>>, vector<16xf32>,
        tpu.vector_store %arg11[%swap3A_672, %swap3A_673, %swap3A_674], %mul3A_670 {strides = array<i32>} : memref<4x40x128xf32, #tpu.memory_space<vmem>>, vector<16xf32>,
        %get3A_676 = arith.constant 2 : i32
        %get3A_677 = arith.index_cast %get3A_676 : i32 to index
        %get3A_678 = arith.index_cast %add3A_479 : i32 to index
        %get3A_679 = arith.constant 64 : index
        %get3A_680 = tpu.vector_load %arg11[%get3A_677, %get3A_678, %get3A_679] {strides = array<i32>} : memref<4x40x128xf32, #tpu.memory_space<vmem>>, vector<16xf32>,
        %mul3A_681 = arith.mulf %get3A_680, %gather3A : vector<16xf32>
        %swap3A_682 = arith.constant 2 : i32
        %swap3A_683 = arith.index_cast %swap3A_682 : i32 to index
        %swap3A_684 = arith.index_cast %add3A_479 : i32 to index
        %swap3A_685 = arith.constant 64 : index
        %swap3A_686 = tpu.vector_load %arg11[%swap3A_683, %swap3A_684, %swap3A_685] {strides = array<i32>} : memref<4x40x128xf32, #tpu.memory_space<vmem>>, vector<16xf32>,
        tpu.vector_store %arg11[%swap3A_683, %swap3A_684, %swap3A_685], %mul3A_681 {strides = array<i32>} : memref<4x40x128xf32, #tpu.memory_space<vmem>>, vector<16xf32>,
        %get3A_687 = arith.constant 2 : i32
        %get3A_688 = arith.index_cast %get3A_687 : i32 to index
        %get3A_689 = arith.index_cast %add3A_483 : i32 to index
        %get3A_690 = arith.constant 64 : index
        %get3A_691 = tpu.vector_load %arg11[%get3A_688, %get3A_689, %get3A_690] {strides = array<i32>} : memref<4x40x128xf32, #tpu.memory_space<vmem>>, vector<16xf32>,
        %mul3A_692 = arith.mulf %get3A_691, %gather3A_495 : vector<16xf32>
        %swap3A_693 = arith.constant 2 : i32
        %swap3A_694 = arith.index_cast %swap3A_693 : i32 to index
        %swap3A_695 = arith.index_cast %add3A_483 : i32 to index
        %swap3A_696 = arith.constant 64 : index
        %swap3A_697 = tpu.vector_load %arg11[%swap3A_694, %swap3A_695, %swap3A_696] {strides = array<i32>} : memref<4x40x128xf32, #tpu.memory_space<vmem>>, vector<16xf32>,
        tpu.vector_store %arg11[%swap3A_694, %swap3A_695, %swap3A_696], %mul3A_692 {strides = array<i32>} : memref<4x40x128xf32, #tpu.memory_space<vmem>>, vector<16xf32>,
        %get3A_698 = arith.constant 2 : i32
        %get3A_699 = arith.index_cast %get3A_698 : i32 to index
        %get3A_700 = arith.index_cast %add3A_487 : i32 to index
        %get3A_701 = arith.constant 64 : index
        %get3A_702 = tpu.vector_load %arg11[%get3A_699, %get3A_700, %get3A_701] {strides = array<i32>} : memref<4x40x128xf32, #tpu.memory_space<vmem>>, vector<16xf32>,
        %mul3A_703 = arith.mulf %get3A_702, %gather3A_498 : vector<16xf32>
        %swap3A_704 = arith.constant 2 : i32
        %swap3A_705 = arith.index_cast %swap3A_704 : i32 to index
        %swap3A_706 = arith.index_cast %add3A_487 : i32 to index
        %swap3A_707 = arith.constant 64 : index
        %swap3A_708 = tpu.vector_load %arg11[%swap3A_705, %swap3A_706, %swap3A_707] {strides = array<i32>} : memref<4x40x128xf32, #tpu.memory_space<vmem>>, vector<16xf32>,
        tpu.vector_store %arg11[%swap3A_705, %swap3A_706, %swap3A_707], %mul3A_703 {strides = array<i32>} : memref<4x40x128xf32, #tpu.memory_space<vmem>>, vector<16xf32>,
        %get3A_709 = arith.constant 2 : i32
        %get3A_710 = arith.index_cast %get3A_709 : i32 to index
        %get3A_711 = arith.index_cast %add3A_491 : i32 to index
        %get3A_712 = arith.constant 64 : index
        %get3A_713 = tpu.vector_load %arg11[%get3A_710, %get3A_711, %get3A_712] {strides = array<i32>} : memref<4x40x128xf32, #tpu.memory_space<vmem>>, vector<16xf32>,
        %mul3A_714 = arith.mulf %get3A_713, %gather3A_501 : vector<16xf32>
        %swap3A_715 = arith.constant 2 : i32
        %swap3A_716 = arith.index_cast %swap3A_715 : i32 to index
        %swap3A_717 = arith.index_cast %add3A_491 : i32 to index
        %swap3A_718 = arith.constant 64 : index
        %swap3A_719 = tpu.vector_load %arg11[%swap3A_716, %swap3A_717, %swap3A_718] {strides = array<i32>} : memref<4x40x128xf32, #tpu.memory_space<vmem>>, vector<16xf32>,
        tpu.vector_store %arg11[%swap3A_716, %swap3A_717, %swap3A_718], %mul3A_714 {strides = array<i32>} : memref<4x40x128xf32, #tpu.memory_space<vmem>>, vector<16xf32>,
        %get3A_720 = arith.constant 2 : i32
        %get3A_721 = arith.index_cast %get3A_720 : i32 to index
        %get3A_722 = arith.index_cast %add3A_479 : i32 to index
        %get3A_723 = arith.constant 80 : index
        %get3A_724 = tpu.vector_load %arg11[%get3A_721, %get3A_722, %get3A_723] {strides = array<i32>} : memref<4x40x128xf32, #tpu.memory_space<vmem>>, vector<16xf32>,
        %mul3A_725 = arith.mulf %get3A_724, %gather3A : vector<16xf32>
        %swap3A_726 = arith.constant 2 : i32
        %swap3A_727 = arith.index_cast %swap3A_726 : i32 to index
        %swap3A_728 = arith.index_cast %add3A_479 : i32 to index
        %swap3A_729 = arith.constant 80 : index
        %swap3A_730 = tpu.vector_load %arg11[%swap3A_727, %swap3A_728, %swap3A_729] {strides = array<i32>} : memref<4x40x128xf32, #tpu.memory_space<vmem>>, vector<16xf32>,
        tpu.vector_store %arg11[%swap3A_727, %swap3A_728, %swap3A_729], %mul3A_725 {strides = array<i32>} : memref<4x40x128xf32, #tpu.memory_space<vmem>>, vector<16xf32>,
        %get3A_731 = arith.constant 2 : i32
        %get3A_732 = arith.index_cast %get3A_731 : i32 to index
        %get3A_733 = arith.index_cast %add3A_483 : i32 to index
        %get3A_734 = arith.constant 80 : index
        %get3A_735 = tpu.vector_load %arg11[%get3A_732, %get3A_733, %get3A_734] {strides = array<i32>} : memref<4x40x128xf32, #tpu.memory_space<vmem>>, vector<16xf32>,
        %mul3A_736 = arith.mulf %get3A_735, %gather3A_495 : vector<16xf32>
        %swap3A_737 = arith.constant 2 : i32
        %swap3A_738 = arith.index_cast %swap3A_737 : i32 to index
        %swap3A_739 = arith.index_cast %add3A_483 : i32 to index
        %swap3A_740 = arith.constant 80 : index
        %swap3A_741 = tpu.vector_load %arg11[%swap3A_738, %swap3A_739, %swap3A_740] {strides = array<i32>} : memref<4x40x128xf32, #tpu.memory_space<vmem>>, vector<16xf32>,
        tpu.vector_store %arg11[%swap3A_738, %swap3A_739, %swap3A_740], %mul3A_736 {strides = array<i32>} : memref<4x40x128xf32, #tpu.memory_space<vmem>>, vector<16xf32>,
        %get3A_742 = arith.constant 2 : i32
        %get3A_743 = arith.index_cast %get3A_742 : i32 to index
        %get3A_744 = arith.index_cast %add3A_487 : i32 to index
        %get3A_745 = arith.constant 80 : index
        %get3A_746 = tpu.vector_load %arg11[%get3A_743, %get3A_744, %get3A_745] {strides = array<i32>} : memref<4x40x128xf32, #tpu.memory_space<vmem>>, vector<16xf32>,
        %mul3A_747 = arith.mulf %get3A_746, %gather3A_498 : vector<16xf32>
        %swap3A_748 = arith.constant 2 : i32
        %swap3A_749 = arith.index_cast %swap3A_748 : i32 to index
        %swap3A_750 = arith.index_cast %add3A_487 : i32 to index
        %swap3A_751 = arith.constant 80 : index
        %swap3A_752 = tpu.vector_load %arg11[%swap3A_749, %swap3A_750, %swap3A_751] {strides = array<i32>} : memref<4x40x128xf32, #tpu.memory_space<vmem>>, vector<16xf32>,
        tpu.vector_store %arg11[%swap3A_749, %swap3A_750, %swap3A_751], %mul3A_747 {strides = array<i32>} : memref<4x40x128xf32, #tpu.memory_space<vmem>>, vector<16xf32>,
        %get3A_753 = arith.constant 2 : i32
        %get3A_754 = arith.index_cast %get3A_753 : i32 to index
        %get3A_755 = arith.index_cast %add3A_491 : i32 to index
        %get3A_756 = arith.constant 80 : index
        %get3A_757 = tpu.vector_load %arg11[%get3A_754, %get3A_755, %get3A_756] {strides = array<i32>} : memref<4x40x128xf32, #tpu.memory_space<vmem>>, vector<16xf32>,
        %mul3A_758 = arith.mulf %get3A_757, %gather3A_501 : vector<16xf32>
        %swap3A_759 = arith.constant 2 : i32
        %swap3A_760 = arith.index_cast %swap3A_759 : i32 to index
        %swap3A_761 = arith.index_cast %add3A_491 : i32 to index
        %swap3A_762 = arith.constant 80 : index
        %swap3A_763 = tpu.vector_load %arg11[%swap3A_760, %swap3A_761, %swap3A_762] {strides = array<i32>} : memref<4x40x128xf32, #tpu.memory_space<vmem>>, vector<16xf32>,
        tpu.vector_store %arg11[%swap3A_760, %swap3A_761, %swap3A_762], %mul3A_758 {strides = array<i32>} : memref<4x40x128xf32, #tpu.memory_space<vmem>>, vector<16xf32>,
        %get3A_764 = arith.constant 2 : i32
        %get3A_765 = arith.index_cast %get3A_764 : i32 to index
        %get3A_766 = arith.index_cast %add3A_479 : i32 to index
        %get3A_767 = arith.constant 96 : index
        %get3A_768 = tpu.vector_load %arg11[%get3A_765, %get3A_766, %get3A_767] {strides = array<i32>} : memref<4x40x128xf32, #tpu.memory_space<vmem>>, vector<16xf32>,
        %mul3A_769 = arith.mulf %get3A_768, %gather3A : vector<16xf32>
        %swap3A_770 = arith.constant 2 : i32
        %swap3A_771 = arith.index_cast %swap3A_770 : i32 to index
        %swap3A_772 = arith.index_cast %add3A_479 : i32 to index
        %swap3A_773 = arith.constant 96 : index
        %swap3A_774 = tpu.vector_load %arg11[%swap3A_771, %swap3A_772, %swap3A_773] {strides = array<i32>} : memref<4x40x128xf32, #tpu.memory_space<vmem>>, vector<16xf32>,
        tpu.vector_store %arg11[%swap3A_771, %swap3A_772, %swap3A_773], %mul3A_769 {strides = array<i32>} : memref<4x40x128xf32, #tpu.memory_space<vmem>>, vector<16xf32>,
        %get3A_775 = arith.constant 2 : i32
        %get3A_776 = arith.index_cast %get3A_775 : i32 to index
        %get3A_777 = arith.index_cast %add3A_483 : i32 to index
        %get3A_778 = arith.constant 96 : index
        %get3A_779 = tpu.vector_load %arg11[%get3A_776, %get3A_777, %get3A_778] {strides = array<i32>} : memref<4x40x128xf32, #tpu.memory_space<vmem>>, vector<16xf32>,
        %mul3A_780 = arith.mulf %get3A_779, %gather3A_495 : vector<16xf32>
        %swap3A_781 = arith.constant 2 : i32
        %swap3A_782 = arith.index_cast %swap3A_781 : i32 to index
        %swap3A_783 = arith.index_cast %add3A_483 : i32 to index
        %swap3A_784 = arith.constant 96 : index
        %swap3A_785 = tpu.vector_load %arg11[%swap3A_782, %swap3A_783, %swap3A_784] {strides = array<i32>} : memref<4x40x128xf32, #tpu.memory_space<vmem>>, vector<16xf32>,
        tpu.vector_store %arg11[%swap3A_782, %swap3A_783, %swap3A_784], %mul3A_780 {strides = array<i32>} : memref<4x40x128xf32, #tpu.memory_space<vmem>>, vector<16xf32>,
        %get3A_786 = arith.constant 2 : i32
        %get3A_787 = arith.index_cast %get3A_786 : i32 to index
        %get3A_788 = arith.index_cast %add3A_487 : i32 to index
        %get3A_789 = arith.constant 96 : index
        %get3A_790 = tpu.vector_load %arg11[%get3A_787, %get3A_788, %get3A_789] {strides = array<i32>} : memref<4x40x128xf32, #tpu.memory_space<vmem>>, vector<16xf32>,
        %mul3A_791 = arith.mulf %get3A_790, %gather3A_498 : vector<16xf32>
        %swap3A_792 = arith.constant 2 : i32
        %swap3A_793 = arith.index_cast %swap3A_792 : i32 to index
        %swap3A_794 = arith.index_cast %add3A_487 : i32 to index
        %swap3A_795 = arith.constant 96 : index
        %swap3A_796 = tpu.vector_load %arg11[%swap3A_793, %swap3A_794, %swap3A_795] {strides = array<i32>} : memref<4x40x128xf32, #tpu.memory_space<vmem>>, vector<16xf32>,
        tpu.vector_store %arg11[%swap3A_793, %swap3A_794, %swap3A_795], %mul3A_791 {strides = array<i32>} : memref<4x40x128xf32, #tpu.memory_space<vmem>>, vector<16xf32>,
        %get3A_797 = arith.constant 2 : i32
        %get3A_798 = arith.index_cast %get3A_797 : i32 to index
        %get3A_799 = arith.index_cast %add3A_491 : i32 to index
        %get3A_800 = arith.constant 96 : index
        %get3A_801 = tpu.vector_load %arg11[%get3A_798, %get3A_799, %get3A_800] {strides = array<i32>} : memref<4x40x128xf32, #tpu.memory_space<vmem>>, vector<16xf32>,
        %mul3A_802 = arith.mulf %get3A_801, %gather3A_501 : vector<16xf32>
        %swap3A_803 = arith.constant 2 : i32
        %swap3A_804 = arith.index_cast %swap3A_803 : i32 to index
        %swap3A_805 = arith.index_cast %add3A_491 : i32 to index
        %swap3A_806 = arith.constant 96 : index
        %swap3A_807 = tpu.vector_load %arg11[%swap3A_804, %swap3A_805, %swap3A_806] {strides = array<i32>} : memref<4x40x128xf32, #tpu.memory_space<vmem>>, vector<16xf32>,
        tpu.vector_store %arg11[%swap3A_804, %swap3A_805, %swap3A_806], %mul3A_802 {strides = array<i32>} : memref<4x40x128xf32, #tpu.memory_space<vmem>>, vector<16xf32>,
        %get3A_808 = arith.constant 2 : i32
        %get3A_809 = arith.index_cast %get3A_808 : i32 to index
        %get3A_810 = arith.index_cast %add3A_479 : i32 to index
        %get3A_811 = arith.constant 112 : index
        %get3A_812 = tpu.vector_load %arg11[%get3A_809, %get3A_810, %get3A_811] {strides = array<i32>} : memref<4x40x128xf32, #tpu.memory_space<vmem>>, vector<16xf32>,
        %mul3A_813 = arith.mulf %get3A_812, %gather3A : vector<16xf32>
        %swap3A_814 = arith.constant 2 : i32
        %swap3A_815 = arith.index_cast %swap3A_814 : i32 to index
        %swap3A_816 = arith.index_cast %add3A_479 : i32 to index
        %swap3A_817 = arith.constant 112 : index
        %swap3A_818 = tpu.vector_load %arg11[%swap3A_815, %swap3A_816, %swap3A_817] {strides = array<i32>} : memref<4x40x128xf32, #tpu.memory_space<vmem>>, vector<16xf32>,
        tpu.vector_store %arg11[%swap3A_815, %swap3A_816, %swap3A_817], %mul3A_813 {strides = array<i32>} : memref<4x40x128xf32, #tpu.memory_space<vmem>>, vector<16xf32>,
        %get3A_819 = arith.constant 2 : i32
        %get3A_820 = arith.index_cast %get3A_819 : i32 to index
        %get3A_821 = arith.index_cast %add3A_483 : i32 to index
        %get3A_822 = arith.constant 112 : index
        %get3A_823 = tpu.vector_load %arg11[%get3A_820, %get3A_821, %get3A_822] {strides = array<i32>} : memref<4x40x128xf32, #tpu.memory_space<vmem>>, vector<16xf32>,
        %mul3A_824 = arith.mulf %get3A_823, %gather3A_495 : vector<16xf32>
        %swap3A_825 = arith.constant 2 : i32
        %swap3A_826 = arith.index_cast %swap3A_825 : i32 to index
        %swap3A_827 = arith.index_cast %add3A_483 : i32 to index
        %swap3A_828 = arith.constant 112 : index
        %swap3A_829 = tpu.vector_load %arg11[%swap3A_826, %swap3A_827, %swap3A_828] {strides = array<i32>} : memref<4x40x128xf32, #tpu.memory_space<vmem>>, vector<16xf32>,
        tpu.vector_store %arg11[%swap3A_826, %swap3A_827, %swap3A_828], %mul3A_824 {strides = array<i32>} : memref<4x40x128xf32, #tpu.memory_space<vmem>>, vector<16xf32>,
        %get3A_830 = arith.constant 2 : i32
        %get3A_831 = arith.index_cast %get3A_830 : i32 to index
        %get3A_832 = arith.index_cast %add3A_487 : i32 to index
        %get3A_833 = arith.constant 112 : index
        %get3A_834 = tpu.vector_load %arg11[%get3A_831, %get3A_832, %get3A_833] {strides = array<i32>} : memref<4x40x128xf32, #tpu.memory_space<vmem>>, vector<16xf32>,
        %mul3A_835 = arith.mulf %get3A_834, %gather3A_498 : vector<16xf32>
        %swap3A_836 = arith.constant 2 : i32
        %swap3A_837 = arith.index_cast %swap3A_836 : i32 to index
        %swap3A_838 = arith.index_cast %add3A_487 : i32 to index
        %swap3A_839 = arith.constant 112 : index
        %swap3A_840 = tpu.vector_load %arg11[%swap3A_837, %swap3A_838, %swap3A_839] {strides = array<i32>} : memref<4x40x128xf32, #tpu.memory_space<vmem>>, vector<16xf32>,
        tpu.vector_store %arg11[%swap3A_837, %swap3A_838, %swap3A_839], %mul3A_835 {strides = array<i32>} : memref<4x40x128xf32, #tpu.memory_space<vmem>>, vector<16xf32>,
        %get3A_841 = arith.constant 2 : i32
        %get3A_842 = arith.index_cast %get3A_841 : i32 to index
        %get3A_843 = arith.index_cast %add3A_491 : i32 to index
        %get3A_844 = arith.constant 112 : index
        %get3A_845 = tpu.vector_load %arg11[%get3A_842, %get3A_843, %get3A_844] {strides = array<i32>} : memref<4x40x128xf32, #tpu.memory_space<vmem>>, vector<16xf32>,
        %mul3A_846 = arith.mulf %get3A_845, %gather3A_501 : vector<16xf32>
        %swap3A_847 = arith.constant 2 : i32
        %swap3A_848 = arith.index_cast %swap3A_847 : i32 to index
        %swap3A_849 = arith.index_cast %add3A_491 : i32 to index
        %swap3A_850 = arith.constant 112 : index
        %swap3A_851 = tpu.vector_load %arg11[%swap3A_848, %swap3A_849, %swap3A_850] {strides = array<i32>} : memref<4x40x128xf32, #tpu.memory_space<vmem>>, vector<16xf32>,
        tpu.vector_store %arg11[%swap3A_848, %swap3A_849, %swap3A_850], %mul3A_846 {strides = array<i32>} : memref<4x40x128xf32, #tpu.memory_space<vmem>>, vector<16xf32>,
        %scan3A_852 = arith.constant 0 : i32
        scf.yield %scan3A_852 : i32
      }
      %scan3A_388 = arith.constant 10 : i32
      %mul3A_389 = arith.constant 40 : i32
      %mul3A_390 = arith.muli %add3A_356, %mul3A_389 : i32
      %add3A_391 = arith.addi %mul3A_2, %mul3A_390 : i32
      %dma_wait3A_392 = arith.constant 2 : i32
      %dma_wait3A_393 = arith.constant 0 : i32
      %dma_wait3A_394 = tpu.memref_slice %arg10[%dma_wait3A_392, %dma_wait3A_393] : memref<4x40xi32, #tpu.memory_space<vmem>> -> memref<1x40xi32, #tpu.memory_space<vmem>>
      %dma_wait3A_395 = tpu.memref_squeeze %dma_wait3A_394 : memref<1x40xi32, #tpu.memory_space<vmem>> -> memref<40xi32, #tpu.memory_space<vmem>>
      %dma_wait3A_396 = tpu.memref_slice %arg5[%add3A_391] : memref<320000xi32, #tpu.memory_space<hbm>> -> memref<40xi32, #tpu.memory_space<hbm>>
      %dma_wait3A_397 = arith.constant 0 : i32
      %dma_wait3A_398 = tpu.memref_slice %arg10[%dma_wait3A_392, %dma_wait3A_397] : memref<4x40xi32, #tpu.memory_space<vmem>> -> memref<1x40xi32, #tpu.memory_space<vmem>>
      %dma_wait3A_399 = tpu.memref_squeeze %dma_wait3A_398 : memref<1x40xi32, #tpu.memory_space<vmem>> -> memref<40xi32, #tpu.memory_space<vmem>>
      %dma_wait3A_400 = tpu.memref_slice %arg5[%add3A_391] : memref<320000xi32, #tpu.memory_space<hbm>> -> memref<40xi32, #tpu.memory_space<hbm>>
      tpu.wait_dma2 semaphore(%arg18 : memref<!tpu.dma_semaphore, #tpu.memory_space<semaphore_mem>>) src(%dma_wait3A_400 : memref<40xi32, #tpu.memory_space<hbm>>) dst(%dma_wait3A_399 : memref<40xi32, #tpu.memory_space<vmem>>)
      %dma_start3A_401 = arith.constant 2 : i32
      %dma_start3A_402 = arith.constant 2 : i32
      %dma_start3A_403 = arith.constant 0 : i32
      %dma_start3A_404 = arith.constant 0 : i32
      %dma_start3A_405 = tpu.memref_slice %arg11[%dma_start3A_401, %dma_start3A_403, %dma_start3A_404] : memref<4x40x128xf32, #tpu.memory_space<vmem>> -> memref<1x40x128xf32, #tpu.memory_space<vmem>>
      %dma_start3A_406 = tpu.memref_squeeze %dma_start3A_405 : memref<1x40x128xf32, #tpu.memory_space<vmem>> -> memref<40x128xf32, #tpu.memory_space<vmem>>
      %dma_start3A_407 = arith.constant 0 : i32
      %dma_start3A_408 = tpu.memref_slice %arg10[%dma_start3A_402, %dma_start3A_407] : memref<4x40xi32, #tpu.memory_space<vmem>> -> memref<1x40xi32, #tpu.memory_space<vmem>>
      %dma_start3A_409 = tpu.memref_squeeze %dma_start3A_408 : memref<1x40xi32, #tpu.memory_space<vmem>> -> memref<40xi32, #tpu.memory_space<vmem>>
      %dma_start3A_410 = arith.constant 0 : i32
      %dma_start3A_411 = arith.constant 0 : i32
      %dma_start3A_412 = tpu.memref_slice %arg7[%dma_start3A_410, %dma_start3A_411] : memref<10000x128xf32, #tpu.memory_space<vmem_shared>> -> memref<10000x128xf32, #tpu.memory_space<vmem_shared>>
      tpu.enqueue_indirect_dma source(%dma_start3A_406 : memref<40x128xf32, #tpu.memory_space<vmem>>) target(%dma_start3A_412 : memref<10000x128xf32, #tpu.memory_space<vmem_shared>>) offsets(%dma_start3A_409 : memref<40xi32, #tpu.memory_space<vmem>>) semaphore(%arg22 : memref<!tpu.dma_semaphore, #tpu.memory_space<semaphore_mem>>) {add = true}
      %mul3A_413 = arith.constant 4 : i32
      %mul3A_414 = arith.muli %mul3A_413, %scan3A_234 : i32
      %add3A_415 = arith.constant 3 : i32
      %add3A_416 = arith.addi %mul3A_414, %add3A_415 : i32
      %ge3A_417 = arith.constant 2 : i32
      %ge3A_418 = arith.cmpi sge, %add3A_416, %ge3A_417 : i32
      %convert_element_type3A_419 = arith.extui %ge3A_418 : i1 to i32
      %cond3A_420 = arith.constant 0 : i32
      %cond3A_421 = arith.cmpi ne, %convert_element_type3A_419, %cond3A_420 : i32
      scf.if %cond3A_421 {
        %dma_wait3A_474 = arith.constant 1 : i32
        %dma_wait3A_475 = arith.constant 1 : i32
        %dma_wait3A_476 = arith.constant 0 : i32
        %dma_wait3A_477 = arith.constant 0 : i32
        %dma_wait3A_478 = tpu.memref_slice %arg11[%dma_wait3A_474, %dma_wait3A_476, %dma_wait3A_477] : memref<4x40x128xf32, #tpu.memory_space<vmem>> -> memref<1x40x128xf32, #tpu.memory_space<vmem>>
        %dma_wait3A_479 = tpu.memref_squeeze %dma_wait3A_478 : memref<1x40x128xf32, #tpu.memory_space<vmem>> -> memref<40x128xf32, #tpu.memory_space<vmem>>
        %dma_wait3A_480 = arith.constant 0 : i32
        %dma_wait3A_481 = tpu.memref_slice %arg10[%dma_wait3A_475, %dma_wait3A_480] : memref<4x40xi32, #tpu.memory_space<vmem>> -> memref<1x40xi32, #tpu.memory_space<vmem>>
        %dma_wait3A_482 = tpu.memref_squeeze %dma_wait3A_481 : memref<1x40xi32, #tpu.memory_space<vmem>> -> memref<40xi32, #tpu.memory_space<vmem>>
        %dma_wait3A_483 = arith.constant 0 : i32
        %dma_wait3A_484 = arith.constant 0 : i32
        %dma_wait3A_485 = tpu.memref_slice %arg7[%dma_wait3A_483, %dma_wait3A_484] : memref<10000x128xf32, #tpu.memory_space<vmem_shared>> -> memref<10000x128xf32, #tpu.memory_space<vmem_shared>>
        tpu.wait_indirect_dma semaphore(%arg21 : memref<!tpu.dma_semaphore, #tpu.memory_space<semaphore_mem>>) src(%dma_wait3A_479 : memref<40x128xf32, #tpu.memory_space<vmem>>) dst(%dma_wait3A_485 : memref<10000x128xf32, #tpu.memory_space<vmem_shared>>)
      } else {
      }
      %add3A_422 = arith.constant 2 : i32
      %add3A_423 = arith.addi %add3A_416, %add3A_422 : i32
      %lt3A_424 = arith.constant 250 : i32
      %lt3A_425 = arith.cmpi slt, %add3A_423, %lt3A_424 : i32
      %convert_element_type3A_426 = arith.extui %lt3A_425 : i1 to i32
      %cond3A_427 = arith.constant 0 : i32
      %cond3A_428 = arith.cmpi ne, %convert_element_type3A_426, %cond3A_427 : i32
      scf.if %cond3A_428 {
        %add3A_474 = arith.constant 2 : i32
        %add3A_475 = arith.addi %add3A_416, %add3A_474 : i32
        %mul3A_476 = arith.constant 40 : i32
        %mul3A_477 = arith.muli %add3A_475, %mul3A_476 : i32
        %add3A_478 = arith.addi %mul3A_2, %mul3A_477 : i32
        %dma_start3A_479 = arith.constant 1 : i32
        %dma_start3A_480 = arith.constant 0 : i32
        %dma_start3A_481 = tpu.memref_slice %arg10[%dma_start3A_479, %dma_start3A_480] : memref<4x40xi32, #tpu.memory_space<vmem>> -> memref<1x40xi32, #tpu.memory_space<vmem>>
        %dma_start3A_482 = tpu.memref_squeeze %dma_start3A_481 : memref<1x40xi32, #tpu.memory_space<vmem>> -> memref<40xi32, #tpu.memory_space<vmem>>
        %dma_start3A_483 = tpu.memref_slice %arg5[%add3A_478] : memref<320000xi32, #tpu.memory_space<hbm>> -> memref<40xi32, #tpu.memory_space<hbm>>
        %dma_start3A_484 = arith.constant 0 : i32
        %dma_start3A_485 = tpu.memref_slice %arg10[%dma_start3A_479, %dma_start3A_484] : memref<4x40xi32, #tpu.memory_space<vmem>> -> memref<1x40xi32, #tpu.memory_space<vmem>>
        %dma_start3A_486 = tpu.memref_squeeze %dma_start3A_485 : memref<1x40xi32, #tpu.memory_space<vmem>> -> memref<40xi32, #tpu.memory_space<vmem>>
        %dma_start3A_487 = tpu.memref_slice %arg5[%add3A_478] : memref<320000xi32, #tpu.memory_space<hbm>> -> memref<40xi32, #tpu.memory_space<hbm>>
        tpu.enqueue_dma source(%dma_start3A_487 : memref<40xi32, #tpu.memory_space<hbm>>) target(%dma_start3A_486 : memref<40xi32, #tpu.memory_space<vmem>>) target_semaphore(%arg17 : memref<!tpu.dma_semaphore, #tpu.memory_space<semaphore_mem>>)
        %add3A_488 = arith.constant 2 : i32
        %add3A_489 = arith.addi %add3A_416, %add3A_488 : i32
        %mul3A_490 = arith.constant 40 : i32
        %mul3A_491 = arith.muli %add3A_489, %mul3A_490 : i32
        %dma_start3A_492 = arith.constant 1 : i32
        %dma_start3A_493 = arith.constant 0 : i32
        %dma_start3A_494 = arith.constant 0 : i32
        %dma_start3A_495 = tpu.memref_slice %arg11[%dma_start3A_492, %dma_start3A_493, %dma_start3A_494] : memref<4x40x128xf32, #tpu.memory_space<vmem>> -> memref<1x40x128xf32, #tpu.memory_space<vmem>>
        %dma_start3A_496 = tpu.memref_squeeze %dma_start3A_495 : memref<1x40x128xf32, #tpu.memory_space<vmem>> -> memref<40x128xf32, #tpu.memory_space<vmem>>
        %dma_start3A_497 = tpu.memref_slice %arg8[%mul3A_491] : memref<10000xi32, #tpu.memory_space<vmem>> -> memref<40xi32, #tpu.memory_space<vmem>>
        %dma_start3A_498 = arith.constant 0 : i32
        %dma_start3A_499 = arith.constant 0 : i32
        %dma_start3A_500 = tpu.memref_slice %arg2[%dma_start3A_498, %dma_start3A_499] : memref<10000x128xf32, #tpu.memory_space<hbm>> -> memref<10000x128xf32, #tpu.memory_space<hbm>>
        tpu.enqueue_indirect_dma source(%dma_start3A_500 : memref<10000x128xf32, #tpu.memory_space<hbm>>) target(%dma_start3A_496 : memref<40x128xf32, #tpu.memory_space<vmem>>) offsets(%dma_start3A_497 : memref<40xi32, #tpu.memory_space<vmem>>) semaphore(%arg13 : memref<!tpu.dma_semaphore, #tpu.memory_space<semaphore_mem>>)
      } else {
      }
      %mul3A_429 = arith.constant 40 : i32
      %mul3A_430 = arith.muli %add3A_416, %mul3A_429 : i32
      %dma_wait3A_431 = arith.constant 3 : i32
      %dma_wait3A_432 = arith.constant 0 : i32
      %dma_wait3A_433 = arith.constant 0 : i32
      %dma_wait3A_434 = tpu.memref_slice %arg11[%dma_wait3A_431, %dma_wait3A_432, %dma_wait3A_433] : memref<4x40x128xf32, #tpu.memory_space<vmem>> -> memref<1x40x128xf32, #tpu.memory_space<vmem>>
      %dma_wait3A_435 = tpu.memref_squeeze %dma_wait3A_434 : memref<1x40x128xf32, #tpu.memory_space<vmem>> -> memref<40x128xf32, #tpu.memory_space<vmem>>
      %dma_wait3A_436 = tpu.memref_slice %arg8[%mul3A_430] : memref<10000xi32, #tpu.memory_space<vmem>> -> memref<40xi32, #tpu.memory_space<vmem>>
      %dma_wait3A_437 = arith.constant 0 : i32
      %dma_wait3A_438 = arith.constant 0 : i32
      %dma_wait3A_439 = tpu.memref_slice %arg2[%dma_wait3A_437, %dma_wait3A_438] : memref<10000x128xf32, #tpu.memory_space<hbm>> -> memref<10000x128xf32, #tpu.memory_space<hbm>>
      tpu.wait_indirect_dma semaphore(%arg15 : memref<!tpu.dma_semaphore, #tpu.memory_space<semaphore_mem>>) src(%dma_wait3A_439 : memref<10000x128xf32, #tpu.memory_space<hbm>>) dst(%dma_wait3A_435 : memref<40x128xf32, #tpu.memory_space<vmem>>)
      %mul3A_440 = arith.constant 40 : i32
      %mul3A_441 = arith.muli %add3A_416, %mul3A_440 : i32
      %scan3A_442 = arith.constant 0 : i32
      %scan3A_443 = arith.constant 0 : i32
      %scan3A_444 = arith.constant 10 : i32
      %scan3A_445 = arith.addi %scan3A_443, %scan3A_444 : i32
      %scan3A_446 = arith.constant 1 : i32
      %scan3A_447 = scf.for %scan3A_474 = %scan3A_443 to %scan3A_445 step %scan3A_446 iter_args(%scan3A_475 = %scan3A_442) -> (i32)  : i32 {
        %mul3A_476 = arith.constant 4 : i32
        %mul3A_477 = arith.muli %mul3A_476, %scan3A_474 : i32
        %add3A_478 = arith.constant 0 : i32
        %add3A_479 = arith.addi %mul3A_477, %add3A_478 : i32
        %mul3A_480 = arith.constant 4 : i32
        %mul3A_481 = arith.muli %mul3A_480, %scan3A_474 : i32
        %add3A_482 = arith.constant 1 : i32
        %add3A_483 = arith.addi %mul3A_481, %add3A_482 : i32
        %mul3A_484 = arith.constant 4 : i32
        %mul3A_485 = arith.muli %mul3A_484, %scan3A_474 : i32
        %add3A_486 = arith.constant 2 : i32
        %add3A_487 = arith.addi %mul3A_485, %add3A_486 : i32
        %mul3A_488 = arith.constant 4 : i32
        %mul3A_489 = arith.muli %mul3A_488, %scan3A_474 : i32
        %add3A_490 = arith.constant 3 : i32
        %add3A_491 = arith.addi %mul3A_489, %add3A_490 : i32
        %add3A_492 = arith.addi %mul3A_441, %add3A_479 : i32
        %broadcast_in_dim3A = vector.broadcast %add3A_492 : i32 to vector<16xi32>
        %gather3A = tpu.vector_load_idx %arg9[%broadcast_in_dim3A] : memref<10000xf32, #tpu.memory_space<vmem>>[vector<16xi32>], vector<16xf32>,
        %add3A_493 = arith.addi %mul3A_441, %add3A_483 : i32
        %broadcast_in_dim3A_494 = vector.broadcast %add3A_493 : i32 to vector<16xi32>
        %gather3A_495 = tpu.vector_load_idx %arg9[%broadcast_in_dim3A_494] : memref<10000xf32, #tpu.memory_space<vmem>>[vector<16xi32>], vector<16xf32>,
        %add3A_496 = arith.addi %mul3A_441, %add3A_487 : i32
        %broadcast_in_dim3A_497 = vector.broadcast %add3A_496 : i32 to vector<16xi32>
        %gather3A_498 = tpu.vector_load_idx %arg9[%broadcast_in_dim3A_497] : memref<10000xf32, #tpu.memory_space<vmem>>[vector<16xi32>], vector<16xf32>,
        %add3A_499 = arith.addi %mul3A_441, %add3A_491 : i32
        %broadcast_in_dim3A_500 = vector.broadcast %add3A_499 : i32 to vector<16xi32>
        %gather3A_501 = tpu.vector_load_idx %arg9[%broadcast_in_dim3A_500] : memref<10000xf32, #tpu.memory_space<vmem>>[vector<16xi32>], vector<16xf32>,
        %get3A = arith.constant 3 : i32
        %get3A_502 = arith.index_cast %get3A : i32 to index
        %get3A_503 = arith.index_cast %add3A_479 : i32 to index
        %get3A_504 = arith.constant 0 : index
        %get3A_505 = tpu.vector_load %arg11[%get3A_502, %get3A_503, %get3A_504] {strides = array<i32>} : memref<4x40x128xf32, #tpu.memory_space<vmem>>, vector<16xf32>,
        %mul3A_506 = arith.mulf %get3A_505, %gather3A : vector<16xf32>
        %swap3A = arith.constant 3 : i32
        %swap3A_507 = arith.index_cast %swap3A : i32 to index
        %swap3A_508 = arith.index_cast %add3A_479 : i32 to index
        %swap3A_509 = arith.constant 0 : index
        %swap3A_510 = tpu.vector_load %arg11[%swap3A_507, %swap3A_508, %swap3A_509] {strides = array<i32>} : memref<4x40x128xf32, #tpu.memory_space<vmem>>, vector<16xf32>,
        tpu.vector_store %arg11[%swap3A_507, %swap3A_508, %swap3A_509], %mul3A_506 {strides = array<i32>} : memref<4x40x128xf32, #tpu.memory_space<vmem>>, vector<16xf32>,
        %get3A_511 = arith.constant 3 : i32
        %get3A_512 = arith.index_cast %get3A_511 : i32 to index
        %get3A_513 = arith.index_cast %add3A_483 : i32 to index
        %get3A_514 = arith.constant 0 : index
        %get3A_515 = tpu.vector_load %arg11[%get3A_512, %get3A_513, %get3A_514] {strides = array<i32>} : memref<4x40x128xf32, #tpu.memory_space<vmem>>, vector<16xf32>,
        %mul3A_516 = arith.mulf %get3A_515, %gather3A_495 : vector<16xf32>
        %swap3A_517 = arith.constant 3 : i32
        %swap3A_518 = arith.index_cast %swap3A_517 : i32 to index
        %swap3A_519 = arith.index_cast %add3A_483 : i32 to index
        %swap3A_520 = arith.constant 0 : index
        %swap3A_521 = tpu.vector_load %arg11[%swap3A_518, %swap3A_519, %swap3A_520] {strides = array<i32>} : memref<4x40x128xf32, #tpu.memory_space<vmem>>, vector<16xf32>,
        tpu.vector_store %arg11[%swap3A_518, %swap3A_519, %swap3A_520], %mul3A_516 {strides = array<i32>} : memref<4x40x128xf32, #tpu.memory_space<vmem>>, vector<16xf32>,
        %get3A_522 = arith.constant 3 : i32
        %get3A_523 = arith.index_cast %get3A_522 : i32 to index
        %get3A_524 = arith.index_cast %add3A_487 : i32 to index
        %get3A_525 = arith.constant 0 : index
        %get3A_526 = tpu.vector_load %arg11[%get3A_523, %get3A_524, %get3A_525] {strides = array<i32>} : memref<4x40x128xf32, #tpu.memory_space<vmem>>, vector<16xf32>,
        %mul3A_527 = arith.mulf %get3A_526, %gather3A_498 : vector<16xf32>
        %swap3A_528 = arith.constant 3 : i32
        %swap3A_529 = arith.index_cast %swap3A_528 : i32 to index
        %swap3A_530 = arith.index_cast %add3A_487 : i32 to index
        %swap3A_531 = arith.constant 0 : index
        %swap3A_532 = tpu.vector_load %arg11[%swap3A_529, %swap3A_530, %swap3A_531] {strides = array<i32>} : memref<4x40x128xf32, #tpu.memory_space<vmem>>, vector<16xf32>,
        tpu.vector_store %arg11[%swap3A_529, %swap3A_530, %swap3A_531], %mul3A_527 {strides = array<i32>} : memref<4x40x128xf32, #tpu.memory_space<vmem>>, vector<16xf32>,
        %get3A_533 = arith.constant 3 : i32
        %get3A_534 = arith.index_cast %get3A_533 : i32 to index
        %get3A_535 = arith.index_cast %add3A_491 : i32 to index
        %get3A_536 = arith.constant 0 : index
        %get3A_537 = tpu.vector_load %arg11[%get3A_534, %get3A_535, %get3A_536] {strides = array<i32>} : memref<4x40x128xf32, #tpu.memory_space<vmem>>, vector<16xf32>,
        %mul3A_538 = arith.mulf %get3A_537, %gather3A_501 : vector<16xf32>
        %swap3A_539 = arith.constant 3 : i32
        %swap3A_540 = arith.index_cast %swap3A_539 : i32 to index
        %swap3A_541 = arith.index_cast %add3A_491 : i32 to index
        %swap3A_542 = arith.constant 0 : index
        %swap3A_543 = tpu.vector_load %arg11[%swap3A_540, %swap3A_541, %swap3A_542] {strides = array<i32>} : memref<4x40x128xf32, #tpu.memory_space<vmem>>, vector<16xf32>,
        tpu.vector_store %arg11[%swap3A_540, %swap3A_541, %swap3A_542], %mul3A_538 {strides = array<i32>} : memref<4x40x128xf32, #tpu.memory_space<vmem>>, vector<16xf32>,
        %get3A_544 = arith.constant 3 : i32
        %get3A_545 = arith.index_cast %get3A_544 : i32 to index
        %get3A_546 = arith.index_cast %add3A_479 : i32 to index
        %get3A_547 = arith.constant 16 : index
        %get3A_548 = tpu.vector_load %arg11[%get3A_545, %get3A_546, %get3A_547] {strides = array<i32>} : memref<4x40x128xf32, #tpu.memory_space<vmem>>, vector<16xf32>,
        %mul3A_549 = arith.mulf %get3A_548, %gather3A : vector<16xf32>
        %swap3A_550 = arith.constant 3 : i32
        %swap3A_551 = arith.index_cast %swap3A_550 : i32 to index
        %swap3A_552 = arith.index_cast %add3A_479 : i32 to index
        %swap3A_553 = arith.constant 16 : index
        %swap3A_554 = tpu.vector_load %arg11[%swap3A_551, %swap3A_552, %swap3A_553] {strides = array<i32>} : memref<4x40x128xf32, #tpu.memory_space<vmem>>, vector<16xf32>,
        tpu.vector_store %arg11[%swap3A_551, %swap3A_552, %swap3A_553], %mul3A_549 {strides = array<i32>} : memref<4x40x128xf32, #tpu.memory_space<vmem>>, vector<16xf32>,
        %get3A_555 = arith.constant 3 : i32
        %get3A_556 = arith.index_cast %get3A_555 : i32 to index
        %get3A_557 = arith.index_cast %add3A_483 : i32 to index
        %get3A_558 = arith.constant 16 : index
        %get3A_559 = tpu.vector_load %arg11[%get3A_556, %get3A_557, %get3A_558] {strides = array<i32>} : memref<4x40x128xf32, #tpu.memory_space<vmem>>, vector<16xf32>,
        %mul3A_560 = arith.mulf %get3A_559, %gather3A_495 : vector<16xf32>
        %swap3A_561 = arith.constant 3 : i32
        %swap3A_562 = arith.index_cast %swap3A_561 : i32 to index
        %swap3A_563 = arith.index_cast %add3A_483 : i32 to index
        %swap3A_564 = arith.constant 16 : index
        %swap3A_565 = tpu.vector_load %arg11[%swap3A_562, %swap3A_563, %swap3A_564] {strides = array<i32>} : memref<4x40x128xf32, #tpu.memory_space<vmem>>, vector<16xf32>,
        tpu.vector_store %arg11[%swap3A_562, %swap3A_563, %swap3A_564], %mul3A_560 {strides = array<i32>} : memref<4x40x128xf32, #tpu.memory_space<vmem>>, vector<16xf32>,
        %get3A_566 = arith.constant 3 : i32
        %get3A_567 = arith.index_cast %get3A_566 : i32 to index
        %get3A_568 = arith.index_cast %add3A_487 : i32 to index
        %get3A_569 = arith.constant 16 : index
        %get3A_570 = tpu.vector_load %arg11[%get3A_567, %get3A_568, %get3A_569] {strides = array<i32>} : memref<4x40x128xf32, #tpu.memory_space<vmem>>, vector<16xf32>,
        %mul3A_571 = arith.mulf %get3A_570, %gather3A_498 : vector<16xf32>
        %swap3A_572 = arith.constant 3 : i32
        %swap3A_573 = arith.index_cast %swap3A_572 : i32 to index
        %swap3A_574 = arith.index_cast %add3A_487 : i32 to index
        %swap3A_575 = arith.constant 16 : index
        %swap3A_576 = tpu.vector_load %arg11[%swap3A_573, %swap3A_574, %swap3A_575] {strides = array<i32>} : memref<4x40x128xf32, #tpu.memory_space<vmem>>, vector<16xf32>,
        tpu.vector_store %arg11[%swap3A_573, %swap3A_574, %swap3A_575], %mul3A_571 {strides = array<i32>} : memref<4x40x128xf32, #tpu.memory_space<vmem>>, vector<16xf32>,
        %get3A_577 = arith.constant 3 : i32
        %get3A_578 = arith.index_cast %get3A_577 : i32 to index
        %get3A_579 = arith.index_cast %add3A_491 : i32 to index
        %get3A_580 = arith.constant 16 : index
        %get3A_581 = tpu.vector_load %arg11[%get3A_578, %get3A_579, %get3A_580] {strides = array<i32>} : memref<4x40x128xf32, #tpu.memory_space<vmem>>, vector<16xf32>,
        %mul3A_582 = arith.mulf %get3A_581, %gather3A_501 : vector<16xf32>
        %swap3A_583 = arith.constant 3 : i32
        %swap3A_584 = arith.index_cast %swap3A_583 : i32 to index
        %swap3A_585 = arith.index_cast %add3A_491 : i32 to index
        %swap3A_586 = arith.constant 16 : index
        %swap3A_587 = tpu.vector_load %arg11[%swap3A_584, %swap3A_585, %swap3A_586] {strides = array<i32>} : memref<4x40x128xf32, #tpu.memory_space<vmem>>, vector<16xf32>,
        tpu.vector_store %arg11[%swap3A_584, %swap3A_585, %swap3A_586], %mul3A_582 {strides = array<i32>} : memref<4x40x128xf32, #tpu.memory_space<vmem>>, vector<16xf32>,
        %get3A_588 = arith.constant 3 : i32
        %get3A_589 = arith.index_cast %get3A_588 : i32 to index
        %get3A_590 = arith.index_cast %add3A_479 : i32 to index
        %get3A_591 = arith.constant 32 : index
        %get3A_592 = tpu.vector_load %arg11[%get3A_589, %get3A_590, %get3A_591] {strides = array<i32>} : memref<4x40x128xf32, #tpu.memory_space<vmem>>, vector<16xf32>,
        %mul3A_593 = arith.mulf %get3A_592, %gather3A : vector<16xf32>
        %swap3A_594 = arith.constant 3 : i32
        %swap3A_595 = arith.index_cast %swap3A_594 : i32 to index
        %swap3A_596 = arith.index_cast %add3A_479 : i32 to index
        %swap3A_597 = arith.constant 32 : index
        %swap3A_598 = tpu.vector_load %arg11[%swap3A_595, %swap3A_596, %swap3A_597] {strides = array<i32>} : memref<4x40x128xf32, #tpu.memory_space<vmem>>, vector<16xf32>,
        tpu.vector_store %arg11[%swap3A_595, %swap3A_596, %swap3A_597], %mul3A_593 {strides = array<i32>} : memref<4x40x128xf32, #tpu.memory_space<vmem>>, vector<16xf32>,
        %get3A_599 = arith.constant 3 : i32
        %get3A_600 = arith.index_cast %get3A_599 : i32 to index
        %get3A_601 = arith.index_cast %add3A_483 : i32 to index
        %get3A_602 = arith.constant 32 : index
        %get3A_603 = tpu.vector_load %arg11[%get3A_600, %get3A_601, %get3A_602] {strides = array<i32>} : memref<4x40x128xf32, #tpu.memory_space<vmem>>, vector<16xf32>,
        %mul3A_604 = arith.mulf %get3A_603, %gather3A_495 : vector<16xf32>
        %swap3A_605 = arith.constant 3 : i32
        %swap3A_606 = arith.index_cast %swap3A_605 : i32 to index
        %swap3A_607 = arith.index_cast %add3A_483 : i32 to index
        %swap3A_608 = arith.constant 32 : index
        %swap3A_609 = tpu.vector_load %arg11[%swap3A_606, %swap3A_607, %swap3A_608] {strides = array<i32>} : memref<4x40x128xf32, #tpu.memory_space<vmem>>, vector<16xf32>,
        tpu.vector_store %arg11[%swap3A_606, %swap3A_607, %swap3A_608], %mul3A_604 {strides = array<i32>} : memref<4x40x128xf32, #tpu.memory_space<vmem>>, vector<16xf32>,
        %get3A_610 = arith.constant 3 : i32
        %get3A_611 = arith.index_cast %get3A_610 : i32 to index
        %get3A_612 = arith.index_cast %add3A_487 : i32 to index
        %get3A_613 = arith.constant 32 : index
        %get3A_614 = tpu.vector_load %arg11[%get3A_611, %get3A_612, %get3A_613] {strides = array<i32>} : memref<4x40x128xf32, #tpu.memory_space<vmem>>, vector<16xf32>,
        %mul3A_615 = arith.mulf %get3A_614, %gather3A_498 : vector<16xf32>
        %swap3A_616 = arith.constant 3 : i32
        %swap3A_617 = arith.index_cast %swap3A_616 : i32 to index
        %swap3A_618 = arith.index_cast %add3A_487 : i32 to index
        %swap3A_619 = arith.constant 32 : index
        %swap3A_620 = tpu.vector_load %arg11[%swap3A_617, %swap3A_618, %swap3A_619] {strides = array<i32>} : memref<4x40x128xf32, #tpu.memory_space<vmem>>, vector<16xf32>,
        tpu.vector_store %arg11[%swap3A_617, %swap3A_618, %swap3A_619], %mul3A_615 {strides = array<i32>} : memref<4x40x128xf32, #tpu.memory_space<vmem>>, vector<16xf32>,
        %get3A_621 = arith.constant 3 : i32
        %get3A_622 = arith.index_cast %get3A_621 : i32 to index
        %get3A_623 = arith.index_cast %add3A_491 : i32 to index
        %get3A_624 = arith.constant 32 : index
        %get3A_625 = tpu.vector_load %arg11[%get3A_622, %get3A_623, %get3A_624] {strides = array<i32>} : memref<4x40x128xf32, #tpu.memory_space<vmem>>, vector<16xf32>,
        %mul3A_626 = arith.mulf %get3A_625, %gather3A_501 : vector<16xf32>
        %swap3A_627 = arith.constant 3 : i32
        %swap3A_628 = arith.index_cast %swap3A_627 : i32 to index
        %swap3A_629 = arith.index_cast %add3A_491 : i32 to index
        %swap3A_630 = arith.constant 32 : index
        %swap3A_631 = tpu.vector_load %arg11[%swap3A_628, %swap3A_629, %swap3A_630] {strides = array<i32>} : memref<4x40x128xf32, #tpu.memory_space<vmem>>, vector<16xf32>,
        tpu.vector_store %arg11[%swap3A_628, %swap3A_629, %swap3A_630], %mul3A_626 {strides = array<i32>} : memref<4x40x128xf32, #tpu.memory_space<vmem>>, vector<16xf32>,
        %get3A_632 = arith.constant 3 : i32
        %get3A_633 = arith.index_cast %get3A_632 : i32 to index
        %get3A_634 = arith.index_cast %add3A_479 : i32 to index
        %get3A_635 = arith.constant 48 : index
        %get3A_636 = tpu.vector_load %arg11[%get3A_633, %get3A_634, %get3A_635] {strides = array<i32>} : memref<4x40x128xf32, #tpu.memory_space<vmem>>, vector<16xf32>,
        %mul3A_637 = arith.mulf %get3A_636, %gather3A : vector<16xf32>
        %swap3A_638 = arith.constant 3 : i32
        %swap3A_639 = arith.index_cast %swap3A_638 : i32 to index
        %swap3A_640 = arith.index_cast %add3A_479 : i32 to index
        %swap3A_641 = arith.constant 48 : index
        %swap3A_642 = tpu.vector_load %arg11[%swap3A_639, %swap3A_640, %swap3A_641] {strides = array<i32>} : memref<4x40x128xf32, #tpu.memory_space<vmem>>, vector<16xf32>,
        tpu.vector_store %arg11[%swap3A_639, %swap3A_640, %swap3A_641], %mul3A_637 {strides = array<i32>} : memref<4x40x128xf32, #tpu.memory_space<vmem>>, vector<16xf32>,
        %get3A_643 = arith.constant 3 : i32
        %get3A_644 = arith.index_cast %get3A_643 : i32 to index
        %get3A_645 = arith.index_cast %add3A_483 : i32 to index
        %get3A_646 = arith.constant 48 : index
        %get3A_647 = tpu.vector_load %arg11[%get3A_644, %get3A_645, %get3A_646] {strides = array<i32>} : memref<4x40x128xf32, #tpu.memory_space<vmem>>, vector<16xf32>,
        %mul3A_648 = arith.mulf %get3A_647, %gather3A_495 : vector<16xf32>
        %swap3A_649 = arith.constant 3 : i32
        %swap3A_650 = arith.index_cast %swap3A_649 : i32 to index
        %swap3A_651 = arith.index_cast %add3A_483 : i32 to index
        %swap3A_652 = arith.constant 48 : index
        %swap3A_653 = tpu.vector_load %arg11[%swap3A_650, %swap3A_651, %swap3A_652] {strides = array<i32>} : memref<4x40x128xf32, #tpu.memory_space<vmem>>, vector<16xf32>,
        tpu.vector_store %arg11[%swap3A_650, %swap3A_651, %swap3A_652], %mul3A_648 {strides = array<i32>} : memref<4x40x128xf32, #tpu.memory_space<vmem>>, vector<16xf32>,
        %get3A_654 = arith.constant 3 : i32
        %get3A_655 = arith.index_cast %get3A_654 : i32 to index
        %get3A_656 = arith.index_cast %add3A_487 : i32 to index
        %get3A_657 = arith.constant 48 : index
        %get3A_658 = tpu.vector_load %arg11[%get3A_655, %get3A_656, %get3A_657] {strides = array<i32>} : memref<4x40x128xf32, #tpu.memory_space<vmem>>, vector<16xf32>,
        %mul3A_659 = arith.mulf %get3A_658, %gather3A_498 : vector<16xf32>
        %swap3A_660 = arith.constant 3 : i32
        %swap3A_661 = arith.index_cast %swap3A_660 : i32 to index
        %swap3A_662 = arith.index_cast %add3A_487 : i32 to index
        %swap3A_663 = arith.constant 48 : index
        %swap3A_664 = tpu.vector_load %arg11[%swap3A_661, %swap3A_662, %swap3A_663] {strides = array<i32>} : memref<4x40x128xf32, #tpu.memory_space<vmem>>, vector<16xf32>,
        tpu.vector_store %arg11[%swap3A_661, %swap3A_662, %swap3A_663], %mul3A_659 {strides = array<i32>} : memref<4x40x128xf32, #tpu.memory_space<vmem>>, vector<16xf32>,
        %get3A_665 = arith.constant 3 : i32
        %get3A_666 = arith.index_cast %get3A_665 : i32 to index
        %get3A_667 = arith.index_cast %add3A_491 : i32 to index
        %get3A_668 = arith.constant 48 : index
        %get3A_669 = tpu.vector_load %arg11[%get3A_666, %get3A_667, %get3A_668] {strides = array<i32>} : memref<4x40x128xf32, #tpu.memory_space<vmem>>, vector<16xf32>,
        %mul3A_670 = arith.mulf %get3A_669, %gather3A_501 : vector<16xf32>
        %swap3A_671 = arith.constant 3 : i32
        %swap3A_672 = arith.index_cast %swap3A_671 : i32 to index
        %swap3A_673 = arith.index_cast %add3A_491 : i32 to index
        %swap3A_674 = arith.constant 48 : index
        %swap3A_675 = tpu.vector_load %arg11[%swap3A_672, %swap3A_673, %swap3A_674] {strides = array<i32>} : memref<4x40x128xf32, #tpu.memory_space<vmem>>, vector<16xf32>,
        tpu.vector_store %arg11[%swap3A_672, %swap3A_673, %swap3A_674], %mul3A_670 {strides = array<i32>} : memref<4x40x128xf32, #tpu.memory_space<vmem>>, vector<16xf32>,
        %get3A_676 = arith.constant 3 : i32
        %get3A_677 = arith.index_cast %get3A_676 : i32 to index
        %get3A_678 = arith.index_cast %add3A_479 : i32 to index
        %get3A_679 = arith.constant 64 : index
        %get3A_680 = tpu.vector_load %arg11[%get3A_677, %get3A_678, %get3A_679] {strides = array<i32>} : memref<4x40x128xf32, #tpu.memory_space<vmem>>, vector<16xf32>,
        %mul3A_681 = arith.mulf %get3A_680, %gather3A : vector<16xf32>
        %swap3A_682 = arith.constant 3 : i32
        %swap3A_683 = arith.index_cast %swap3A_682 : i32 to index
        %swap3A_684 = arith.index_cast %add3A_479 : i32 to index
        %swap3A_685 = arith.constant 64 : index
        %swap3A_686 = tpu.vector_load %arg11[%swap3A_683, %swap3A_684, %swap3A_685] {strides = array<i32>} : memref<4x40x128xf32, #tpu.memory_space<vmem>>, vector<16xf32>,
        tpu.vector_store %arg11[%swap3A_683, %swap3A_684, %swap3A_685], %mul3A_681 {strides = array<i32>} : memref<4x40x128xf32, #tpu.memory_space<vmem>>, vector<16xf32>,
        %get3A_687 = arith.constant 3 : i32
        %get3A_688 = arith.index_cast %get3A_687 : i32 to index
        %get3A_689 = arith.index_cast %add3A_483 : i32 to index
        %get3A_690 = arith.constant 64 : index
        %get3A_691 = tpu.vector_load %arg11[%get3A_688, %get3A_689, %get3A_690] {strides = array<i32>} : memref<4x40x128xf32, #tpu.memory_space<vmem>>, vector<16xf32>,
        %mul3A_692 = arith.mulf %get3A_691, %gather3A_495 : vector<16xf32>
        %swap3A_693 = arith.constant 3 : i32
        %swap3A_694 = arith.index_cast %swap3A_693 : i32 to index
        %swap3A_695 = arith.index_cast %add3A_483 : i32 to index
        %swap3A_696 = arith.constant 64 : index
        %swap3A_697 = tpu.vector_load %arg11[%swap3A_694, %swap3A_695, %swap3A_696] {strides = array<i32>} : memref<4x40x128xf32, #tpu.memory_space<vmem>>, vector<16xf32>,
        tpu.vector_store %arg11[%swap3A_694, %swap3A_695, %swap3A_696], %mul3A_692 {strides = array<i32>} : memref<4x40x128xf32, #tpu.memory_space<vmem>>, vector<16xf32>,
        %get3A_698 = arith.constant 3 : i32
        %get3A_699 = arith.index_cast %get3A_698 : i32 to index
        %get3A_700 = arith.index_cast %add3A_487 : i32 to index
        %get3A_701 = arith.constant 64 : index
        %get3A_702 = tpu.vector_load %arg11[%get3A_699, %get3A_700, %get3A_701] {strides = array<i32>} : memref<4x40x128xf32, #tpu.memory_space<vmem>>, vector<16xf32>,
        %mul3A_703 = arith.mulf %get3A_702, %gather3A_498 : vector<16xf32>
        %swap3A_704 = arith.constant 3 : i32
        %swap3A_705 = arith.index_cast %swap3A_704 : i32 to index
        %swap3A_706 = arith.index_cast %add3A_487 : i32 to index
        %swap3A_707 = arith.constant 64 : index
        %swap3A_708 = tpu.vector_load %arg11[%swap3A_705, %swap3A_706, %swap3A_707] {strides = array<i32>} : memref<4x40x128xf32, #tpu.memory_space<vmem>>, vector<16xf32>,
        tpu.vector_store %arg11[%swap3A_705, %swap3A_706, %swap3A_707], %mul3A_703 {strides = array<i32>} : memref<4x40x128xf32, #tpu.memory_space<vmem>>, vector<16xf32>,
        %get3A_709 = arith.constant 3 : i32
        %get3A_710 = arith.index_cast %get3A_709 : i32 to index
        %get3A_711 = arith.index_cast %add3A_491 : i32 to index
        %get3A_712 = arith.constant 64 : index
        %get3A_713 = tpu.vector_load %arg11[%get3A_710, %get3A_711, %get3A_712] {strides = array<i32>} : memref<4x40x128xf32, #tpu.memory_space<vmem>>, vector<16xf32>,
        %mul3A_714 = arith.mulf %get3A_713, %gather3A_501 : vector<16xf32>
        %swap3A_715 = arith.constant 3 : i32
        %swap3A_716 = arith.index_cast %swap3A_715 : i32 to index
        %swap3A_717 = arith.index_cast %add3A_491 : i32 to index
        %swap3A_718 = arith.constant 64 : index
        %swap3A_719 = tpu.vector_load %arg11[%swap3A_716, %swap3A_717, %swap3A_718] {strides = array<i32>} : memref<4x40x128xf32, #tpu.memory_space<vmem>>, vector<16xf32>,
        tpu.vector_store %arg11[%swap3A_716, %swap3A_717, %swap3A_718], %mul3A_714 {strides = array<i32>} : memref<4x40x128xf32, #tpu.memory_space<vmem>>, vector<16xf32>,
        %get3A_720 = arith.constant 3 : i32
        %get3A_721 = arith.index_cast %get3A_720 : i32 to index
        %get3A_722 = arith.index_cast %add3A_479 : i32 to index
        %get3A_723 = arith.constant 80 : index
        %get3A_724 = tpu.vector_load %arg11[%get3A_721, %get3A_722, %get3A_723] {strides = array<i32>} : memref<4x40x128xf32, #tpu.memory_space<vmem>>, vector<16xf32>,
        %mul3A_725 = arith.mulf %get3A_724, %gather3A : vector<16xf32>
        %swap3A_726 = arith.constant 3 : i32
        %swap3A_727 = arith.index_cast %swap3A_726 : i32 to index
        %swap3A_728 = arith.index_cast %add3A_479 : i32 to index
        %swap3A_729 = arith.constant 80 : index
        %swap3A_730 = tpu.vector_load %arg11[%swap3A_727, %swap3A_728, %swap3A_729] {strides = array<i32>} : memref<4x40x128xf32, #tpu.memory_space<vmem>>, vector<16xf32>,
        tpu.vector_store %arg11[%swap3A_727, %swap3A_728, %swap3A_729], %mul3A_725 {strides = array<i32>} : memref<4x40x128xf32, #tpu.memory_space<vmem>>, vector<16xf32>,
        %get3A_731 = arith.constant 3 : i32
        %get3A_732 = arith.index_cast %get3A_731 : i32 to index
        %get3A_733 = arith.index_cast %add3A_483 : i32 to index
        %get3A_734 = arith.constant 80 : index
        %get3A_735 = tpu.vector_load %arg11[%get3A_732, %get3A_733, %get3A_734] {strides = array<i32>} : memref<4x40x128xf32, #tpu.memory_space<vmem>>, vector<16xf32>,
        %mul3A_736 = arith.mulf %get3A_735, %gather3A_495 : vector<16xf32>
        %swap3A_737 = arith.constant 3 : i32
        %swap3A_738 = arith.index_cast %swap3A_737 : i32 to index
        %swap3A_739 = arith.index_cast %add3A_483 : i32 to index
        %swap3A_740 = arith.constant 80 : index
        %swap3A_741 = tpu.vector_load %arg11[%swap3A_738, %swap3A_739, %swap3A_740] {strides = array<i32>} : memref<4x40x128xf32, #tpu.memory_space<vmem>>, vector<16xf32>,
        tpu.vector_store %arg11[%swap3A_738, %swap3A_739, %swap3A_740], %mul3A_736 {strides = array<i32>} : memref<4x40x128xf32, #tpu.memory_space<vmem>>, vector<16xf32>,
        %get3A_742 = arith.constant 3 : i32
        %get3A_743 = arith.index_cast %get3A_742 : i32 to index
        %get3A_744 = arith.index_cast %add3A_487 : i32 to index
        %get3A_745 = arith.constant 80 : index
        %get3A_746 = tpu.vector_load %arg11[%get3A_743, %get3A_744, %get3A_745] {strides = array<i32>} : memref<4x40x128xf32, #tpu.memory_space<vmem>>, vector<16xf32>,
        %mul3A_747 = arith.mulf %get3A_746, %gather3A_498 : vector<16xf32>
        %swap3A_748 = arith.constant 3 : i32
        %swap3A_749 = arith.index_cast %swap3A_748 : i32 to index
        %swap3A_750 = arith.index_cast %add3A_487 : i32 to index
        %swap3A_751 = arith.constant 80 : index
        %swap3A_752 = tpu.vector_load %arg11[%swap3A_749, %swap3A_750, %swap3A_751] {strides = array<i32>} : memref<4x40x128xf32, #tpu.memory_space<vmem>>, vector<16xf32>,
        tpu.vector_store %arg11[%swap3A_749, %swap3A_750, %swap3A_751], %mul3A_747 {strides = array<i32>} : memref<4x40x128xf32, #tpu.memory_space<vmem>>, vector<16xf32>,
        %get3A_753 = arith.constant 3 : i32
        %get3A_754 = arith.index_cast %get3A_753 : i32 to index
        %get3A_755 = arith.index_cast %add3A_491 : i32 to index
        %get3A_756 = arith.constant 80 : index
        %get3A_757 = tpu.vector_load %arg11[%get3A_754, %get3A_755, %get3A_756] {strides = array<i32>} : memref<4x40x128xf32, #tpu.memory_space<vmem>>, vector<16xf32>,
        %mul3A_758 = arith.mulf %get3A_757, %gather3A_501 : vector<16xf32>
        %swap3A_759 = arith.constant 3 : i32
        %swap3A_760 = arith.index_cast %swap3A_759 : i32 to index
        %swap3A_761 = arith.index_cast %add3A_491 : i32 to index
        %swap3A_762 = arith.constant 80 : index
        %swap3A_763 = tpu.vector_load %arg11[%swap3A_760, %swap3A_761, %swap3A_762] {strides = array<i32>} : memref<4x40x128xf32, #tpu.memory_space<vmem>>, vector<16xf32>,
        tpu.vector_store %arg11[%swap3A_760, %swap3A_761, %swap3A_762], %mul3A_758 {strides = array<i32>} : memref<4x40x128xf32, #tpu.memory_space<vmem>>, vector<16xf32>,
        %get3A_764 = arith.constant 3 : i32
        %get3A_765 = arith.index_cast %get3A_764 : i32 to index
        %get3A_766 = arith.index_cast %add3A_479 : i32 to index
        %get3A_767 = arith.constant 96 : index
        %get3A_768 = tpu.vector_load %arg11[%get3A_765, %get3A_766, %get3A_767] {strides = array<i32>} : memref<4x40x128xf32, #tpu.memory_space<vmem>>, vector<16xf32>,
        %mul3A_769 = arith.mulf %get3A_768, %gather3A : vector<16xf32>
        %swap3A_770 = arith.constant 3 : i32
        %swap3A_771 = arith.index_cast %swap3A_770 : i32 to index
        %swap3A_772 = arith.index_cast %add3A_479 : i32 to index
        %swap3A_773 = arith.constant 96 : index
        %swap3A_774 = tpu.vector_load %arg11[%swap3A_771, %swap3A_772, %swap3A_773] {strides = array<i32>} : memref<4x40x128xf32, #tpu.memory_space<vmem>>, vector<16xf32>,
        tpu.vector_store %arg11[%swap3A_771, %swap3A_772, %swap3A_773], %mul3A_769 {strides = array<i32>} : memref<4x40x128xf32, #tpu.memory_space<vmem>>, vector<16xf32>,
        %get3A_775 = arith.constant 3 : i32
        %get3A_776 = arith.index_cast %get3A_775 : i32 to index
        %get3A_777 = arith.index_cast %add3A_483 : i32 to index
        %get3A_778 = arith.constant 96 : index
        %get3A_779 = tpu.vector_load %arg11[%get3A_776, %get3A_777, %get3A_778] {strides = array<i32>} : memref<4x40x128xf32, #tpu.memory_space<vmem>>, vector<16xf32>,
        %mul3A_780 = arith.mulf %get3A_779, %gather3A_495 : vector<16xf32>
        %swap3A_781 = arith.constant 3 : i32
        %swap3A_782 = arith.index_cast %swap3A_781 : i32 to index
        %swap3A_783 = arith.index_cast %add3A_483 : i32 to index
        %swap3A_784 = arith.constant 96 : index
        %swap3A_785 = tpu.vector_load %arg11[%swap3A_782, %swap3A_783, %swap3A_784] {strides = array<i32>} : memref<4x40x128xf32, #tpu.memory_space<vmem>>, vector<16xf32>,
        tpu.vector_store %arg11[%swap3A_782, %swap3A_783, %swap3A_784], %mul3A_780 {strides = array<i32>} : memref<4x40x128xf32, #tpu.memory_space<vmem>>, vector<16xf32>,
        %get3A_786 = arith.constant 3 : i32
        %get3A_787 = arith.index_cast %get3A_786 : i32 to index
        %get3A_788 = arith.index_cast %add3A_487 : i32 to index
        %get3A_789 = arith.constant 96 : index
        %get3A_790 = tpu.vector_load %arg11[%get3A_787, %get3A_788, %get3A_789] {strides = array<i32>} : memref<4x40x128xf32, #tpu.memory_space<vmem>>, vector<16xf32>,
        %mul3A_791 = arith.mulf %get3A_790, %gather3A_498 : vector<16xf32>
        %swap3A_792 = arith.constant 3 : i32
        %swap3A_793 = arith.index_cast %swap3A_792 : i32 to index
        %swap3A_794 = arith.index_cast %add3A_487 : i32 to index
        %swap3A_795 = arith.constant 96 : index
        %swap3A_796 = tpu.vector_load %arg11[%swap3A_793, %swap3A_794, %swap3A_795] {strides = array<i32>} : memref<4x40x128xf32, #tpu.memory_space<vmem>>, vector<16xf32>,
        tpu.vector_store %arg11[%swap3A_793, %swap3A_794, %swap3A_795], %mul3A_791 {strides = array<i32>} : memref<4x40x128xf32, #tpu.memory_space<vmem>>, vector<16xf32>,
        %get3A_797 = arith.constant 3 : i32
        %get3A_798 = arith.index_cast %get3A_797 : i32 to index
        %get3A_799 = arith.index_cast %add3A_491 : i32 to index
        %get3A_800 = arith.constant 96 : index
        %get3A_801 = tpu.vector_load %arg11[%get3A_798, %get3A_799, %get3A_800] {strides = array<i32>} : memref<4x40x128xf32, #tpu.memory_space<vmem>>, vector<16xf32>,
        %mul3A_802 = arith.mulf %get3A_801, %gather3A_501 : vector<16xf32>
        %swap3A_803 = arith.constant 3 : i32
        %swap3A_804 = arith.index_cast %swap3A_803 : i32 to index
        %swap3A_805 = arith.index_cast %add3A_491 : i32 to index
        %swap3A_806 = arith.constant 96 : index
        %swap3A_807 = tpu.vector_load %arg11[%swap3A_804, %swap3A_805, %swap3A_806] {strides = array<i32>} : memref<4x40x128xf32, #tpu.memory_space<vmem>>, vector<16xf32>,
        tpu.vector_store %arg11[%swap3A_804, %swap3A_805, %swap3A_806], %mul3A_802 {strides = array<i32>} : memref<4x40x128xf32, #tpu.memory_space<vmem>>, vector<16xf32>,
        %get3A_808 = arith.constant 3 : i32
        %get3A_809 = arith.index_cast %get3A_808 : i32 to index
        %get3A_810 = arith.index_cast %add3A_479 : i32 to index
        %get3A_811 = arith.constant 112 : index
        %get3A_812 = tpu.vector_load %arg11[%get3A_809, %get3A_810, %get3A_811] {strides = array<i32>} : memref<4x40x128xf32, #tpu.memory_space<vmem>>, vector<16xf32>,
        %mul3A_813 = arith.mulf %get3A_812, %gather3A : vector<16xf32>
        %swap3A_814 = arith.constant 3 : i32
        %swap3A_815 = arith.index_cast %swap3A_814 : i32 to index
        %swap3A_816 = arith.index_cast %add3A_479 : i32 to index
        %swap3A_817 = arith.constant 112 : index
        %swap3A_818 = tpu.vector_load %arg11[%swap3A_815, %swap3A_816, %swap3A_817] {strides = array<i32>} : memref<4x40x128xf32, #tpu.memory_space<vmem>>, vector<16xf32>,
        tpu.vector_store %arg11[%swap3A_815, %swap3A_816, %swap3A_817], %mul3A_813 {strides = array<i32>} : memref<4x40x128xf32, #tpu.memory_space<vmem>>, vector<16xf32>,
        %get3A_819 = arith.constant 3 : i32
        %get3A_820 = arith.index_cast %get3A_819 : i32 to index
        %get3A_821 = arith.index_cast %add3A_483 : i32 to index
        %get3A_822 = arith.constant 112 : index
        %get3A_823 = tpu.vector_load %arg11[%get3A_820, %get3A_821, %get3A_822] {strides = array<i32>} : memref<4x40x128xf32, #tpu.memory_space<vmem>>, vector<16xf32>,
        %mul3A_824 = arith.mulf %get3A_823, %gather3A_495 : vector<16xf32>
        %swap3A_825 = arith.constant 3 : i32
        %swap3A_826 = arith.index_cast %swap3A_825 : i32 to index
        %swap3A_827 = arith.index_cast %add3A_483 : i32 to index
        %swap3A_828 = arith.constant 112 : index
        %swap3A_829 = tpu.vector_load %arg11[%swap3A_826, %swap3A_827, %swap3A_828] {strides = array<i32>} : memref<4x40x128xf32, #tpu.memory_space<vmem>>, vector<16xf32>,
        tpu.vector_store %arg11[%swap3A_826, %swap3A_827, %swap3A_828], %mul3A_824 {strides = array<i32>} : memref<4x40x128xf32, #tpu.memory_space<vmem>>, vector<16xf32>,
        %get3A_830 = arith.constant 3 : i32
        %get3A_831 = arith.index_cast %get3A_830 : i32 to index
        %get3A_832 = arith.index_cast %add3A_487 : i32 to index
        %get3A_833 = arith.constant 112 : index
        %get3A_834 = tpu.vector_load %arg11[%get3A_831, %get3A_832, %get3A_833] {strides = array<i32>} : memref<4x40x128xf32, #tpu.memory_space<vmem>>, vector<16xf32>,
        %mul3A_835 = arith.mulf %get3A_834, %gather3A_498 : vector<16xf32>
        %swap3A_836 = arith.constant 3 : i32
        %swap3A_837 = arith.index_cast %swap3A_836 : i32 to index
        %swap3A_838 = arith.index_cast %add3A_487 : i32 to index
        %swap3A_839 = arith.constant 112 : index
        %swap3A_840 = tpu.vector_load %arg11[%swap3A_837, %swap3A_838, %swap3A_839] {strides = array<i32>} : memref<4x40x128xf32, #tpu.memory_space<vmem>>, vector<16xf32>,
        tpu.vector_store %arg11[%swap3A_837, %swap3A_838, %swap3A_839], %mul3A_835 {strides = array<i32>} : memref<4x40x128xf32, #tpu.memory_space<vmem>>, vector<16xf32>,
        %get3A_841 = arith.constant 3 : i32
        %get3A_842 = arith.index_cast %get3A_841 : i32 to index
        %get3A_843 = arith.index_cast %add3A_491 : i32 to index
        %get3A_844 = arith.constant 112 : index
        %get3A_845 = tpu.vector_load %arg11[%get3A_842, %get3A_843, %get3A_844] {strides = array<i32>} : memref<4x40x128xf32, #tpu.memory_space<vmem>>, vector<16xf32>,
        %mul3A_846 = arith.mulf %get3A_845, %gather3A_501 : vector<16xf32>
        %swap3A_847 = arith.constant 3 : i32
        %swap3A_848 = arith.index_cast %swap3A_847 : i32 to index
        %swap3A_849 = arith.index_cast %add3A_491 : i32 to index
        %swap3A_850 = arith.constant 112 : index
        %swap3A_851 = tpu.vector_load %arg11[%swap3A_848, %swap3A_849, %swap3A_850] {strides = array<i32>} : memref<4x40x128xf32, #tpu.memory_space<vmem>>, vector<16xf32>,
        tpu.vector_store %arg11[%swap3A_848, %swap3A_849, %swap3A_850], %mul3A_846 {strides = array<i32>} : memref<4x40x128xf32, #tpu.memory_space<vmem>>, vector<16xf32>,
        %scan3A_852 = arith.constant 0 : i32
        scf.yield %scan3A_852 : i32
      }
      %scan3A_448 = arith.constant 10 : i32
      %mul3A_449 = arith.constant 40 : i32
      %mul3A_450 = arith.muli %add3A_416, %mul3A_449 : i32
      %add3A_451 = arith.addi %mul3A_2, %mul3A_450 : i32
      %dma_wait3A_452 = arith.constant 3 : i32
      %dma_wait3A_453 = arith.constant 0 : i32
      %dma_wait3A_454 = tpu.memref_slice %arg10[%dma_wait3A_452, %dma_wait3A_453] : memref<4x40xi32, #tpu.memory_space<vmem>> -> memref<1x40xi32, #tpu.memory_space<vmem>>
      %dma_wait3A_455 = tpu.memref_squeeze %dma_wait3A_454 : memref<1x40xi32, #tpu.memory_space<vmem>> -> memref<40xi32, #tpu.memory_space<vmem>>
      %dma_wait3A_456 = tpu.memref_slice %arg5[%add3A_451] : memref<320000xi32, #tpu.memory_space<hbm>> -> memref<40xi32, #tpu.memory_space<hbm>>
      %dma_wait3A_457 = arith.constant 0 : i32
      %dma_wait3A_458 = tpu.memref_slice %arg10[%dma_wait3A_452, %dma_wait3A_457] : memref<4x40xi32, #tpu.memory_space<vmem>> -> memref<1x40xi32, #tpu.memory_space<vmem>>
      %dma_wait3A_459 = tpu.memref_squeeze %dma_wait3A_458 : memref<1x40xi32, #tpu.memory_space<vmem>> -> memref<40xi32, #tpu.memory_space<vmem>>
      %dma_wait3A_460 = tpu.memref_slice %arg5[%add3A_451] : memref<320000xi32, #tpu.memory_space<hbm>> -> memref<40xi32, #tpu.memory_space<hbm>>
      tpu.wait_dma2 semaphore(%arg19 : memref<!tpu.dma_semaphore, #tpu.memory_space<semaphore_mem>>) src(%dma_wait3A_460 : memref<40xi32, #tpu.memory_space<hbm>>) dst(%dma_wait3A_459 : memref<40xi32, #tpu.memory_space<vmem>>)
      %dma_start3A_461 = arith.constant 3 : i32
      %dma_start3A_462 = arith.constant 3 : i32
      %dma_start3A_463 = arith.constant 0 : i32
      %dma_start3A_464 = arith.constant 0 : i32
      %dma_start3A_465 = tpu.memref_slice %arg11[%dma_start3A_461, %dma_start3A_463, %dma_start3A_464] : memref<4x40x128xf32, #tpu.memory_space<vmem>> -> memref<1x40x128xf32, #tpu.memory_space<vmem>>
      %dma_start3A_466 = tpu.memref_squeeze %dma_start3A_465 : memref<1x40x128xf32, #tpu.memory_space<vmem>> -> memref<40x128xf32, #tpu.memory_space<vmem>>
      %dma_start3A_467 = arith.constant 0 : i32
      %dma_start3A_468 = tpu.memref_slice %arg10[%dma_start3A_462, %dma_start3A_467] : memref<4x40xi32, #tpu.memory_space<vmem>> -> memref<1x40xi32, #tpu.memory_space<vmem>>
      %dma_start3A_469 = tpu.memref_squeeze %dma_start3A_468 : memref<1x40xi32, #tpu.memory_space<vmem>> -> memref<40xi32, #tpu.memory_space<vmem>>
      %dma_start3A_470 = arith.constant 0 : i32
      %dma_start3A_471 = arith.constant 0 : i32
      %dma_start3A_472 = tpu.memref_slice %arg7[%dma_start3A_470, %dma_start3A_471] : memref<10000x128xf32, #tpu.memory_space<vmem_shared>> -> memref<10000x128xf32, #tpu.memory_space<vmem_shared>>
      tpu.enqueue_indirect_dma source(%dma_start3A_466 : memref<40x128xf32, #tpu.memory_space<vmem>>) target(%dma_start3A_472 : memref<10000x128xf32, #tpu.memory_space<vmem_shared>>) offsets(%dma_start3A_469 : memref<40xi32, #tpu.memory_space<vmem>>) semaphore(%arg23 : memref<!tpu.dma_semaphore, #tpu.memory_space<semaphore_mem>>) {add = true}
      %scan3A_473 = arith.constant 0 : i32
      scf.yield %scan3A_473 : i32
    }
    %scan3A_81 = arith.constant 62 : i32
    %dma_wait3A = arith.constant 2 : i32
    %dma_wait3A_82 = arith.constant 2 : i32
    %dma_wait3A_83 = arith.constant 0 : i32
    %dma_wait3A_84 = arith.constant 0 : i32
    %dma_wait3A_85 = tpu.memref_slice %arg11[%dma_wait3A, %dma_wait3A_83, %dma_wait3A_84] : memref<4x40x128xf32, #tpu.memory_space<vmem>> -> memref<1x40x128xf32, #tpu.memory_space<vmem>>
    %dma_wait3A_86 = tpu.memref_squeeze %dma_wait3A_85 : memref<1x40x128xf32, #tpu.memory_space<vmem>> -> memref<40x128xf32, #tpu.memory_space<vmem>>
    %dma_wait3A_87 = arith.constant 0 : i32
    %dma_wait3A_88 = tpu.memref_slice %arg10[%dma_wait3A_82, %dma_wait3A_87] : memref<4x40xi32, #tpu.memory_space<vmem>> -> memref<1x40xi32, #tpu.memory_space<vmem>>
    %dma_wait3A_89 = tpu.memref_squeeze %dma_wait3A_88 : memref<1x40xi32, #tpu.memory_space<vmem>> -> memref<40xi32, #tpu.memory_space<vmem>>
    %dma_wait3A_90 = arith.constant 0 : i32
    %dma_wait3A_91 = arith.constant 0 : i32
    %dma_wait3A_92 = tpu.memref_slice %arg7[%dma_wait3A_90, %dma_wait3A_91] : memref<10000x128xf32, #tpu.memory_space<vmem_shared>> -> memref<10000x128xf32, #tpu.memory_space<vmem_shared>>
    tpu.wait_indirect_dma semaphore(%arg22 : memref<!tpu.dma_semaphore, #tpu.memory_space<semaphore_mem>>) src(%dma_wait3A_86 : memref<40x128xf32, #tpu.memory_space<vmem>>) dst(%dma_wait3A_92 : memref<10000x128xf32, #tpu.memory_space<vmem_shared>>)
    %dma_wait3A_93 = arith.constant 0 : i32
    %dma_wait3A_94 = arith.constant 0 : i32
    %dma_wait3A_95 = arith.constant 0 : i32
    %dma_wait3A_96 = tpu.memref_slice %arg11[%dma_wait3A_93, %dma_wait3A_94, %dma_wait3A_95] : memref<4x40x128xf32, #tpu.memory_space<vmem>> -> memref<1x40x128xf32, #tpu.memory_space<vmem>>
    %dma_wait3A_97 = tpu.memref_squeeze %dma_wait3A_96 : memref<1x40x128xf32, #tpu.memory_space<vmem>> -> memref<40x128xf32, #tpu.memory_space<vmem>>
    %dma_wait3A_98 = arith.constant 9920 : i32
    %dma_wait3A_99 = tpu.memref_slice %arg8[%dma_wait3A_98] : memref<10000xi32, #tpu.memory_space<vmem>> -> memref<40xi32, #tpu.memory_space<vmem>>
    %dma_wait3A_100 = arith.constant 0 : i32
    %dma_wait3A_101 = arith.constant 0 : i32
    %dma_wait3A_102 = tpu.memref_slice %arg2[%dma_wait3A_100, %dma_wait3A_101] : memref<10000x128xf32, #tpu.memory_space<hbm>> -> memref<10000x128xf32, #tpu.memory_space<hbm>>
    tpu.wait_indirect_dma semaphore(%arg12 : memref<!tpu.dma_semaphore, #tpu.memory_space<semaphore_mem>>) src(%dma_wait3A_102 : memref<10000x128xf32, #tpu.memory_space<hbm>>) dst(%dma_wait3A_97 : memref<40x128xf32, #tpu.memory_space<vmem>>)
    %scan3A_103 = arith.constant 0 : i32
    %scan3A_104 = arith.constant 0 : i32
    %scan3A_105 = arith.constant 10 : i32
    %scan3A_106 = arith.addi %scan3A_104, %scan3A_105 : i32
    %scan3A_107 = arith.constant 1 : i32
    %scan3A_108 = scf.for %scan3A_234 = %scan3A_104 to %scan3A_106 step %scan3A_107 iter_args(%scan3A_235 = %scan3A_103) -> (i32)  : i32 {
      %mul3A_236 = arith.constant 4 : i32
      %mul3A_237 = arith.muli %mul3A_236, %scan3A_234 : i32
      %add3A_238 = arith.constant 0 : i32
      %add3A_239 = arith.addi %mul3A_237, %add3A_238 : i32
      %mul3A_240 = arith.constant 4 : i32
      %mul3A_241 = arith.muli %mul3A_240, %scan3A_234 : i32
      %add3A_242 = arith.constant 1 : i32
      %add3A_243 = arith.addi %mul3A_241, %add3A_242 : i32
      %mul3A_244 = arith.constant 4 : i32
      %mul3A_245 = arith.muli %mul3A_244, %scan3A_234 : i32
      %add3A_246 = arith.constant 2 : i32
      %add3A_247 = arith.addi %mul3A_245, %add3A_246 : i32
      %mul3A_248 = arith.constant 4 : i32
      %mul3A_249 = arith.muli %mul3A_248, %scan3A_234 : i32
      %add3A_250 = arith.constant 3 : i32
      %add3A_251 = arith.addi %mul3A_249, %add3A_250 : i32
      %add3A_252 = arith.constant 9920 : i32
      %add3A_253 = arith.addi %add3A_252, %add3A_239 : i32
      %broadcast_in_dim3A = vector.broadcast %add3A_253 : i32 to vector<16xi32>
      %gather3A = tpu.vector_load_idx %arg9[%broadcast_in_dim3A] : memref<10000xf32, #tpu.memory_space<vmem>>[vector<16xi32>], vector<16xf32>,
      %add3A_254 = arith.constant 9920 : i32
      %add3A_255 = arith.addi %add3A_254, %add3A_243 : i32
      %broadcast_in_dim3A_256 = vector.broadcast %add3A_255 : i32 to vector<16xi32>
      %gather3A_257 = tpu.vector_load_idx %arg9[%broadcast_in_dim3A_256] : memref<10000xf32, #tpu.memory_space<vmem>>[vector<16xi32>], vector<16xf32>,
      %add3A_258 = arith.constant 9920 : i32
      %add3A_259 = arith.addi %add3A_258, %add3A_247 : i32
      %broadcast_in_dim3A_260 = vector.broadcast %add3A_259 : i32 to vector<16xi32>
      %gather3A_261 = tpu.vector_load_idx %arg9[%broadcast_in_dim3A_260] : memref<10000xf32, #tpu.memory_space<vmem>>[vector<16xi32>], vector<16xf32>,
      %add3A_262 = arith.constant 9920 : i32
      %add3A_263 = arith.addi %add3A_262, %add3A_251 : i32
      %broadcast_in_dim3A_264 = vector.broadcast %add3A_263 : i32 to vector<16xi32>
      %gather3A_265 = tpu.vector_load_idx %arg9[%broadcast_in_dim3A_264] : memref<10000xf32, #tpu.memory_space<vmem>>[vector<16xi32>], vector<16xf32>,
      %get3A = arith.constant 0 : i32
      %get3A_266 = arith.index_cast %get3A : i32 to index
      %get3A_267 = arith.index_cast %add3A_239 : i32 to index
      %get3A_268 = arith.constant 0 : index
      %get3A_269 = tpu.vector_load %arg11[%get3A_266, %get3A_267, %get3A_268] {strides = array<i32>} : memref<4x40x128xf32, #tpu.memory_space<vmem>>, vector<16xf32>,
      %mul3A_270 = arith.mulf %get3A_269, %gather3A : vector<16xf32>
      %swap3A = arith.constant 0 : i32
      %swap3A_271 = arith.index_cast %swap3A : i32 to index
      %swap3A_272 = arith.index_cast %add3A_239 : i32 to index
      %swap3A_273 = arith.constant 0 : index
      %swap3A_274 = tpu.vector_load %arg11[%swap3A_271, %swap3A_272, %swap3A_273] {strides = array<i32>} : memref<4x40x128xf32, #tpu.memory_space<vmem>>, vector<16xf32>,
      tpu.vector_store %arg11[%swap3A_271, %swap3A_272, %swap3A_273], %mul3A_270 {strides = array<i32>} : memref<4x40x128xf32, #tpu.memory_space<vmem>>, vector<16xf32>,
      %get3A_275 = arith.constant 0 : i32
      %get3A_276 = arith.index_cast %get3A_275 : i32 to index
      %get3A_277 = arith.index_cast %add3A_243 : i32 to index
      %get3A_278 = arith.constant 0 : index
      %get3A_279 = tpu.vector_load %arg11[%get3A_276, %get3A_277, %get3A_278] {strides = array<i32>} : memref<4x40x128xf32, #tpu.memory_space<vmem>>, vector<16xf32>,
      %mul3A_280 = arith.mulf %get3A_279, %gather3A_257 : vector<16xf32>
      %swap3A_281 = arith.constant 0 : i32
      %swap3A_282 = arith.index_cast %swap3A_281 : i32 to index
      %swap3A_283 = arith.index_cast %add3A_243 : i32 to index
      %swap3A_284 = arith.constant 0 : index
      %swap3A_285 = tpu.vector_load %arg11[%swap3A_282, %swap3A_283, %swap3A_284] {strides = array<i32>} : memref<4x40x128xf32, #tpu.memory_space<vmem>>, vector<16xf32>,
      tpu.vector_store %arg11[%swap3A_282, %swap3A_283, %swap3A_284], %mul3A_280 {strides = array<i32>} : memref<4x40x128xf32, #tpu.memory_space<vmem>>, vector<16xf32>,
      %get3A_286 = arith.constant 0 : i32
      %get3A_287 = arith.index_cast %get3A_286 : i32 to index
      %get3A_288 = arith.index_cast %add3A_247 : i32 to index
      %get3A_289 = arith.constant 0 : index
      %get3A_290 = tpu.vector_load %arg11[%get3A_287, %get3A_288, %get3A_289] {strides = array<i32>} : memref<4x40x128xf32, #tpu.memory_space<vmem>>, vector<16xf32>,
      %mul3A_291 = arith.mulf %get3A_290, %gather3A_261 : vector<16xf32>
      %swap3A_292 = arith.constant 0 : i32
      %swap3A_293 = arith.index_cast %swap3A_292 : i32 to index
      %swap3A_294 = arith.index_cast %add3A_247 : i32 to index
      %swap3A_295 = arith.constant 0 : index
      %swap3A_296 = tpu.vector_load %arg11[%swap3A_293, %swap3A_294, %swap3A_295] {strides = array<i32>} : memref<4x40x128xf32, #tpu.memory_space<vmem>>, vector<16xf32>,
      tpu.vector_store %arg11[%swap3A_293, %swap3A_294, %swap3A_295], %mul3A_291 {strides = array<i32>} : memref<4x40x128xf32, #tpu.memory_space<vmem>>, vector<16xf32>,
      %get3A_297 = arith.constant 0 : i32
      %get3A_298 = arith.index_cast %get3A_297 : i32 to index
      %get3A_299 = arith.index_cast %add3A_251 : i32 to index
      %get3A_300 = arith.constant 0 : index
      %get3A_301 = tpu.vector_load %arg11[%get3A_298, %get3A_299, %get3A_300] {strides = array<i32>} : memref<4x40x128xf32, #tpu.memory_space<vmem>>, vector<16xf32>,
      %mul3A_302 = arith.mulf %get3A_301, %gather3A_265 : vector<16xf32>
      %swap3A_303 = arith.constant 0 : i32
      %swap3A_304 = arith.index_cast %swap3A_303 : i32 to index
      %swap3A_305 = arith.index_cast %add3A_251 : i32 to index
      %swap3A_306 = arith.constant 0 : index
      %swap3A_307 = tpu.vector_load %arg11[%swap3A_304, %swap3A_305, %swap3A_306] {strides = array<i32>} : memref<4x40x128xf32, #tpu.memory_space<vmem>>, vector<16xf32>,
      tpu.vector_store %arg11[%swap3A_304, %swap3A_305, %swap3A_306], %mul3A_302 {strides = array<i32>} : memref<4x40x128xf32, #tpu.memory_space<vmem>>, vector<16xf32>,
      %get3A_308 = arith.constant 0 : i32
      %get3A_309 = arith.index_cast %get3A_308 : i32 to index
      %get3A_310 = arith.index_cast %add3A_239 : i32 to index
      %get3A_311 = arith.constant 16 : index
      %get3A_312 = tpu.vector_load %arg11[%get3A_309, %get3A_310, %get3A_311] {strides = array<i32>} : memref<4x40x128xf32, #tpu.memory_space<vmem>>, vector<16xf32>,
      %mul3A_313 = arith.mulf %get3A_312, %gather3A : vector<16xf32>
      %swap3A_314 = arith.constant 0 : i32
      %swap3A_315 = arith.index_cast %swap3A_314 : i32 to index
      %swap3A_316 = arith.index_cast %add3A_239 : i32 to index
      %swap3A_317 = arith.constant 16 : index
      %swap3A_318 = tpu.vector_load %arg11[%swap3A_315, %swap3A_316, %swap3A_317] {strides = array<i32>} : memref<4x40x128xf32, #tpu.memory_space<vmem>>, vector<16xf32>,
      tpu.vector_store %arg11[%swap3A_315, %swap3A_316, %swap3A_317], %mul3A_313 {strides = array<i32>} : memref<4x40x128xf32, #tpu.memory_space<vmem>>, vector<16xf32>,
      %get3A_319 = arith.constant 0 : i32
      %get3A_320 = arith.index_cast %get3A_319 : i32 to index
      %get3A_321 = arith.index_cast %add3A_243 : i32 to index
      %get3A_322 = arith.constant 16 : index
      %get3A_323 = tpu.vector_load %arg11[%get3A_320, %get3A_321, %get3A_322] {strides = array<i32>} : memref<4x40x128xf32, #tpu.memory_space<vmem>>, vector<16xf32>,
      %mul3A_324 = arith.mulf %get3A_323, %gather3A_257 : vector<16xf32>
      %swap3A_325 = arith.constant 0 : i32
      %swap3A_326 = arith.index_cast %swap3A_325 : i32 to index
      %swap3A_327 = arith.index_cast %add3A_243 : i32 to index
      %swap3A_328 = arith.constant 16 : index
      %swap3A_329 = tpu.vector_load %arg11[%swap3A_326, %swap3A_327, %swap3A_328] {strides = array<i32>} : memref<4x40x128xf32, #tpu.memory_space<vmem>>, vector<16xf32>,
      tpu.vector_store %arg11[%swap3A_326, %swap3A_327, %swap3A_328], %mul3A_324 {strides = array<i32>} : memref<4x40x128xf32, #tpu.memory_space<vmem>>, vector<16xf32>,
      %get3A_330 = arith.constant 0 : i32
      %get3A_331 = arith.index_cast %get3A_330 : i32 to index
      %get3A_332 = arith.index_cast %add3A_247 : i32 to index
      %get3A_333 = arith.constant 16 : index
      %get3A_334 = tpu.vector_load %arg11[%get3A_331, %get3A_332, %get3A_333] {strides = array<i32>} : memref<4x40x128xf32, #tpu.memory_space<vmem>>, vector<16xf32>,
      %mul3A_335 = arith.mulf %get3A_334, %gather3A_261 : vector<16xf32>
      %swap3A_336 = arith.constant 0 : i32
      %swap3A_337 = arith.index_cast %swap3A_336 : i32 to index
      %swap3A_338 = arith.index_cast %add3A_247 : i32 to index
      %swap3A_339 = arith.constant 16 : index
      %swap3A_340 = tpu.vector_load %arg11[%swap3A_337, %swap3A_338, %swap3A_339] {strides = array<i32>} : memref<4x40x128xf32, #tpu.memory_space<vmem>>, vector<16xf32>,
      tpu.vector_store %arg11[%swap3A_337, %swap3A_338, %swap3A_339], %mul3A_335 {strides = array<i32>} : memref<4x40x128xf32, #tpu.memory_space<vmem>>, vector<16xf32>,
      %get3A_341 = arith.constant 0 : i32
      %get3A_342 = arith.index_cast %get3A_341 : i32 to index
      %get3A_343 = arith.index_cast %add3A_251 : i32 to index
      %get3A_344 = arith.constant 16 : index
      %get3A_345 = tpu.vector_load %arg11[%get3A_342, %get3A_343, %get3A_344] {strides = array<i32>} : memref<4x40x128xf32, #tpu.memory_space<vmem>>, vector<16xf32>,
      %mul3A_346 = arith.mulf %get3A_345, %gather3A_265 : vector<16xf32>
      %swap3A_347 = arith.constant 0 : i32
      %swap3A_348 = arith.index_cast %swap3A_347 : i32 to index
      %swap3A_349 = arith.index_cast %add3A_251 : i32 to index
      %swap3A_350 = arith.constant 16 : index
      %swap3A_351 = tpu.vector_load %arg11[%swap3A_348, %swap3A_349, %swap3A_350] {strides = array<i32>} : memref<4x40x128xf32, #tpu.memory_space<vmem>>, vector<16xf32>,
      tpu.vector_store %arg11[%swap3A_348, %swap3A_349, %swap3A_350], %mul3A_346 {strides = array<i32>} : memref<4x40x128xf32, #tpu.memory_space<vmem>>, vector<16xf32>,
      %get3A_352 = arith.constant 0 : i32
      %get3A_353 = arith.index_cast %get3A_352 : i32 to index
      %get3A_354 = arith.index_cast %add3A_239 : i32 to index
      %get3A_355 = arith.constant 32 : index
      %get3A_356 = tpu.vector_load %arg11[%get3A_353, %get3A_354, %get3A_355] {strides = array<i32>} : memref<4x40x128xf32, #tpu.memory_space<vmem>>, vector<16xf32>,
      %mul3A_357 = arith.mulf %get3A_356, %gather3A : vector<16xf32>
      %swap3A_358 = arith.constant 0 : i32
      %swap3A_359 = arith.index_cast %swap3A_358 : i32 to index
      %swap3A_360 = arith.index_cast %add3A_239 : i32 to index
      %swap3A_361 = arith.constant 32 : index
      %swap3A_362 = tpu.vector_load %arg11[%swap3A_359, %swap3A_360, %swap3A_361] {strides = array<i32>} : memref<4x40x128xf32, #tpu.memory_space<vmem>>, vector<16xf32>,
      tpu.vector_store %arg11[%swap3A_359, %swap3A_360, %swap3A_361], %mul3A_357 {strides = array<i32>} : memref<4x40x128xf32, #tpu.memory_space<vmem>>, vector<16xf32>,
      %get3A_363 = arith.constant 0 : i32
      %get3A_364 = arith.index_cast %get3A_363 : i32 to index
      %get3A_365 = arith.index_cast %add3A_243 : i32 to index
      %get3A_366 = arith.constant 32 : index
      %get3A_367 = tpu.vector_load %arg11[%get3A_364, %get3A_365, %get3A_366] {strides = array<i32>} : memref<4x40x128xf32, #tpu.memory_space<vmem>>, vector<16xf32>,
      %mul3A_368 = arith.mulf %get3A_367, %gather3A_257 : vector<16xf32>
      %swap3A_369 = arith.constant 0 : i32
      %swap3A_370 = arith.index_cast %swap3A_369 : i32 to index
      %swap3A_371 = arith.index_cast %add3A_243 : i32 to index
      %swap3A_372 = arith.constant 32 : index
      %swap3A_373 = tpu.vector_load %arg11[%swap3A_370, %swap3A_371, %swap3A_372] {strides = array<i32>} : memref<4x40x128xf32, #tpu.memory_space<vmem>>, vector<16xf32>,
      tpu.vector_store %arg11[%swap3A_370, %swap3A_371, %swap3A_372], %mul3A_368 {strides = array<i32>} : memref<4x40x128xf32, #tpu.memory_space<vmem>>, vector<16xf32>,
      %get3A_374 = arith.constant 0 : i32
      %get3A_375 = arith.index_cast %get3A_374 : i32 to index
      %get3A_376 = arith.index_cast %add3A_247 : i32 to index
      %get3A_377 = arith.constant 32 : index
      %get3A_378 = tpu.vector_load %arg11[%get3A_375, %get3A_376, %get3A_377] {strides = array<i32>} : memref<4x40x128xf32, #tpu.memory_space<vmem>>, vector<16xf32>,
      %mul3A_379 = arith.mulf %get3A_378, %gather3A_261 : vector<16xf32>
      %swap3A_380 = arith.constant 0 : i32
      %swap3A_381 = arith.index_cast %swap3A_380 : i32 to index
      %swap3A_382 = arith.index_cast %add3A_247 : i32 to index
      %swap3A_383 = arith.constant 32 : index
      %swap3A_384 = tpu.vector_load %arg11[%swap3A_381, %swap3A_382, %swap3A_383] {strides = array<i32>} : memref<4x40x128xf32, #tpu.memory_space<vmem>>, vector<16xf32>,
      tpu.vector_store %arg11[%swap3A_381, %swap3A_382, %swap3A_383], %mul3A_379 {strides = array<i32>} : memref<4x40x128xf32, #tpu.memory_space<vmem>>, vector<16xf32>,
      %get3A_385 = arith.constant 0 : i32
      %get3A_386 = arith.index_cast %get3A_385 : i32 to index
      %get3A_387 = arith.index_cast %add3A_251 : i32 to index
      %get3A_388 = arith.constant 32 : index
      %get3A_389 = tpu.vector_load %arg11[%get3A_386, %get3A_387, %get3A_388] {strides = array<i32>} : memref<4x40x128xf32, #tpu.memory_space<vmem>>, vector<16xf32>,
      %mul3A_390 = arith.mulf %get3A_389, %gather3A_265 : vector<16xf32>
      %swap3A_391 = arith.constant 0 : i32
      %swap3A_392 = arith.index_cast %swap3A_391 : i32 to index
      %swap3A_393 = arith.index_cast %add3A_251 : i32 to index
      %swap3A_394 = arith.constant 32 : index
      %swap3A_395 = tpu.vector_load %arg11[%swap3A_392, %swap3A_393, %swap3A_394] {strides = array<i32>} : memref<4x40x128xf32, #tpu.memory_space<vmem>>, vector<16xf32>,
      tpu.vector_store %arg11[%swap3A_392, %swap3A_393, %swap3A_394], %mul3A_390 {strides = array<i32>} : memref<4x40x128xf32, #tpu.memory_space<vmem>>, vector<16xf32>,
      %get3A_396 = arith.constant 0 : i32
      %get3A_397 = arith.index_cast %get3A_396 : i32 to index
      %get3A_398 = arith.index_cast %add3A_239 : i32 to index
      %get3A_399 = arith.constant 48 : index
      %get3A_400 = tpu.vector_load %arg11[%get3A_397, %get3A_398, %get3A_399] {strides = array<i32>} : memref<4x40x128xf32, #tpu.memory_space<vmem>>, vector<16xf32>,
      %mul3A_401 = arith.mulf %get3A_400, %gather3A : vector<16xf32>
      %swap3A_402 = arith.constant 0 : i32
      %swap3A_403 = arith.index_cast %swap3A_402 : i32 to index
      %swap3A_404 = arith.index_cast %add3A_239 : i32 to index
      %swap3A_405 = arith.constant 48 : index
      %swap3A_406 = tpu.vector_load %arg11[%swap3A_403, %swap3A_404, %swap3A_405] {strides = array<i32>} : memref<4x40x128xf32, #tpu.memory_space<vmem>>, vector<16xf32>,
      tpu.vector_store %arg11[%swap3A_403, %swap3A_404, %swap3A_405], %mul3A_401 {strides = array<i32>} : memref<4x40x128xf32, #tpu.memory_space<vmem>>, vector<16xf32>,
      %get3A_407 = arith.constant 0 : i32
      %get3A_408 = arith.index_cast %get3A_407 : i32 to index
      %get3A_409 = arith.index_cast %add3A_243 : i32 to index
      %get3A_410 = arith.constant 48 : index
      %get3A_411 = tpu.vector_load %arg11[%get3A_408, %get3A_409, %get3A_410] {strides = array<i32>} : memref<4x40x128xf32, #tpu.memory_space<vmem>>, vector<16xf32>,
      %mul3A_412 = arith.mulf %get3A_411, %gather3A_257 : vector<16xf32>
      %swap3A_413 = arith.constant 0 : i32
      %swap3A_414 = arith.index_cast %swap3A_413 : i32 to index
      %swap3A_415 = arith.index_cast %add3A_243 : i32 to index
      %swap3A_416 = arith.constant 48 : index
      %swap3A_417 = tpu.vector_load %arg11[%swap3A_414, %swap3A_415, %swap3A_416] {strides = array<i32>} : memref<4x40x128xf32, #tpu.memory_space<vmem>>, vector<16xf32>,
      tpu.vector_store %arg11[%swap3A_414, %swap3A_415, %swap3A_416], %mul3A_412 {strides = array<i32>} : memref<4x40x128xf32, #tpu.memory_space<vmem>>, vector<16xf32>,
      %get3A_418 = arith.constant 0 : i32
      %get3A_419 = arith.index_cast %get3A_418 : i32 to index
      %get3A_420 = arith.index_cast %add3A_247 : i32 to index
      %get3A_421 = arith.constant 48 : index
      %get3A_422 = tpu.vector_load %arg11[%get3A_419, %get3A_420, %get3A_421] {strides = array<i32>} : memref<4x40x128xf32, #tpu.memory_space<vmem>>, vector<16xf32>,
      %mul3A_423 = arith.mulf %get3A_422, %gather3A_261 : vector<16xf32>
      %swap3A_424 = arith.constant 0 : i32
      %swap3A_425 = arith.index_cast %swap3A_424 : i32 to index
      %swap3A_426 = arith.index_cast %add3A_247 : i32 to index
      %swap3A_427 = arith.constant 48 : index
      %swap3A_428 = tpu.vector_load %arg11[%swap3A_425, %swap3A_426, %swap3A_427] {strides = array<i32>} : memref<4x40x128xf32, #tpu.memory_space<vmem>>, vector<16xf32>,
      tpu.vector_store %arg11[%swap3A_425, %swap3A_426, %swap3A_427], %mul3A_423 {strides = array<i32>} : memref<4x40x128xf32, #tpu.memory_space<vmem>>, vector<16xf32>,
      %get3A_429 = arith.constant 0 : i32
      %get3A_430 = arith.index_cast %get3A_429 : i32 to index
      %get3A_431 = arith.index_cast %add3A_251 : i32 to index
      %get3A_432 = arith.constant 48 : index
      %get3A_433 = tpu.vector_load %arg11[%get3A_430, %get3A_431, %get3A_432] {strides = array<i32>} : memref<4x40x128xf32, #tpu.memory_space<vmem>>, vector<16xf32>,
      %mul3A_434 = arith.mulf %get3A_433, %gather3A_265 : vector<16xf32>
      %swap3A_435 = arith.constant 0 : i32
      %swap3A_436 = arith.index_cast %swap3A_435 : i32 to index
      %swap3A_437 = arith.index_cast %add3A_251 : i32 to index
      %swap3A_438 = arith.constant 48 : index
      %swap3A_439 = tpu.vector_load %arg11[%swap3A_436, %swap3A_437, %swap3A_438] {strides = array<i32>} : memref<4x40x128xf32, #tpu.memory_space<vmem>>, vector<16xf32>,
      tpu.vector_store %arg11[%swap3A_436, %swap3A_437, %swap3A_438], %mul3A_434 {strides = array<i32>} : memref<4x40x128xf32, #tpu.memory_space<vmem>>, vector<16xf32>,
      %get3A_440 = arith.constant 0 : i32
      %get3A_441 = arith.index_cast %get3A_440 : i32 to index
      %get3A_442 = arith.index_cast %add3A_239 : i32 to index
      %get3A_443 = arith.constant 64 : index
      %get3A_444 = tpu.vector_load %arg11[%get3A_441, %get3A_442, %get3A_443] {strides = array<i32>} : memref<4x40x128xf32, #tpu.memory_space<vmem>>, vector<16xf32>,
      %mul3A_445 = arith.mulf %get3A_444, %gather3A : vector<16xf32>
      %swap3A_446 = arith.constant 0 : i32
      %swap3A_447 = arith.index_cast %swap3A_446 : i32 to index
      %swap3A_448 = arith.index_cast %add3A_239 : i32 to index
      %swap3A_449 = arith.constant 64 : index
      %swap3A_450 = tpu.vector_load %arg11[%swap3A_447, %swap3A_448, %swap3A_449] {strides = array<i32>} : memref<4x40x128xf32, #tpu.memory_space<vmem>>, vector<16xf32>,
      tpu.vector_store %arg11[%swap3A_447, %swap3A_448, %swap3A_449], %mul3A_445 {strides = array<i32>} : memref<4x40x128xf32, #tpu.memory_space<vmem>>, vector<16xf32>,
      %get3A_451 = arith.constant 0 : i32
      %get3A_452 = arith.index_cast %get3A_451 : i32 to index
      %get3A_453 = arith.index_cast %add3A_243 : i32 to index
      %get3A_454 = arith.constant 64 : index
      %get3A_455 = tpu.vector_load %arg11[%get3A_452, %get3A_453, %get3A_454] {strides = array<i32>} : memref<4x40x128xf32, #tpu.memory_space<vmem>>, vector<16xf32>,
      %mul3A_456 = arith.mulf %get3A_455, %gather3A_257 : vector<16xf32>
      %swap3A_457 = arith.constant 0 : i32
      %swap3A_458 = arith.index_cast %swap3A_457 : i32 to index
      %swap3A_459 = arith.index_cast %add3A_243 : i32 to index
      %swap3A_460 = arith.constant 64 : index
      %swap3A_461 = tpu.vector_load %arg11[%swap3A_458, %swap3A_459, %swap3A_460] {strides = array<i32>} : memref<4x40x128xf32, #tpu.memory_space<vmem>>, vector<16xf32>,
      tpu.vector_store %arg11[%swap3A_458, %swap3A_459, %swap3A_460], %mul3A_456 {strides = array<i32>} : memref<4x40x128xf32, #tpu.memory_space<vmem>>, vector<16xf32>,
      %get3A_462 = arith.constant 0 : i32
      %get3A_463 = arith.index_cast %get3A_462 : i32 to index
      %get3A_464 = arith.index_cast %add3A_247 : i32 to index
      %get3A_465 = arith.constant 64 : index
      %get3A_466 = tpu.vector_load %arg11[%get3A_463, %get3A_464, %get3A_465] {strides = array<i32>} : memref<4x40x128xf32, #tpu.memory_space<vmem>>, vector<16xf32>,
      %mul3A_467 = arith.mulf %get3A_466, %gather3A_261 : vector<16xf32>
      %swap3A_468 = arith.constant 0 : i32
      %swap3A_469 = arith.index_cast %swap3A_468 : i32 to index
      %swap3A_470 = arith.index_cast %add3A_247 : i32 to index
      %swap3A_471 = arith.constant 64 : index
      %swap3A_472 = tpu.vector_load %arg11[%swap3A_469, %swap3A_470, %swap3A_471] {strides = array<i32>} : memref<4x40x128xf32, #tpu.memory_space<vmem>>, vector<16xf32>,
      tpu.vector_store %arg11[%swap3A_469, %swap3A_470, %swap3A_471], %mul3A_467 {strides = array<i32>} : memref<4x40x128xf32, #tpu.memory_space<vmem>>, vector<16xf32>,
      %get3A_473 = arith.constant 0 : i32
      %get3A_474 = arith.index_cast %get3A_473 : i32 to index
      %get3A_475 = arith.index_cast %add3A_251 : i32 to index
      %get3A_476 = arith.constant 64 : index
      %get3A_477 = tpu.vector_load %arg11[%get3A_474, %get3A_475, %get3A_476] {strides = array<i32>} : memref<4x40x128xf32, #tpu.memory_space<vmem>>, vector<16xf32>,
      %mul3A_478 = arith.mulf %get3A_477, %gather3A_265 : vector<16xf32>
      %swap3A_479 = arith.constant 0 : i32
      %swap3A_480 = arith.index_cast %swap3A_479 : i32 to index
      %swap3A_481 = arith.index_cast %add3A_251 : i32 to index
      %swap3A_482 = arith.constant 64 : index
      %swap3A_483 = tpu.vector_load %arg11[%swap3A_480, %swap3A_481, %swap3A_482] {strides = array<i32>} : memref<4x40x128xf32, #tpu.memory_space<vmem>>, vector<16xf32>,
      tpu.vector_store %arg11[%swap3A_480, %swap3A_481, %swap3A_482], %mul3A_478 {strides = array<i32>} : memref<4x40x128xf32, #tpu.memory_space<vmem>>, vector<16xf32>,
      %get3A_484 = arith.constant 0 : i32
      %get3A_485 = arith.index_cast %get3A_484 : i32 to index
      %get3A_486 = arith.index_cast %add3A_239 : i32 to index
      %get3A_487 = arith.constant 80 : index
      %get3A_488 = tpu.vector_load %arg11[%get3A_485, %get3A_486, %get3A_487] {strides = array<i32>} : memref<4x40x128xf32, #tpu.memory_space<vmem>>, vector<16xf32>,
      %mul3A_489 = arith.mulf %get3A_488, %gather3A : vector<16xf32>
      %swap3A_490 = arith.constant 0 : i32
      %swap3A_491 = arith.index_cast %swap3A_490 : i32 to index
      %swap3A_492 = arith.index_cast %add3A_239 : i32 to index
      %swap3A_493 = arith.constant 80 : index
      %swap3A_494 = tpu.vector_load %arg11[%swap3A_491, %swap3A_492, %swap3A_493] {strides = array<i32>} : memref<4x40x128xf32, #tpu.memory_space<vmem>>, vector<16xf32>,
      tpu.vector_store %arg11[%swap3A_491, %swap3A_492, %swap3A_493], %mul3A_489 {strides = array<i32>} : memref<4x40x128xf32, #tpu.memory_space<vmem>>, vector<16xf32>,
      %get3A_495 = arith.constant 0 : i32
      %get3A_496 = arith.index_cast %get3A_495 : i32 to index
      %get3A_497 = arith.index_cast %add3A_243 : i32 to index
      %get3A_498 = arith.constant 80 : index
      %get3A_499 = tpu.vector_load %arg11[%get3A_496, %get3A_497, %get3A_498] {strides = array<i32>} : memref<4x40x128xf32, #tpu.memory_space<vmem>>, vector<16xf32>,
      %mul3A_500 = arith.mulf %get3A_499, %gather3A_257 : vector<16xf32>
      %swap3A_501 = arith.constant 0 : i32
      %swap3A_502 = arith.index_cast %swap3A_501 : i32 to index
      %swap3A_503 = arith.index_cast %add3A_243 : i32 to index
      %swap3A_504 = arith.constant 80 : index
      %swap3A_505 = tpu.vector_load %arg11[%swap3A_502, %swap3A_503, %swap3A_504] {strides = array<i32>} : memref<4x40x128xf32, #tpu.memory_space<vmem>>, vector<16xf32>,
      tpu.vector_store %arg11[%swap3A_502, %swap3A_503, %swap3A_504], %mul3A_500 {strides = array<i32>} : memref<4x40x128xf32, #tpu.memory_space<vmem>>, vector<16xf32>,
      %get3A_506 = arith.constant 0 : i32
      %get3A_507 = arith.index_cast %get3A_506 : i32 to index
      %get3A_508 = arith.index_cast %add3A_247 : i32 to index
      %get3A_509 = arith.constant 80 : index
      %get3A_510 = tpu.vector_load %arg11[%get3A_507, %get3A_508, %get3A_509] {strides = array<i32>} : memref<4x40x128xf32, #tpu.memory_space<vmem>>, vector<16xf32>,
      %mul3A_511 = arith.mulf %get3A_510, %gather3A_261 : vector<16xf32>
      %swap3A_512 = arith.constant 0 : i32
      %swap3A_513 = arith.index_cast %swap3A_512 : i32 to index
      %swap3A_514 = arith.index_cast %add3A_247 : i32 to index
      %swap3A_515 = arith.constant 80 : index
      %swap3A_516 = tpu.vector_load %arg11[%swap3A_513, %swap3A_514, %swap3A_515] {strides = array<i32>} : memref<4x40x128xf32, #tpu.memory_space<vmem>>, vector<16xf32>,
      tpu.vector_store %arg11[%swap3A_513, %swap3A_514, %swap3A_515], %mul3A_511 {strides = array<i32>} : memref<4x40x128xf32, #tpu.memory_space<vmem>>, vector<16xf32>,
      %get3A_517 = arith.constant 0 : i32
      %get3A_518 = arith.index_cast %get3A_517 : i32 to index
      %get3A_519 = arith.index_cast %add3A_251 : i32 to index
      %get3A_520 = arith.constant 80 : index
      %get3A_521 = tpu.vector_load %arg11[%get3A_518, %get3A_519, %get3A_520] {strides = array<i32>} : memref<4x40x128xf32, #tpu.memory_space<vmem>>, vector<16xf32>,
      %mul3A_522 = arith.mulf %get3A_521, %gather3A_265 : vector<16xf32>
      %swap3A_523 = arith.constant 0 : i32
      %swap3A_524 = arith.index_cast %swap3A_523 : i32 to index
      %swap3A_525 = arith.index_cast %add3A_251 : i32 to index
      %swap3A_526 = arith.constant 80 : index
      %swap3A_527 = tpu.vector_load %arg11[%swap3A_524, %swap3A_525, %swap3A_526] {strides = array<i32>} : memref<4x40x128xf32, #tpu.memory_space<vmem>>, vector<16xf32>,
      tpu.vector_store %arg11[%swap3A_524, %swap3A_525, %swap3A_526], %mul3A_522 {strides = array<i32>} : memref<4x40x128xf32, #tpu.memory_space<vmem>>, vector<16xf32>,
      %get3A_528 = arith.constant 0 : i32
      %get3A_529 = arith.index_cast %get3A_528 : i32 to index
      %get3A_530 = arith.index_cast %add3A_239 : i32 to index
      %get3A_531 = arith.constant 96 : index
      %get3A_532 = tpu.vector_load %arg11[%get3A_529, %get3A_530, %get3A_531] {strides = array<i32>} : memref<4x40x128xf32, #tpu.memory_space<vmem>>, vector<16xf32>,
      %mul3A_533 = arith.mulf %get3A_532, %gather3A : vector<16xf32>
      %swap3A_534 = arith.constant 0 : i32
      %swap3A_535 = arith.index_cast %swap3A_534 : i32 to index
      %swap3A_536 = arith.index_cast %add3A_239 : i32 to index
      %swap3A_537 = arith.constant 96 : index
      %swap3A_538 = tpu.vector_load %arg11[%swap3A_535, %swap3A_536, %swap3A_537] {strides = array<i32>} : memref<4x40x128xf32, #tpu.memory_space<vmem>>, vector<16xf32>,
      tpu.vector_store %arg11[%swap3A_535, %swap3A_536, %swap3A_537], %mul3A_533 {strides = array<i32>} : memref<4x40x128xf32, #tpu.memory_space<vmem>>, vector<16xf32>,
      %get3A_539 = arith.constant 0 : i32
      %get3A_540 = arith.index_cast %get3A_539 : i32 to index
      %get3A_541 = arith.index_cast %add3A_243 : i32 to index
      %get3A_542 = arith.constant 96 : index
      %get3A_543 = tpu.vector_load %arg11[%get3A_540, %get3A_541, %get3A_542] {strides = array<i32>} : memref<4x40x128xf32, #tpu.memory_space<vmem>>, vector<16xf32>,
      %mul3A_544 = arith.mulf %get3A_543, %gather3A_257 : vector<16xf32>
      %swap3A_545 = arith.constant 0 : i32
      %swap3A_546 = arith.index_cast %swap3A_545 : i32 to index
      %swap3A_547 = arith.index_cast %add3A_243 : i32 to index
      %swap3A_548 = arith.constant 96 : index
      %swap3A_549 = tpu.vector_load %arg11[%swap3A_546, %swap3A_547, %swap3A_548] {strides = array<i32>} : memref<4x40x128xf32, #tpu.memory_space<vmem>>, vector<16xf32>,
      tpu.vector_store %arg11[%swap3A_546, %swap3A_547, %swap3A_548], %mul3A_544 {strides = array<i32>} : memref<4x40x128xf32, #tpu.memory_space<vmem>>, vector<16xf32>,
      %get3A_550 = arith.constant 0 : i32
      %get3A_551 = arith.index_cast %get3A_550 : i32 to index
      %get3A_552 = arith.index_cast %add3A_247 : i32 to index
      %get3A_553 = arith.constant 96 : index
      %get3A_554 = tpu.vector_load %arg11[%get3A_551, %get3A_552, %get3A_553] {strides = array<i32>} : memref<4x40x128xf32, #tpu.memory_space<vmem>>, vector<16xf32>,
      %mul3A_555 = arith.mulf %get3A_554, %gather3A_261 : vector<16xf32>
      %swap3A_556 = arith.constant 0 : i32
      %swap3A_557 = arith.index_cast %swap3A_556 : i32 to index
      %swap3A_558 = arith.index_cast %add3A_247 : i32 to index
      %swap3A_559 = arith.constant 96 : index
      %swap3A_560 = tpu.vector_load %arg11[%swap3A_557, %swap3A_558, %swap3A_559] {strides = array<i32>} : memref<4x40x128xf32, #tpu.memory_space<vmem>>, vector<16xf32>,
      tpu.vector_store %arg11[%swap3A_557, %swap3A_558, %swap3A_559], %mul3A_555 {strides = array<i32>} : memref<4x40x128xf32, #tpu.memory_space<vmem>>, vector<16xf32>,
      %get3A_561 = arith.constant 0 : i32
      %get3A_562 = arith.index_cast %get3A_561 : i32 to index
      %get3A_563 = arith.index_cast %add3A_251 : i32 to index
      %get3A_564 = arith.constant 96 : index
      %get3A_565 = tpu.vector_load %arg11[%get3A_562, %get3A_563, %get3A_564] {strides = array<i32>} : memref<4x40x128xf32, #tpu.memory_space<vmem>>, vector<16xf32>,
      %mul3A_566 = arith.mulf %get3A_565, %gather3A_265 : vector<16xf32>
      %swap3A_567 = arith.constant 0 : i32
      %swap3A_568 = arith.index_cast %swap3A_567 : i32 to index
      %swap3A_569 = arith.index_cast %add3A_251 : i32 to index
      %swap3A_570 = arith.constant 96 : index
      %swap3A_571 = tpu.vector_load %arg11[%swap3A_568, %swap3A_569, %swap3A_570] {strides = array<i32>} : memref<4x40x128xf32, #tpu.memory_space<vmem>>, vector<16xf32>,
      tpu.vector_store %arg11[%swap3A_568, %swap3A_569, %swap3A_570], %mul3A_566 {strides = array<i32>} : memref<4x40x128xf32, #tpu.memory_space<vmem>>, vector<16xf32>,
      %get3A_572 = arith.constant 0 : i32
      %get3A_573 = arith.index_cast %get3A_572 : i32 to index
      %get3A_574 = arith.index_cast %add3A_239 : i32 to index
      %get3A_575 = arith.constant 112 : index
      %get3A_576 = tpu.vector_load %arg11[%get3A_573, %get3A_574, %get3A_575] {strides = array<i32>} : memref<4x40x128xf32, #tpu.memory_space<vmem>>, vector<16xf32>,
      %mul3A_577 = arith.mulf %get3A_576, %gather3A : vector<16xf32>
      %swap3A_578 = arith.constant 0 : i32
      %swap3A_579 = arith.index_cast %swap3A_578 : i32 to index
      %swap3A_580 = arith.index_cast %add3A_239 : i32 to index
      %swap3A_581 = arith.constant 112 : index
      %swap3A_582 = tpu.vector_load %arg11[%swap3A_579, %swap3A_580, %swap3A_581] {strides = array<i32>} : memref<4x40x128xf32, #tpu.memory_space<vmem>>, vector<16xf32>,
      tpu.vector_store %arg11[%swap3A_579, %swap3A_580, %swap3A_581], %mul3A_577 {strides = array<i32>} : memref<4x40x128xf32, #tpu.memory_space<vmem>>, vector<16xf32>,
      %get3A_583 = arith.constant 0 : i32
      %get3A_584 = arith.index_cast %get3A_583 : i32 to index
      %get3A_585 = arith.index_cast %add3A_243 : i32 to index
      %get3A_586 = arith.constant 112 : index
      %get3A_587 = tpu.vector_load %arg11[%get3A_584, %get3A_585, %get3A_586] {strides = array<i32>} : memref<4x40x128xf32, #tpu.memory_space<vmem>>, vector<16xf32>,
      %mul3A_588 = arith.mulf %get3A_587, %gather3A_257 : vector<16xf32>
      %swap3A_589 = arith.constant 0 : i32
      %swap3A_590 = arith.index_cast %swap3A_589 : i32 to index
      %swap3A_591 = arith.index_cast %add3A_243 : i32 to index
      %swap3A_592 = arith.constant 112 : index
      %swap3A_593 = tpu.vector_load %arg11[%swap3A_590, %swap3A_591, %swap3A_592] {strides = array<i32>} : memref<4x40x128xf32, #tpu.memory_space<vmem>>, vector<16xf32>,
      tpu.vector_store %arg11[%swap3A_590, %swap3A_591, %swap3A_592], %mul3A_588 {strides = array<i32>} : memref<4x40x128xf32, #tpu.memory_space<vmem>>, vector<16xf32>,
      %get3A_594 = arith.constant 0 : i32
      %get3A_595 = arith.index_cast %get3A_594 : i32 to index
      %get3A_596 = arith.index_cast %add3A_247 : i32 to index
      %get3A_597 = arith.constant 112 : index
      %get3A_598 = tpu.vector_load %arg11[%get3A_595, %get3A_596, %get3A_597] {strides = array<i32>} : memref<4x40x128xf32, #tpu.memory_space<vmem>>, vector<16xf32>,
      %mul3A_599 = arith.mulf %get3A_598, %gather3A_261 : vector<16xf32>
      %swap3A_600 = arith.constant 0 : i32
      %swap3A_601 = arith.index_cast %swap3A_600 : i32 to index
      %swap3A_602 = arith.index_cast %add3A_247 : i32 to index
      %swap3A_603 = arith.constant 112 : index
      %swap3A_604 = tpu.vector_load %arg11[%swap3A_601, %swap3A_602, %swap3A_603] {strides = array<i32>} : memref<4x40x128xf32, #tpu.memory_space<vmem>>, vector<16xf32>,
      tpu.vector_store %arg11[%swap3A_601, %swap3A_602, %swap3A_603], %mul3A_599 {strides = array<i32>} : memref<4x40x128xf32, #tpu.memory_space<vmem>>, vector<16xf32>,
      %get3A_605 = arith.constant 0 : i32
      %get3A_606 = arith.index_cast %get3A_605 : i32 to index
      %get3A_607 = arith.index_cast %add3A_251 : i32 to index
      %get3A_608 = arith.constant 112 : index
      %get3A_609 = tpu.vector_load %arg11[%get3A_606, %get3A_607, %get3A_608] {strides = array<i32>} : memref<4x40x128xf32, #tpu.memory_space<vmem>>, vector<16xf32>,
      %mul3A_610 = arith.mulf %get3A_609, %gather3A_265 : vector<16xf32>
      %swap3A_611 = arith.constant 0 : i32
      %swap3A_612 = arith.index_cast %swap3A_611 : i32 to index
      %swap3A_613 = arith.index_cast %add3A_251 : i32 to index
      %swap3A_614 = arith.constant 112 : index
      %swap3A_615 = tpu.vector_load %arg11[%swap3A_612, %swap3A_613, %swap3A_614] {strides = array<i32>} : memref<4x40x128xf32, #tpu.memory_space<vmem>>, vector<16xf32>,
      tpu.vector_store %arg11[%swap3A_612, %swap3A_613, %swap3A_614], %mul3A_610 {strides = array<i32>} : memref<4x40x128xf32, #tpu.memory_space<vmem>>, vector<16xf32>,
      %scan3A_616 = arith.constant 0 : i32
      scf.yield %scan3A_616 : i32
    }
    %scan3A_109 = arith.constant 10 : i32
    %add3A_110 = arith.constant 9920 : i32
    %add3A_111 = arith.addi %mul3A_2, %add3A_110 : i32
    %dma_wait3A_112 = arith.constant 0 : i32
    %dma_wait3A_113 = arith.constant 0 : i32
    %dma_wait3A_114 = tpu.memref_slice %arg10[%dma_wait3A_112, %dma_wait3A_113] : memref<4x40xi32, #tpu.memory_space<vmem>> -> memref<1x40xi32, #tpu.memory_space<vmem>>
    %dma_wait3A_115 = tpu.memref_squeeze %dma_wait3A_114 : memref<1x40xi32, #tpu.memory_space<vmem>> -> memref<40xi32, #tpu.memory_space<vmem>>
    %dma_wait3A_116 = tpu.memref_slice %arg5[%add3A_111] : memref<320000xi32, #tpu.memory_space<hbm>> -> memref<40xi32, #tpu.memory_space<hbm>>
    %dma_wait3A_117 = arith.constant 0 : i32
    %dma_wait3A_118 = tpu.memref_slice %arg10[%dma_wait3A_112, %dma_wait3A_117] : memref<4x40xi32, #tpu.memory_space<vmem>> -> memref<1x40xi32, #tpu.memory_space<vmem>>
    %dma_wait3A_119 = tpu.memref_squeeze %dma_wait3A_118 : memref<1x40xi32, #tpu.memory_space<vmem>> -> memref<40xi32, #tpu.memory_space<vmem>>
    %dma_wait3A_120 = tpu.memref_slice %arg5[%add3A_111] : memref<320000xi32, #tpu.memory_space<hbm>> -> memref<40xi32, #tpu.memory_space<hbm>>
    tpu.wait_dma2 semaphore(%arg16 : memref<!tpu.dma_semaphore, #tpu.memory_space<semaphore_mem>>) src(%dma_wait3A_120 : memref<40xi32, #tpu.memory_space<hbm>>) dst(%dma_wait3A_119 : memref<40xi32, #tpu.memory_space<vmem>>)
    %dma_start3A_121 = arith.constant 0 : i32
    %dma_start3A_122 = arith.constant 0 : i32
    %dma_start3A_123 = arith.constant 0 : i32
    %dma_start3A_124 = arith.constant 0 : i32
    %dma_start3A_125 = tpu.memref_slice %arg11[%dma_start3A_121, %dma_start3A_123, %dma_start3A_124] : memref<4x40x128xf32, #tpu.memory_space<vmem>> -> memref<1x40x128xf32, #tpu.memory_space<vmem>>
    %dma_start3A_126 = tpu.memref_squeeze %dma_start3A_125 : memref<1x40x128xf32, #tpu.memory_space<vmem>> -> memref<40x128xf32, #tpu.memory_space<vmem>>
    %dma_start3A_127 = arith.constant 0 : i32
    %dma_start3A_128 = tpu.memref_slice %arg10[%dma_start3A_122, %dma_start3A_127] : memref<4x40xi32, #tpu.memory_space<vmem>> -> memref<1x40xi32, #tpu.memory_space<vmem>>
    %dma_start3A_129 = tpu.memref_squeeze %dma_start3A_128 : memref<1x40xi32, #tpu.memory_space<vmem>> -> memref<40xi32, #tpu.memory_space<vmem>>
    %dma_start3A_130 = arith.constant 0 : i32
    %dma_start3A_131 = arith.constant 0 : i32
    %dma_start3A_132 = tpu.memref_slice %arg7[%dma_start3A_130, %dma_start3A_131] : memref<10000x128xf32, #tpu.memory_space<vmem_shared>> -> memref<10000x128xf32, #tpu.memory_space<vmem_shared>>
    tpu.enqueue_indirect_dma source(%dma_start3A_126 : memref<40x128xf32, #tpu.memory_space<vmem>>) target(%dma_start3A_132 : memref<10000x128xf32, #tpu.memory_space<vmem_shared>>) offsets(%dma_start3A_129 : memref<40xi32, #tpu.memory_space<vmem>>) semaphore(%arg20 : memref<!tpu.dma_semaphore, #tpu.memory_space<semaphore_mem>>) {add = true}
    %dma_wait3A_133 = arith.constant 3 : i32
    %dma_wait3A_134 = arith.constant 3 : i32
    %dma_wait3A_135 = arith.constant 0 : i32
    %dma_wait3A_136 = arith.constant 0 : i32
    %dma_wait3A_137 = tpu.memref_slice %arg11[%dma_wait3A_133, %dma_wait3A_135, %dma_wait3A_136] : memref<4x40x128xf32, #tpu.memory_space<vmem>> -> memref<1x40x128xf32, #tpu.memory_space<vmem>>
    %dma_wait3A_138 = tpu.memref_squeeze %dma_wait3A_137 : memref<1x40x128xf32, #tpu.memory_space<vmem>> -> memref<40x128xf32, #tpu.memory_space<vmem>>
    %dma_wait3A_139 = arith.constant 0 : i32
    %dma_wait3A_140 = tpu.memref_slice %arg10[%dma_wait3A_134, %dma_wait3A_139] : memref<4x40xi32, #tpu.memory_space<vmem>> -> memref<1x40xi32, #tpu.memory_space<vmem>>
    %dma_wait3A_141 = tpu.memref_squeeze %dma_wait3A_140 : memref<1x40xi32, #tpu.memory_space<vmem>> -> memref<40xi32, #tpu.memory_space<vmem>>
    %dma_wait3A_142 = arith.constant 0 : i32
    %dma_wait3A_143 = arith.constant 0 : i32
    %dma_wait3A_144 = tpu.memref_slice %arg7[%dma_wait3A_142, %dma_wait3A_143] : memref<10000x128xf32, #tpu.memory_space<vmem_shared>> -> memref<10000x128xf32, #tpu.memory_space<vmem_shared>>
    tpu.wait_indirect_dma semaphore(%arg23 : memref<!tpu.dma_semaphore, #tpu.memory_space<semaphore_mem>>) src(%dma_wait3A_138 : memref<40x128xf32, #tpu.memory_space<vmem>>) dst(%dma_wait3A_144 : memref<10000x128xf32, #tpu.memory_space<vmem_shared>>)
    %dma_wait3A_145 = arith.constant 1 : i32
    %dma_wait3A_146 = arith.constant 0 : i32
    %dma_wait3A_147 = arith.constant 0 : i32
    %dma_wait3A_148 = tpu.memref_slice %arg11[%dma_wait3A_145, %dma_wait3A_146, %dma_wait3A_147] : memref<4x40x128xf32, #tpu.memory_space<vmem>> -> memref<1x40x128xf32, #tpu.memory_space<vmem>>
    %dma_wait3A_149 = tpu.memref_squeeze %dma_wait3A_148 : memref<1x40x128xf32, #tpu.memory_space<vmem>> -> memref<40x128xf32, #tpu.memory_space<vmem>>
    %dma_wait3A_150 = arith.constant 9960 : i32
    %dma_wait3A_151 = tpu.memref_slice %arg8[%dma_wait3A_150] : memref<10000xi32, #tpu.memory_space<vmem>> -> memref<40xi32, #tpu.memory_space<vmem>>
    %dma_wait3A_152 = arith.constant 0 : i32
    %dma_wait3A_153 = arith.constant 0 : i32
    %dma_wait3A_154 = tpu.memref_slice %arg2[%dma_wait3A_152, %dma_wait3A_153] : memref<10000x128xf32, #tpu.memory_space<hbm>> -> memref<10000x128xf32, #tpu.memory_space<hbm>>
    tpu.wait_indirect_dma semaphore(%arg13 : memref<!tpu.dma_semaphore, #tpu.memory_space<semaphore_mem>>) src(%dma_wait3A_154 : memref<10000x128xf32, #tpu.memory_space<hbm>>) dst(%dma_wait3A_149 : memref<40x128xf32, #tpu.memory_space<vmem>>)
    %scan3A_155 = arith.constant 0 : i32
    %scan3A_156 = arith.constant 0 : i32
    %scan3A_157 = arith.constant 10 : i32
    %scan3A_158 = arith.addi %scan3A_156, %scan3A_157 : i32
    %scan3A_159 = arith.constant 1 : i32
    %scan3A_160 = scf.for %scan3A_234 = %scan3A_156 to %scan3A_158 step %scan3A_159 iter_args(%scan3A_235 = %scan3A_155) -> (i32)  : i32 {
      %mul3A_236 = arith.constant 4 : i32
      %mul3A_237 = arith.muli %mul3A_236, %scan3A_234 : i32
      %add3A_238 = arith.constant 0 : i32
      %add3A_239 = arith.addi %mul3A_237, %add3A_238 : i32
      %mul3A_240 = arith.constant 4 : i32
      %mul3A_241 = arith.muli %mul3A_240, %scan3A_234 : i32
      %add3A_242 = arith.constant 1 : i32
      %add3A_243 = arith.addi %mul3A_241, %add3A_242 : i32
      %mul3A_244 = arith.constant 4 : i32
      %mul3A_245 = arith.muli %mul3A_244, %scan3A_234 : i32
      %add3A_246 = arith.constant 2 : i32
      %add3A_247 = arith.addi %mul3A_245, %add3A_246 : i32
      %mul3A_248 = arith.constant 4 : i32
      %mul3A_249 = arith.muli %mul3A_248, %scan3A_234 : i32
      %add3A_250 = arith.constant 3 : i32
      %add3A_251 = arith.addi %mul3A_249, %add3A_250 : i32
      %add3A_252 = arith.constant 9960 : i32
      %add3A_253 = arith.addi %add3A_252, %add3A_239 : i32
      %broadcast_in_dim3A = vector.broadcast %add3A_253 : i32 to vector<16xi32>
      %gather3A = tpu.vector_load_idx %arg9[%broadcast_in_dim3A] : memref<10000xf32, #tpu.memory_space<vmem>>[vector<16xi32>], vector<16xf32>,
      %add3A_254 = arith.constant 9960 : i32
      %add3A_255 = arith.addi %add3A_254, %add3A_243 : i32
      %broadcast_in_dim3A_256 = vector.broadcast %add3A_255 : i32 to vector<16xi32>
      %gather3A_257 = tpu.vector_load_idx %arg9[%broadcast_in_dim3A_256] : memref<10000xf32, #tpu.memory_space<vmem>>[vector<16xi32>], vector<16xf32>,
      %add3A_258 = arith.constant 9960 : i32
      %add3A_259 = arith.addi %add3A_258, %add3A_247 : i32
      %broadcast_in_dim3A_260 = vector.broadcast %add3A_259 : i32 to vector<16xi32>
      %gather3A_261 = tpu.vector_load_idx %arg9[%broadcast_in_dim3A_260] : memref<10000xf32, #tpu.memory_space<vmem>>[vector<16xi32>], vector<16xf32>,
      %add3A_262 = arith.constant 9960 : i32
      %add3A_263 = arith.addi %add3A_262, %add3A_251 : i32
      %broadcast_in_dim3A_264 = vector.broadcast %add3A_263 : i32 to vector<16xi32>
      %gather3A_265 = tpu.vector_load_idx %arg9[%broadcast_in_dim3A_264] : memref<10000xf32, #tpu.memory_space<vmem>>[vector<16xi32>], vector<16xf32>,
      %get3A = arith.constant 1 : i32
      %get3A_266 = arith.index_cast %get3A : i32 to index
      %get3A_267 = arith.index_cast %add3A_239 : i32 to index
      %get3A_268 = arith.constant 0 : index
      %get3A_269 = tpu.vector_load %arg11[%get3A_266, %get3A_267, %get3A_268] {strides = array<i32>} : memref<4x40x128xf32, #tpu.memory_space<vmem>>, vector<16xf32>,
      %mul3A_270 = arith.mulf %get3A_269, %gather3A : vector<16xf32>
      %swap3A = arith.constant 1 : i32
      %swap3A_271 = arith.index_cast %swap3A : i32 to index
      %swap3A_272 = arith.index_cast %add3A_239 : i32 to index
      %swap3A_273 = arith.constant 0 : index
      %swap3A_274 = tpu.vector_load %arg11[%swap3A_271, %swap3A_272, %swap3A_273] {strides = array<i32>} : memref<4x40x128xf32, #tpu.memory_space<vmem>>, vector<16xf32>,
      tpu.vector_store %arg11[%swap3A_271, %swap3A_272, %swap3A_273], %mul3A_270 {strides = array<i32>} : memref<4x40x128xf32, #tpu.memory_space<vmem>>, vector<16xf32>,
      %get3A_275 = arith.constant 1 : i32
      %get3A_276 = arith.index_cast %get3A_275 : i32 to index
      %get3A_277 = arith.index_cast %add3A_243 : i32 to index
      %get3A_278 = arith.constant 0 : index
      %get3A_279 = tpu.vector_load %arg11[%get3A_276, %get3A_277, %get3A_278] {strides = array<i32>} : memref<4x40x128xf32, #tpu.memory_space<vmem>>, vector<16xf32>,
      %mul3A_280 = arith.mulf %get3A_279, %gather3A_257 : vector<16xf32>
      %swap3A_281 = arith.constant 1 : i32
      %swap3A_282 = arith.index_cast %swap3A_281 : i32 to index
      %swap3A_283 = arith.index_cast %add3A_243 : i32 to index
      %swap3A_284 = arith.constant 0 : index
      %swap3A_285 = tpu.vector_load %arg11[%swap3A_282, %swap3A_283, %swap3A_284] {strides = array<i32>} : memref<4x40x128xf32, #tpu.memory_space<vmem>>, vector<16xf32>,
      tpu.vector_store %arg11[%swap3A_282, %swap3A_283, %swap3A_284], %mul3A_280 {strides = array<i32>} : memref<4x40x128xf32, #tpu.memory_space<vmem>>, vector<16xf32>,
      %get3A_286 = arith.constant 1 : i32
      %get3A_287 = arith.index_cast %get3A_286 : i32 to index
      %get3A_288 = arith.index_cast %add3A_247 : i32 to index
      %get3A_289 = arith.constant 0 : index
      %get3A_290 = tpu.vector_load %arg11[%get3A_287, %get3A_288, %get3A_289] {strides = array<i32>} : memref<4x40x128xf32, #tpu.memory_space<vmem>>, vector<16xf32>,
      %mul3A_291 = arith.mulf %get3A_290, %gather3A_261 : vector<16xf32>
      %swap3A_292 = arith.constant 1 : i32
      %swap3A_293 = arith.index_cast %swap3A_292 : i32 to index
      %swap3A_294 = arith.index_cast %add3A_247 : i32 to index
      %swap3A_295 = arith.constant 0 : index
      %swap3A_296 = tpu.vector_load %arg11[%swap3A_293, %swap3A_294, %swap3A_295] {strides = array<i32>} : memref<4x40x128xf32, #tpu.memory_space<vmem>>, vector<16xf32>,
      tpu.vector_store %arg11[%swap3A_293, %swap3A_294, %swap3A_295], %mul3A_291 {strides = array<i32>} : memref<4x40x128xf32, #tpu.memory_space<vmem>>, vector<16xf32>,
      %get3A_297 = arith.constant 1 : i32
      %get3A_298 = arith.index_cast %get3A_297 : i32 to index
      %get3A_299 = arith.index_cast %add3A_251 : i32 to index
      %get3A_300 = arith.constant 0 : index
      %get3A_301 = tpu.vector_load %arg11[%get3A_298, %get3A_299, %get3A_300] {strides = array<i32>} : memref<4x40x128xf32, #tpu.memory_space<vmem>>, vector<16xf32>,
      %mul3A_302 = arith.mulf %get3A_301, %gather3A_265 : vector<16xf32>
      %swap3A_303 = arith.constant 1 : i32
      %swap3A_304 = arith.index_cast %swap3A_303 : i32 to index
      %swap3A_305 = arith.index_cast %add3A_251 : i32 to index
      %swap3A_306 = arith.constant 0 : index
      %swap3A_307 = tpu.vector_load %arg11[%swap3A_304, %swap3A_305, %swap3A_306] {strides = array<i32>} : memref<4x40x128xf32, #tpu.memory_space<vmem>>, vector<16xf32>,
      tpu.vector_store %arg11[%swap3A_304, %swap3A_305, %swap3A_306], %mul3A_302 {strides = array<i32>} : memref<4x40x128xf32, #tpu.memory_space<vmem>>, vector<16xf32>,
      %get3A_308 = arith.constant 1 : i32
      %get3A_309 = arith.index_cast %get3A_308 : i32 to index
      %get3A_310 = arith.index_cast %add3A_239 : i32 to index
      %get3A_311 = arith.constant 16 : index
      %get3A_312 = tpu.vector_load %arg11[%get3A_309, %get3A_310, %get3A_311] {strides = array<i32>} : memref<4x40x128xf32, #tpu.memory_space<vmem>>, vector<16xf32>,
      %mul3A_313 = arith.mulf %get3A_312, %gather3A : vector<16xf32>
      %swap3A_314 = arith.constant 1 : i32
      %swap3A_315 = arith.index_cast %swap3A_314 : i32 to index
      %swap3A_316 = arith.index_cast %add3A_239 : i32 to index
      %swap3A_317 = arith.constant 16 : index
      %swap3A_318 = tpu.vector_load %arg11[%swap3A_315, %swap3A_316, %swap3A_317] {strides = array<i32>} : memref<4x40x128xf32, #tpu.memory_space<vmem>>, vector<16xf32>,
      tpu.vector_store %arg11[%swap3A_315, %swap3A_316, %swap3A_317], %mul3A_313 {strides = array<i32>} : memref<4x40x128xf32, #tpu.memory_space<vmem>>, vector<16xf32>,
      %get3A_319 = arith.constant 1 : i32
      %get3A_320 = arith.index_cast %get3A_319 : i32 to index
      %get3A_321 = arith.index_cast %add3A_243 : i32 to index
      %get3A_322 = arith.constant 16 : index
      %get3A_323 = tpu.vector_load %arg11[%get3A_320, %get3A_321, %get3A_322] {strides = array<i32>} : memref<4x40x128xf32, #tpu.memory_space<vmem>>, vector<16xf32>,
      %mul3A_324 = arith.mulf %get3A_323, %gather3A_257 : vector<16xf32>
      %swap3A_325 = arith.constant 1 : i32
      %swap3A_326 = arith.index_cast %swap3A_325 : i32 to index
      %swap3A_327 = arith.index_cast %add3A_243 : i32 to index
      %swap3A_328 = arith.constant 16 : index
      %swap3A_329 = tpu.vector_load %arg11[%swap3A_326, %swap3A_327, %swap3A_328] {strides = array<i32>} : memref<4x40x128xf32, #tpu.memory_space<vmem>>, vector<16xf32>,
      tpu.vector_store %arg11[%swap3A_326, %swap3A_327, %swap3A_328], %mul3A_324 {strides = array<i32>} : memref<4x40x128xf32, #tpu.memory_space<vmem>>, vector<16xf32>,
      %get3A_330 = arith.constant 1 : i32
      %get3A_331 = arith.index_cast %get3A_330 : i32 to index
      %get3A_332 = arith.index_cast %add3A_247 : i32 to index
      %get3A_333 = arith.constant 16 : index
      %get3A_334 = tpu.vector_load %arg11[%get3A_331, %get3A_332, %get3A_333] {strides = array<i32>} : memref<4x40x128xf32, #tpu.memory_space<vmem>>, vector<16xf32>,
      %mul3A_335 = arith.mulf %get3A_334, %gather3A_261 : vector<16xf32>
      %swap3A_336 = arith.constant 1 : i32
      %swap3A_337 = arith.index_cast %swap3A_336 : i32 to index
      %swap3A_338 = arith.index_cast %add3A_247 : i32 to index
      %swap3A_339 = arith.constant 16 : index
      %swap3A_340 = tpu.vector_load %arg11[%swap3A_337, %swap3A_338, %swap3A_339] {strides = array<i32>} : memref<4x40x128xf32, #tpu.memory_space<vmem>>, vector<16xf32>,
      tpu.vector_store %arg11[%swap3A_337, %swap3A_338, %swap3A_339], %mul3A_335 {strides = array<i32>} : memref<4x40x128xf32, #tpu.memory_space<vmem>>, vector<16xf32>,
      %get3A_341 = arith.constant 1 : i32
      %get3A_342 = arith.index_cast %get3A_341 : i32 to index
      %get3A_343 = arith.index_cast %add3A_251 : i32 to index
      %get3A_344 = arith.constant 16 : index
      %get3A_345 = tpu.vector_load %arg11[%get3A_342, %get3A_343, %get3A_344] {strides = array<i32>} : memref<4x40x128xf32, #tpu.memory_space<vmem>>, vector<16xf32>,
      %mul3A_346 = arith.mulf %get3A_345, %gather3A_265 : vector<16xf32>
      %swap3A_347 = arith.constant 1 : i32
      %swap3A_348 = arith.index_cast %swap3A_347 : i32 to index
      %swap3A_349 = arith.index_cast %add3A_251 : i32 to index
      %swap3A_350 = arith.constant 16 : index
      %swap3A_351 = tpu.vector_load %arg11[%swap3A_348, %swap3A_349, %swap3A_350] {strides = array<i32>} : memref<4x40x128xf32, #tpu.memory_space<vmem>>, vector<16xf32>,
      tpu.vector_store %arg11[%swap3A_348, %swap3A_349, %swap3A_350], %mul3A_346 {strides = array<i32>} : memref<4x40x128xf32, #tpu.memory_space<vmem>>, vector<16xf32>,
      %get3A_352 = arith.constant 1 : i32
      %get3A_353 = arith.index_cast %get3A_352 : i32 to index
      %get3A_354 = arith.index_cast %add3A_239 : i32 to index
      %get3A_355 = arith.constant 32 : index
      %get3A_356 = tpu.vector_load %arg11[%get3A_353, %get3A_354, %get3A_355] {strides = array<i32>} : memref<4x40x128xf32, #tpu.memory_space<vmem>>, vector<16xf32>,
      %mul3A_357 = arith.mulf %get3A_356, %gather3A : vector<16xf32>
      %swap3A_358 = arith.constant 1 : i32
      %swap3A_359 = arith.index_cast %swap3A_358 : i32 to index
      %swap3A_360 = arith.index_cast %add3A_239 : i32 to index
      %swap3A_361 = arith.constant 32 : index
      %swap3A_362 = tpu.vector_load %arg11[%swap3A_359, %swap3A_360, %swap3A_361] {strides = array<i32>} : memref<4x40x128xf32, #tpu.memory_space<vmem>>, vector<16xf32>,
      tpu.vector_store %arg11[%swap3A_359, %swap3A_360, %swap3A_361], %mul3A_357 {strides = array<i32>} : memref<4x40x128xf32, #tpu.memory_space<vmem>>, vector<16xf32>,
      %get3A_363 = arith.constant 1 : i32
      %get3A_364 = arith.index_cast %get3A_363 : i32 to index
      %get3A_365 = arith.index_cast %add3A_243 : i32 to index
      %get3A_366 = arith.constant 32 : index
      %get3A_367 = tpu.vector_load %arg11[%get3A_364, %get3A_365, %get3A_366] {strides = array<i32>} : memref<4x40x128xf32, #tpu.memory_space<vmem>>, vector<16xf32>,
      %mul3A_368 = arith.mulf %get3A_367, %gather3A_257 : vector<16xf32>
      %swap3A_369 = arith.constant 1 : i32
      %swap3A_370 = arith.index_cast %swap3A_369 : i32 to index
      %swap3A_371 = arith.index_cast %add3A_243 : i32 to index
      %swap3A_372 = arith.constant 32 : index
      %swap3A_373 = tpu.vector_load %arg11[%swap3A_370, %swap3A_371, %swap3A_372] {strides = array<i32>} : memref<4x40x128xf32, #tpu.memory_space<vmem>>, vector<16xf32>,
      tpu.vector_store %arg11[%swap3A_370, %swap3A_371, %swap3A_372], %mul3A_368 {strides = array<i32>} : memref<4x40x128xf32, #tpu.memory_space<vmem>>, vector<16xf32>,
      %get3A_374 = arith.constant 1 : i32
      %get3A_375 = arith.index_cast %get3A_374 : i32 to index
      %get3A_376 = arith.index_cast %add3A_247 : i32 to index
      %get3A_377 = arith.constant 32 : index
      %get3A_378 = tpu.vector_load %arg11[%get3A_375, %get3A_376, %get3A_377] {strides = array<i32>} : memref<4x40x128xf32, #tpu.memory_space<vmem>>, vector<16xf32>,
      %mul3A_379 = arith.mulf %get3A_378, %gather3A_261 : vector<16xf32>
      %swap3A_380 = arith.constant 1 : i32
      %swap3A_381 = arith.index_cast %swap3A_380 : i32 to index
      %swap3A_382 = arith.index_cast %add3A_247 : i32 to index
      %swap3A_383 = arith.constant 32 : index
      %swap3A_384 = tpu.vector_load %arg11[%swap3A_381, %swap3A_382, %swap3A_383] {strides = array<i32>} : memref<4x40x128xf32, #tpu.memory_space<vmem>>, vector<16xf32>,
      tpu.vector_store %arg11[%swap3A_381, %swap3A_382, %swap3A_383], %mul3A_379 {strides = array<i32>} : memref<4x40x128xf32, #tpu.memory_space<vmem>>, vector<16xf32>,
      %get3A_385 = arith.constant 1 : i32
      %get3A_386 = arith.index_cast %get3A_385 : i32 to index
      %get3A_387 = arith.index_cast %add3A_251 : i32 to index
      %get3A_388 = arith.constant 32 : index
      %get3A_389 = tpu.vector_load %arg11[%get3A_386, %get3A_387, %get3A_388] {strides = array<i32>} : memref<4x40x128xf32, #tpu.memory_space<vmem>>, vector<16xf32>,
      %mul3A_390 = arith.mulf %get3A_389, %gather3A_265 : vector<16xf32>
      %swap3A_391 = arith.constant 1 : i32
      %swap3A_392 = arith.index_cast %swap3A_391 : i32 to index
      %swap3A_393 = arith.index_cast %add3A_251 : i32 to index
      %swap3A_394 = arith.constant 32 : index
      %swap3A_395 = tpu.vector_load %arg11[%swap3A_392, %swap3A_393, %swap3A_394] {strides = array<i32>} : memref<4x40x128xf32, #tpu.memory_space<vmem>>, vector<16xf32>,
      tpu.vector_store %arg11[%swap3A_392, %swap3A_393, %swap3A_394], %mul3A_390 {strides = array<i32>} : memref<4x40x128xf32, #tpu.memory_space<vmem>>, vector<16xf32>,
      %get3A_396 = arith.constant 1 : i32
      %get3A_397 = arith.index_cast %get3A_396 : i32 to index
      %get3A_398 = arith.index_cast %add3A_239 : i32 to index
      %get3A_399 = arith.constant 48 : index
      %get3A_400 = tpu.vector_load %arg11[%get3A_397, %get3A_398, %get3A_399] {strides = array<i32>} : memref<4x40x128xf32, #tpu.memory_space<vmem>>, vector<16xf32>,
      %mul3A_401 = arith.mulf %get3A_400, %gather3A : vector<16xf32>
      %swap3A_402 = arith.constant 1 : i32
      %swap3A_403 = arith.index_cast %swap3A_402 : i32 to index
      %swap3A_404 = arith.index_cast %add3A_239 : i32 to index
      %swap3A_405 = arith.constant 48 : index
      %swap3A_406 = tpu.vector_load %arg11[%swap3A_403, %swap3A_404, %swap3A_405] {strides = array<i32>} : memref<4x40x128xf32, #tpu.memory_space<vmem>>, vector<16xf32>,
      tpu.vector_store %arg11[%swap3A_403, %swap3A_404, %swap3A_405], %mul3A_401 {strides = array<i32>} : memref<4x40x128xf32, #tpu.memory_space<vmem>>, vector<16xf32>,
      %get3A_407 = arith.constant 1 : i32
      %get3A_408 = arith.index_cast %get3A_407 : i32 to index
      %get3A_409 = arith.index_cast %add3A_243 : i32 to index
      %get3A_410 = arith.constant 48 : index
      %get3A_411 = tpu.vector_load %arg11[%get3A_408, %get3A_409, %get3A_410] {strides = array<i32>} : memref<4x40x128xf32, #tpu.memory_space<vmem>>, vector<16xf32>,
      %mul3A_412 = arith.mulf %get3A_411, %gather3A_257 : vector<16xf32>
      %swap3A_413 = arith.constant 1 : i32
      %swap3A_414 = arith.index_cast %swap3A_413 : i32 to index
      %swap3A_415 = arith.index_cast %add3A_243 : i32 to index
      %swap3A_416 = arith.constant 48 : index
      %swap3A_417 = tpu.vector_load %arg11[%swap3A_414, %swap3A_415, %swap3A_416] {strides = array<i32>} : memref<4x40x128xf32, #tpu.memory_space<vmem>>, vector<16xf32>,
      tpu.vector_store %arg11[%swap3A_414, %swap3A_415, %swap3A_416], %mul3A_412 {strides = array<i32>} : memref<4x40x128xf32, #tpu.memory_space<vmem>>, vector<16xf32>,
      %get3A_418 = arith.constant 1 : i32
      %get3A_419 = arith.index_cast %get3A_418 : i32 to index
      %get3A_420 = arith.index_cast %add3A_247 : i32 to index
      %get3A_421 = arith.constant 48 : index
      %get3A_422 = tpu.vector_load %arg11[%get3A_419, %get3A_420, %get3A_421] {strides = array<i32>} : memref<4x40x128xf32, #tpu.memory_space<vmem>>, vector<16xf32>,
      %mul3A_423 = arith.mulf %get3A_422, %gather3A_261 : vector<16xf32>
      %swap3A_424 = arith.constant 1 : i32
      %swap3A_425 = arith.index_cast %swap3A_424 : i32 to index
      %swap3A_426 = arith.index_cast %add3A_247 : i32 to index
      %swap3A_427 = arith.constant 48 : index
      %swap3A_428 = tpu.vector_load %arg11[%swap3A_425, %swap3A_426, %swap3A_427] {strides = array<i32>} : memref<4x40x128xf32, #tpu.memory_space<vmem>>, vector<16xf32>,
      tpu.vector_store %arg11[%swap3A_425, %swap3A_426, %swap3A_427], %mul3A_423 {strides = array<i32>} : memref<4x40x128xf32, #tpu.memory_space<vmem>>, vector<16xf32>,
      %get3A_429 = arith.constant 1 : i32
      %get3A_430 = arith.index_cast %get3A_429 : i32 to index
      %get3A_431 = arith.index_cast %add3A_251 : i32 to index
      %get3A_432 = arith.constant 48 : index
      %get3A_433 = tpu.vector_load %arg11[%get3A_430, %get3A_431, %get3A_432] {strides = array<i32>} : memref<4x40x128xf32, #tpu.memory_space<vmem>>, vector<16xf32>,
      %mul3A_434 = arith.mulf %get3A_433, %gather3A_265 : vector<16xf32>
      %swap3A_435 = arith.constant 1 : i32
      %swap3A_436 = arith.index_cast %swap3A_435 : i32 to index
      %swap3A_437 = arith.index_cast %add3A_251 : i32 to index
      %swap3A_438 = arith.constant 48 : index
      %swap3A_439 = tpu.vector_load %arg11[%swap3A_436, %swap3A_437, %swap3A_438] {strides = array<i32>} : memref<4x40x128xf32, #tpu.memory_space<vmem>>, vector<16xf32>,
      tpu.vector_store %arg11[%swap3A_436, %swap3A_437, %swap3A_438], %mul3A_434 {strides = array<i32>} : memref<4x40x128xf32, #tpu.memory_space<vmem>>, vector<16xf32>,
      %get3A_440 = arith.constant 1 : i32
      %get3A_441 = arith.index_cast %get3A_440 : i32 to index
      %get3A_442 = arith.index_cast %add3A_239 : i32 to index
      %get3A_443 = arith.constant 64 : index
      %get3A_444 = tpu.vector_load %arg11[%get3A_441, %get3A_442, %get3A_443] {strides = array<i32>} : memref<4x40x128xf32, #tpu.memory_space<vmem>>, vector<16xf32>,
      %mul3A_445 = arith.mulf %get3A_444, %gather3A : vector<16xf32>
      %swap3A_446 = arith.constant 1 : i32
      %swap3A_447 = arith.index_cast %swap3A_446 : i32 to index
      %swap3A_448 = arith.index_cast %add3A_239 : i32 to index
      %swap3A_449 = arith.constant 64 : index
      %swap3A_450 = tpu.vector_load %arg11[%swap3A_447, %swap3A_448, %swap3A_449] {strides = array<i32>} : memref<4x40x128xf32, #tpu.memory_space<vmem>>, vector<16xf32>,
      tpu.vector_store %arg11[%swap3A_447, %swap3A_448, %swap3A_449], %mul3A_445 {strides = array<i32>} : memref<4x40x128xf32, #tpu.memory_space<vmem>>, vector<16xf32>,
      %get3A_451 = arith.constant 1 : i32
      %get3A_452 = arith.index_cast %get3A_451 : i32 to index
      %get3A_453 = arith.index_cast %add3A_243 : i32 to index
      %get3A_454 = arith.constant 64 : index
      %get3A_455 = tpu.vector_load %arg11[%get3A_452, %get3A_453, %get3A_454] {strides = array<i32>} : memref<4x40x128xf32, #tpu.memory_space<vmem>>, vector<16xf32>,
      %mul3A_456 = arith.mulf %get3A_455, %gather3A_257 : vector<16xf32>
      %swap3A_457 = arith.constant 1 : i32
      %swap3A_458 = arith.index_cast %swap3A_457 : i32 to index
      %swap3A_459 = arith.index_cast %add3A_243 : i32 to index
      %swap3A_460 = arith.constant 64 : index
      %swap3A_461 = tpu.vector_load %arg11[%swap3A_458, %swap3A_459, %swap3A_460] {strides = array<i32>} : memref<4x40x128xf32, #tpu.memory_space<vmem>>, vector<16xf32>,
      tpu.vector_store %arg11[%swap3A_458, %swap3A_459, %swap3A_460], %mul3A_456 {strides = array<i32>} : memref<4x40x128xf32, #tpu.memory_space<vmem>>, vector<16xf32>,
      %get3A_462 = arith.constant 1 : i32
      %get3A_463 = arith.index_cast %get3A_462 : i32 to index
      %get3A_464 = arith.index_cast %add3A_247 : i32 to index
      %get3A_465 = arith.constant 64 : index
      %get3A_466 = tpu.vector_load %arg11[%get3A_463, %get3A_464, %get3A_465] {strides = array<i32>} : memref<4x40x128xf32, #tpu.memory_space<vmem>>, vector<16xf32>,
      %mul3A_467 = arith.mulf %get3A_466, %gather3A_261 : vector<16xf32>
      %swap3A_468 = arith.constant 1 : i32
      %swap3A_469 = arith.index_cast %swap3A_468 : i32 to index
      %swap3A_470 = arith.index_cast %add3A_247 : i32 to index
      %swap3A_471 = arith.constant 64 : index
      %swap3A_472 = tpu.vector_load %arg11[%swap3A_469, %swap3A_470, %swap3A_471] {strides = array<i32>} : memref<4x40x128xf32, #tpu.memory_space<vmem>>, vector<16xf32>,
      tpu.vector_store %arg11[%swap3A_469, %swap3A_470, %swap3A_471], %mul3A_467 {strides = array<i32>} : memref<4x40x128xf32, #tpu.memory_space<vmem>>, vector<16xf32>,
      %get3A_473 = arith.constant 1 : i32
      %get3A_474 = arith.index_cast %get3A_473 : i32 to index
      %get3A_475 = arith.index_cast %add3A_251 : i32 to index
      %get3A_476 = arith.constant 64 : index
      %get3A_477 = tpu.vector_load %arg11[%get3A_474, %get3A_475, %get3A_476] {strides = array<i32>} : memref<4x40x128xf32, #tpu.memory_space<vmem>>, vector<16xf32>,
      %mul3A_478 = arith.mulf %get3A_477, %gather3A_265 : vector<16xf32>
      %swap3A_479 = arith.constant 1 : i32
      %swap3A_480 = arith.index_cast %swap3A_479 : i32 to index
      %swap3A_481 = arith.index_cast %add3A_251 : i32 to index
      %swap3A_482 = arith.constant 64 : index
      %swap3A_483 = tpu.vector_load %arg11[%swap3A_480, %swap3A_481, %swap3A_482] {strides = array<i32>} : memref<4x40x128xf32, #tpu.memory_space<vmem>>, vector<16xf32>,
      tpu.vector_store %arg11[%swap3A_480, %swap3A_481, %swap3A_482], %mul3A_478 {strides = array<i32>} : memref<4x40x128xf32, #tpu.memory_space<vmem>>, vector<16xf32>,
      %get3A_484 = arith.constant 1 : i32
      %get3A_485 = arith.index_cast %get3A_484 : i32 to index
      %get3A_486 = arith.index_cast %add3A_239 : i32 to index
      %get3A_487 = arith.constant 80 : index
      %get3A_488 = tpu.vector_load %arg11[%get3A_485, %get3A_486, %get3A_487] {strides = array<i32>} : memref<4x40x128xf32, #tpu.memory_space<vmem>>, vector<16xf32>,
      %mul3A_489 = arith.mulf %get3A_488, %gather3A : vector<16xf32>
      %swap3A_490 = arith.constant 1 : i32
      %swap3A_491 = arith.index_cast %swap3A_490 : i32 to index
      %swap3A_492 = arith.index_cast %add3A_239 : i32 to index
      %swap3A_493 = arith.constant 80 : index
      %swap3A_494 = tpu.vector_load %arg11[%swap3A_491, %swap3A_492, %swap3A_493] {strides = array<i32>} : memref<4x40x128xf32, #tpu.memory_space<vmem>>, vector<16xf32>,
      tpu.vector_store %arg11[%swap3A_491, %swap3A_492, %swap3A_493], %mul3A_489 {strides = array<i32>} : memref<4x40x128xf32, #tpu.memory_space<vmem>>, vector<16xf32>,
      %get3A_495 = arith.constant 1 : i32
      %get3A_496 = arith.index_cast %get3A_495 : i32 to index
      %get3A_497 = arith.index_cast %add3A_243 : i32 to index
      %get3A_498 = arith.constant 80 : index
      %get3A_499 = tpu.vector_load %arg11[%get3A_496, %get3A_497, %get3A_498] {strides = array<i32>} : memref<4x40x128xf32, #tpu.memory_space<vmem>>, vector<16xf32>,
      %mul3A_500 = arith.mulf %get3A_499, %gather3A_257 : vector<16xf32>
      %swap3A_501 = arith.constant 1 : i32
      %swap3A_502 = arith.index_cast %swap3A_501 : i32 to index
      %swap3A_503 = arith.index_cast %add3A_243 : i32 to index
      %swap3A_504 = arith.constant 80 : index
      %swap3A_505 = tpu.vector_load %arg11[%swap3A_502, %swap3A_503, %swap3A_504] {strides = array<i32>} : memref<4x40x128xf32, #tpu.memory_space<vmem>>, vector<16xf32>,
      tpu.vector_store %arg11[%swap3A_502, %swap3A_503, %swap3A_504], %mul3A_500 {strides = array<i32>} : memref<4x40x128xf32, #tpu.memory_space<vmem>>, vector<16xf32>,
      %get3A_506 = arith.constant 1 : i32
      %get3A_507 = arith.index_cast %get3A_506 : i32 to index
      %get3A_508 = arith.index_cast %add3A_247 : i32 to index
      %get3A_509 = arith.constant 80 : index
      %get3A_510 = tpu.vector_load %arg11[%get3A_507, %get3A_508, %get3A_509] {strides = array<i32>} : memref<4x40x128xf32, #tpu.memory_space<vmem>>, vector<16xf32>,
      %mul3A_511 = arith.mulf %get3A_510, %gather3A_261 : vector<16xf32>
      %swap3A_512 = arith.constant 1 : i32
      %swap3A_513 = arith.index_cast %swap3A_512 : i32 to index
      %swap3A_514 = arith.index_cast %add3A_247 : i32 to index
      %swap3A_515 = arith.constant 80 : index
      %swap3A_516 = tpu.vector_load %arg11[%swap3A_513, %swap3A_514, %swap3A_515] {strides = array<i32>} : memref<4x40x128xf32, #tpu.memory_space<vmem>>, vector<16xf32>,
      tpu.vector_store %arg11[%swap3A_513, %swap3A_514, %swap3A_515], %mul3A_511 {strides = array<i32>} : memref<4x40x128xf32, #tpu.memory_space<vmem>>, vector<16xf32>,
      %get3A_517 = arith.constant 1 : i32
      %get3A_518 = arith.index_cast %get3A_517 : i32 to index
      %get3A_519 = arith.index_cast %add3A_251 : i32 to index
      %get3A_520 = arith.constant 80 : index
      %get3A_521 = tpu.vector_load %arg11[%get3A_518, %get3A_519, %get3A_520] {strides = array<i32>} : memref<4x40x128xf32, #tpu.memory_space<vmem>>, vector<16xf32>,
      %mul3A_522 = arith.mulf %get3A_521, %gather3A_265 : vector<16xf32>
      %swap3A_523 = arith.constant 1 : i32
      %swap3A_524 = arith.index_cast %swap3A_523 : i32 to index
      %swap3A_525 = arith.index_cast %add3A_251 : i32 to index
      %swap3A_526 = arith.constant 80 : index
      %swap3A_527 = tpu.vector_load %arg11[%swap3A_524, %swap3A_525, %swap3A_526] {strides = array<i32>} : memref<4x40x128xf32, #tpu.memory_space<vmem>>, vector<16xf32>,
      tpu.vector_store %arg11[%swap3A_524, %swap3A_525, %swap3A_526], %mul3A_522 {strides = array<i32>} : memref<4x40x128xf32, #tpu.memory_space<vmem>>, vector<16xf32>,
      %get3A_528 = arith.constant 1 : i32
      %get3A_529 = arith.index_cast %get3A_528 : i32 to index
      %get3A_530 = arith.index_cast %add3A_239 : i32 to index
      %get3A_531 = arith.constant 96 : index
      %get3A_532 = tpu.vector_load %arg11[%get3A_529, %get3A_530, %get3A_531] {strides = array<i32>} : memref<4x40x128xf32, #tpu.memory_space<vmem>>, vector<16xf32>,
      %mul3A_533 = arith.mulf %get3A_532, %gather3A : vector<16xf32>
      %swap3A_534 = arith.constant 1 : i32
      %swap3A_535 = arith.index_cast %swap3A_534 : i32 to index
      %swap3A_536 = arith.index_cast %add3A_239 : i32 to index
      %swap3A_537 = arith.constant 96 : index
      %swap3A_538 = tpu.vector_load %arg11[%swap3A_535, %swap3A_536, %swap3A_537] {strides = array<i32>} : memref<4x40x128xf32, #tpu.memory_space<vmem>>, vector<16xf32>,
      tpu.vector_store %arg11[%swap3A_535, %swap3A_536, %swap3A_537], %mul3A_533 {strides = array<i32>} : memref<4x40x128xf32, #tpu.memory_space<vmem>>, vector<16xf32>,
      %get3A_539 = arith.constant 1 : i32
      %get3A_540 = arith.index_cast %get3A_539 : i32 to index
      %get3A_541 = arith.index_cast %add3A_243 : i32 to index
      %get3A_542 = arith.constant 96 : index
      %get3A_543 = tpu.vector_load %arg11[%get3A_540, %get3A_541, %get3A_542] {strides = array<i32>} : memref<4x40x128xf32, #tpu.memory_space<vmem>>, vector<16xf32>,
      %mul3A_544 = arith.mulf %get3A_543, %gather3A_257 : vector<16xf32>
      %swap3A_545 = arith.constant 1 : i32
      %swap3A_546 = arith.index_cast %swap3A_545 : i32 to index
      %swap3A_547 = arith.index_cast %add3A_243 : i32 to index
      %swap3A_548 = arith.constant 96 : index
      %swap3A_549 = tpu.vector_load %arg11[%swap3A_546, %swap3A_547, %swap3A_548] {strides = array<i32>} : memref<4x40x128xf32, #tpu.memory_space<vmem>>, vector<16xf32>,
      tpu.vector_store %arg11[%swap3A_546, %swap3A_547, %swap3A_548], %mul3A_544 {strides = array<i32>} : memref<4x40x128xf32, #tpu.memory_space<vmem>>, vector<16xf32>,
      %get3A_550 = arith.constant 1 : i32
      %get3A_551 = arith.index_cast %get3A_550 : i32 to index
      %get3A_552 = arith.index_cast %add3A_247 : i32 to index
      %get3A_553 = arith.constant 96 : index
      %get3A_554 = tpu.vector_load %arg11[%get3A_551, %get3A_552, %get3A_553] {strides = array<i32>} : memref<4x40x128xf32, #tpu.memory_space<vmem>>, vector<16xf32>,
      %mul3A_555 = arith.mulf %get3A_554, %gather3A_261 : vector<16xf32>
      %swap3A_556 = arith.constant 1 : i32
      %swap3A_557 = arith.index_cast %swap3A_556 : i32 to index
      %swap3A_558 = arith.index_cast %add3A_247 : i32 to index
      %swap3A_559 = arith.constant 96 : index
      %swap3A_560 = tpu.vector_load %arg11[%swap3A_557, %swap3A_558, %swap3A_559] {strides = array<i32>} : memref<4x40x128xf32, #tpu.memory_space<vmem>>, vector<16xf32>,
      tpu.vector_store %arg11[%swap3A_557, %swap3A_558, %swap3A_559], %mul3A_555 {strides = array<i32>} : memref<4x40x128xf32, #tpu.memory_space<vmem>>, vector<16xf32>,
      %get3A_561 = arith.constant 1 : i32
      %get3A_562 = arith.index_cast %get3A_561 : i32 to index
      %get3A_563 = arith.index_cast %add3A_251 : i32 to index
      %get3A_564 = arith.constant 96 : index
      %get3A_565 = tpu.vector_load %arg11[%get3A_562, %get3A_563, %get3A_564] {strides = array<i32>} : memref<4x40x128xf32, #tpu.memory_space<vmem>>, vector<16xf32>,
      %mul3A_566 = arith.mulf %get3A_565, %gather3A_265 : vector<16xf32>
      %swap3A_567 = arith.constant 1 : i32
      %swap3A_568 = arith.index_cast %swap3A_567 : i32 to index
      %swap3A_569 = arith.index_cast %add3A_251 : i32 to index
      %swap3A_570 = arith.constant 96 : index
      %swap3A_571 = tpu.vector_load %arg11[%swap3A_568, %swap3A_569, %swap3A_570] {strides = array<i32>} : memref<4x40x128xf32, #tpu.memory_space<vmem>>, vector<16xf32>,
      tpu.vector_store %arg11[%swap3A_568, %swap3A_569, %swap3A_570], %mul3A_566 {strides = array<i32>} : memref<4x40x128xf32, #tpu.memory_space<vmem>>, vector<16xf32>,
      %get3A_572 = arith.constant 1 : i32
      %get3A_573 = arith.index_cast %get3A_572 : i32 to index
      %get3A_574 = arith.index_cast %add3A_239 : i32 to index
      %get3A_575 = arith.constant 112 : index
      %get3A_576 = tpu.vector_load %arg11[%get3A_573, %get3A_574, %get3A_575] {strides = array<i32>} : memref<4x40x128xf32, #tpu.memory_space<vmem>>, vector<16xf32>,
      %mul3A_577 = arith.mulf %get3A_576, %gather3A : vector<16xf32>
      %swap3A_578 = arith.constant 1 : i32
      %swap3A_579 = arith.index_cast %swap3A_578 : i32 to index
      %swap3A_580 = arith.index_cast %add3A_239 : i32 to index
      %swap3A_581 = arith.constant 112 : index
      %swap3A_582 = tpu.vector_load %arg11[%swap3A_579, %swap3A_580, %swap3A_581] {strides = array<i32>} : memref<4x40x128xf32, #tpu.memory_space<vmem>>, vector<16xf32>,
      tpu.vector_store %arg11[%swap3A_579, %swap3A_580, %swap3A_581], %mul3A_577 {strides = array<i32>} : memref<4x40x128xf32, #tpu.memory_space<vmem>>, vector<16xf32>,
      %get3A_583 = arith.constant 1 : i32
      %get3A_584 = arith.index_cast %get3A_583 : i32 to index
      %get3A_585 = arith.index_cast %add3A_243 : i32 to index
      %get3A_586 = arith.constant 112 : index
      %get3A_587 = tpu.vector_load %arg11[%get3A_584, %get3A_585, %get3A_586] {strides = array<i32>} : memref<4x40x128xf32, #tpu.memory_space<vmem>>, vector<16xf32>,
      %mul3A_588 = arith.mulf %get3A_587, %gather3A_257 : vector<16xf32>
      %swap3A_589 = arith.constant 1 : i32
      %swap3A_590 = arith.index_cast %swap3A_589 : i32 to index
      %swap3A_591 = arith.index_cast %add3A_243 : i32 to index
      %swap3A_592 = arith.constant 112 : index
      %swap3A_593 = tpu.vector_load %arg11[%swap3A_590, %swap3A_591, %swap3A_592] {strides = array<i32>} : memref<4x40x128xf32, #tpu.memory_space<vmem>>, vector<16xf32>,
      tpu.vector_store %arg11[%swap3A_590, %swap3A_591, %swap3A_592], %mul3A_588 {strides = array<i32>} : memref<4x40x128xf32, #tpu.memory_space<vmem>>, vector<16xf32>,
      %get3A_594 = arith.constant 1 : i32
      %get3A_595 = arith.index_cast %get3A_594 : i32 to index
      %get3A_596 = arith.index_cast %add3A_247 : i32 to index
      %get3A_597 = arith.constant 112 : index
      %get3A_598 = tpu.vector_load %arg11[%get3A_595, %get3A_596, %get3A_597] {strides = array<i32>} : memref<4x40x128xf32, #tpu.memory_space<vmem>>, vector<16xf32>,
      %mul3A_599 = arith.mulf %get3A_598, %gather3A_261 : vector<16xf32>
      %swap3A_600 = arith.constant 1 : i32
      %swap3A_601 = arith.index_cast %swap3A_600 : i32 to index
      %swap3A_602 = arith.index_cast %add3A_247 : i32 to index
      %swap3A_603 = arith.constant 112 : index
      %swap3A_604 = tpu.vector_load %arg11[%swap3A_601, %swap3A_602, %swap3A_603] {strides = array<i32>} : memref<4x40x128xf32, #tpu.memory_space<vmem>>, vector<16xf32>,
      tpu.vector_store %arg11[%swap3A_601, %swap3A_602, %swap3A_603], %mul3A_599 {strides = array<i32>} : memref<4x40x128xf32, #tpu.memory_space<vmem>>, vector<16xf32>,
      %get3A_605 = arith.constant 1 : i32
      %get3A_606 = arith.index_cast %get3A_605 : i32 to index
      %get3A_607 = arith.index_cast %add3A_251 : i32 to index
      %get3A_608 = arith.constant 112 : index
      %get3A_609 = tpu.vector_load %arg11[%get3A_606, %get3A_607, %get3A_608] {strides = array<i32>} : memref<4x40x128xf32, #tpu.memory_space<vmem>>, vector<16xf32>,
      %mul3A_610 = arith.mulf %get3A_609, %gather3A_265 : vector<16xf32>
      %swap3A_611 = arith.constant 1 : i32
      %swap3A_612 = arith.index_cast %swap3A_611 : i32 to index
      %swap3A_613 = arith.index_cast %add3A_251 : i32 to index
      %swap3A_614 = arith.constant 112 : index
      %swap3A_615 = tpu.vector_load %arg11[%swap3A_612, %swap3A_613, %swap3A_614] {strides = array<i32>} : memref<4x40x128xf32, #tpu.memory_space<vmem>>, vector<16xf32>,
      tpu.vector_store %arg11[%swap3A_612, %swap3A_613, %swap3A_614], %mul3A_610 {strides = array<i32>} : memref<4x40x128xf32, #tpu.memory_space<vmem>>, vector<16xf32>,
      %scan3A_616 = arith.constant 0 : i32
      scf.yield %scan3A_616 : i32
    }
    %scan3A_161 = arith.constant 10 : i32
    %add3A_162 = arith.constant 9960 : i32
    %add3A_163 = arith.addi %mul3A_2, %add3A_162 : i32
    %dma_wait3A_164 = arith.constant 1 : i32
    %dma_wait3A_165 = arith.constant 0 : i32
    %dma_wait3A_166 = tpu.memref_slice %arg10[%dma_wait3A_164, %dma_wait3A_165] : memref<4x40xi32, #tpu.memory_space<vmem>> -> memref<1x40xi32, #tpu.memory_space<vmem>>
    %dma_wait3A_167 = tpu.memref_squeeze %dma_wait3A_166 : memref<1x40xi32, #tpu.memory_space<vmem>> -> memref<40xi32, #tpu.memory_space<vmem>>
    %dma_wait3A_168 = tpu.memref_slice %arg5[%add3A_163] : memref<320000xi32, #tpu.memory_space<hbm>> -> memref<40xi32, #tpu.memory_space<hbm>>
    %dma_wait3A_169 = arith.constant 0 : i32
    %dma_wait3A_170 = tpu.memref_slice %arg10[%dma_wait3A_164, %dma_wait3A_169] : memref<4x40xi32, #tpu.memory_space<vmem>> -> memref<1x40xi32, #tpu.memory_space<vmem>>
    %dma_wait3A_171 = tpu.memref_squeeze %dma_wait3A_170 : memref<1x40xi32, #tpu.memory_space<vmem>> -> memref<40xi32, #tpu.memory_space<vmem>>
    %dma_wait3A_172 = tpu.memref_slice %arg5[%add3A_163] : memref<320000xi32, #tpu.memory_space<hbm>> -> memref<40xi32, #tpu.memory_space<hbm>>
    tpu.wait_dma2 semaphore(%arg17 : memref<!tpu.dma_semaphore, #tpu.memory_space<semaphore_mem>>) src(%dma_wait3A_172 : memref<40xi32, #tpu.memory_space<hbm>>) dst(%dma_wait3A_171 : memref<40xi32, #tpu.memory_space<vmem>>)
    %dma_start3A_173 = arith.constant 1 : i32
    %dma_start3A_174 = arith.constant 1 : i32
    %dma_start3A_175 = arith.constant 0 : i32
    %dma_start3A_176 = arith.constant 0 : i32
    %dma_start3A_177 = tpu.memref_slice %arg11[%dma_start3A_173, %dma_start3A_175, %dma_start3A_176] : memref<4x40x128xf32, #tpu.memory_space<vmem>> -> memref<1x40x128xf32, #tpu.memory_space<vmem>>
    %dma_start3A_178 = tpu.memref_squeeze %dma_start3A_177 : memref<1x40x128xf32, #tpu.memory_space<vmem>> -> memref<40x128xf32, #tpu.memory_space<vmem>>
    %dma_start3A_179 = arith.constant 0 : i32
    %dma_start3A_180 = tpu.memref_slice %arg10[%dma_start3A_174, %dma_start3A_179] : memref<4x40xi32, #tpu.memory_space<vmem>> -> memref<1x40xi32, #tpu.memory_space<vmem>>
    %dma_start3A_181 = tpu.memref_squeeze %dma_start3A_180 : memref<1x40xi32, #tpu.memory_space<vmem>> -> memref<40xi32, #tpu.memory_space<vmem>>
    %dma_start3A_182 = arith.constant 0 : i32
    %dma_start3A_183 = arith.constant 0 : i32
    %dma_start3A_184 = tpu.memref_slice %arg7[%dma_start3A_182, %dma_start3A_183] : memref<10000x128xf32, #tpu.memory_space<vmem_shared>> -> memref<10000x128xf32, #tpu.memory_space<vmem_shared>>
    tpu.enqueue_indirect_dma source(%dma_start3A_178 : memref<40x128xf32, #tpu.memory_space<vmem>>) target(%dma_start3A_184 : memref<10000x128xf32, #tpu.memory_space<vmem_shared>>) offsets(%dma_start3A_181 : memref<40xi32, #tpu.memory_space<vmem>>) semaphore(%arg21 : memref<!tpu.dma_semaphore, #tpu.memory_space<semaphore_mem>>) {add = true}
    %dma_wait3A_185 = arith.constant 0 : i32
    %dma_wait3A_186 = arith.constant 0 : i32
    %dma_wait3A_187 = arith.constant 0 : i32
    %dma_wait3A_188 = arith.constant 0 : i32
    %dma_wait3A_189 = tpu.memref_slice %arg11[%dma_wait3A_185, %dma_wait3A_187, %dma_wait3A_188] : memref<4x40x128xf32, #tpu.memory_space<vmem>> -> memref<1x40x128xf32, #tpu.memory_space<vmem>>
    %dma_wait3A_190 = tpu.memref_squeeze %dma_wait3A_189 : memref<1x40x128xf32, #tpu.memory_space<vmem>> -> memref<40x128xf32, #tpu.memory_space<vmem>>
    %dma_wait3A_191 = arith.constant 0 : i32
    %dma_wait3A_192 = tpu.memref_slice %arg10[%dma_wait3A_186, %dma_wait3A_191] : memref<4x40xi32, #tpu.memory_space<vmem>> -> memref<1x40xi32, #tpu.memory_space<vmem>>
    %dma_wait3A_193 = tpu.memref_squeeze %dma_wait3A_192 : memref<1x40xi32, #tpu.memory_space<vmem>> -> memref<40xi32, #tpu.memory_space<vmem>>
    %dma_wait3A_194 = arith.constant 0 : i32
    %dma_wait3A_195 = arith.constant 0 : i32
    %dma_wait3A_196 = tpu.memref_slice %arg7[%dma_wait3A_194, %dma_wait3A_195] : memref<10000x128xf32, #tpu.memory_space<vmem_shared>> -> memref<10000x128xf32, #tpu.memory_space<vmem_shared>>
    tpu.wait_indirect_dma semaphore(%arg20 : memref<!tpu.dma_semaphore, #tpu.memory_space<semaphore_mem>>) src(%dma_wait3A_190 : memref<40x128xf32, #tpu.memory_space<vmem>>) dst(%dma_wait3A_196 : memref<10000x128xf32, #tpu.memory_space<vmem_shared>>)
    %dma_wait3A_197 = arith.constant 1 : i32
    %dma_wait3A_198 = arith.constant 1 : i32
    %dma_wait3A_199 = arith.constant 0 : i32
    %dma_wait3A_200 = arith.constant 0 : i32
    %dma_wait3A_201 = tpu.memref_slice %arg11[%dma_wait3A_197, %dma_wait3A_199, %dma_wait3A_200] : memref<4x40x128xf32, #tpu.memory_space<vmem>> -> memref<1x40x128xf32, #tpu.memory_space<vmem>>
    %dma_wait3A_202 = tpu.memref_squeeze %dma_wait3A_201 : memref<1x40x128xf32, #tpu.memory_space<vmem>> -> memref<40x128xf32, #tpu.memory_space<vmem>>
    %dma_wait3A_203 = arith.constant 0 : i32
    %dma_wait3A_204 = tpu.memref_slice %arg10[%dma_wait3A_198, %dma_wait3A_203] : memref<4x40xi32, #tpu.memory_space<vmem>> -> memref<1x40xi32, #tpu.memory_space<vmem>>
    %dma_wait3A_205 = tpu.memref_squeeze %dma_wait3A_204 : memref<1x40xi32, #tpu.memory_space<vmem>> -> memref<40xi32, #tpu.memory_space<vmem>>
    %dma_wait3A_206 = arith.constant 0 : i32
    %dma_wait3A_207 = arith.constant 0 : i32
    %dma_wait3A_208 = tpu.memref_slice %arg7[%dma_wait3A_206, %dma_wait3A_207] : memref<10000x128xf32, #tpu.memory_space<vmem_shared>> -> memref<10000x128xf32, #tpu.memory_space<vmem_shared>>
    tpu.wait_indirect_dma semaphore(%arg21 : memref<!tpu.dma_semaphore, #tpu.memory_space<semaphore_mem>>) src(%dma_wait3A_202 : memref<40x128xf32, #tpu.memory_space<vmem>>) dst(%dma_wait3A_208 : memref<10000x128xf32, #tpu.memory_space<vmem_shared>>)
    %barrier3A_209 = arith.constant 0 : index
    tpu.barrier barrier_id(%barrier3A_209)
    %while3A_210 = arith.constant 0 : i32
    %while3A_211 = arith.constant 0 : i32
    %while3A_212 = arith.subi %select_n3A, %while3A_210 : i32
    %while3A_213 = arith.addi %while3A_210, %while3A_212 : i32
    %while3A_214 = arith.constant 1 : i32
    %while3A_215 = arith.divsi %while3A_212, %while3A_214 : i32
    %while3A_216 = arith.muli %while3A_215, %while3A_214 : i32
    %while3A_217 = arith.addi %while3A_210, %while3A_216 : i32
    %while3A_218 = arith.constant 1 : i32
    %while3A_219 = scf.for %while3A_234 = %while3A_210 to %while3A_217 step %while3A_218 iter_args(%while3A_235 = %while3A_211) -> (i32)  : i32 {
      %mul3A_236 = arith.constant 16 : i32
      %mul3A_237 = arith.muli %while3A_234, %mul3A_236 : i32
      %add3A_238 = arith.addi %arg1, %mul3A_237 : i32
      %mul3A_239 = arith.constant 40 : i32
      %mul3A_240 = arith.muli %add3A_238, %mul3A_239 : i32
      %dma_start3A_241 = arith.constant 0 : i32
      %dma_start3A_242 = arith.constant 0 : i32
      %dma_start3A_243 = tpu.memref_slice %arg6[%arg0, %dma_start3A_241, %dma_start3A_242] : memref<2x10000x128xf32, #tpu.memory_space<hbm>> -> memref<1x10000x128xf32, #tpu.memory_space<hbm>>
      %dma_start3A_244 = tpu.memref_squeeze %dma_start3A_243 : memref<1x10000x128xf32, #tpu.memory_space<hbm>> -> memref<10000x128xf32, #tpu.memory_space<hbm>>
      %dma_start3A_245 = arith.constant 0 : i32
      %dma_start3A_246 = tpu.memref_slice %dma_start3A_244[%mul3A_240, %dma_start3A_245] : memref<10000x128xf32, #tpu.memory_space<hbm>> -> memref<40x128xf32, #tpu.memory_space<hbm>>
      %dma_start3A_247 = arith.constant 0 : i32
      %dma_start3A_248 = tpu.memref_slice %arg7[%mul3A_240, %dma_start3A_247] : memref<10000x128xf32, #tpu.memory_space<vmem_shared>> -> memref<40x128xf32, #tpu.memory_space<vmem_shared>>
      tpu.enqueue_dma source(%dma_start3A_248 : memref<40x128xf32, #tpu.memory_space<vmem_shared>>) target(%dma_start3A_246 : memref<40x128xf32, #tpu.memory_space<hbm>>) target_semaphore(%arg12 : memref<!tpu.dma_semaphore, #tpu.memory_space<semaphore_mem>>)
      %while3A_249 = arith.constant 0 : i32
      scf.yield %while3A_249 : i32
    }
    %while3A_220 = arith.constant 1 : i32
    %while3A_221 = scf.for %while3A_234 = %while3A_217 to %while3A_213 step %while3A_220 iter_args(%while3A_235 = %while3A_219) -> (i32)  : i32 {
      %mul3A_236 = arith.constant 16 : i32
      %mul3A_237 = arith.muli %while3A_234, %mul3A_236 : i32
      %add3A_238 = arith.addi %arg1, %mul3A_237 : i32
      %mul3A_239 = arith.constant 40 : i32
      %mul3A_240 = arith.muli %add3A_238, %mul3A_239 : i32
      %dma_start3A_241 = arith.constant 0 : i32
      %dma_start3A_242 = arith.constant 0 : i32
      %dma_start3A_243 = tpu.memref_slice %arg6[%arg0, %dma_start3A_241, %dma_start3A_242] : memref<2x10000x128xf32, #tpu.memory_space<hbm>> -> memref<1x10000x128xf32, #tpu.memory_space<hbm>>
      %dma_start3A_244 = tpu.memref_squeeze %dma_start3A_243 : memref<1x10000x128xf32, #tpu.memory_space<hbm>> -> memref<10000x128xf32, #tpu.memory_space<hbm>>
      %dma_start3A_245 = arith.constant 0 : i32
      %dma_start3A_246 = tpu.memref_slice %dma_start3A_244[%mul3A_240, %dma_start3A_245] : memref<10000x128xf32, #tpu.memory_space<hbm>> -> memref<40x128xf32, #tpu.memory_space<hbm>>
      %dma_start3A_247 = arith.constant 0 : i32
      %dma_start3A_248 = tpu.memref_slice %arg7[%mul3A_240, %dma_start3A_247] : memref<10000x128xf32, #tpu.memory_space<vmem_shared>> -> memref<40x128xf32, #tpu.memory_space<vmem_shared>>
      tpu.enqueue_dma source(%dma_start3A_248 : memref<40x128xf32, #tpu.memory_space<vmem_shared>>) target(%dma_start3A_246 : memref<40x128xf32, #tpu.memory_space<hbm>>) target_semaphore(%arg12 : memref<!tpu.dma_semaphore, #tpu.memory_space<semaphore_mem>>)
      %while3A_249 = arith.constant 0 : i32
      scf.yield %while3A_249 : i32
    }
    %while3A_222 = arith.constant 0 : i32
    %while3A_223 = arith.constant 0 : i32
    %while3A_224 = arith.subi %select_n3A, %while3A_222 : i32
    %while3A_225 = arith.addi %while3A_222, %while3A_224 : i32
    %while3A_226 = arith.constant 1 : i32
    %while3A_227 = arith.divsi %while3A_224, %while3A_226 : i32
    %while3A_228 = arith.muli %while3A_227, %while3A_226 : i32
    %while3A_229 = arith.addi %while3A_222, %while3A_228 : i32
    %while3A_230 = arith.constant 1 : i32
    %while3A_231 = scf.for %while3A_234 = %while3A_222 to %while3A_229 step %while3A_230 iter_args(%while3A_235 = %while3A_223) -> (i32)  : i32 {
      %mul3A_236 = arith.constant 16 : i32
      %mul3A_237 = arith.muli %while3A_234, %mul3A_236 : i32
      %add3A_238 = arith.addi %arg1, %mul3A_237 : i32
      %mul3A_239 = arith.constant 40 : i32
      %mul3A_240 = arith.muli %add3A_238, %mul3A_239 : i32
      %dma_wait3A_241 = arith.constant 0 : i32
      %dma_wait3A_242 = arith.constant 0 : i32
      %dma_wait3A_243 = tpu.memref_slice %arg6[%arg0, %dma_wait3A_241, %dma_wait3A_242] : memref<2x10000x128xf32, #tpu.memory_space<hbm>> -> memref<1x10000x128xf32, #tpu.memory_space<hbm>>
      %dma_wait3A_244 = tpu.memref_squeeze %dma_wait3A_243 : memref<1x10000x128xf32, #tpu.memory_space<hbm>> -> memref<10000x128xf32, #tpu.memory_space<hbm>>
      %dma_wait3A_245 = arith.constant 0 : i32
      %dma_wait3A_246 = tpu.memref_slice %dma_wait3A_244[%mul3A_240, %dma_wait3A_245] : memref<10000x128xf32, #tpu.memory_space<hbm>> -> memref<40x128xf32, #tpu.memory_space<hbm>>
      %dma_wait3A_247 = arith.constant 0 : i32
      %dma_wait3A_248 = tpu.memref_slice %arg7[%mul3A_240, %dma_wait3A_247] : memref<10000x128xf32, #tpu.memory_space<vmem_shared>> -> memref<40x128xf32, #tpu.memory_space<vmem_shared>>
      tpu.wait_dma2 semaphore(%arg12 : memref<!tpu.dma_semaphore, #tpu.memory_space<semaphore_mem>>) src(%dma_wait3A_248 : memref<40x128xf32, #tpu.memory_space<vmem_shared>>) dst(%dma_wait3A_246 : memref<40x128xf32, #tpu.memory_space<hbm>>)
      %while3A_249 = arith.constant 0 : i32
      scf.yield %while3A_249 : i32
    }
    %while3A_232 = arith.constant 1 : i32
    %while3A_233 = scf.for %while3A_234 = %while3A_229 to %while3A_225 step %while3A_232 iter_args(%while3A_235 = %while3A_231) -> (i32)  : i32 {
      %mul3A_236 = arith.constant 16 : i32
      %mul3A_237 = arith.muli %while3A_234, %mul3A_236 : i32
      %add3A_238 = arith.addi %arg1, %mul3A_237 : i32
      %mul3A_239 = arith.constant 40 : i32
      %mul3A_240 = arith.muli %add3A_238, %mul3A_239 : i32
      %dma_wait3A_241 = arith.constant 0 : i32
      %dma_wait3A_242 = arith.constant 0 : i32
      %dma_wait3A_243 = tpu.memref_slice %arg6[%arg0, %dma_wait3A_241, %dma_wait3A_242] : memref<2x10000x128xf32, #tpu.memory_space<hbm>> -> memref<1x10000x128xf32, #tpu.memory_space<hbm>>
      %dma_wait3A_244 = tpu.memref_squeeze %dma_wait3A_243 : memref<1x10000x128xf32, #tpu.memory_space<hbm>> -> memref<10000x128xf32, #tpu.memory_space<hbm>>
      %dma_wait3A_245 = arith.constant 0 : i32
      %dma_wait3A_246 = tpu.memref_slice %dma_wait3A_244[%mul3A_240, %dma_wait3A_245] : memref<10000x128xf32, #tpu.memory_space<hbm>> -> memref<40x128xf32, #tpu.memory_space<hbm>>
      %dma_wait3A_247 = arith.constant 0 : i32
      %dma_wait3A_248 = tpu.memref_slice %arg7[%mul3A_240, %dma_wait3A_247] : memref<10000x128xf32, #tpu.memory_space<vmem_shared>> -> memref<40x128xf32, #tpu.memory_space<vmem_shared>>
      tpu.wait_dma2 semaphore(%arg12 : memref<!tpu.dma_semaphore, #tpu.memory_space<semaphore_mem>>) src(%dma_wait3A_248 : memref<40x128xf32, #tpu.memory_space<vmem_shared>>) dst(%dma_wait3A_246 : memref<40x128xf32, #tpu.memory_space<hbm>>)
      %while3A_249 = arith.constant 0 : i32
      scf.yield %while3A_249 : i32
    }
    return
  }
}

module attributes {stable_mosaic.version = 14 : i64} {
  func.func @body(%arg0: i32, %arg1: memref<1000x128xf32, #tpu.memory_space<vmem>>, %arg2: memref<1000x128xf32, #tpu.memory_space<vmem>>, %arg3: memref<1000x128xf32, #tpu.memory_space<vmem>>, %arg4: memref<128x128xf32, #tpu.memory_space<vmem>>, %arg5: memref<1000x128xf32, #tpu.memory_space<vmem>>) attributes {dimension_semantics = [#tpu.dimension_semantics<arbitrary>], iteration_bounds = array<i64: 10>, scalar_prefetch = 0 : i64, scratch_operands = 0 : i64, tpu.core_type = #tpu.core_type<tc>, window_params = [{transform_indices = @transform_0, window_bounds = array<i64: 1000, 128>}, {transform_indices = @transform_1, window_bounds = array<i64: 1000, 128>}, {transform_indices = @transform_2, window_bounds = array<i64: 1000, 128>}, {pipeline_mode = #tpu.pipeline_mode<synchronous>, transform_indices = @transform_3, window_bounds = array<i64: 128, 128>}, {transform_indices = @transform_4, window_bounds = array<i64: 1000, 128>}]} {
    %get3A = arith.constant 0 : index
    %get3A_0 = arith.constant 0 : index
    %get3A_1 = vector.load %arg1[%get3A, %get3A_0] : memref<1000x128xf32, #tpu.memory_space<vmem>>, vector<1000x128xf32>
    %get3A_2 = arith.constant 0 : index
    %get3A_3 = arith.constant 0 : index
    %get3A_4 = vector.load %arg2[%get3A_2, %get3A_3] : memref<1000x128xf32, #tpu.memory_space<vmem>>, vector<1000x128xf32>
    %add3A = arith.addf %get3A_1, %get3A_4 : vector<1000x128xf32>
    %get3A_5 = arith.constant 0 : index
    %get3A_6 = arith.constant 0 : index
    %get3A_7 = vector.load %arg3[%get3A_5, %get3A_6] : memref<1000x128xf32, #tpu.memory_space<vmem>>, vector<1000x128xf32>
    %get3A_8 = arith.constant 0 : index
    %get3A_9 = arith.constant 0 : index
    %get3A_10 = vector.load %arg4[%get3A_8, %get3A_9] : memref<128x128xf32, #tpu.memory_space<vmem>>, vector<128x128xf32>
    %dot_general3A = arith.constant dense<0.000000e+00> : vector<1000x128xf32>
    %dot_general3A_11 = tpu.matmul %add3A, %get3A_10, %dot_general3A {dimension_numbers = #tpu.dot_dimension_numbers<[1], [0], [0], [1], [0, 0, 1, 1], [], []>, transpose_lhs_hint = false} : vector<1000x128xf32>, vector<128x128xf32>, vector<1000x128xf32> -> vector<1000x128xf32>
    %add3A_12 = arith.addf %get3A_7, %dot_general3A_11 : vector<1000x128xf32>
    %mul3A = arith.mulf %get3A_7, %dot_general3A_11 : vector<1000x128xf32>
    %add3A_13 = arith.addf %add3A_12, %mul3A : vector<1000x128xf32>
    %ge3A = arith.constant 0.000000e+00 : f32
    %ge3A_14 = vector.broadcast %ge3A : f32 to vector<1000x128xf32>
    %ge3A_15 = arith.cmpf oge, %add3A_13, %ge3A_14 : vector<1000x128xf32>
    %mul3A_16 = arith.constant 2.000000e-01 : f32
    %mul3A_17 = vector.broadcast %mul3A_16 : f32 to vector<1000x128xf32>
    %mul3A_18 = arith.mulf %mul3A_17, %add3A_13 : vector<1000x128xf32>
    %select_n3A = arith.select %ge3A_15, %add3A_13, %mul3A_18 : vector<1000x128xi1>, vector<1000x128xf32>
    %swap3A = arith.constant 0 : index
    %swap3A_19 = arith.constant 0 : index
    %swap3A_20 = vector.load %arg5[%swap3A, %swap3A_19] : memref<1000x128xf32, #tpu.memory_space<vmem>>, vector<1000x128xf32>
    tpu.vector_store %arg5[%swap3A, %swap3A_19], %select_n3A {strides = array<i32>} : memref<1000x128xf32, #tpu.memory_space<vmem>>, vector<1000x128xf32>,
    return
  }
  func.func @transform_0(%arg0: i32) -> (i32, i32) {
    %c0_i32 = arith.constant 0 : i32
    %c0_i32_0 = arith.constant 0 : i32
    return %arg0, %c0_i32 : i32, i32
  }
  func.func @transform_1(%arg0: i32) -> (i32, i32) {
    %c0_i32 = arith.constant 0 : i32
    %c0_i32_0 = arith.constant 0 : i32
    return %arg0, %c0_i32 : i32, i32
  }
  func.func @transform_2(%arg0: i32) -> (i32, i32) {
    %c0_i32 = arith.constant 0 : i32
    %c0_i32_0 = arith.constant 0 : i32
    return %arg0, %c0_i32 : i32, i32
  }
  func.func @transform_3(%arg0: i32) -> (i32, i32) {
    %c0_i32 = arith.constant 0 : i32
    %c0_i32_0 = arith.constant 0 : i32
    %c0_i32_1 = arith.constant 0 : i32
    return %c0_i32, %c0_i32_0 : i32, i32
  }
  func.func @transform_4(%arg0: i32) -> (i32, i32) {
    %c0_i32 = arith.constant 0 : i32
    %c0_i32_0 = arith.constant 0 : i32
    return %arg0, %c0_i32 : i32, i32
  }
}

module attributes {stable_mosaic.version = 14 : i64} {
  func.func @body(%arg0: i32, %arg1: memref<1000x128xf32, #tpu.memory_space<vmem>>, %arg2: memref<128x128xf32, #tpu.memory_space<vmem>>, %arg3: memref<1000x128xf32, #tpu.memory_space<vmem>>) attributes {dimension_semantics = [#tpu.dimension_semantics<arbitrary>], iteration_bounds = array<i64: 10>, scalar_prefetch = 0 : i64, scratch_operands = 0 : i64, tpu.core_type = #tpu.core_type<tc>, window_params = [{transform_indices = @transform_0, window_bounds = array<i64: 1000, 128>}, {pipeline_mode = #tpu.pipeline_mode<synchronous>, transform_indices = @transform_1, window_bounds = array<i64: 128, 128>}, {transform_indices = @transform_2, window_bounds = array<i64: 1000, 128>}]} {
    %get3A = arith.constant 0 : index
    %get3A_0 = arith.constant 0 : index
    %get3A_1 = vector.load %arg1[%get3A, %get3A_0] : memref<1000x128xf32, #tpu.memory_space<vmem>>, vector<1000x128xf32>
    %get3A_2 = arith.constant 0 : index
    %get3A_3 = arith.constant 0 : index
    %get3A_4 = vector.load %arg2[%get3A_2, %get3A_3] : memref<128x128xf32, #tpu.memory_space<vmem>>, vector<128x128xf32>
    %dot_general3A = arith.constant dense<0.000000e+00> : vector<1000x128xf32>
    %dot_general3A_5 = tpu.matmul %get3A_1, %get3A_4, %dot_general3A {dimension_numbers = #tpu.dot_dimension_numbers<[1], [0], [0], [1], [0, 0, 1, 1], [], []>, transpose_lhs_hint = false} : vector<1000x128xf32>, vector<128x128xf32>, vector<1000x128xf32> -> vector<1000x128xf32>
    %swap3A = arith.constant 0 : index
    %swap3A_6 = arith.constant 0 : index
    %swap3A_7 = vector.load %arg3[%swap3A, %swap3A_6] : memref<1000x128xf32, #tpu.memory_space<vmem>>, vector<1000x128xf32>
    tpu.vector_store %arg3[%swap3A, %swap3A_6], %dot_general3A_5 {strides = array<i32>} : memref<1000x128xf32, #tpu.memory_space<vmem>>, vector<1000x128xf32>,
    return
  }
  func.func @transform_0(%arg0: i32) -> (i32, i32) {
    %c0_i32 = arith.constant 0 : i32
    %c0_i32_0 = arith.constant 0 : i32
    return %arg0, %c0_i32 : i32, i32
  }
  func.func @transform_1(%arg0: i32) -> (i32, i32) {
    %c0_i32 = arith.constant 0 : i32
    %c0_i32_0 = arith.constant 0 : i32
    %c0_i32_1 = arith.constant 0 : i32
    return %c0_i32, %c0_i32_0 : i32, i32
  }
  func.func @transform_2(%arg0: i32) -> (i32, i32) {
    %c0_i32 = arith.constant 0 : i32
    %c0_i32_0 = arith.constant 0 : i32
    return %arg0, %c0_i32 : i32, i32
  }
}

</mosaic_0001>

<sc_bundles>
// kernel: kernel.5.cloned.1.call-start
scs
__scs_entry_jumppad:
0x0: {  	(pc) =	sbr.rel $0x88, $3  }
0x1: {  	(tag) =	ssettag $0x0;
	lr =	simm.s32 $0x1  }
0x2: {  	[smem:$0x3F9C] =	sst lr;
	_ =	strace $0xD0000000  }
0x3: {  	_ = 	snop  }
0x4: {  	_ = 	snop  }
0x5: {  	_ = 	snop  }
0x6: {  	_ = 	snop  }
0x7: {  	_ = 	snop  }
__scs_overlays_trampoline_lowered:
0x8: {  	[smem:$0x3FAB] =	sst s0  }
0x9: {  	[smem:$0x3FAC] =	sst s1  }
0xa: {  	[smem:$0x3FAD] =	sst s2  }
0xb: {  	[smem:$0x3FAE] =	sst s3  }
0xc: {  	[smem:$0x3FAF] =	sst s4  }
0xd: {  	[smem:$0x3FB0] =	sst s5  }
0xe: {  	[smem:$0x3FB1] =	sst s6  }
0xf: {  	[smem:$0x3FB2] =	sst s7  }
0x10: {  	[smem:$0x3FB3] =	sst s8  }
0x11: {  	[smem:$0x3FB4] =	sst s9;
	s0 =	simm.s32 @!p0 $0x0  }
0x12: {  	s1 =	sld [smem:$0x3F9A];
	s0 =	simm.s32 @p0 $0x1  }
0x13: {  	[smem:$0x3FB5] =	sst s0;
	s0 =	simm.s32 @!p1 $0x0  }
0x14: {  	s2 =	sld [smem:$0x3F99];
	s0 =	simm.s32 @p1 $0x1  }
0x15: {  	[smem:$0x3FB6] =	sst s0;
	s0 =	simm.s32 @!p2 $0x0  }
0x16: {  	s3 =	sld [smem:$0x3FDB];
	s0 =	simm.s32 @p2 $0x1  }
0x17: {  	s4 =	simm.s32 $0x1BF5;
	[smem:$0x3FB8] =	sst s0  }
0x18: {  	s0 =	sld [smem:$0x3F9B];
	_ =	swait.ge [sflag:s4], $0x0  }
0x19: {  	s7 =	sld [smem:$0x3F9C]  }
0x1a: {  	s8 =	sadd.s32 $0xFFFFE003, lr  }
0x1b: {  	s9 =	sadd.s32 $0xFFFFFEF7, lr;
	s5 =	simm.s32 $0xFFFFFFFF;
	p2 =	slt.u32 s8, $0xFFFFF086  }
0x1c: {  	p1 =	slt.u32 s9, $0xF7A;
	s5 =	simm.s32 @!p2 $0x0  }
0x1d: {  	s5 =	simm.s32 @p1 $0x1;
	p0 =	seq.s32 s7, s2  }
0x1e: {  	s7 =	smul.u32 @!p0 $0xF7A, s2;
	p2 =	seq.s32 @!p0 s5, $0x0  }
0x1f: {  	s9 =	smul.u32 $0xF7A, s1;
	s8 =	simm.s32 @!p0 $0x1BF5;
	p2 =	por !p2, p0  }
0x20: {  	[sflag:s8] =	ssyncset.s32 @!p0 $0xFFFFF086;
	s6 =	sadd.s32 @!p0 s3, s7;
	s7 =	simm.s32 @!p0 $0x108  }
0x21: {  	s3 =	sadd.s32 s3, s9;
	s6 =	sadd.s32 @!p0 $0x88, s6;
	s7 =	simm.s32 @p2 $0x1082  }
0x22: {  	[simem:s7], [sflag:s8] =	dma.local @!p0 [hbm:s6], $0xF7A  }
0x23: {  	s9 =	sor.u32 $0xD0000000, s2;
	s6 =	simm.s32 $0x108;
	_ =	swait.ge @!p0 [sflag:s8], $0x0  }
0x24: {  	s3 =	sadd.s32 $0x88, s3;
	s6 =	simm.s32 @!p1 $0x1082;
	[sflag:s4] =	ssyncset.s32 $0xFFFFF086  }
0x25: {  	[simem:s6], [sflag:s4] =	dma.local [hbm:s3], $0xF7A  }
0x26: {  	[smem:$0x3F9C] =	sst s1;
	(tag) =	ssettag s2;
	_ =	strace s9  }
0x27: {  	s1 =	sld [smem:$0x3FAC]  }
0x28: {  	s2 =	sld [smem:$0x3FAD]  }
0x29: {  	s4 =	sld [smem:$0x3FAF]  }
0x2a: {  	p0 =	seq.s32 s5, $0x0;
	s5 =	sld [smem:$0x3FB0]  }
0x2b: {  	s6 =	sld [smem:$0x3FB1]  }
0x2c: {  	s7 =	sld [smem:$0x3FB2]  }
0x2d: {  	s3 =	simm.s32 $0x108;
	s8 =	sld [smem:$0x3FB3]  }
0x2e: {  	s3 =	simm.s32 @!p0 $0x1082;
	s9 =	sld [smem:$0x3FB4]  }
0x2f: {  	lr =	sadd.s32 s0, s3;
	s0 =	sld [smem:$0x3FAB]  }
0x30: {  	s3 =	sld [smem:$0x3FAE]  }
0x31: {  	[smem:$0x3FB7] =	sst s10  }
0x32: {  	s10 =	sld [smem:$0x3FB5];
	_ =	sdelay $0x3  }
0x33: {  	p0 =	seq.s32 s10, $0x1;
	s10 =	sld [smem:$0x3FB7];
	_ =	sdelay $0x3  }
0x34: {  	[smem:$0x3FB7] =	sst s10  }
0x35: {  	s10 =	sld [smem:$0x3FB6];
	_ =	sdelay $0x3  }
0x36: {  	p1 =	seq.s32 s10, $0x1;
	s10 =	sld [smem:$0x3FB7];
	_ =	sdelay $0x3  }
0x37: {  	[smem:$0x3FB7] =	sst s10  }
0x38: {  	s10 =	sld [smem:$0x3FB8]  }
0x39: {  	_ = 	snop;
	(pc) =	sbr.ind lr, $3  }
0x3a: {  	_ = 	snop  }
0x3b: {  	_ = 	snop  }
0x3c: {  	p2 =	seq.s32 s10, $0x1;
	s10 =	sld [smem:$0x3FB7]  }
0x3d: {  	_ =	shalt  }
0x3e: {  	_ =	shalt  }
0x3f: {  	_ =	shalt  }
0x40: {  	_ =	shalt  }
0x41: {  	_ =	shalt  }
0x42: {  	_ =	shalt  }
0x43: {  	_ =	shalt  }
0x44: {  	_ =	shalt  }
0x45: {  	_ =	shalt  }
0x46: {  	_ =	shalt  }
0x47: {  	_ =	shalt  }
0x48: {  	_ =	shalt  }
0x49: {  	_ =	shalt  }
0x4a: {  	_ =	shalt  }
0x4b: {  	_ =	shalt  }
0x4c: {  	_ =	shalt  }
0x4d: {  	_ =	shalt  }
0x4e: {  	_ =	shalt  }
0x4f: {  	_ =	shalt  }
0x50: {  	_ =	shalt  }
0x51: {  	_ =	shalt  }
0x52: {  	_ =	shalt  }
0x53: {  	_ =	shalt  }
0x54: {  	_ =	shalt  }
0x55: {  	_ =	shalt  }
0x56: {  	_ =	shalt  }
0x57: {  	_ =	shalt  }
0x58: {  	_ =	shalt  }
0x59: {  	_ =	shalt  }
0x5a: {  	_ =	shalt  }
0x5b: {  	_ =	shalt  }
0x5c: {  	_ =	shalt  }
0x5d: {  	_ =	shalt  }
0x5e: {  	_ =	shalt  }
0x5f: {  	_ =	shalt  }
0x60: {  	_ =	shalt  }
0x61: {  	_ =	shalt  }
0x62: {  	_ =	shalt  }
0x63: {  	_ =	shalt  }
0x64: {  	_ =	shalt  }
0x65: {  	_ =	shalt  }
0x66: {  	_ =	shalt  }
0x67: {  	_ =	shalt  }
0x68: {  	_ =	shalt  }
0x69: {  	_ =	shalt  }
0x6a: {  	_ =	shalt  }
0x6b: {  	_ =	shalt  }
0x6c: {  	_ =	shalt  }
0x6d: {  	_ =	shalt  }
0x6e: {  	_ =	shalt  }
0x6f: {  	_ =	shalt  }
0x70: {  	_ =	shalt  }
0x71: {  	_ =	shalt  }
0x72: {  	_ =	shalt  }
0x73: {  	_ =	shalt  }
0x74: {  	_ =	shalt  }
0x75: {  	_ =	shalt  }
0x76: {  	_ =	shalt  }
0x77: {  	_ =	shalt  }
0x78: {  	_ =	shalt  }
0x79: {  	_ =	shalt  }
0x7a: {  	_ =	shalt  }
0x7b: {  	_ =	shalt  }
0x7c: {  	_ =	shalt  }
0x7d: {  	_ =	shalt  }
0x7e: {  	_ =	shalt  }
0x7f: {  	_ =	shalt  }
0x80: {  	_ =	shalt  }
0x81: {  	_ =	shalt  }
0x82: {  	_ =	shalt  }
0x83: {  	_ =	shalt  }
0x84: {  	_ =	shalt  }
0x85: {  	_ =	shalt  }
0x86: {  	_ =	shalt  }
0x87: {  	_ =	shalt  }
.Lfunc_end0:
.L_simem_size_0:
called_computation_lowered:
.L_overlay_start_0:
0x88: {  	s2 =	sld [smem:$0x3FD9]  }
0x89: {  	s3 =	sld [smem:$0x3FFE];
	_ =	sdelay $0x1  }
0x8a: {  	s1 =	srdreg.scid  }
0x8b: {  	s0 =	sand.u32 $0x1, s1  }
0x8c: {  	s17 =	sshll.u32 s0, $0xA;
	s2 =	sadd.s32 s3, s2  }
0x8d: {  	s2 =	sadd.s32 s2, s17  }
0x8e: {  	[smem:$0x3FC3] =	sst s2  }
0x8f: {  	_ = 	snop  }
0x90: {  	s2 =	sld [smem:$0x3FC9]  }
0x91: {  	s18 =	sld [smem:$0x3FC8]  }
0x92: {  	s4 =	sld [smem:$0x3FD0];
	(tm) =	ssettm $0x1  }
0x93: {  	s5 =	sld [smem:$0x3FFB];
	_ =	sdelay $0x3  }
0x94: {  	_ =	strace s5  }
0x95: {  	s5 =	sld [smem:$0x3FFC];
	_ =	sdelay $0x3  }
0x96: {  	_ =	strace s5  }
0x97: {  	s5 =	sld [smem:$0x3FFD];
	_ =	sdelay $0x3  }
0x98: {  	_ =	strace s5  }
0x99: {  	_ =	strace $0x8FFFFFFF  }
0x9a: {  	s19 =	sld [smem:$0x3FDB];
	_ =	sdelay $0x1  }
0x9b: {  	s6 =	simm.s32 $_scs_section_size  }
0x9c: {  	s7 =	simm.s32 $_size__tile_overlayer_lowered;
	s8 =	simm.s32 $_tile_overlayer_lowered  }
0x9d: {  	s22 =	simm.s32 $0x1BFF;
	s21 =	sshll.u32 s8, $0x1;
	s5 =	sadd.s32 s6, s19  }
0x9e: {  	s9 =	simm.s32 $0x0;
	s20 =	sshll.u32 s7, $0x1;
	s7 =	sadd.s32 s21, s5  }
0x9f: {  	[timem:s9], [sflag:s22] =	dma.local [hbm:s7], s20  }
0xa0: {  	_ =	swait.ge [sflag:s22], s20  }
0xa1: {  	s6 =	ssub.s32 $0x0, s20;
	[sflag:s22] =	ssyncset.done $0x0  }
0xa2: {  	[sflag:s22] =	ssyncadd.s32 s6;
	_ =	sdelay $0x1  }
0xa3: {  	s23 =	simm.s32 $0x1B8B  }
0xa4: {  	_ =	swait.ge [sflag:s23], $0x1  }
0xa5: {  	[sflag:s23] =	ssyncset.done $0x0  }
0xa6: {  	s25 =	simm.s32 $0x1B8E;
	s24 =	sld [smem:$0x3FFE];
	[sflag:s23] =	ssyncadd.s32 $0xFFFFFFFF  }
0xa7: {  	s26 =	simm.s32 $execute0_lowered;
	[smem:$0x3FD2] =	sst s25  }
0xa8: {  	s7 =	sshll.u32 s26, $0x1;
	_ =	strace $0x80000046;
	[dreg:$0x1] =	wrdreg $0xFFFFFFFF  }
0xa9: {  	s28 =	simm.s32 $_size_execute0_lowered;
	s5 =	sadd.s32 s5, s7;
	[dreg:$0x0] =	wrdreg $0x0  }
0xaa: {  	s7 =	sshll.u32 s28, $0x1;
	[dreg:$0x2] =	wrdreg s5  }
0xab: {  	[dreg:$0x3] =	wrdreg s7  }
0xac: {  	[dreg:$0x4] =	wrdreg $0xC0  }
0xad: {  	_ =	task [dreg:s9], $0x5FFFF  }
0xae: {  	[dreg:$0x1] =	wrdreg $0xFFFFFFFF  }
0xaf: {  	[dreg:$0x0] =	wrdreg $0x60  }
0xb0: {  	[dreg:$0x2] =	wrdreg s2  }
0xb1: {  	[dreg:$0x3] =	wrdreg s18  }
0xb2: {  	[dreg:$0x4] =	wrdreg s24  }
0xb3: {  	[dreg:$0x5] =	wrdreg s4  }
0xb4: {  	[dreg:$0x6] =	wrdreg $0x0  }
0xb5: {  	[dreg:$0x7] =	wrdreg $0x9  }
0xb6: {  	_ =	task.clear_ibuf [dreg:s9], $0x8FFFF;
	_ =	strace $0x90000046  }
0xb7: {  	s29 =	simm.s32 $0x9;
	_ =	strace $0x80000048  }
0xb8: {  	_ =	swait.ge [sflag:s29], $0x1  }
0xb9: {  	[sflag:s29] =	ssyncadd.s32 $0xFFFFFFFF  }
0xba: {  	_ =	strace $0x90000048  }
0xbb: {  	_ =	sfence  }
0xbc: {  	s30 =	sld [smem:$0x0];
	_ =	sdelay $0x2  }
0xbd: {  	s31 =	sshll.u32 s1, $0xD;
	s1 =	sshrl.u32 s1, $0x2  }
0xbe: {  	s3 =	sand.u32 $0x4000, s31;
	s1 =	sadd.s32 s1, s30  }
0xbf: {  	s0 =	sor.u32 s3, s0;
	s1 =	sshll.u32 s1, $0x11  }
0xc0: {  	s0 =	sor.u32 s1, s0  }
0xc1: {  	s0 =	sadd.s32 $0x8F2B, s0  }
0xc2: {  	[sflag:s0] =	ssyncadd.remote.s32 $0x1  }
0xc3: {  	_ =	sfence.sel $0xFFFF  }
0xc4: {  	[dreg:$0x0] =	wrdreg $0xFFFFFFFF;
	(pc) =	sbr.abs _section_cstart, $3  }
0xc5: {  	[dreg:$0x1] =	wrdreg $0xFFFFFFFF  }
0xc6: {  	_ =	task.clear_ibuf [dreg:s9], $0x2FFFF;
	_ =	strace $0x9FFFFFFF  }
0xc7: {  	(tm) =	ssettm $0x7FFFFFFF  }
tec
execute0_lowered:
.L_overlay_start_1:
0x0: {  	(tag) =	ssettag $0x1  }
0x1: {  	s0 =	rddreg [dreg:$0x0]  }
0x2: {  	s1 =	rddreg [dreg:$0x1]  }
0x3: {  	s5 =	rddreg [dreg:$0x2]  }
0x4: {  	s2 =	srdreg.scid;
	s3 =	rddreg [dreg:$0x3]  }
0x5: {  	s11 =	stileid.u32;
	s4 =	rddreg [dreg:$0x4];
	s7 =	simm.s32 $0x0  }
0x6: {  	s17 =	simm.s32 $0x10;
	s14 =	simm.s32 $0x18980;
	s15 =	simm.s32 $0x1  }
0x7: {  	s23 =	simm.s32 $0x19D80;
	s29 =	simm.s32 $0x1B180;
	s28 =	simm.s32 $0x5  }
0x8: {  	s30 =	simm.s32 $0x18900;
	s31 =	simm.s32 $0x2;
	s2 =	sand.u32 $0x1, s2  }
0x9: {  	[smem:$0x7FF] =	sst s7;
	p0 =	slt.u32 s11, $0xA;
	s19 =	smul.u32 $0x5000, s11  }
0xa: {  	s26 =	smul.u32 $0x280, s11;
	s7 =	simm.s32 $0x0;
	s6 =	sshll.u32 s2, $0x4  }
0xb: {  	_ =	strace $0x80000047;
	s9 =	smul.u32 $0x27100, s2;
	s2 =	ssub.s32 $0x2, s2  }
0xc: {  	s17 =	simm.s32 @!p0 $0xF;
	s6 =	sor.u32 s11, s6;
	s10 =	sshrl.u32 s2, $0x1  }
0xd: {  	s25 =	sshrl.u32 s19, $0x2;
	s19 =	simm.s32 $0x18780;
	[dreg:$0x6] =	wrdreg s17  }
0xe: {  	s6 =	smul.u32 $0x2710, s6;
	s2 =	ssub.s32 s2, s10;
	s24 =	sadd.s32 s25, s4  }
0xf: {  	s10 =	simm.s32 $0x8;
	s2 =	smax.u32 s2, $0x1;
	[dreg:$0xc] =	wrdreg s24  }
0x10: {  	s16 =	sshrl.u32 s6, $0x3;
	s18 =	sadd.s32 $0x28, s6;
	[dreg:$0xb] =	wrdreg s2  }
0x11: {  	s2 =	simm.s32 $0x6;
	s8 =	sadd.s32 s16, s5;
	s5 =	sadd.s32 s9, s5  }
0x12: {  	s1 =	sadd.s32 s1, s16;
	s20 =	sadd.s32 s3, s16;
	s21 =	sshrl.u32 s18, $0x3  }
0x13: {  	s18 =	simm.s32 $0x16000;
	s16 =	simm.s32 $0x7;
	[dreg:$0x8] =	wrdreg s1  }
0x14: {  	s9 =	simm.s32 $0x4;
	s8 =	sadd.s32 $0xA00, s8;
	[dreg:$0x9] =	wrdreg s20  }
0x15: {  	s1 =	sadd.s32 s3, s21;
	s22 =	sadd.s32 $0xA800, s5;
	[dreg:$0x7] =	wrdreg s8  }
0x16: {  	s20 =	simm.s32 $0x28;
	s21 =	simm.s32 $0x18800;
	[dreg:$0xa] =	wrdreg s1  }
0x17: {  	s1 =	sadd.s32 s22, s26;
	s26 =	simm.s32 $0x18880;
	s22 =	simm.s32 $0x9  }
0x18: {  	v0 =	vimm.f32 $0.0e+00;
	s8 =	simm.s32 $0xA;
	[dreg:$0xd] =	wrdreg s1;
	s1 =	simm.s32 $0x3  }
.LBB2_1:
0x19: {  	[dreg:$0xe] =	wrdreg s7;
	s5 =	simm.s32 $0x0;
	s7 =	simm.s32 $0x200  }
.LBB2_2:
0x1a: {  	p0 =	sne.s32 s7, $0x4E00;
	[tilespmem:s5+$0x189F0] =	vst v0  }
0x1b: {  	[tilespmem:s5+$0x18980] =	vst v0  }
0x1c: {  	[tilespmem:s5+$0x18990] =	vst v0  }
.Ltmp0:
0x1d: {  	[tilespmem:s5+$0x189A0] =	vst v0;
	(pc) =	sbr.rel @p0 .LBB2_2-.Ltmp0, $4  }
0x1e: {  	[tilespmem:s5+$0x189B0] =	vst v0  }
0x1f: {  	[tilespmem:s5+$0x189C0] =	vst v0  }
0x20: {  	[tilespmem:s5+$0x189D0] =	vst v0  }
0x21: {  	[tilespmem:s5+$0x189E0] =	vst v0;
	s5 =	sshra.s32 s7, $0x2;
	s7 =	sadd.s32 $0x200, s7  }
0x22: {  	[tilespmem:s5+$0x189F0] =	vst v0  }
0x23: {  	[tilespmem:s5+$0x18980] =	vst v0  }
0x24: {  	[tilespmem:s5+$0x18990] =	vst v0  }
0x25: {  	[tilespmem:s5+$0x189A0] =	vst v0;
	p0 =	sne.s32 s17, $0x1  }
.Ltmp1:
0x26: {  	[tilespmem:s5+$0x189B0] =	vst v0;
	(pc) =	sbr.rel @!p0 .LBB2_5-.Ltmp1, $4  }
0x27: {  	[tilespmem:s5+$0x189C0] =	vst v0  }
0x28: {  	[tilespmem:s5+$0x189D0] =	vst v0  }
0x29: {  	[tilespmem:s5+$0x189E0] =	vst v0;
	s5 =	sadd.s32 $0xFFFFFFFF, s17;
	s7 =	smov.u32 s24  }
0x2a: {  	[spmem:s24] =	stream.linear.scatter [tilespmem:s14], [sflag:$0x1], $0x1400, $0x38;
	[tilespmem:$0x1D980] =	vst v63  }
.LBB2_4:
0x2b: {  	p1 =	sne.s32 s5, $0x1  }
.Ltmp2:
0x2c: {  	_ = 	snop;
	(pc) =	sbr.rel @p1 .LBB2_4-.Ltmp2, $3  }
0x2d: {  	_ = 	snop  }
0x2e: {  	s5 =	sadd.s32 $0xFFFFFFFF, s5;
	s7 =	sadd.s32 $0x14000, s7;
	_ =	sdelay $0x1  }
0x2f: {  	[spmem:s7] =	stream.linear.scatter [tilespmem:s14], [sflag:$0x1], $0x1400, $0x38;
	[tilespmem:$0x1D980] =	vst v63  }
.LBB2_5:
.Ltmp3:
0x30: {  	(pc) =	sbr.rel @!p0 .LBB2_7-.Ltmp3, $3  }
0x31: {  	_ =	sdelay $0x1  }
0x32: {  	_ =	swait.ge [sflag:s15], $0x1400  }
0x33: {  	s5 =	sadd.s32 $0xFFFFFFFF, s17;
	[sflag:s15] =	ssyncset.done $0x0  }
.LBB2_6:
0x34: {  	p1 =	sne.s32 s5, $0x1;
	s5 =	sadd.s32 $0xFFFFFFFF, s5;
	[sflag:s15] =	ssyncadd.s32 $0xFFFFEC00  }
.Ltmp4:
0x35: {  	(pc) =	sbr.rel @p1 .LBB2_6-.Ltmp4, $3  }
0x36: {  	_ =	sdelay $0x1  }
0x37: {  	_ =	swait.ge [sflag:s15], $0x1400  }
0x38: {  	[sflag:s15] =	ssyncset.done $0x0  }
.LBB2_7:
0x39: {  	[sflag:s15] =	ssyncadd.s32 $0xFFFFEC00  }
0x3a: {  	s12 =	simm.s32 $0x0;
	[bflag:$0x0] =	sbarrier.arrive $0xFFFF  }
0x3b: {  	s7 =	simm.s32 $0x13880;
	s11 =	simm.s32 $0xD;
	s5 =	rddreg [dreg:$0x7]  }
0x3c: {  	[tilespmem:s7], [sflag:$0xD] =	stream.linear.gather [hbm4b:s5+s12], $0x2710, $0x38;
	[tilespmem:$0x1D980] =	vst v63  }
0x3d: {  	_ =	swait.ge [sflag:s11], $0x2710  }
0x3e: {  	[sflag:s11] =	ssyncset.done $0x0  }
0x3f: {  	s13 =	rddreg [dreg:$0x8];
	[sflag:s11] =	ssyncadd.s32 $0xFFFFD8F0  }
0x40: {  	[tilespmem:s18], [sflag:$0xD] =	stream.linear.gather [hbm4b:s13+s12], $0x2710, $0x38;
	[tilespmem:$0x1D980] =	vst v63  }
0x41: {  	_ =	swait.ge [sflag:s11], $0x2710  }
0x42: {  	[sflag:s11] =	ssyncset.done $0x0  }
0x43: {  	s17 =	rddreg [dreg:$0x9];
	[sflag:s11] =	ssyncadd.s32 $0xFFFFD8F0  }
0x44: {  	[tilespmem:s19], [sflag:$0x5] =	stream.linear.gather [hbm4b:s17+s12], $0x28, $0x38;
	[tilespmem:$0x1D980] =	vst v63  }
0x45: {  	_ = 	snop  }
0x46: {  	[tilespmem:s14], [sflag:$0x1] =	stream.indirect.gather [hbm4b:s0+s20], $0x80, s7, s20, $0xb8;
	[tilespmem:$0x1D980] =	vst v63  }
0x47: {  	s24 =	rddreg [dreg:$0xa]  }
0x48: {  	[tilespmem:s21], [sflag:$0x6] =	stream.linear.gather [hbm4b:s24+s12], $0x28, $0x38;
	[tilespmem:$0x1D980] =	vst v63  }
0x49: {  	s25 =	simm.s32 $0x138A8;
	s24 =	simm.s32 $0x0  }
0x4a: {  	[tilespmem:s23], [sflag:$0x2] =	stream.indirect.gather [hbm4b:s0+s20], $0x80, s25, s20, $0xb8;
	[tilespmem:$0x1D980] =	vst v63  }
.LBB2_8:
0x4b: {  	p1 =	seq.s32 s24, $0x0  }
0x4c: {  	s17 =	smul.u32 @!p1 $0xA0, s24;
	_ =	sdelay $0x1  }
0x4d: {  	s13 =	sadd.s32 @!p1 $0x50, s17  }
0x4e: {  	s5 =	simm.s32 @!p1 $0xB;
	s13 =	simm.s32 @p1 $0x50  }
0x4f: {  	_ =	swait.ge @!p1 [sflag:s5], $0x1400;
	s7 =	sadd.s32 s6, s13  }
0x50: {  	[sflag:s5] =	ssyncset.done @!p1 $0x0;
	s7 =	sshrl.u32 s7, $0x3  }
0x51: {  	s25 =	simm.s32 $0x0;
	[sflag:s5] =	ssyncadd.s32 @!p1 $0xFFFFEC00;
	s12 =	sadd.s32 s3, s7  }
0x52: {  	[tilespmem:s26], [sflag:$0x7] =	stream.linear.gather [hbm4b:s12+s25], $0x28, $0x38;
	[tilespmem:$0x1D980] =	vst v63  }
0x53: {  	s26 =	sadd.s32 $0x13880, s13  }
0x54: {  	[tilespmem:s29], [sflag:$0x3] =	stream.indirect.gather [hbm4b:s0+s20], $0x80, s26, s20, $0xb8;
	[tilespmem:$0x1D980] =	vst v63  }
0x55: {  	_ =	swait.ge [sflag:s15], $0x1400  }
0x56: {  	[sflag:s15] =	ssyncset.done $0x0  }
0x57: {  	s7 =	simm.s32 $0x18A80;
	[sflag:s15] =	ssyncadd.s32 $0xFFFFEC00  }
0x58: {  	v3 =	vld [tilespmem:s7+$0xFFFFFFF0]  }
0x59: {  	v2 =	vld [tilespmem:s7+$0xFFFFFF40]  }
0x5a: {  	v4 =	vld [tilespmem:s7+$0xF0]  }
0x5b: {  	v5 =	vld [tilespmem:s7+$0x40]  }
0x5c: {  	v6 =	vld [tilespmem:s7+$0xC0]  }
0x5d: {  	v7 =	vld [tilespmem:s7+$0xFFFFFFD0]  }
0x5e: {  	v8 =	vld [tilespmem:s7+$0x50]  }
0x5f: {  	s17 =	simm.s32 @p1 $0x0;
	v10 =	vld [tilespmem:s7+$0xD0]  }
0x60: {  	s29 =	sadd.s32 $0x0, s17;
	v12 =	vld [tilespmem:s7+$0xFFFFFF60]  }
0x61: {  	v1 =	vmov s29;
	s5 =	sadd.s32 $0x3, s29;
	v13 =	vld [tilespmem:s7+$0xFFFFFFE0]  }
0x62: {  	v1 =	vand.u32 $0xFFFFFFFC, v1;
	v16 =	vmov s5;
	v14 =	vld [tilespmem:s7+$0x60]  }
0x63: {  	s11 =	sadd.s32 $0x1, s29;
	v1 =	vbroadcast v1, $0x0;
	v15 =	vld [tilespmem:s7+$0xE0]  }
0x64: {  	s12 =	sadd.s32 $0x2, s29;
	v9 =	vmov s11;
	v17 =	vld [tilespmem:s7+$0xFFFFFF70]  }
0x65: {  	v11 =	vmov s12;
	v9 =	vand.u32 $0xFFFFFFFD, v9;
	v18 =	vld [tilespmem:s7+$0x70]  }
0x66: {  	v11 =	vand.u32 $0xFFFFFFFE, v11;
	v9 =	vbroadcast v9, $0x0;
	v21 =	vld [tilespmem:s7+$0xFFFFFFB0]  }
0x67: {  	v11 =	vbroadcast v11, $0x0;
	v16 =	vld.idx.msk [tilespmem:v16+s18+$0x0], $0xffff  }
0x68: {  	v23 =	vld [tilespmem:s7+$0xA0]  }
0x69: {  	v1 =	vld.idx.msk [tilespmem:v1+s18+$0x0], $0xffff  }
0x6a: {  	v22 =	vld [tilespmem:s7+$0xFFFFFF30]  }
0x6b: {  	v24 =	vld [tilespmem:s7+$0x90]  }
0x6c: {  	v19 =	vld.idx.msk [tilespmem:v9+s18+$0x0], $0xffff;
	v4 =	vmul.f32 v4, v16  }
0x6d: {  	v20 =	vld.idx.msk [tilespmem:v11+s18+$0x0], $0xffff;
	v23 =	vmul.f32 v23, v16  }
0x6e: {  	v9 =	vld [tilespmem:s7+$0xB0];
	v2 =	vmul.f32 v2, v1;
	[tilespmem:s7+$0xF0] =	vst v4  }
0x6f: {  	v25 =	vld [tilespmem:s7+$0x10];
	v12 =	vmul.f32 v12, v1;
	[tilespmem:s7+$0xA0] =	vst v23  }
0x70: {  	v62 =	vld [tilespmem:s7+$0xFFFFFF10];
	v4 =	vmul.f32 v17, v1;
	[tilespmem:s7+$0xFFFFFF40] =	vst v2  }
0x71: {  	v27 =	vld [tilespmem:s7+$0xFFFFFF00];
	v13 =	vmul.f32 v13, v19;
	[tilespmem:s7+$0xFFFFFF60] =	vst v12  }
0x72: {  	v11 =	vld [tilespmem:s7+$0x30];
	v5 =	vmul.f32 v5, v20;
	[tilespmem:s7+$0xFFFFFF70] =	vst v4  }
0x73: {  	v26 =	vld [tilespmem:s7+$0xFFFFFF80];
	v9 =	vmul.f32 v9, v16;
	[tilespmem:s7+$0xFFFFFFE0] =	vst v13  }
0x74: {  	v63 =	vld [tilespmem:s7+$0x80];
	v14 =	vmul.f32 v14, v20;
	[tilespmem:s7+$0x40] =	vst v5  }
0x75: {  	v3 =	vmul.f32 v3, v19;
	v2 =	vmul.f32 v7, v19;
	v7 =	vld [tilespmem:s7+$0x20];
	[tilespmem:s7+$0xB0] =	vst v9  }
0x76: {  	v28 =	vld [tilespmem:s7+$0xFFFFFFC0];
	v18 =	vmul.f32 v18, v20;
	v4 =	vmul.f32 v27, v1;
	[tilespmem:s7+$0x60] =	vst v14  }
0x77: {  	v12 =	vld [tilespmem:s7+$0xFFFFFFA0];
	v5 =	vmul.f32 v6, v16;
	v6 =	vmul.f32 v11, v20;
	[tilespmem:s7+$0xFFFFFFF0] =	vst v3  }
0x78: {  	v13 =	vld [tilespmem:s7+$0xFFFFFF20];
	v9 =	vmul.f32 v21, v19;
	v3 =	vmul.f32 v26, v19;
	[tilespmem:s7+$0xFFFFFFD0] =	vst v2  }
0x79: {  	v11 =	vld [tilespmem:s7+$0xFFFFFF90];
	v2 =	vmul.f32 v8, v20;
	v8 =	vmul.f32 v10, v16;
	[tilespmem:s7+$0xC0] =	vst v5  }
0x7a: {  	v10 =	vmul.f32 v22, v1;
	[tilespmem:s7+$0xFFFFFFB0] =	vst v9;
	v5 =	vmul.f32 v7, v20;
	v7 =	vld [tilespmem:s7+$0x0]  }
0x7b: {  	v14 =	vmul.f32 v28, v19;
	[tilespmem:s7+$0x50] =	vst v2;
	v2 =	vmul.f32 v15, v16;
	v15 =	vld [tilespmem:s7+$0xFFFFFF50]  }
0x7c: {  	v9 =	vmul.f32 v24, v16;
	[tilespmem:s7+$0xFFFFFF30] =	vst v10;
	v10 =	vmul.f32 v25, v20  }
0x7d: {  	[tilespmem:s7+$0x30] =	vst v6;
	v6 =	vmul.f32 v12, v19;
	v12 =	vmul.f32 v62, v1  }
0x7e: {  	[tilespmem:s7+$0xD0] =	vst v8;
	v8 =	vmul.f32 v13, v1;
	v11 =	vmul.f32 v11, v19  }
0x7f: {  	s5 =	simm.s32 $0x4;
	s11 =	simm.s32 $0x18C80;
	[tilespmem:s7+$0x70] =	vst v18;
	v13 =	vmul.f32 v63, v16;
	v7 =	vmul.f32 v7, v20  }
.LBB2_9:
0x80: {  	s12 =	sadd.s32 s5, s17;
	v16 =	vld [tilespmem:s11+$0xFFFFFFF0];
	p2 =	sne.s32 s5, $0x24;
	s5 =	sadd.s32 $0x4, s5;
	[tilespmem:s7+$0x20] =	vst v5;
	v1 =	vmul.f32 v15, v1  }
0x81: {  	v5 =	vmov s12;
	s25 =	sadd.s32 $0x1, s12;
	s26 =	sadd.s32 $0x2, s12;
	s12 =	sadd.s32 $0x3, s12;
	v15 =	vld [tilespmem:s11+$0xFFFFFF40];
	[tilespmem:s7+$0xFFFFFFA0] =	vst v6  }
0x82: {  	v5 =	vand.u32 $0xFFFFFFFC, v5;
	v6 =	vmov s25;
	v17 =	vmov s26;
	v18 =	vld [tilespmem:s11+$0xF0];
	[tilespmem:s7+$0xFFFFFF20] =	vst v8  }
0x83: {  	v8 =	vmov s12;
	v5 =	vbroadcast v5, $0x0;
	v6 =	vand.u32 $0xFFFFFFFD, v6;
	v19 =	vld [tilespmem:s11+$0x40];
	[tilespmem:s7+$0x90] =	vst v9  }
0x84: {  	v9 =	vand.u32 $0xFFFFFFFE, v17;
	v6 =	vbroadcast v6, $0x0;
	v17 =	vld [tilespmem:s11+$0xC0];
	[tilespmem:s7+$0x10] =	vst v10  }
0x85: {  	v9 =	vbroadcast v9, $0x0;
	v10 =	vld [tilespmem:s11+$0xFFFFFFD0];
	[tilespmem:s7+$0xFFFFFF90] =	vst v11  }
0x86: {  	v11 =	vld [tilespmem:s11+$0x50];
	[tilespmem:s7+$0xFFFFFF10] =	vst v12  }
0x87: {  	v12 =	vld [tilespmem:s11+$0xD0];
	[tilespmem:s7+$0x80] =	vst v13  }
0x88: {  	v13 =	vld [tilespmem:s11+$0xFFFFFF60];
	[tilespmem:s7+$0xFFFFFFC0] =	vst v14  }
0x89: {  	v14 =	vld [tilespmem:s11+$0xFFFFFFE0];
	[tilespmem:s7+$0xE0] =	vst v2  }
0x8a: {  	v20 =	vld [tilespmem:s11+$0x60];
	[tilespmem:s7+$0x0] =	vst v7  }
0x8b: {  	v2 =	vld [tilespmem:s11+$0xE0];
	[tilespmem:s7+$0xFFFFFF50] =	vst v1  }
0x8c: {  	v7 =	vld [tilespmem:s11+$0xFFFFFF70];
	[tilespmem:s7+$0xFFFFFF80] =	vst v3  }
0x8d: {  	v3 =	vld [tilespmem:s11+$0x70];
	[tilespmem:s7+$0xFFFFFF00] =	vst v4;
	s7 =	smov.u32 s11  }
0x8e: {  	v1 =	vld.idx.msk [tilespmem:v5+s18+$0x0], $0xffff  }
0x8f: {  	v21 =	vld.idx.msk [tilespmem:v6+s18+$0x0], $0xffff  }
0x90: {  	v4 =	vld.idx.msk [tilespmem:v9+s18+$0x0], $0xffff  }
0x91: {  	v22 =	vld.idx.msk [tilespmem:v8+s18+$0x0], $0xffff  }
0x92: {  	v5 =	vld [tilespmem:s11+$0xB0]  }
0x93: {  	v6 =	vld [tilespmem:s11+$0x30]  }
0x94: {  	v9 =	vmul.f32 v15, v1;
	v13 =	vmul.f32 v13, v1;
	v8 =	vld [tilespmem:s11+$0xFFFFFFB0]  }
0x95: {  	v10 =	vmul.f32 v10, v21;
	v14 =	vmul.f32 v14, v21;
	v15 =	vld [tilespmem:s11+$0xFFFFFF30]  }
0x96: {  	v11 =	vmul.f32 v11, v4;
	v23 =	vld [tilespmem:s11+$0xA0];
	[tilespmem:s11+$0xFFFFFF40] =	vst v9;
	v9 =	vmul.f32 v19, v4  }
0x97: {  	v17 =	vmul.f32 v17, v22;
	v19 =	vld [tilespmem:s11+$0x20];
	v5 =	vmul.f32 v5, v22;
	[tilespmem:s11+$0xFFFFFF60] =	vst v13  }
0x98: {  	v12 =	vmul.f32 v12, v22;
	v13 =	vld [tilespmem:s11+$0xFFFFFFA0];
	v24 =	vmul.f32 v6, v4;
	[tilespmem:s11+$0xFFFFFFE0] =	vst v14  }
0x99: {  	v2 =	vmul.f32 v2, v22;
	v14 =	vld [tilespmem:s11+$0xFFFFFF20];
	v25 =	vmul.f32 v8, v21;
	[tilespmem:s11+$0xFFFFFFD0] =	vst v10  }
0x9a: {  	v18 =	vmul.f32 v18, v22;
	v10 =	vld [tilespmem:s11+$0x90];
	v15 =	vmul.f32 v15, v1;
	[tilespmem:s11+$0x40] =	vst v9  }
0x9b: {  	v20 =	vmul.f32 v20, v4;
	v26 =	vld [tilespmem:s11+$0x10];
	v23 =	vmul.f32 v23, v22;
	[tilespmem:s11+$0xB0] =	vst v5  }
0x9c: {  	v27 =	vld [tilespmem:s11+$0xFFFFFF90];
	v5 =	vmul.f32 v19, v4;
	[tilespmem:s11+$0x50] =	vst v11;
	v19 =	vmul.f32 v3, v4  }
0x9d: {  	v16 =	vmul.f32 v16, v21;
	v3 =	vld [tilespmem:s11+$0xFFFFFF10];
	v6 =	vmul.f32 v13, v21;
	[tilespmem:s11+$0xC0] =	vst v17  }
0x9e: {  	v13 =	vld [tilespmem:s11+$0x80];
	v8 =	vmul.f32 v14, v1;
	[tilespmem:s11+$0x30] =	vst v24;
	v14 =	vmul.f32 v7, v1  }
0x9f: {  	v7 =	vld [tilespmem:s11+$0x0];
	v9 =	vmul.f32 v10, v22;
	[tilespmem:s11+$0xD0] =	vst v12  }
0xa0: {  	v17 =	vld [tilespmem:s11+$0xFFFFFF80];
	v10 =	vmul.f32 v26, v4;
	[tilespmem:s11+$0xFFFFFFB0] =	vst v25  }
0xa1: {  	v24 =	vld [tilespmem:s11+$0xFFFFFF00];
	v11 =	vmul.f32 v27, v21;
	[tilespmem:s11+$0xF0] =	vst v18  }
0xa2: {  	v12 =	vmul.f32 v3, v1;
	v18 =	vld [tilespmem:s11+$0xFFFFFFC0];
	[tilespmem:s11+$0x60] =	vst v20  }
.Ltmp5:
0xa3: {  	v13 =	vmul.f32 v13, v22;
	[tilespmem:s11+$0xFFFFFF30] =	vst v15;
	v15 =	vld [tilespmem:s11+$0xFFFFFF50];
	(pc) =	sbr.rel @p2 .LBB2_9-.Ltmp5, $4  }
0xa4: {  	v7 =	vmul.f32 v7, v4;
	[tilespmem:s11+$0xFFFFFFF0] =	vst v16  }
0xa5: {  	v3 =	vmul.f32 v17, v21;
	[tilespmem:s11+$0xFFFFFF70] =	vst v14  }
0xa6: {  	v4 =	vmul.f32 v24, v1;
	[tilespmem:s11+$0x70] =	vst v19  }
0xa7: {  	s11 =	sadd.s32 $0x200, s11;
	[tilespmem:s7+$0xA0] =	vst v23;
	v14 =	vmul.f32 v18, v21  }
0xa8: {  	[tilespmem:s7+$0x20] =	vst v5  }
0xa9: {  	[tilespmem:s7+$0xFFFFFFA0] =	vst v6  }
0xaa: {  	[tilespmem:s7+$0xFFFFFF20] =	vst v8  }
0xab: {  	[tilespmem:s7+$0x90] =	vst v9  }
0xac: {  	[tilespmem:s7+$0x10] =	vst v10  }
0xad: {  	[tilespmem:s7+$0xFFFFFF90] =	vst v11  }
0xae: {  	[tilespmem:s7+$0xFFFFFF10] =	vst v12  }
0xaf: {  	[tilespmem:s7+$0x80] =	vst v13  }
0xb0: {  	[tilespmem:s7+$0xE0] =	vst v2  }
0xb1: {  	[tilespmem:s7+$0x0] =	vst v7  }
0xb2: {  	[tilespmem:s7+$0xFFFFFF80] =	vst v3  }
0xb3: {  	v1 =	vmul.f32 v15, v1;
	[tilespmem:s7+$0xFFFFFF00] =	vst v4  }
0xb4: {  	[tilespmem:s7+$0xFFFFFFC0] =	vst v14  }
0xb5: {  	[tilespmem:s7+$0xFFFFFF50] =	vst v1  }
0xb6: {  	_ =	swait.ge [sflag:s28], $0x28  }
0xb7: {  	s7 =	sadd.s32 @!p1 $0x78, s17;
	[sflag:s28] =	ssyncset.done $0x0  }
0xb8: {  	s5 =	simm.s32 @!p1 $0xC;
	s7 =	simm.s32 @p1 $0x78;
	[sflag:s28] =	ssyncadd.s32 $0xFFFFFFD8  }
0xb9: {  	[spmem:s4] =	stream.indirect.scatter.add.f32 [tilespmem:s14], [sflag:$0x9], $0x80, s19, s20, $0xb8;
	[tilespmem:$0x1D980] =	vst v63  }
0xba: {  	s11 =	sadd.s32 s6, s7;
	_ =	swait.ge @!p1 [sflag:s5], $0x1400  }
0xbb: {  	s11 =	sshrl.u32 s11, $0x3;
	[sflag:s5] =	ssyncset.done @!p1 $0x0  }
0xbc: {  	s12 =	simm.s32 $0x0;
	s11 =	sadd.s32 s3, s11;
	[sflag:s5] =	ssyncadd.s32 @!p1 $0xFFFFEC00  }
0xbd: {  	[tilespmem:s30], [sflag:$0x8] =	stream.linear.gather [hbm4b:s11+s12], $0x28, $0x38;
	[tilespmem:$0x1D980] =	vst v63  }
0xbe: {  	s26 =	simm.s32 $0x1C580;
	s25 =	sadd.s32 $0x13880, s7  }
0xbf: {  	[tilespmem:s26], [sflag:$0x4] =	stream.indirect.gather [hbm4b:s0+s20], $0x80, s25, s20, $0xb8;
	[tilespmem:$0x1D980] =	vst v63  }
0xc0: {  	_ =	swait.ge [sflag:s31], $0x1400  }
0xc1: {  	[sflag:s31] =	ssyncset.done $0x0  }
0xc2: {  	s11 =	simm.s32 $0x19F70;
	[sflag:s31] =	ssyncadd.s32 $0xFFFFEC00  }
0xc3: {  	v2 =	vld [tilespmem:s11+$0xFFFFFF00]  }
0xc4: {  	v3 =	vld [tilespmem:s11+$0xFFFFFE50]  }
0xc5: {  	v4 =	vld [tilespmem:s11+$0x0]  }
0xc6: {  	v5 =	vld [tilespmem:s11+$0xFFFFFF50]  }
0xc7: {  	v6 =	vld [tilespmem:s11+$0xFFFFFFD0]  }
0xc8: {  	v7 =	vld [tilespmem:s11+$0xFFFFFEE0]  }
0xc9: {  	v8 =	vld [tilespmem:s11+$0xFFFFFF60]  }
0xca: {  	s29 =	sadd.s32 $0xFFFFFFD8, s17;
	v10 =	vld [tilespmem:s11+$0xFFFFFFE0]  }
0xcb: {  	s5 =	sadd.s32 $0x53, s29;
	v12 =	vld [tilespmem:s11+$0xFFFFFE70]  }
0xcc: {  	s12 =	sadd.s32 $0x50, s29;
	v16 =	vmov s5;
	v13 =	vld [tilespmem:s11+$0xFFFFFEF0]  }
0xcd: {  	v1 =	vmov s12;
	v14 =	vld [tilespmem:s11+$0xFFFFFF70]  }
0xce: {  	s30 =	sadd.s32 $0x52, s29;
	v1 =	vand.u32 $0xFFFFFFFC, v1;
	v15 =	vld [tilespmem:s11+$0xFFFFFFF0]  }
0xcf: {  	v11 =	vmov s30;
	v1 =	vbroadcast v1, $0x0;
	v17 =	vld [tilespmem:s11+$0xFFFFFE80]  }
0xd0: {  	s25 =	sadd.s32 $0x51, s29;
	v11 =	vand.u32 $0xFFFFFFFE, v11;
	v18 =	vld [tilespmem:s11+$0xFFFFFF80]  }
0xd1: {  	v9 =	vmov s25;
	v11 =	vbroadcast v11, $0x0;
	v16 =	vld.idx.msk [tilespmem:v16+s18+$0x0], $0xffff  }
0xd2: {  	v9 =	vand.u32 $0xFFFFFFFD, v9;
	v21 =	vld [tilespmem:s11+$0xFFFFFEC0]  }
0xd3: {  	v9 =	vbroadcast v9, $0x0;
	v22 =	vld [tilespmem:s11+$0xFFFFFE40]  }
0xd4: {  	v23 =	vld [tilespmem:s11+$0xFFFFFFB0]  }
0xd5: {  	v1 =	vld.idx.msk [tilespmem:v1+s18+$0x0], $0xffff  }
0xd6: {  	v24 =	vld [tilespmem:s11+$0xFFFFFEA0]  }
0xd7: {  	v20 =	vld.idx.msk [tilespmem:v11+s18+$0x0], $0xffff;
	v6 =	vmul.f32 v6, v16  }
0xd8: {  	v62 =	vld [tilespmem:s11+$0xFFFFFE20];
	v4 =	vmul.f32 v4, v16  }
0xd9: {  	v19 =	vld.idx.msk [tilespmem:v9+s18+$0x0], $0xffff;
	v23 =	vmul.f32 v23, v16;
	[tilespmem:s11+$0xFFFFFFD0] =	vst v6  }
0xda: {  	v63 =	vld [tilespmem:s11+$0xFFFFFF90];
	[tilespmem:s11+$0x0] =	vst v4;
	v3 =	vmul.f32 v3, v1  }
0xdb: {  	v11 =	vld [tilespmem:s11+$0xFFFFFF40];
	[tilespmem:s11+$0xFFFFFFB0] =	vst v23;
	v12 =	vmul.f32 v12, v1  }
0xdc: {  	v9 =	vld [tilespmem:s11+$0xFFFFFFC0];
	v8 =	vmul.f32 v8, v20;
	[tilespmem:s11+$0xFFFFFE50] =	vst v3  }
0xdd: {  	v26 =	vld [tilespmem:s11+$0xFFFFFE10];
	v4 =	vmul.f32 v17, v1;
	[tilespmem:s11+$0xFFFFFE70] =	vst v12  }
0xde: {  	v25 =	vld [tilespmem:s11+$0xFFFFFF10];
	v3 =	vmul.f32 v7, v19;
	[tilespmem:s11+$0xFFFFFF60] =	vst v8  }
0xdf: {  	v2 =	vmul.f32 v2, v19;
	v7 =	vld [tilespmem:s11+$0xFFFFFF30];
	[tilespmem:s11+$0xFFFFFE80] =	vst v4  }
0xe0: {  	v18 =	vmul.f32 v18, v20;
	v12 =	vld [tilespmem:s11+$0xFFFFFEB0];
	[tilespmem:s11+$0xFFFFFEE0] =	vst v3;
	v3 =	vmul.f32 v5, v20  }
0xe1: {  	v27 =	vld [tilespmem:s11+$0xFFFFFED0];
	v8 =	vmul.f32 v11, v20;
	[tilespmem:s11+$0xFFFFFF00] =	vst v2;
	v2 =	vmul.f32 v9, v16  }
0xe2: {  	v4 =	vmul.f32 v26, v1;
	v9 =	vld [tilespmem:s11+$0xFFFFFE30];
	[tilespmem:s11+$0xFFFFFF50] =	vst v3;
	v3 =	vmul.f32 v10, v16  }
0xe3: {  	v5 =	vld [tilespmem:s11+$0xFFFFFFA0];
	[tilespmem:s11+$0xFFFFFFC0] =	vst v2;
	v10 =	vmul.f32 v21, v19;
	v2 =	vmul.f32 v15, v16  }
0xe4: {  	v11 =	vld [tilespmem:s11+$0xFFFFFF20];
	[tilespmem:s11+$0xFFFFFF40] =	vst v8;
	v15 =	vmul.f32 v22, v1;
	v6 =	vmul.f32 v7, v20  }
0xe5: {  	v7 =	vmul.f32 v12, v19;
	[tilespmem:s11+$0xFFFFFEC0] =	vst v10;
	v10 =	vmul.f32 v14, v20;
	v14 =	vld [tilespmem:s11+$0xFFFFFE90]  }
0xe6: {  	v12 =	vmul.f32 v62, v1;
	[tilespmem:s11+$0xFFFFFFE0] =	vst v3;
	v3 =	vmul.f32 v13, v19  }
0xe7: {  	[tilespmem:s11+$0xFFFFFE40] =	vst v15;
	v15 =	vld [tilespmem:s11+$0xFFFFFE60];
	v13 =	vmul.f32 v63, v16;
	v8 =	vmul.f32 v9, v1  }
0xe8: {  	[tilespmem:s11+$0xFFFFFF80] =	vst v18;
	v9 =	vmul.f32 v5, v16;
	v5 =	vmul.f32 v25, v20  }
0xe9: {  	[tilespmem:s11+$0xFFFFFF70] =	vst v10;
	v10 =	vmul.f32 v11, v20;
	v11 =	vmul.f32 v24, v19  }
0xea: {  	s5 =	simm.s32 $0xFFFFFFDC;
	s12 =	simm.s32 $0x1A170;
	[tilespmem:s11+$0xFFFFFEF0] =	vst v3;
	v3 =	vmul.f32 v14, v19;
	v14 =	vmul.f32 v27, v19  }
.LBB2_11:
0xeb: {  	s25 =	sadd.s32 s5, s17  }
0xec: {  	v16 =	vld [tilespmem:s12+$0xFFFFFF00];
	p1 =	sne.s32 s5, $0xFFFFFFFC;
	s5 =	sadd.s32 $0x4, s5;
	[tilespmem:s11+$0xFFFFFF30] =	vst v6;
	v1 =	vmul.f32 v15, v1;
	s26 =	sadd.s32 $0x50, s25  }
0xed: {  	s29 =	sadd.s32 $0x51, s25;
	s30 =	sadd.s32 $0x52, s25;
	v6 =	vld [tilespmem:s12+$0xFFFFFE50];
	[tilespmem:s11+$0xFFFFFEB0] =	vst v7;
	v7 =	vmov s26  }
0xee: {  	s25 =	sadd.s32 $0x53, s25;
	v15 =	vmov s29;
	v17 =	vmov s30;
	v18 =	vld [tilespmem:s12+$0x0];
	[tilespmem:s11+$0xFFFFFE30] =	vst v8  }
0xef: {  	v7 =	vand.u32 $0xFFFFFFFC, v7;
	v8 =	vand.u32 $0xFFFFFFFE, v17;
	v17 =	vmov s25;
	v19 =	vld [tilespmem:s12+$0xFFFFFF50];
	[tilespmem:s11+$0xFFFFFFA0] =	vst v9  }
0xf0: {  	v9 =	vand.u32 $0xFFFFFFFD, v15;
	v7 =	vbroadcast v7, $0x0;
	v15 =	vld [tilespmem:s12+$0xFFFFFFD0];
	[tilespmem:s11+$0xFFFFFF20] =	vst v10  }
0xf1: {  	v9 =	vbroadcast v9, $0x0;
	v10 =	vld [tilespmem:s12+$0xFFFFFEE0];
	[tilespmem:s11+$0xFFFFFEA0] =	vst v11  }
0xf2: {  	v8 =	vbroadcast v8, $0x0;
	v11 =	vld [tilespmem:s12+$0xFFFFFF60];
	[tilespmem:s11+$0xFFFFFE20] =	vst v12  }
0xf3: {  	v12 =	vld [tilespmem:s12+$0xFFFFFFE0];
	[tilespmem:s11+$0xFFFFFF90] =	vst v13  }
0xf4: {  	v13 =	vld [tilespmem:s12+$0xFFFFFE70];
	[tilespmem:s11+$0xFFFFFFF0] =	vst v2  }
0xf5: {  	v20 =	vld [tilespmem:s12+$0xFFFFFEF0];
	[tilespmem:s11+$0xFFFFFED0] =	vst v14  }
0xf6: {  	v14 =	vld [tilespmem:s12+$0xFFFFFF70];
	[tilespmem:s11+$0xFFFFFF10] =	vst v5  }
0xf7: {  	v2 =	vld [tilespmem:s12+$0xFFFFFFF0];
	[tilespmem:s11+$0xFFFFFE60] =	vst v1  }
0xf8: {  	v5 =	vld [tilespmem:s12+$0xFFFFFE80];
	[tilespmem:s11+$0xFFFFFE90] =	vst v3  }
0xf9: {  	v3 =	vld [tilespmem:s12+$0xFFFFFF80];
	[tilespmem:s11+$0xFFFFFE10] =	vst v4;
	s11 =	smov.u32 s12  }
0xfa: {  	v1 =	vld.idx.msk [tilespmem:v7+s18+$0x0], $0xffff  }
0xfb: {  	v21 =	vld.idx.msk [tilespmem:v9+s18+$0x0], $0xffff  }
0xfc: {  	v4 =	vld.idx.msk [tilespmem:v8+s18+$0x0], $0xffff  }
0xfd: {  	v17 =	vld.idx.msk [tilespmem:v17+s18+$0x0], $0xffff  }
0xfe: {  	v7 =	vld [tilespmem:s12+$0xFFFFFFC0]  }
0xff: {  	v8 =	vld [tilespmem:s12+$0xFFFFFF40]  }
0x100: {  	v6 =	vmul.f32 v6, v1;
	v13 =	vmul.f32 v13, v1;
	v9 =	vld [tilespmem:s12+$0xFFFFFEC0]  }
0x101: {  	v10 =	vmul.f32 v10, v21;
	v16 =	vmul.f32 v16, v21;
	v22 =	vld [tilespmem:s12+$0xFFFFFE40]  }
0x102: {  	v19 =	vmul.f32 v19, v4;
	v23 =	vld [tilespmem:s12+$0xFFFFFFB0];
	[tilespmem:s12+$0xFFFFFE50] =	vst v6;
	v6 =	vmul.f32 v11, v4  }
0x103: {  	v15 =	vmul.f32 v15, v17;
	v11 =	vld [tilespmem:s12+$0xFFFFFF30];
	v7 =	vmul.f32 v7, v17;
	[tilespmem:s12+$0xFFFFFE70] =	vst v13  }
0x104: {  	v12 =	vmul.f32 v12, v17;
	v13 =	vld [tilespmem:s12+$0xFFFFFEB0];
	v8 =	vmul.f32 v8, v4;
	[tilespmem:s12+$0xFFFFFF00] =	vst v16  }
0x105: {  	v2 =	vmul.f32 v2, v17;
	v16 =	vld [tilespmem:s12+$0xFFFFFE30];
	v24 =	vmul.f32 v9, v21;
	[tilespmem:s12+$0xFFFFFEE0] =	vst v10  }
0x106: {  	v18 =	vmul.f32 v18, v17;
	v9 =	vld [tilespmem:s12+$0xFFFFFFA0];
	v22 =	vmul.f32 v22, v1;
	[tilespmem:s12+$0xFFFFFF60] =	vst v6  }
0x107: {  	v14 =	vmul.f32 v14, v4;
	v10 =	vld [tilespmem:s12+$0xFFFFFF20];
	v23 =	vmul.f32 v23, v17;
	[tilespmem:s12+$0xFFFFFFC0] =	vst v7  }
0x108: {  	v25 =	vld [tilespmem:s12+$0xFFFFFEA0];
	v6 =	vmul.f32 v11, v4;
	[tilespmem:s12+$0xFFFFFF50] =	vst v19;
	v19 =	vmul.f32 v3, v4  }
0x109: {  	v20 =	vmul.f32 v20, v21;
	v3 =	vld [tilespmem:s12+$0xFFFFFE20];
	v7 =	vmul.f32 v13, v21;
	[tilespmem:s12+$0xFFFFFF40] =	vst v8  }
0x10a: {  	v13 =	vld [tilespmem:s12+$0xFFFFFF90];
	v8 =	vmul.f32 v16, v1;
	[tilespmem:s12+$0xFFFFFFD0] =	vst v15;
	v16 =	vmul.f32 v5, v1  }
0x10b: {  	v5 =	vld [tilespmem:s12+$0xFFFFFF10];
	v9 =	vmul.f32 v9, v17;
	[tilespmem:s12+$0xFFFFFEC0] =	vst v24  }
0x10c: {  	v24 =	vld [tilespmem:s12+$0xFFFFFE90];
	v10 =	vmul.f32 v10, v4;
	[tilespmem:s12+$0xFFFFFFE0] =	vst v12  }
0x10d: {  	v26 =	vld [tilespmem:s12+$0xFFFFFE10];
	v11 =	vmul.f32 v25, v21;
	[tilespmem:s12+$0x0] =	vst v18  }
0x10e: {  	v12 =	vmul.f32 v3, v1;
	v18 =	vld [tilespmem:s12+$0xFFFFFED0];
	[tilespmem:s12+$0xFFFFFF70] =	vst v14  }
.Ltmp6:
0x10f: {  	v13 =	vmul.f32 v13, v17;
	[tilespmem:s12+$0xFFFFFE40] =	vst v22;
	v15 =	vld [tilespmem:s12+$0xFFFFFE60];
	(pc) =	sbr.rel @p1 .LBB2_11-.Ltmp6, $4  }
0x110: {  	v5 =	vmul.f32 v5, v4;
	[tilespmem:s12+$0xFFFFFEF0] =	vst v20  }
0x111: {  	v3 =	vmul.f32 v24, v21;
	[tilespmem:s12+$0xFFFFFE80] =	vst v16  }
0x112: {  	v4 =	vmul.f32 v26, v1;
	[tilespmem:s12+$0xFFFFFF80] =	vst v19  }
0x113: {  	s12 =	sadd.s32 $0x200, s12;
	[tilespmem:s11+$0xFFFFFFB0] =	vst v23;
	v14 =	vmul.f32 v18, v21  }
0x114: {  	[tilespmem:s11+$0xFFFFFF30] =	vst v6  }
0x115: {  	[tilespmem:s11+$0xFFFFFEB0] =	vst v7  }
0x116: {  	[tilespmem:s11+$0xFFFFFE30] =	vst v8  }
0x117: {  	[tilespmem:s11+$0xFFFFFFA0] =	vst v9  }
0x118: {  	[tilespmem:s11+$0xFFFFFF20] =	vst v10  }
0x119: {  	[tilespmem:s11+$0xFFFFFEA0] =	vst v11  }
0x11a: {  	[tilespmem:s11+$0xFFFFFE20] =	vst v12  }
0x11b: {  	[tilespmem:s11+$0xFFFFFF90] =	vst v13  }
0x11c: {  	[tilespmem:s11+$0xFFFFFFF0] =	vst v2  }
0x11d: {  	[tilespmem:s11+$0xFFFFFF10] =	vst v5  }
0x11e: {  	[tilespmem:s11+$0xFFFFFE90] =	vst v3  }
0x11f: {  	v1 =	vmul.f32 v15, v1;
	[tilespmem:s11+$0xFFFFFE10] =	vst v4  }
0x120: {  	[tilespmem:s11+$0xFFFFFED0] =	vst v14  }
0x121: {  	[tilespmem:s11+$0xFFFFFE60] =	vst v1  }
0x122: {  	_ =	swait.ge [sflag:s2], $0x28  }
0x123: {  	[sflag:s2] =	ssyncset.done $0x0  }
0x124: {  	s11 =	sadd.s32 s6, s17;
	[sflag:s2] =	ssyncadd.s32 $0xFFFFFFD8  }
0x125: {  	[spmem:s4] =	stream.indirect.scatter.add.f32 [tilespmem:s23], [sflag:$0xA], $0x80, s21, s20, $0xb8;
	[tilespmem:$0x1D980] =	vst v63  }
0x126: {  	s5 =	sshrl.u32 s11, $0x3;
	_ =	swait.ge [sflag:s22], $0x1400  }
0x127: {  	s5 =	sadd.s32 s3, s5;
	[sflag:s22] =	ssyncset.done $0x0  }
0x128: {  	s12 =	simm.s32 $0x0;
	s5 =	sadd.s32 $0x14, s5;
	[sflag:s22] =	ssyncadd.s32 $0xFFFFEC00  }
0x129: {  	[tilespmem:s19], [sflag:$0x5] =	stream.linear.gather [hbm4b:s5+s12], $0x28, $0x38;
	[tilespmem:$0x1D980] =	vst v63  }
0x12a: {  	s29 =	sadd.s32 $0x13920, s17  }
0x12b: {  	[tilespmem:s14], [sflag:$0x1] =	stream.indirect.gather [hbm4b:s0+s20], $0x80, s29, s20, $0xb8;
	[tilespmem:$0x1D980] =	vst v63  }
0x12c: {  	_ =	swait.ge [sflag:s1], $0x1400  }
0x12d: {  	[sflag:s1] =	ssyncset.done $0x0  }
0x12e: {  	s5 =	simm.s32 $0x1B370;
	[sflag:s1] =	ssyncadd.s32 $0xFFFFEC00  }
0x12f: {  	v2 =	vld [tilespmem:s5+$0xFFFFFF00]  }
0x130: {  	v3 =	vld [tilespmem:s5+$0xFFFFFE50]  }
0x131: {  	v4 =	vld [tilespmem:s5+$0x0]  }
0x132: {  	v5 =	vld [tilespmem:s5+$0xFFFFFF50]  }
0x133: {  	v6 =	vld [tilespmem:s5+$0xFFFFFFD0]  }
0x134: {  	s30 =	sadd.s32 $0x0, s13;
	v7 =	vld [tilespmem:s5+$0xFFFFFEE0]  }
0x135: {  	s25 =	sadd.s32 $0x1, s30;
	v1 =	vmov s30;
	v8 =	vld [tilespmem:s5+$0xFFFFFF60]  }
0x136: {  	s26 =	sadd.s32 $0x2, s30;
	v9 =	vmov s25;
	v1 =	vand.u32 $0xFFFFFFFC, v1;
	v10 =	vld [tilespmem:s5+$0xFFFFFFE0]  }
0x137: {  	v11 =	vmov s26;
	v9 =	vand.u32 $0xFFFFFFFD, v9;
	v1 =	vbroadcast v1, $0x0;
	v12 =	vld [tilespmem:s5+$0xFFFFFE70]  }
0x138: {  	v11 =	vand.u32 $0xFFFFFFFE, v11;
	v9 =	vbroadcast v9, $0x0;
	v13 =	vld [tilespmem:s5+$0xFFFFFEF0]  }
0x139: {  	v11 =	vbroadcast v11, $0x0;
	v14 =	vld [tilespmem:s5+$0xFFFFFF70]  }
0x13a: {  	s12 =	sadd.s32 $0x3, s30;
	v15 =	vld [tilespmem:s5+$0xFFFFFFF0]  }
0x13b: {  	v16 =	vmov s12;
	v17 =	vld [tilespmem:s5+$0xFFFFFE80]  }
0x13c: {  	v18 =	vld [tilespmem:s5+$0xFFFFFF80]  }
0x13d: {  	v1 =	vld.idx.msk [tilespmem:v1+s18+$0x0], $0xffff  }
0x13e: {  	v19 =	vld.idx.msk [tilespmem:v9+s18+$0x0], $0xffff  }
0x13f: {  	v20 =	vld.idx.msk [tilespmem:v11+s18+$0x0], $0xffff  }
0x140: {  	v16 =	vld.idx.msk [tilespmem:v16+s18+$0x0], $0xffff  }
0x141: {  	v9 =	vld [tilespmem:s5+$0xFFFFFFC0]  }
0x142: {  	v11 =	vld [tilespmem:s5+$0xFFFFFF40]  }
0x143: {  	v21 =	vld [tilespmem:s5+$0xFFFFFEC0];
	v3 =	vmul.f32 v3, v1  }
0x144: {  	v22 =	vld [tilespmem:s5+$0xFFFFFE40];
	v12 =	vmul.f32 v12, v1  }
0x145: {  	v23 =	vld [tilespmem:s5+$0xFFFFFFB0];
	v2 =	vmul.f32 v2, v19;
	[tilespmem:s5+$0xFFFFFE50] =	vst v3  }
0x146: {  	v24 =	vld [tilespmem:s5+$0xFFFFFFA0];
	v8 =	vmul.f32 v8, v20;
	[tilespmem:s5+$0xFFFFFE70] =	vst v12  }
0x147: {  	v25 =	vld [tilespmem:s5+$0xFFFFFEA0];
	v6 =	vmul.f32 v6, v16;
	[tilespmem:s5+$0xFFFFFF00] =	vst v2  }
0x148: {  	v62 =	vld [tilespmem:s5+$0xFFFFFE20];
	v4 =	vmul.f32 v4, v16;
	[tilespmem:s5+$0xFFFFFF60] =	vst v8  }
0x149: {  	v29 =	vld [tilespmem:s5+$0xFFFFFED0];
	v14 =	vmul.f32 v14, v20;
	[tilespmem:s5+$0xFFFFFFD0] =	vst v6  }
0x14a: {  	v28 =	vld [tilespmem:s5+$0xFFFFFE10];
	v18 =	vmul.f32 v18, v20;
	[tilespmem:s5+$0x0] =	vst v4  }
0x14b: {  	v3 =	vmul.f32 v7, v19;
	v7 =	vld [tilespmem:s5+$0xFFFFFF30];
	[tilespmem:s5+$0xFFFFFF70] =	vst v14  }
0x14c: {  	v23 =	vmul.f32 v23, v16;
	v12 =	vld [tilespmem:s5+$0xFFFFFEB0];
	v2 =	vmul.f32 v9, v16;
	[tilespmem:s5+$0xFFFFFF80] =	vst v18  }
0x14d: {  	v9 =	vld [tilespmem:s5+$0xFFFFFE30];
	v8 =	vmul.f32 v21, v19;
	v4 =	vmul.f32 v17, v1;
	[tilespmem:s5+$0xFFFFFEE0] =	vst v3  }
0x14e: {  	v63 =	vld [tilespmem:s5+$0xFFFFFF90];
	v14 =	vmul.f32 v29, v19;
	v3 =	vmul.f32 v5, v20;
	[tilespmem:s5+$0xFFFFFFC0] =	vst v2  }
0x14f: {  	v26 =	vld [tilespmem:s5+$0xFFFFFF10];
	v5 =	vmul.f32 v11, v20;
	v2 =	vmul.f32 v15, v16;
	[tilespmem:s5+$0xFFFFFE80] =	vst v4  }
0x150: {  	v11 =	vld [tilespmem:s5+$0xFFFFFF20];
	v4 =	vmul.f32 v28, v1;
	[tilespmem:s5+$0xFFFFFF50] =	vst v3;
	v3 =	vmul.f32 v10, v16  }
0x151: {  	v27 =	vld [tilespmem:s5+$0xFFFFFE90];
	[tilespmem:s5+$0xFFFFFF40] =	vst v5;
	v10 =	vmul.f32 v22, v1;
	v5 =	vmul.f32 v7, v20  }
0x152: {  	[tilespmem:s5+$0xFFFFFEC0] =	vst v8;
	v15 =	vld [tilespmem:s5+$0xFFFFFE60];
	v6 =	vmul.f32 v12, v19;
	v8 =	vmul.f32 v9, v1  }
0x153: {  	[tilespmem:s5+$0xFFFFFFB0] =	vst v23;
	v9 =	vmul.f32 v24, v16;
	v12 =	vmul.f32 v62, v1  }
0x154: {  	v7 =	vmul.f32 v26, v20;
	[tilespmem:s5+$0xFFFFFFE0] =	vst v3;
	v3 =	vmul.f32 v13, v19  }
0x155: {  	[tilespmem:s5+$0xFFFFFE40] =	vst v10;
	v13 =	vmul.f32 v63, v16;
	v10 =	vmul.f32 v11, v20  }
0x156: {  	s25 =	simm.s32 $0x1B570;
	s12 =	simm.s32 $0x4;
	v11 =	vmul.f32 v25, v19;
	[tilespmem:s5+$0xFFFFFEF0] =	vst v3;
	v3 =	vmul.f32 v27, v19  }
.LBB2_13:
0x157: {  	s26 =	sadd.s32 s12, s13;
	v16 =	vld [tilespmem:s25+$0xFFFFFF00];
	p1 =	sne.s32 s12, $0x24;
	s12 =	sadd.s32 $0x4, s12;
	[tilespmem:s5+$0xFFFFFF30] =	vst v5;
	v1 =	vmul.f32 v15, v1  }
0x158: {  	v5 =	vmov s26;
	s29 =	sadd.s32 $0x1, s26;
	s30 =	sadd.s32 $0x2, s26;
	s26 =	sadd.s32 $0x3, s26;
	v15 =	vld [tilespmem:s25+$0xFFFFFE50];
	[tilespmem:s5+$0xFFFFFEB0] =	vst v6  }
0x159: {  	v5 =	vand.u32 $0xFFFFFFFC, v5;
	v6 =	vmov s29;
	v17 =	vmov s30;
	v18 =	vld [tilespmem:s25+$0x0];
	[tilespmem:s5+$0xFFFFFE30] =	vst v8  }
0x15a: {  	v8 =	vmov s26;
	v5 =	vbroadcast v5, $0x0;
	v6 =	vand.u32 $0xFFFFFFFD, v6;
	v19 =	vld [tilespmem:s25+$0xFFFFFF50];
	[tilespmem:s5+$0xFFFFFFA0] =	vst v9  }
0x15b: {  	v9 =	vand.u32 $0xFFFFFFFE, v17;
	v6 =	vbroadcast v6, $0x0;
	v17 =	vld [tilespmem:s25+$0xFFFFFFD0];
	[tilespmem:s5+$0xFFFFFF20] =	vst v10  }
0x15c: {  	v9 =	vbroadcast v9, $0x0;
	v10 =	vld [tilespmem:s25+$0xFFFFFEE0];
	[tilespmem:s5+$0xFFFFFEA0] =	vst v11  }
0x15d: {  	v11 =	vld [tilespmem:s25+$0xFFFFFF60];
	[tilespmem:s5+$0xFFFFFE20] =	vst v12  }
0x15e: {  	v12 =	vld [tilespmem:s25+$0xFFFFFFE0];
	[tilespmem:s5+$0xFFFFFF90] =	vst v13  }
0x15f: {  	v13 =	vld [tilespmem:s25+$0xFFFFFE70];
	[tilespmem:s5+$0xFFFFFFF0] =	vst v2  }
0x160: {  	v20 =	vld [tilespmem:s25+$0xFFFFFEF0];
	[tilespmem:s5+$0xFFFFFED0] =	vst v14  }
0x161: {  	v14 =	vld [tilespmem:s25+$0xFFFFFF70];
	[tilespmem:s5+$0xFFFFFF10] =	vst v7  }
0x162: {  	v2 =	vld [tilespmem:s25+$0xFFFFFFF0];
	[tilespmem:s5+$0xFFFFFE60] =	vst v1  }
0x163: {  	v7 =	vld [tilespmem:s25+$0xFFFFFE80];
	[tilespmem:s5+$0xFFFFFE90] =	vst v3  }
0x164: {  	v3 =	vld [tilespmem:s25+$0xFFFFFF80];
	[tilespmem:s5+$0xFFFFFE10] =	vst v4;
	s5 =	smov.u32 s25  }
0x165: {  	v1 =	vld.idx.msk [tilespmem:v5+s18+$0x0], $0xffff  }
0x166: {  	v21 =	vld.idx.msk [tilespmem:v6+s18+$0x0], $0xffff  }
0x167: {  	v4 =	vld.idx.msk [tilespmem:v9+s18+$0x0], $0xffff  }
0x168: {  	v22 =	vld.idx.msk [tilespmem:v8+s18+$0x0], $0xffff  }
0x169: {  	v5 =	vld [tilespmem:s25+$0xFFFFFFC0]  }
0x16a: {  	v6 =	vld [tilespmem:s25+$0xFFFFFF40]  }
0x16b: {  	v9 =	vmul.f32 v15, v1;
	v13 =	vmul.f32 v13, v1;
	v8 =	vld [tilespmem:s25+$0xFFFFFEC0]  }
0x16c: {  	v10 =	vmul.f32 v10, v21;
	v16 =	vmul.f32 v16, v21;
	v15 =	vld [tilespmem:s25+$0xFFFFFE40]  }
0x16d: {  	v11 =	vmul.f32 v11, v4;
	v23 =	vld [tilespmem:s25+$0xFFFFFFB0];
	[tilespmem:s25+$0xFFFFFE50] =	vst v9;
	v9 =	vmul.f32 v19, v4  }
0x16e: {  	v17 =	vmul.f32 v17, v22;
	v19 =	vld [tilespmem:s25+$0xFFFFFF30];
	v5 =	vmul.f32 v5, v22;
	[tilespmem:s25+$0xFFFFFE70] =	vst v13  }
0x16f: {  	v12 =	vmul.f32 v12, v22;
	v13 =	vld [tilespmem:s25+$0xFFFFFEB0];
	v24 =	vmul.f32 v6, v4;
	[tilespmem:s25+$0xFFFFFF00] =	vst v16  }
0x170: {  	v2 =	vmul.f32 v2, v22;
	v16 =	vld [tilespmem:s25+$0xFFFFFE30];
	v25 =	vmul.f32 v8, v21;
	[tilespmem:s25+$0xFFFFFEE0] =	vst v10  }
0x171: {  	v18 =	vmul.f32 v18, v22;
	v10 =	vld [tilespmem:s25+$0xFFFFFFA0];
	v15 =	vmul.f32 v15, v1;
	[tilespmem:s25+$0xFFFFFF60] =	vst v11  }
0x172: {  	v14 =	vmul.f32 v14, v4;
	v11 =	vld [tilespmem:s25+$0xFFFFFF20];
	v23 =	vmul.f32 v23, v22;
	[tilespmem:s25+$0xFFFFFFC0] =	vst v5  }
0x173: {  	v26 =	vld [tilespmem:s25+$0xFFFFFEA0];
	v5 =	vmul.f32 v19, v4;
	[tilespmem:s25+$0xFFFFFF50] =	vst v9;
	v19 =	vmul.f32 v3, v4  }
0x174: {  	v20 =	vmul.f32 v20, v21;
	v3 =	vld [tilespmem:s25+$0xFFFFFE20];
	v6 =	vmul.f32 v13, v21;
	[tilespmem:s25+$0xFFFFFF40] =	vst v24  }
0x175: {  	v13 =	vld [tilespmem:s25+$0xFFFFFF90];
	v8 =	vmul.f32 v16, v1;
	[tilespmem:s25+$0xFFFFFFD0] =	vst v17;
	v16 =	vmul.f32 v7, v1  }
0x176: {  	v7 =	vld [tilespmem:s25+$0xFFFFFF10];
	v9 =	vmul.f32 v10, v22;
	[tilespmem:s25+$0xFFFFFEC0] =	vst v25  }
0x177: {  	v17 =	vld [tilespmem:s25+$0xFFFFFE90];
	v10 =	vmul.f32 v11, v4;
	[tilespmem:s25+$0xFFFFFFE0] =	vst v12  }
0x178: {  	v24 =	vld [tilespmem:s25+$0xFFFFFE10];
	v11 =	vmul.f32 v26, v21;
	[tilespmem:s25+$0x0] =	vst v18  }
0x179: {  	v12 =	vmul.f32 v3, v1;
	v18 =	vld [tilespmem:s25+$0xFFFFFED0];
	[tilespmem:s25+$0xFFFFFF70] =	vst v14  }
.Ltmp7:
0x17a: {  	v13 =	vmul.f32 v13, v22;
	[tilespmem:s25+$0xFFFFFE40] =	vst v15;
	v15 =	vld [tilespmem:s25+$0xFFFFFE60];
	(pc) =	sbr.rel @p1 .LBB2_13-.Ltmp7, $4  }
0x17b: {  	v7 =	vmul.f32 v7, v4;
	[tilespmem:s25+$0xFFFFFEF0] =	vst v20  }
0x17c: {  	v3 =	vmul.f32 v17, v21;
	[tilespmem:s25+$0xFFFFFE80] =	vst v16  }
0x17d: {  	v4 =	vmul.f32 v24, v1;
	[tilespmem:s25+$0xFFFFFF80] =	vst v19  }
0x17e: {  	s25 =	sadd.s32 $0x200, s25;
	[tilespmem:s5+$0xFFFFFFB0] =	vst v23;
	v14 =	vmul.f32 v18, v21  }
0x17f: {  	[tilespmem:s5+$0xFFFFFF30] =	vst v5  }
0x180: {  	[tilespmem:s5+$0xFFFFFEB0] =	vst v6  }
0x181: {  	[tilespmem:s5+$0xFFFFFE30] =	vst v8  }
0x182: {  	[tilespmem:s5+$0xFFFFFFA0] =	vst v9  }
0x183: {  	[tilespmem:s5+$0xFFFFFF20] =	vst v10  }
0x184: {  	[tilespmem:s5+$0xFFFFFEA0] =	vst v11  }
0x185: {  	[tilespmem:s5+$0xFFFFFE20] =	vst v12  }
0x186: {  	[tilespmem:s5+$0xFFFFFF90] =	vst v13  }
0x187: {  	[tilespmem:s5+$0xFFFFFFF0] =	vst v2  }
0x188: {  	[tilespmem:s5+$0xFFFFFF10] =	vst v7  }
0x189: {  	[tilespmem:s5+$0xFFFFFE90] =	vst v3  }
0x18a: {  	v1 =	vmul.f32 v15, v1;
	[tilespmem:s5+$0xFFFFFE10] =	vst v4  }
0x18b: {  	[tilespmem:s5+$0xFFFFFED0] =	vst v14  }
0x18c: {  	[tilespmem:s5+$0xFFFFFE60] =	vst v1  }
0x18d: {  	_ =	swait.ge [sflag:s16], $0x28  }
0x18e: {  	[sflag:s16] =	ssyncset.done $0x0  }
0x18f: {  	s26 =	simm.s32 $0x18880;
	s29 =	simm.s32 $0x1B180;
	[sflag:s16] =	ssyncadd.s32 $0xFFFFFFD8  }
0x190: {  	[spmem:s4] =	stream.indirect.scatter.add.f32 [tilespmem:s29], [sflag:$0xB], $0x80, s26, s20, $0xb8;
	[tilespmem:$0x1D980] =	vst v63  }
0x191: {  	s12 =	sadd.s32 $0xC8, s11;
	_ =	swait.ge [sflag:s8], $0x1400  }
0x192: {  	s5 =	sshrl.u32 s12, $0x3;
	[sflag:s8] =	ssyncset.done $0x0  }
0x193: {  	s13 =	simm.s32 $0x0;
	s5 =	sadd.s32 s3, s5;
	[sflag:s8] =	ssyncadd.s32 $0xFFFFEC00  }
0x194: {  	[tilespmem:s21], [sflag:$0x6] =	stream.linear.gather [hbm4b:s5+s13], $0x28, $0x38;
	[tilespmem:$0x1D980] =	vst v63  }
0x195: {  	s17 =	sadd.s32 $0x13948, s17  }
0x196: {  	[tilespmem:s23], [sflag:$0x2] =	stream.indirect.gather [hbm4b:s0+s20], $0x80, s17, s20, $0xb8;
	[tilespmem:$0x1D980] =	vst v63  }
0x197: {  	_ =	swait.ge [sflag:s9], $0x1400  }
0x198: {  	[sflag:s9] =	ssyncset.done $0x0  }
0x199: {  	s5 =	simm.s32 $0x1C770;
	[sflag:s9] =	ssyncadd.s32 $0xFFFFEC00  }
0x19a: {  	v2 =	vld [tilespmem:s5+$0xFFFFFF00]  }
0x19b: {  	v3 =	vld [tilespmem:s5+$0xFFFFFE50]  }
0x19c: {  	v4 =	vld [tilespmem:s5+$0x0]  }
0x19d: {  	v5 =	vld [tilespmem:s5+$0xFFFFFF50]  }
0x19e: {  	v6 =	vld [tilespmem:s5+$0xFFFFFFD0]  }
0x19f: {  	s25 =	sadd.s32 $0x0, s7;
	v7 =	vld [tilespmem:s5+$0xFFFFFEE0]  }
0x1a0: {  	v1 =	vmov s25;
	s12 =	sadd.s32 $0x1, s25;
	v8 =	vld [tilespmem:s5+$0xFFFFFF60]  }
0x1a1: {  	v1 =	vand.u32 $0xFFFFFFFC, v1;
	v9 =	vmov s12;
	v10 =	vld [tilespmem:s5+$0xFFFFFFE0]  }
0x1a2: {  	v1 =	vbroadcast v1, $0x0;
	v9 =	vand.u32 $0xFFFFFFFD, v9;
	v12 =	vld [tilespmem:s5+$0xFFFFFE70]  }
0x1a3: {  	v9 =	vbroadcast v9, $0x0;
	v13 =	vld [tilespmem:s5+$0xFFFFFEF0]  }
0x1a4: {  	s11 =	sadd.s32 $0x3, s25;
	v14 =	vld [tilespmem:s5+$0xFFFFFF70]  }
0x1a5: {  	v16 =	vmov s11;
	v15 =	vld [tilespmem:s5+$0xFFFFFFF0]  }
0x1a6: {  	v17 =	vld [tilespmem:s5+$0xFFFFFE80]  }
0x1a7: {  	s13 =	sadd.s32 $0x2, s25;
	v18 =	vld [tilespmem:s5+$0xFFFFFF80]  }
0x1a8: {  	v11 =	vmov s13;
	v1 =	vld.idx.msk [tilespmem:v1+s18+$0x0], $0xffff  }
0x1a9: {  	v11 =	vand.u32 $0xFFFFFFFE, v11;
	v19 =	vld.idx.msk [tilespmem:v9+s18+$0x0], $0xffff  }
0x1aa: {  	v11 =	vbroadcast v11, $0x0;
	v16 =	vld.idx.msk [tilespmem:v16+s18+$0x0], $0xffff  }
0x1ab: {  	v9 =	vld [tilespmem:s5+$0xFFFFFFC0]  }
0x1ac: {  	v21 =	vld [tilespmem:s5+$0xFFFFFEC0]  }
0x1ad: {  	v22 =	vld [tilespmem:s5+$0xFFFFFE40]  }
0x1ae: {  	v23 =	vld [tilespmem:s5+$0xFFFFFFB0];
	v3 =	vmul.f32 v3, v1  }
0x1af: {  	v24 =	vld [tilespmem:s5+$0xFFFFFFA0];
	v12 =	vmul.f32 v12, v1  }
0x1b0: {  	v20 =	vld.idx.msk [tilespmem:v11+s18+$0x0], $0xffff;
	v2 =	vmul.f32 v2, v19;
	[tilespmem:s5+$0xFFFFFE50] =	vst v3  }
0x1b1: {  	v25 =	vld [tilespmem:s5+$0xFFFFFEA0];
	v6 =	vmul.f32 v6, v16;
	[tilespmem:s5+$0xFFFFFE70] =	vst v12  }
0x1b2: {  	v62 =	vld [tilespmem:s5+$0xFFFFFE20];
	v4 =	vmul.f32 v4, v16;
	[tilespmem:s5+$0xFFFFFF00] =	vst v2  }
0x1b3: {  	v28 =	vld [tilespmem:s5+$0xFFFFFE10];
	v23 =	vmul.f32 v23, v16;
	[tilespmem:s5+$0xFFFFFFD0] =	vst v6  }
0x1b4: {  	v11 =	vld [tilespmem:s5+$0xFFFFFF40];
	v3 =	vmul.f32 v7, v19;
	[tilespmem:s5+$0x0] =	vst v4  }
0x1b5: {  	v29 =	vld [tilespmem:s5+$0xFFFFFED0];
	v2 =	vmul.f32 v9, v16;
	[tilespmem:s5+$0xFFFFFFB0] =	vst v23  }
0x1b6: {  	v7 =	vld [tilespmem:s5+$0xFFFFFF30];
	v4 =	vmul.f32 v17, v1;
	[tilespmem:s5+$0xFFFFFEE0] =	vst v3  }
0x1b7: {  	v12 =	vld [tilespmem:s5+$0xFFFFFEB0];
	v8 =	vmul.f32 v8, v20;
	v14 =	vmul.f32 v14, v20;
	[tilespmem:s5+$0xFFFFFFC0] =	vst v2  }
0x1b8: {  	v9 =	vld [tilespmem:s5+$0xFFFFFE30];
	v18 =	vmul.f32 v18, v20;
	v3 =	vmul.f32 v5, v20;
	[tilespmem:s5+$0xFFFFFE80] =	vst v4  }
0x1b9: {  	v63 =	vld [tilespmem:s5+$0xFFFFFF90];
	v5 =	vmul.f32 v11, v20;
	v2 =	vmul.f32 v15, v16;
	[tilespmem:s5+$0xFFFFFF60] =	vst v8  }
0x1ba: {  	v26 =	vld [tilespmem:s5+$0xFFFFFF10];
	v4 =	vmul.f32 v28, v1;
	v8 =	vmul.f32 v21, v19;
	[tilespmem:s5+$0xFFFFFF70] =	vst v14  }
0x1bb: {  	v11 =	vld [tilespmem:s5+$0xFFFFFF20];
	v14 =	vmul.f32 v29, v19;
	[tilespmem:s5+$0xFFFFFF50] =	vst v3;
	v3 =	vmul.f32 v10, v16  }
0x1bc: {  	v27 =	vld [tilespmem:s5+$0xFFFFFE90];
	[tilespmem:s5+$0xFFFFFF40] =	vst v5;
	v10 =	vmul.f32 v22, v1;
	v5 =	vmul.f32 v7, v20  }
0x1bd: {  	v15 =	vld [tilespmem:s5+$0xFFFFFE60];
	[tilespmem:s5+$0xFFFFFEC0] =	vst v8;
	v6 =	vmul.f32 v12, v19;
	v8 =	vmul.f32 v9, v1  }
0x1be: {  	[tilespmem:s5+$0xFFFFFF80] =	vst v18;
	v9 =	vmul.f32 v24, v16;
	v12 =	vmul.f32 v62, v1  }
0x1bf: {  	v7 =	vmul.f32 v26, v20;
	[tilespmem:s5+$0xFFFFFFE0] =	vst v3;
	v3 =	vmul.f32 v13, v19  }
0x1c0: {  	[tilespmem:s5+$0xFFFFFE40] =	vst v10;
	v13 =	vmul.f32 v63, v16;
	v10 =	vmul.f32 v11, v20  }
0x1c1: {  	s30 =	simm.s32 $0x18900;
	s11 =	simm.s32 $0x4;
	s12 =	simm.s32 $0x1C970;
	v11 =	vmul.f32 v25, v19;
	[tilespmem:s5+$0xFFFFFEF0] =	vst v3;
	v3 =	vmul.f32 v27, v19  }
.LBB2_15:
0x1c2: {  	s13 =	sadd.s32 s11, s7;
	v16 =	vld [tilespmem:s12+$0xFFFFFF00];
	p1 =	sne.s32 s11, $0x24;
	s11 =	sadd.s32 $0x4, s11;
	[tilespmem:s5+$0xFFFFFF30] =	vst v5;
	v1 =	vmul.f32 v15, v1  }
0x1c3: {  	v5 =	vmov s13;
	s17 =	sadd.s32 $0x1, s13;
	s25 =	sadd.s32 $0x2, s13;
	s13 =	sadd.s32 $0x3, s13;
	v15 =	vld [tilespmem:s12+$0xFFFFFE50];
	[tilespmem:s5+$0xFFFFFEB0] =	vst v6  }
0x1c4: {  	v5 =	vand.u32 $0xFFFFFFFC, v5;
	v6 =	vmov s17;
	v17 =	vmov s25;
	v18 =	vld [tilespmem:s12+$0x0];
	[tilespmem:s5+$0xFFFFFE30] =	vst v8  }
0x1c5: {  	v8 =	vmov s13;
	v5 =	vbroadcast v5, $0x0;
	v6 =	vand.u32 $0xFFFFFFFD, v6;
	v19 =	vld [tilespmem:s12+$0xFFFFFF50];
	[tilespmem:s5+$0xFFFFFFA0] =	vst v9  }
0x1c6: {  	v9 =	vand.u32 $0xFFFFFFFE, v17;
	v6 =	vbroadcast v6, $0x0;
	v17 =	vld [tilespmem:s12+$0xFFFFFFD0];
	[tilespmem:s5+$0xFFFFFF20] =	vst v10  }
0x1c7: {  	v9 =	vbroadcast v9, $0x0;
	v10 =	vld [tilespmem:s12+$0xFFFFFEE0];
	[tilespmem:s5+$0xFFFFFEA0] =	vst v11  }
0x1c8: {  	v11 =	vld [tilespmem:s12+$0xFFFFFF60];
	[tilespmem:s5+$0xFFFFFE20] =	vst v12  }
0x1c9: {  	v12 =	vld [tilespmem:s12+$0xFFFFFFE0];
	[tilespmem:s5+$0xFFFFFF90] =	vst v13  }
0x1ca: {  	v13 =	vld [tilespmem:s12+$0xFFFFFE70];
	[tilespmem:s5+$0xFFFFFFF0] =	vst v2  }
0x1cb: {  	v20 =	vld [tilespmem:s12+$0xFFFFFEF0];
	[tilespmem:s5+$0xFFFFFED0] =	vst v14  }
0x1cc: {  	v14 =	vld [tilespmem:s12+$0xFFFFFF70];
	[tilespmem:s5+$0xFFFFFF10] =	vst v7  }
0x1cd: {  	v2 =	vld [tilespmem:s12+$0xFFFFFFF0];
	[tilespmem:s5+$0xFFFFFE60] =	vst v1  }
0x1ce: {  	v7 =	vld [tilespmem:s12+$0xFFFFFE80];
	[tilespmem:s5+$0xFFFFFE90] =	vst v3  }
0x1cf: {  	v3 =	vld [tilespmem:s12+$0xFFFFFF80];
	[tilespmem:s5+$0xFFFFFE10] =	vst v4;
	s5 =	smov.u32 s12  }
0x1d0: {  	v1 =	vld.idx.msk [tilespmem:v5+s18+$0x0], $0xffff  }
0x1d1: {  	v21 =	vld.idx.msk [tilespmem:v6+s18+$0x0], $0xffff  }
0x1d2: {  	v4 =	vld.idx.msk [tilespmem:v9+s18+$0x0], $0xffff  }
0x1d3: {  	v22 =	vld.idx.msk [tilespmem:v8+s18+$0x0], $0xffff  }
0x1d4: {  	v5 =	vld [tilespmem:s12+$0xFFFFFFC0]  }
0x1d5: {  	v6 =	vld [tilespmem:s12+$0xFFFFFF40]  }
0x1d6: {  	v9 =	vmul.f32 v15, v1;
	v13 =	vmul.f32 v13, v1;
	v8 =	vld [tilespmem:s12+$0xFFFFFEC0]  }
0x1d7: {  	v10 =	vmul.f32 v10, v21;
	v16 =	vmul.f32 v16, v21;
	v15 =	vld [tilespmem:s12+$0xFFFFFE40]  }
0x1d8: {  	v11 =	vmul.f32 v11, v4;
	v23 =	vld [tilespmem:s12+$0xFFFFFFB0];
	[tilespmem:s12+$0xFFFFFE50] =	vst v9;
	v9 =	vmul.f32 v19, v4  }
0x1d9: {  	v17 =	vmul.f32 v17, v22;
	v19 =	vld [tilespmem:s12+$0xFFFFFF30];
	v5 =	vmul.f32 v5, v22;
	[tilespmem:s12+$0xFFFFFE70] =	vst v13  }
0x1da: {  	v12 =	vmul.f32 v12, v22;
	v13 =	vld [tilespmem:s12+$0xFFFFFEB0];
	v24 =	vmul.f32 v6, v4;
	[tilespmem:s12+$0xFFFFFF00] =	vst v16  }
0x1db: {  	v2 =	vmul.f32 v2, v22;
	v16 =	vld [tilespmem:s12+$0xFFFFFE30];
	v25 =	vmul.f32 v8, v21;
	[tilespmem:s12+$0xFFFFFEE0] =	vst v10  }
0x1dc: {  	v18 =	vmul.f32 v18, v22;
	v10 =	vld [tilespmem:s12+$0xFFFFFFA0];
	v15 =	vmul.f32 v15, v1;
	[tilespmem:s12+$0xFFFFFF60] =	vst v11  }
0x1dd: {  	v14 =	vmul.f32 v14, v4;
	v11 =	vld [tilespmem:s12+$0xFFFFFF20];
	v23 =	vmul.f32 v23, v22;
	[tilespmem:s12+$0xFFFFFFC0] =	vst v5  }
0x1de: {  	v26 =	vld [tilespmem:s12+$0xFFFFFEA0];
	v5 =	vmul.f32 v19, v4;
	[tilespmem:s12+$0xFFFFFF50] =	vst v9;
	v19 =	vmul.f32 v3, v4  }
0x1df: {  	v20 =	vmul.f32 v20, v21;
	v3 =	vld [tilespmem:s12+$0xFFFFFE20];
	v6 =	vmul.f32 v13, v21;
	[tilespmem:s12+$0xFFFFFF40] =	vst v24  }
0x1e0: {  	v13 =	vld [tilespmem:s12+$0xFFFFFF90];
	v8 =	vmul.f32 v16, v1;
	[tilespmem:s12+$0xFFFFFFD0] =	vst v17;
	v16 =	vmul.f32 v7, v1  }
0x1e1: {  	v7 =	vld [tilespmem:s12+$0xFFFFFF10];
	v9 =	vmul.f32 v10, v22;
	[tilespmem:s12+$0xFFFFFEC0] =	vst v25  }
0x1e2: {  	v17 =	vld [tilespmem:s12+$0xFFFFFE90];
	v10 =	vmul.f32 v11, v4;
	[tilespmem:s12+$0xFFFFFFE0] =	vst v12  }
0x1e3: {  	v24 =	vld [tilespmem:s12+$0xFFFFFE10];
	v11 =	vmul.f32 v26, v21;
	[tilespmem:s12+$0x0] =	vst v18  }
0x1e4: {  	v12 =	vmul.f32 v3, v1;
	v18 =	vld [tilespmem:s12+$0xFFFFFED0];
	[tilespmem:s12+$0xFFFFFF70] =	vst v14  }
.Ltmp8:
0x1e5: {  	v13 =	vmul.f32 v13, v22;
	[tilespmem:s12+$0xFFFFFE40] =	vst v15;
	v15 =	vld [tilespmem:s12+$0xFFFFFE60];
	(pc) =	sbr.rel @p1 .LBB2_15-.Ltmp8, $4  }
0x1e6: {  	v7 =	vmul.f32 v7, v4;
	[tilespmem:s12+$0xFFFFFEF0] =	vst v20  }
0x1e7: {  	v3 =	vmul.f32 v17, v21;
	[tilespmem:s12+$0xFFFFFE80] =	vst v16  }
0x1e8: {  	v4 =	vmul.f32 v24, v1;
	[tilespmem:s12+$0xFFFFFF80] =	vst v19  }
0x1e9: {  	s12 =	sadd.s32 $0x200, s12;
	[tilespmem:s5+$0xFFFFFFB0] =	vst v23;
	v14 =	vmul.f32 v18, v21  }
0x1ea: {  	[tilespmem:s5+$0xFFFFFF30] =	vst v5  }
0x1eb: {  	[tilespmem:s5+$0xFFFFFEB0] =	vst v6  }
0x1ec: {  	[tilespmem:s5+$0xFFFFFE30] =	vst v8  }
0x1ed: {  	[tilespmem:s5+$0xFFFFFFA0] =	vst v9  }
0x1ee: {  	[tilespmem:s5+$0xFFFFFF20] =	vst v10  }
0x1ef: {  	[tilespmem:s5+$0xFFFFFEA0] =	vst v11  }
0x1f0: {  	[tilespmem:s5+$0xFFFFFE20] =	vst v12  }
0x1f1: {  	[tilespmem:s5+$0xFFFFFF90] =	vst v13  }
0x1f2: {  	[tilespmem:s5+$0xFFFFFFF0] =	vst v2  }
0x1f3: {  	[tilespmem:s5+$0xFFFFFF10] =	vst v7  }
0x1f4: {  	[tilespmem:s5+$0xFFFFFE90] =	vst v3  }
0x1f5: {  	v1 =	vmul.f32 v15, v1;
	[tilespmem:s5+$0xFFFFFE10] =	vst v4;
	s24 =	sadd.s32 $0x1, s24  }
0x1f6: {  	[tilespmem:s5+$0xFFFFFED0] =	vst v14;
	p1 =	sne.s32 s24, $0x3E  }
.Ltmp9:
0x1f7: {  	[tilespmem:s5+$0xFFFFFE60] =	vst v1;
	(pc) =	sbr.rel @p1 .LBB2_8-.Ltmp9, $4  }
0x1f8: {  	_ =	swait.ge [sflag:s10], $0x28  }
0x1f9: {  	[sflag:s10] =	ssyncset.done $0x0  }
0x1fa: {  	s25 =	simm.s32 $0x1C580;
	[sflag:s10] =	ssyncadd.s32 $0xFFFFFFD8  }
0x1fb: {  	[spmem:s4] =	stream.indirect.scatter.add.f32 [tilespmem:s25], [sflag:$0xC], $0x80, s30, s20, $0xb8;
	[tilespmem:$0x1D980] =	vst v63  }
0x1fc: {  	s5 =	simm.s32 $0xB  }
0x1fd: {  	_ =	swait.ge [sflag:s5], $0x1400  }
0x1fe: {  	[sflag:s5] =	ssyncset.done $0x0  }
0x1ff: {  	[sflag:s5] =	ssyncadd.s32 $0xFFFFEC00  }
0x200: {  	_ =	swait.ge [sflag:s15], $0x1400  }
0x201: {  	[sflag:s15] =	ssyncset.done $0x0  }
0x202: {  	s7 =	simm.s32 $0x18A80;
	[sflag:s15] =	ssyncadd.s32 $0xFFFFEC00  }
0x203: {  	v3 =	vld [tilespmem:s7+$0xFFFFFFF0]  }
0x204: {  	v4 =	vld [tilespmem:s7+$0xF0]  }
0x205: {  	v2 =	vld [tilespmem:s7+$0xB0]  }
0x206: {  	v5 =	vld [tilespmem:s7+$0xFFFFFFC0]  }
0x207: {  	v6 =	vld [tilespmem:s7+$0x40]  }
0x208: {  	v7 =	vld [tilespmem:s7+$0xFFFFFF50]  }
0x209: {  	s17 =	simm.s32 $0x26C0;
	v8 =	vld [tilespmem:s7+$0xFFFFFFD0]  }
0x20a: {  	s24 =	simm.s32 $0x26C1;
	s11 =	simm.s32 $0x26C3;
	v1 =	vmov s17;
	v9 =	vld [tilespmem:s7+$0x50]  }
0x20b: {  	s25 =	simm.s32 $0x26C2;
	v10 =	vmov s24;
	v11 =	vmov s11;
	v1 =	vand.u32 $0xFFFFFFFC, v1;
	v12 =	vld [tilespmem:s7+$0xD0]  }
0x20c: {  	v13 =	vbroadcast v1, $0x0;
	v1 =	vand.u32 $0xFFFFFFFD, v10;
	v10 =	vmov s25;
	v14 =	vld [tilespmem:s7+$0xFFFFFF60]  }
0x20d: {  	v15 =	vbroadcast v1, $0x0;
	v1 =	vand.u32 $0xFFFFFFFE, v10;
	v10 =	vld [tilespmem:s7+$0xFFFFFFE0]  }
0x20e: {  	v17 =	vld [tilespmem:s7+$0x60]  }
0x20f: {  	v18 =	vld [tilespmem:s7+$0xE0]  }
0x210: {  	v19 =	vld [tilespmem:s7+$0xFFFFFF70]  }
0x211: {  	v16 =	vbroadcast v1, $0x0;
	v1 =	vld.idx.msk [tilespmem:v11+s18+$0x0], $0xffff  }
0x212: {  	v11 =	vld [tilespmem:s7+$0x70]  }
0x213: {  	v22 =	vld [tilespmem:s7+$0xA0]  }
0x214: {  	v23 =	vld [tilespmem:s7+$0xFFFFFF30]  }
0x215: {  	v60 =	vld [tilespmem:s7+$0xFFFFFFA0]  }
0x216: {  	v24 =	vld [tilespmem:s7+$0x10]  }
0x217: {  	v20 =	vld.idx.msk [tilespmem:v13+s18+$0x0], $0xffff;
	v12 =	vmul.f32 v12, v1  }
0x218: {  	v21 =	vld.idx.msk [tilespmem:v15+s18+$0x0], $0xffff;
	v18 =	vmul.f32 v18, v1  }
0x219: {  	v16 =	vld.idx.msk [tilespmem:v16+s18+$0x0], $0xffff;
	v2 =	vmul.f32 v2, v1;
	[tilespmem:s7+$0xD0] =	vst v12  }
0x21a: {  	v25 =	vld [tilespmem:s7+$0xFFFFFF10];
	v4 =	vmul.f32 v4, v1;
	[tilespmem:s7+$0xE0] =	vst v18  }
0x21b: {  	v61 =	vld [tilespmem:s7+$0xFFFFFF80];
	v22 =	vmul.f32 v22, v1;
	[tilespmem:s7+$0xB0] =	vst v2  }
0x21c: {  	v62 =	vld [tilespmem:s7+$0xFFFFFF00];
	v7 =	vmul.f32 v7, v20;
	[tilespmem:s7+$0xF0] =	vst v4  }
0x21d: {  	v63 =	vld [tilespmem:s7+$0xFFFFFF40];
	v12 =	vmul.f32 v14, v20;
	[tilespmem:s7+$0xA0] =	vst v22  }
0x21e: {  	v13 =	vld [tilespmem:s7+$0x30];
	v5 =	vmul.f32 v5, v21;
	[tilespmem:s7+$0xFFFFFF50] =	vst v7  }
0x21f: {  	v15 =	vld [tilespmem:s7+$0xFFFFFFB0];
	v10 =	vmul.f32 v10, v21;
	[tilespmem:s7+$0xFFFFFF60] =	vst v12  }
0x220: {  	v14 =	vld [tilespmem:s7+$0x20];
	v26 =	vmul.f32 v3, v21;
	v7 =	vmul.f32 v8, v21;
	[tilespmem:s7+$0xFFFFFFC0] =	vst v5  }
0x221: {  	v3 =	vmul.f32 v19, v20;
	v8 =	vld [tilespmem:s7+$0xFFFFFF20];
	v11 =	vmul.f32 v11, v16;
	[tilespmem:s7+$0xFFFFFFE0] =	vst v10  }
0x222: {  	v4 =	vmul.f32 v61, v21;
	v12 =	vld [tilespmem:s7+$0x90];
	v5 =	vmul.f32 v6, v16;
	[tilespmem:s7+$0xFFFFFFD0] =	vst v7  }
0x223: {  	v2 =	vmul.f32 v17, v16;
	v17 =	vld [tilespmem:s7+$0x80];
	v6 =	vmul.f32 v13, v16;
	[tilespmem:s7+$0x70] =	vst v11  }
0x224: {  	v13 =	vld [tilespmem:s7+$0xFFFFFF90];
	v7 =	vmul.f32 v9, v16;
	v9 =	vmul.f32 v15, v21;
	[tilespmem:s7+$0x40] =	vst v5  }
0x225: {  	v11 =	vmul.f32 v24, v16;
	[tilespmem:s7+$0x30] =	vst v6;
	v6 =	vmul.f32 v14, v16;
	v14 =	vld [tilespmem:s7+$0x0]  }
0x226: {  	v5 =	vmul.f32 v23, v20;
	[tilespmem:s7+$0x50] =	vst v7;
	v7 =	vmul.f32 v60, v21  }
0x227: {  	v15 =	vld [tilespmem:s7+$0xC0];
	[tilespmem:s7+$0xFFFFFFB0] =	vst v9;
	v8 =	vmul.f32 v8, v20;
	v9 =	vmul.f32 v12, v1  }
0x228: {  	v10 =	vmul.f32 v17, v1;
	[tilespmem:s7+$0xFFFFFF30] =	vst v5;
	v5 =	vmul.f32 v62, v20  }
0x229: {  	[tilespmem:s7+$0xFFFFFF70] =	vst v3;
	v12 =	vmul.f32 v13, v21;
	v13 =	vmul.f32 v25, v20  }
0x22a: {  	s12 =	simm.s32 $0x26C4;
	s5 =	simm.s32 $0x18C80;
	[tilespmem:s7+$0xFFFFFFF0] =	vst v26;
	v3 =	vmul.f32 v14, v16;
	v14 =	vmul.f32 v63, v20  }
.LBB2_18:
0x22b: {  	s13 =	sadd.s32 $0x1, s12  }
0x22c: {  	v16 =	vmov s12;
	s17 =	sadd.s32 $0x3, s12;
	v17 =	vld [tilespmem:s5+$0xFFFFFFF0];
	[tilespmem:s7+$0x20] =	vst v6;
	v1 =	vmul.f32 v15, v1;
	s24 =	smov.u32 s12;
	s11 =	sadd.s32 $0x4, s12  }
0x22d: {  	p1 =	sne.s32 s12, $0x26E4;
	v6 =	vand.u32 $0xFFFFFFFC, v16;
	v15 =	vmov s13;
	s13 =	sadd.s32 $0x2, s24;
	v16 =	vmov s17;
	v18 =	vld [tilespmem:s5+$0xF0];
	[tilespmem:s7+$0xFFFFFFA0] =	vst v7  }
0x22e: {  	v6 =	vbroadcast v6, $0x0;
	v7 =	vand.u32 $0xFFFFFFFD, v15;
	v15 =	vmov s13;
	v19 =	vld [tilespmem:s5+$0xB0];
	[tilespmem:s7+$0xFFFFFF20] =	vst v8  }
0x22f: {  	v7 =	vbroadcast v7, $0x0;
	v8 =	vand.u32 $0xFFFFFFFE, v15;
	v15 =	vld [tilespmem:s5+$0xFFFFFFC0];
	[tilespmem:s7+$0x90] =	vst v9  }
0x230: {  	v8 =	vbroadcast v8, $0x0;
	v9 =	vld [tilespmem:s5+$0x40];
	[tilespmem:s7+$0x10] =	vst v11  }
0x231: {  	v11 =	vld [tilespmem:s5+$0xFFFFFF50];
	[tilespmem:s7+$0xFFFFFF90] =	vst v12  }
0x232: {  	v12 =	vld [tilespmem:s5+$0xFFFFFFD0];
	[tilespmem:s7+$0xFFFFFF10] =	vst v13  }
0x233: {  	v13 =	vld [tilespmem:s5+$0x50];
	[tilespmem:s7+$0xFFFFFF40] =	vst v14  }
0x234: {  	v14 =	vld [tilespmem:s5+$0xD0];
	[tilespmem:s7+$0x80] =	vst v10  }
0x235: {  	v10 =	vld [tilespmem:s5+$0xFFFFFF60];
	[tilespmem:s7+$0x60] =	vst v2  }
0x236: {  	v20 =	vld [tilespmem:s5+$0xFFFFFFE0];
	[tilespmem:s7+$0xC0] =	vst v1  }
0x237: {  	v2 =	vld [tilespmem:s5+$0x60];
	[tilespmem:s7+$0x0] =	vst v3  }
0x238: {  	v3 =	vld [tilespmem:s5+$0xE0];
	[tilespmem:s7+$0xFFFFFF80] =	vst v4  }
0x239: {  	v4 =	vld [tilespmem:s5+$0xFFFFFF70];
	[tilespmem:s7+$0xFFFFFF00] =	vst v5;
	s7 =	smov.u32 s5  }
0x23a: {  	v1 =	vld.idx.msk [tilespmem:v16+s18+$0x0], $0xffff  }
0x23b: {  	v16 =	vld.idx.msk [tilespmem:v6+s18+$0x0], $0xffff  }
0x23c: {  	v5 =	vld.idx.msk [tilespmem:v7+s18+$0x0], $0xffff  }
0x23d: {  	v21 =	vld.idx.msk [tilespmem:v8+s18+$0x0], $0xffff  }
0x23e: {  	v6 =	vld [tilespmem:s5+$0x70]  }
0x23f: {  	v7 =	vld [tilespmem:s5+$0x30]  }
0x240: {  	v14 =	vmul.f32 v14, v1;
	v3 =	vmul.f32 v3, v1;
	v8 =	vld [tilespmem:s5+$0xFFFFFFB0]  }
0x241: {  	v11 =	vmul.f32 v11, v16;
	v10 =	vmul.f32 v10, v16;
	v22 =	vld [tilespmem:s5+$0xFFFFFF30]  }
0x242: {  	v15 =	vmul.f32 v15, v5;
	v12 =	vmul.f32 v12, v5;
	v23 =	vld [tilespmem:s5+$0xA0];
	[tilespmem:s5+$0xD0] =	vst v14  }
0x243: {  	v19 =	vmul.f32 v19, v1;
	v9 =	vmul.f32 v9, v21;
	v14 =	vld [tilespmem:s5+$0x20];
	[tilespmem:s5+$0xE0] =	vst v3  }
0x244: {  	v3 =	vld [tilespmem:s5+$0xFFFFFFA0];
	v24 =	vmul.f32 v7, v21;
	[tilespmem:s5+$0xFFFFFF50] =	vst v11;
	v11 =	vmul.f32 v13, v21  }
0x245: {  	v2 =	vmul.f32 v2, v21;
	v13 =	vld [tilespmem:s5+$0xFFFFFF20];
	v25 =	vmul.f32 v8, v5;
	[tilespmem:s5+$0xFFFFFF60] =	vst v10  }
0x246: {  	v10 =	vld [tilespmem:s5+$0x90];
	v22 =	vmul.f32 v22, v16;
	[tilespmem:s5+$0xFFFFFFC0] =	vst v15;
	v15 =	vmul.f32 v6, v21  }
0x247: {  	v20 =	vmul.f32 v20, v5;
	v26 =	vld [tilespmem:s5+$0x10];
	v23 =	vmul.f32 v23, v1;
	[tilespmem:s5+$0xFFFFFFD0] =	vst v12  }
0x248: {  	v12 =	vld [tilespmem:s5+$0xFFFFFF90];
	v6 =	vmul.f32 v14, v21;
	[tilespmem:s5+$0xB0] =	vst v19;
	v14 =	vmul.f32 v17, v5  }
0x249: {  	v17 =	vld [tilespmem:s5+$0xFFFFFF10];
	v7 =	vmul.f32 v3, v5;
	[tilespmem:s5+$0x40] =	vst v9;
	v3 =	vmul.f32 v4, v16  }
0x24a: {  	v18 =	vmul.f32 v18, v1;
	v4 =	vld [tilespmem:s5+$0x80];
	v8 =	vmul.f32 v13, v16;
	[tilespmem:s5+$0x30] =	vst v24  }
0x24b: {  	v19 =	vld [tilespmem:s5+$0x0];
	v9 =	vmul.f32 v10, v1;
	[tilespmem:s5+$0x50] =	vst v11  }
0x24c: {  	v24 =	vld [tilespmem:s5+$0xFFFFFF80];
	v11 =	vmul.f32 v26, v21;
	[tilespmem:s5+$0xFFFFFFB0] =	vst v25  }
0x24d: {  	v25 =	vld [tilespmem:s5+$0xFFFFFF00];
	v12 =	vmul.f32 v12, v5;
	[tilespmem:s5+$0x70] =	vst v15  }
0x24e: {  	v13 =	vmul.f32 v17, v16;
	v17 =	vld [tilespmem:s5+$0xFFFFFF40];
	[tilespmem:s5+$0xFFFFFFE0] =	vst v20  }
.Ltmp10:
0x24f: {  	v10 =	vmul.f32 v4, v1;
	v15 =	vld [tilespmem:s5+$0xC0];
	[tilespmem:s5+$0xFFFFFF70] =	vst v3;
	(pc) =	sbr.rel @p1 .LBB2_18-.Ltmp10, $4  }
0x250: {  	v3 =	vmul.f32 v19, v21;
	[tilespmem:s5+$0xF0] =	vst v18  }
0x251: {  	v4 =	vmul.f32 v24, v5;
	[tilespmem:s5+$0xFFFFFF30] =	vst v22  }
0x252: {  	v5 =	vmul.f32 v25, v16;
	[tilespmem:s5+$0xFFFFFFF0] =	vst v14  }
0x253: {  	s12 =	smov.u32 s11;
	s5 =	sadd.s32 $0x200, s5;
	[tilespmem:s7+$0xA0] =	vst v23;
	v14 =	vmul.f32 v17, v16  }
0x254: {  	[tilespmem:s7+$0x20] =	vst v6  }
0x255: {  	[tilespmem:s7+$0xFFFFFFA0] =	vst v7  }
0x256: {  	[tilespmem:s7+$0xFFFFFF20] =	vst v8  }
0x257: {  	[tilespmem:s7+$0x90] =	vst v9  }
0x258: {  	[tilespmem:s7+$0x10] =	vst v11  }
0x259: {  	[tilespmem:s7+$0xFFFFFF90] =	vst v12  }
0x25a: {  	[tilespmem:s7+$0xFFFFFF10] =	vst v13  }
0x25b: {  	[tilespmem:s7+$0x80] =	vst v10  }
0x25c: {  	[tilespmem:s7+$0x60] =	vst v2  }
0x25d: {  	[tilespmem:s7+$0x0] =	vst v3  }
0x25e: {  	[tilespmem:s7+$0xFFFFFF80] =	vst v4  }
0x25f: {  	v1 =	vmul.f32 v15, v1;
	[tilespmem:s7+$0xFFFFFF00] =	vst v5  }
0x260: {  	[tilespmem:s7+$0xFFFFFF40] =	vst v14  }
0x261: {  	[tilespmem:s7+$0xC0] =	vst v1  }
0x262: {  	_ =	swait.ge [sflag:s28], $0x28  }
0x263: {  	[sflag:s28] =	ssyncset.done $0x0  }
0x264: {  	s5 =	simm.s32 $0xC;
	[sflag:s28] =	ssyncadd.s32 $0xFFFFFFD8  }
0x265: {  	[spmem:s4] =	stream.indirect.scatter.add.f32 [tilespmem:s14], [sflag:$0x9], $0x80, s19, s20, $0xb8;
	[tilespmem:$0x1D980] =	vst v63  }
0x266: {  	_ =	swait.ge [sflag:s5], $0x1400  }
0x267: {  	[sflag:s5] =	ssyncset.done $0x0  }
0x268: {  	[sflag:s5] =	ssyncadd.s32 $0xFFFFEC00  }
0x269: {  	_ =	swait.ge [sflag:s31], $0x1400  }
0x26a: {  	[sflag:s31] =	ssyncset.done $0x0  }
0x26b: {  	s7 =	simm.s32 $0x19F70;
	[sflag:s31] =	ssyncadd.s32 $0xFFFFEC00  }
0x26c: {  	v2 =	vld [tilespmem:s7+$0xFFFFFF00]  }
0x26d: {  	v3 =	vld [tilespmem:s7+$0x0]  }
0x26e: {  	v4 =	vld [tilespmem:s7+$0xFFFFFFC0]  }
0x26f: {  	v5 =	vld [tilespmem:s7+$0xFFFFFED0]  }
0x270: {  	v6 =	vld [tilespmem:s7+$0xFFFFFF50]  }
0x271: {  	v7 =	vld [tilespmem:s7+$0xFFFFFE60]  }
0x272: {  	s17 =	simm.s32 $0x26E8;
	v8 =	vld [tilespmem:s7+$0xFFFFFEE0]  }
0x273: {  	s24 =	simm.s32 $0x26E9;
	s11 =	simm.s32 $0x26EB;
	v1 =	vmov s17;
	v9 =	vld [tilespmem:s7+$0xFFFFFF60]  }
0x274: {  	s25 =	simm.s32 $0x26EA;
	v10 =	vmov s24;
	v11 =	vmov s11;
	v1 =	vand.u32 $0xFFFFFFFC, v1;
	v12 =	vld [tilespmem:s7+$0xFFFFFFE0]  }
0x275: {  	v13 =	vbroadcast v1, $0x0;
	v1 =	vand.u32 $0xFFFFFFFD, v10;
	v10 =	vmov s25;
	v14 =	vld [tilespmem:s7+$0xFFFFFE70]  }
0x276: {  	v15 =	vbroadcast v1, $0x0;
	v1 =	vand.u32 $0xFFFFFFFE, v10;
	v10 =	vld [tilespmem:s7+$0xFFFFFEF0]  }
0x277: {  	v16 =	vbroadcast v1, $0x0;
	v17 =	vld [tilespmem:s7+$0xFFFFFF70]  }
0x278: {  	v18 =	vld [tilespmem:s7+$0xFFFFFFF0]  }
0x279: {  	v19 =	vld [tilespmem:s7+$0xFFFFFE80]  }
0x27a: {  	v1 =	vld.idx.msk [tilespmem:v11+s18+$0x0], $0xffff  }
0x27b: {  	v20 =	vld.idx.msk [tilespmem:v13+s18+$0x0], $0xffff  }
0x27c: {  	v21 =	vld.idx.msk [tilespmem:v15+s18+$0x0], $0xffff  }
0x27d: {  	v16 =	vld.idx.msk [tilespmem:v16+s18+$0x0], $0xffff  }
0x27e: {  	v11 =	vld [tilespmem:s7+$0xFFFFFF80]  }
0x27f: {  	v13 =	vld [tilespmem:s7+$0xFFFFFF40]  }
0x280: {  	v15 =	vld [tilespmem:s7+$0xFFFFFEC0];
	v12 =	vmul.f32 v12, v1  }
0x281: {  	v22 =	vld [tilespmem:s7+$0xFFFFFFB0];
	v18 =	vmul.f32 v18, v1  }
0x282: {  	v23 =	vld [tilespmem:s7+$0xFFFFFE40];
	v7 =	vmul.f32 v7, v20;
	[tilespmem:s7+$0xFFFFFFE0] =	vst v12  }
0x283: {  	v60 =	vld [tilespmem:s7+$0xFFFFFEB0];
	v2 =	vmul.f32 v2, v21;
	[tilespmem:s7+$0xFFFFFFF0] =	vst v18  }
0x284: {  	v24 =	vld [tilespmem:s7+$0xFFFFFE30];
	v5 =	vmul.f32 v5, v21;
	[tilespmem:s7+$0xFFFFFE60] =	vst v7  }
0x285: {  	v25 =	vld [tilespmem:s7+$0xFFFFFEA0];
	v4 =	vmul.f32 v4, v1;
	[tilespmem:s7+$0xFFFFFF00] =	vst v2  }
0x286: {  	v26 =	vld [tilespmem:s7+$0xFFFFFF90];
	v8 =	vmul.f32 v8, v21;
	[tilespmem:s7+$0xFFFFFED0] =	vst v5  }
0x287: {  	v61 =	vld [tilespmem:s7+$0xFFFFFF10];
	v3 =	vmul.f32 v3, v1;
	[tilespmem:s7+$0xFFFFFFC0] =	vst v4  }
0x288: {  	v62 =	vld [tilespmem:s7+$0xFFFFFE10];
	v12 =	vmul.f32 v14, v20;
	[tilespmem:s7+$0xFFFFFEE0] =	vst v8  }
0x289: {  	v22 =	vmul.f32 v22, v1;
	v14 =	vld [tilespmem:s7+$0xFFFFFF30];
	v2 =	vmul.f32 v13, v16;
	[tilespmem:s7+$0x0] =	vst v3  }
0x28a: {  	v63 =	vld [tilespmem:s7+$0xFFFFFE50];
	v27 =	vmul.f32 v10, v21;
	v5 =	vmul.f32 v9, v16;
	[tilespmem:s7+$0xFFFFFE70] =	vst v12  }
0x28b: {  	v13 =	vld [tilespmem:s7+$0xFFFFFF20];
	v4 =	vmul.f32 v6, v16;
	v6 =	vmul.f32 v15, v21;
	[tilespmem:s7+$0xFFFFFF40] =	vst v2  }
0x28c: {  	v15 =	vmul.f32 v23, v20;
	v8 =	vmul.f32 v61, v16;
	v12 =	vld [tilespmem:s7+$0xFFFFFFA0];
	[tilespmem:s7+$0xFFFFFF60] =	vst v5  }
0x28d: {  	v2 =	vmul.f32 v17, v16;
	v17 =	vld [tilespmem:s7+$0xFFFFFE20];
	v5 =	vmul.f32 v11, v16;
	[tilespmem:s7+$0xFFFFFEC0] =	vst v6  }
0x28e: {  	[tilespmem:s7+$0xFFFFFF50] =	vst v4;
	v4 =	vmul.f32 v60, v21;
	v7 =	vmul.f32 v14, v16;
	v14 =	vld [tilespmem:s7+$0xFFFFFE90]  }
0x28f: {  	v6 =	vmul.f32 v24, v20;
	[tilespmem:s7+$0xFFFFFF80] =	vst v5;
	v5 =	vmul.f32 v19, v20  }
0x290: {  	[tilespmem:s7+$0xFFFFFE40] =	vst v15;
	v11 =	vmul.f32 v25, v21;
	v15 =	vld [tilespmem:s7+$0xFFFFFFD0];
	v10 =	vmul.f32 v13, v16  }
0x291: {  	v13 =	vmul.f32 v26, v1;
	[tilespmem:s7+$0xFFFFFE80] =	vst v5;
	v5 =	vmul.f32 v62, v20  }
0x292: {  	[tilespmem:s7+$0xFFFFFEF0] =	vst v27;
	v9 =	vmul.f32 v12, v1;
	v12 =	vmul.f32 v17, v20  }
0x293: {  	s12 =	simm.s32 $0x26EC;
	s5 =	simm.s32 $0x1A170;
	[tilespmem:s7+$0xFFFFFFB0] =	vst v22;
	v3 =	vmul.f32 v14, v21;
	v14 =	vmul.f32 v63, v20  }
.LBB2_20:
0x294: {  	s13 =	sadd.s32 $0x1, s12  }
0x295: {  	v16 =	vmov s12;
	s17 =	sadd.s32 $0x3, s12;
	v17 =	vld [tilespmem:s5+$0xFFFFFF00];
	[tilespmem:s7+$0xFFFFFF30] =	vst v7;
	v1 =	vmul.f32 v15, v1;
	s24 =	smov.u32 s12;
	s11 =	sadd.s32 $0x4, s12  }
0x296: {  	p1 =	sne.s32 s12, $0x270C;
	v7 =	vand.u32 $0xFFFFFFFC, v16;
	v15 =	vmov s13;
	s13 =	sadd.s32 $0x2, s24;
	v16 =	vmov s17;
	v18 =	vld [tilespmem:s5+$0x0];
	[tilespmem:s7+$0xFFFFFEB0] =	vst v4  }
0x297: {  	v4 =	vbroadcast v7, $0x0;
	v7 =	vand.u32 $0xFFFFFFFD, v15;
	v15 =	vmov s13;
	v19 =	vld [tilespmem:s5+$0xFFFFFFC0];
	[tilespmem:s7+$0xFFFFFE30] =	vst v6  }
0x298: {  	v6 =	vbroadcast v7, $0x0;
	v7 =	vand.u32 $0xFFFFFFFE, v15;
	v15 =	vld [tilespmem:s5+$0xFFFFFED0];
	[tilespmem:s7+$0xFFFFFFA0] =	vst v9  }
0x299: {  	v7 =	vbroadcast v7, $0x0;
	v9 =	vld [tilespmem:s5+$0xFFFFFF50];
	[tilespmem:s7+$0xFFFFFF20] =	vst v10  }
0x29a: {  	v10 =	vld [tilespmem:s5+$0xFFFFFE60];
	[tilespmem:s7+$0xFFFFFEA0] =	vst v11  }
0x29b: {  	v11 =	vld [tilespmem:s5+$0xFFFFFEE0];
	[tilespmem:s7+$0xFFFFFE20] =	vst v12  }
0x29c: {  	v12 =	vld [tilespmem:s5+$0xFFFFFF60];
	[tilespmem:s7+$0xFFFFFF90] =	vst v13  }
0x29d: {  	v13 =	vld [tilespmem:s5+$0xFFFFFFE0];
	[tilespmem:s7+$0xFFFFFF70] =	vst v2  }
0x29e: {  	v2 =	vld [tilespmem:s5+$0xFFFFFE70];
	[tilespmem:s7+$0xFFFFFE50] =	vst v14  }
0x29f: {  	v14 =	vld [tilespmem:s5+$0xFFFFFEF0];
	[tilespmem:s7+$0xFFFFFF10] =	vst v8  }
0x2a0: {  	v8 =	vld [tilespmem:s5+$0xFFFFFF70];
	[tilespmem:s7+$0xFFFFFFD0] =	vst v1  }
0x2a1: {  	v20 =	vld [tilespmem:s5+$0xFFFFFFF0];
	[tilespmem:s7+$0xFFFFFE90] =	vst v3  }
0x2a2: {  	v3 =	vld [tilespmem:s5+$0xFFFFFE80];
	[tilespmem:s7+$0xFFFFFE10] =	vst v5;
	s7 =	smov.u32 s5  }
0x2a3: {  	v1 =	vld.idx.msk [tilespmem:v16+s18+$0x0], $0xffff  }
0x2a4: {  	v16 =	vld.idx.msk [tilespmem:v4+s18+$0x0], $0xffff  }
0x2a5: {  	v5 =	vld.idx.msk [tilespmem:v6+s18+$0x0], $0xffff  }
0x2a6: {  	v21 =	vld.idx.msk [tilespmem:v7+s18+$0x0], $0xffff  }
0x2a7: {  	v4 =	vld [tilespmem:s5+$0xFFFFFF80]  }
0x2a8: {  	v6 =	vld [tilespmem:s5+$0xFFFFFF40]  }
0x2a9: {  	v13 =	vmul.f32 v13, v1;
	v20 =	vmul.f32 v20, v1;
	v7 =	vld [tilespmem:s5+$0xFFFFFEC0]  }
0x2aa: {  	v10 =	vmul.f32 v10, v16;
	v2 =	vmul.f32 v2, v16;
	v22 =	vld [tilespmem:s5+$0xFFFFFE40]  }
0x2ab: {  	v15 =	vmul.f32 v15, v5;
	v23 =	vld [tilespmem:s5+$0xFFFFFFB0];
	[tilespmem:s5+$0xFFFFFFE0] =	vst v13;
	v13 =	vmul.f32 v17, v5  }
0x2ac: {  	v19 =	vmul.f32 v19, v1;
	v24 =	vmul.f32 v9, v21;
	v17 =	vld [tilespmem:s5+$0xFFFFFF30];
	[tilespmem:s5+$0xFFFFFFF0] =	vst v20  }
0x2ad: {  	v9 =	vld [tilespmem:s5+$0xFFFFFEB0];
	v6 =	vmul.f32 v6, v21;
	[tilespmem:s5+$0xFFFFFE60] =	vst v10;
	v10 =	vmul.f32 v12, v21  }
0x2ae: {  	v12 =	vld [tilespmem:s5+$0xFFFFFE30];
	v20 =	vmul.f32 v7, v5;
	[tilespmem:s5+$0xFFFFFE70] =	vst v2;
	v2 =	vmul.f32 v8, v21  }
0x2af: {  	v8 =	vld [tilespmem:s5+$0xFFFFFFA0];
	v22 =	vmul.f32 v22, v16;
	[tilespmem:s5+$0xFFFFFF00] =	vst v13;
	v13 =	vmul.f32 v4, v21  }
0x2b0: {  	v25 =	vld [tilespmem:s5+$0xFFFFFF20];
	v23 =	vmul.f32 v23, v1;
	[tilespmem:s5+$0xFFFFFED0] =	vst v15;
	v15 =	vmul.f32 v11, v5  }
0x2b1: {  	v14 =	vmul.f32 v14, v5;
	v11 =	vld [tilespmem:s5+$0xFFFFFEA0];
	v7 =	vmul.f32 v17, v21;
	[tilespmem:s5+$0xFFFFFFC0] =	vst v19  }
0x2b2: {  	v3 =	vmul.f32 v3, v16;
	v17 =	vld [tilespmem:s5+$0xFFFFFE20];
	v4 =	vmul.f32 v9, v5;
	[tilespmem:s5+$0xFFFFFF40] =	vst v6  }
0x2b3: {  	v18 =	vmul.f32 v18, v1;
	v19 =	vld [tilespmem:s5+$0xFFFFFF90];
	v6 =	vmul.f32 v12, v16;
	[tilespmem:s5+$0xFFFFFF60] =	vst v10  }
0x2b4: {  	v26 =	vld [tilespmem:s5+$0xFFFFFF10];
	v9 =	vmul.f32 v8, v1;
	[tilespmem:s5+$0xFFFFFEC0] =	vst v20  }
0x2b5: {  	v20 =	vld [tilespmem:s5+$0xFFFFFE90];
	v10 =	vmul.f32 v25, v21;
	[tilespmem:s5+$0xFFFFFF50] =	vst v24  }
0x2b6: {  	v24 =	vld [tilespmem:s5+$0xFFFFFE10];
	v11 =	vmul.f32 v11, v5;
	[tilespmem:s5+$0xFFFFFF80] =	vst v13  }
0x2b7: {  	v12 =	vmul.f32 v17, v16;
	v17 =	vld [tilespmem:s5+$0xFFFFFE50];
	[tilespmem:s5+$0xFFFFFEE0] =	vst v15  }
.Ltmp11:
0x2b8: {  	v13 =	vmul.f32 v19, v1;
	[tilespmem:s5+$0xFFFFFE40] =	vst v22;
	v15 =	vld [tilespmem:s5+$0xFFFFFFD0];
	(pc) =	sbr.rel @p1 .LBB2_20-.Ltmp11, $4  }
0x2b9: {  	v8 =	vmul.f32 v26, v21;
	[tilespmem:s5+$0xFFFFFE80] =	vst v3  }
0x2ba: {  	v3 =	vmul.f32 v20, v5;
	[tilespmem:s5+$0x0] =	vst v18  }
0x2bb: {  	v5 =	vmul.f32 v24, v16;
	[tilespmem:s5+$0xFFFFFEF0] =	vst v14  }
0x2bc: {  	s12 =	smov.u32 s11;
	s5 =	sadd.s32 $0x200, s5;
	[tilespmem:s7+$0xFFFFFFB0] =	vst v23;
	v14 =	vmul.f32 v17, v16  }
0x2bd: {  	[tilespmem:s7+$0xFFFFFF30] =	vst v7  }
0x2be: {  	[tilespmem:s7+$0xFFFFFEB0] =	vst v4  }
0x2bf: {  	[tilespmem:s7+$0xFFFFFE30] =	vst v6  }
0x2c0: {  	[tilespmem:s7+$0xFFFFFFA0] =	vst v9  }
0x2c1: {  	[tilespmem:s7+$0xFFFFFF20] =	vst v10  }
0x2c2: {  	[tilespmem:s7+$0xFFFFFEA0] =	vst v11  }
0x2c3: {  	[tilespmem:s7+$0xFFFFFE20] =	vst v12  }
0x2c4: {  	[tilespmem:s7+$0xFFFFFF90] =	vst v13  }
0x2c5: {  	[tilespmem:s7+$0xFFFFFF70] =	vst v2  }
0x2c6: {  	[tilespmem:s7+$0xFFFFFF10] =	vst v8  }
0x2c7: {  	[tilespmem:s7+$0xFFFFFE90] =	vst v3  }
0x2c8: {  	v1 =	vmul.f32 v15, v1;
	[tilespmem:s7+$0xFFFFFE10] =	vst v5  }
0x2c9: {  	[tilespmem:s7+$0xFFFFFE50] =	vst v14  }
0x2ca: {  	[tilespmem:s7+$0xFFFFFFD0] =	vst v1  }
0x2cb: {  	_ =	swait.ge [sflag:s2], $0x28  }
0x2cc: {  	[sflag:s2] =	ssyncset.done $0x0  }
0x2cd: {  	[sflag:s2] =	ssyncadd.s32 $0xFFFFFFD8  }
0x2ce: {  	[spmem:s4] =	stream.indirect.scatter.add.f32 [tilespmem:s23], [sflag:$0xA], $0x80, s21, s20, $0xb8;
	[tilespmem:$0x1D980] =	vst v63  }
0x2cf: {  	_ =	swait.ge [sflag:s22], $0x1400  }
0x2d0: {  	[sflag:s22] =	ssyncset.done $0x0  }
0x2d1: {  	[sflag:s22] =	ssyncadd.s32 $0xFFFFEC00  }
0x2d2: {  	_ =	swait.ge [sflag:s8], $0x1400  }
0x2d3: {  	[sflag:s8] =	ssyncset.done $0x0  }
0x2d4: {  	[sflag:s8] =	ssyncadd.s32 $0xFFFFEC00  }
0x2d5: {  	s5 =	stileid.u32;
	[bflag:$0x0] =	sbarrier.arrive $0xFFFF  }
.Ltmp12:
0x2d6: {  	s5 =	sshll.u32 s5, $0x6;
	s24 =	rddreg [dreg:$0xc];
	(pc) =	sbr.rel @!p0 .LBB2_23-.Ltmp12, $4  }
0x2d7: {  	s5 =	sor.u32 $0x1C01, s5;
	s12 =	rddreg [dreg:$0xd];
	s25 =	sshrl.u32 s24, $0x3  }
0x2d8: {  	[hbm:s12], [sflag:s5] =	dma.local [spmem:s25], $0x280  }
0x2d9: {  	s17 =	rddreg [dreg:$0x6]  }
0x2da: {  	s11 =	sadd.s32 $0x14000, s24;
	s7 =	sadd.s32 $0xFFFFFFFF, s17  }
.LBB2_22:
0x2db: {  	p1 =	sne.s32 s7, $0x1;
	s7 =	sadd.s32 $0xFFFFFFFF, s7  }
.Ltmp13:
0x2dc: {  	s13 =	sshrl.u32 s11, $0x3;
	s12 =	sadd.s32 $0x2800, s12;
	(pc) =	sbr.rel @p1 .LBB2_22-.Ltmp13, $3  }
0x2dd: {  	[hbm:s12], [sflag:s5] =	dma.local [spmem:s13], $0x280  }
0x2de: {  	_ =	sdelay $0x1  }
0x2df: {  	s11 =	sadd.s32 $0x14000, s11  }
.LBB2_23:
.Ltmp14:
0x2e0: {  	(pc) =	sbr.rel @!p0 .LBB2_25-.Ltmp14, $3  }
0x2e1: {  	_ =	sdelay $0x1  }
0x2e2: {  	_ =	swait.ge [sflag:s15], $0x280  }
0x2e3: {  	s5 =	sadd.s32 $0xFFFFFFFF, s17;
	[sflag:s15] =	ssyncset.done $0x0  }
.LBB2_24:
0x2e4: {  	p0 =	sne.s32 s5, $0x1;
	s5 =	sadd.s32 $0xFFFFFFFF, s5;
	[sflag:s15] =	ssyncadd.s32 $0xFFFFFD80  }
.Ltmp15:
0x2e5: {  	(pc) =	sbr.rel @p0 .LBB2_24-.Ltmp15, $3  }
0x2e6: {  	_ =	sdelay $0x1  }
0x2e7: {  	_ =	swait.ge [sflag:s15], $0x280  }
0x2e8: {  	[sflag:s15] =	ssyncset.done $0x0  }
.LBB2_25:
0x2e9: {  	s7 =	rddreg [dreg:$0xe]  }
0x2ea: {  	s5 =	rddreg [dreg:$0xb];
	s7 =	sadd.s32 $0x1, s7  }
0x2eb: {  	p0 =	sne.s32 s7, s5  }
.Ltmp16:
0x2ec: {  	_ = 	snop;
	(pc) =	sbr.rel @p0 .LBB2_1-.Ltmp16, $2  }
0x2ed: {  	_ =	sdelay $0x2  }
0x2ee: {  	[sflag:s15] =	ssyncadd.s32 $0xFFFFFD80  }
0x2ef: {  	_ =	sfence.sel $0x180000  }
0x2f0: {  	[bflag:$0x0] =	sbarrier.arrive $0xFFFF  }
0x2f1: {  	_ =	strace $0x90000047  }
0x2f2: {  	s0 =	stileid.u32;
	[bflag:$0x2] =	sbarrier.arrive $0xFFFF  }
0x2f3: {  	p0 =	sne.s32 s0, $0x0;
	s0 =	rddreg [dreg:$0x5]  }
0x2f4: {  	s0 =	sadd.s32 @!p0 $0x100000, s0  }
0x2f5: {  	[sflag:s0] =	ssyncadd.tile.s32 @!p0 $0x1;
	_ =	shalt  }
.Lfunc_end2:
_tile_overlayer_lowered:
.L_overlay_start_2:
0x2f6: {  	(tag) =	ssettag $0x2  }
0x2f7: {  	s0 =	rddreg [dreg:$0x0];
	s2 =	stileid.u32  }
0x2f8: {  	s1 =	rddreg [dreg:$0x1];
	p0 =	sne.s32 s2, $0x0  }
0x2f9: {  	s3 =	rddreg [dreg:$0x2];
	[bflag:$0x3] =	sbarrier.arrive $0xFFFF;
	s2 =	simm.s32 @!p0 $0x1C0D  }
0x2fa: {  	[timem:s3], [sflag:s2] =	dma.local @!p0 [hbm:s0], s1  }
0x2fb: {  	s0 =	simm.s32 @!p0 $0xD  }
0x2fc: {  	_ =	swait.ge @!p0 [sflag:s0], s1  }
0x2fd: {  	s1 =	ssub.s32 @!p0 $0x0, s1;
	[sflag:s0] =	ssyncset.done @!p0 $0x0  }
0x2fe: {  	[sflag:s0] =	ssyncadd.s32 @!p0 s1  }
0x2ff: {  	[bflag:$0x3] =	sbarrier.arrive $0xFFFF  }
0x300: {  	_ =	shalt  }

</sc_bundles>
